<compile_context>
chip_gen: v7x
topology: tpu7x:2x2x1
jax: 0.10.2.dev20260603
libtpu: 0.0.44.dev20260713+nightly
codegen_flags: <defaults>
</compile_context>

<pallas_src>
import functools

import jax
import jax.numpy as jnp
from jax import lax
from jax.experimental import pallas as pl
from jax.experimental.pallas import tpu as pltpu
from jax.experimental.pallas import tpu_sc as plsc

ROWS = 128
COLS = 32768
K_SEL = 32
EPS = 1e-7

_info = plsc.get_sparse_core_info()
NC = _info.num_cores
NS = _info.num_subcores
L = _info.num_lanes
NW = NC * NS
RPW = ROWS // NW
HIST_VREGS = 257
HB = HIST_VREGS * L
UNROLL = 4

_PASSES = ((31, 23, 8), (23, 15, 8), (15, 7, 8), (7, 0, 7))


def _build():
    mesh = plsc.VectorSubcoreMesh(core_axis_name="c", subcore_axis_name="s")

    @functools.partial(
        pl.kernel,
        mesh=mesh,
        out_type=jax.ShapeDtypeStruct((ROWS, COLS), jnp.float32),
        scratch_types=[
            pltpu.VMEM((COLS,), jnp.float32),
            pltpu.VMEM((COLS,), jnp.float32),
            pltpu.VMEM((2 * HIST_VREGS * L,), jnp.int32),
            pltpu.SemaphoreType.DMA,
            pltpu.SemaphoreType.DMA,
        ],
        compiler_params=pltpu.CompilerParams(needs_layout_passes=False),
    )
    def sc_topk_norm(in_hbm, out_hbm, buf_a, buf_b, hist_v, sem_a, sem_b):
        wid = lax.axis_index("s") * NC + lax.axis_index("c")
        base = wid * RPW
        lane_u = jnp.arange(L, dtype=jnp.uint32)
        ones = jnp.ones((L,), jnp.int32)

        def process_pair():
            pfx_a = jnp.uint32(0)
            pfx_b = jnp.uint32(0)
            rank_a = jnp.int32(K_SEL)
            rank_b = jnp.int32(K_SEL)

            for (m_shift, d_shift, width) in _PASSES:
                @plsc.parallel_loop(0, 2 * HB, L, unroll=4)
                def _(off):
                    hist_v[pl.ds(off, L)] = jnp.zeros((L,), jnp.int32)

                pa, pb = pfx_a, pfx_b
                idx_mask = jnp.uint32(0xFF0 if d_shift >= 4 else 0x7F0)
                first = m_shift == 31

                @plsc.parallel_loop(0, COLS, L, unroll=UNROLL)
                def _(off):
                    for buf, pfx, hoff in ((buf_a, pa, 0), (buf_b, pb, HB)):
                        v = buf[pl.ds(off, L)]
                        bits = lax.bitcast_convert_type(v, jnp.uint32)
                        if d_shift >= 4:
                            sh = (bits >> (d_shift - 4)) & idx_mask
                        else:
                            sh = (bits << (4 - d_shift)) & idx_mask
                        idx = (sh | lane_u).astype(jnp.int32)
                        if hoff:
                            idx = idx + hoff
                        if first:
                            plsc.addupdate_scatter(hist_v, [idx], ones)
                        else:
                            match = (bits >> m_shift) == pfx
                            plsc.addupdate_scatter(hist_v, [idx], ones,
                                                   mask=match)

                def suf_body(i, accs):
                    acc_a, acc_b = accs
                    d = (255 - i) * L
                    acc_a = acc_a + hist_v[pl.ds(d, L)]
                    acc_b = acc_b + hist_v[pl.ds(d + HB, L)]
                    hist_v[pl.ds(d, L)] = acc_a
                    hist_v[pl.ds(d + HB, L)] = acc_b
                    return (acc_a, acc_b)
                z = jnp.zeros((L,), jnp.int32)
                lax.fori_loop(0, 256, suf_body, (z, z))

                def bs_body(_, st):
                    lo_a, hi_a, lo_b, hi_b = st
                    mid_a = (lo_a + hi_a) // 2
                    mid_b = (lo_b + hi_b) // 2
                    c_a = jnp.sum(hist_v[pl.ds(mid_a * L, L)])
                    c_b = jnp.sum(hist_v[pl.ds(mid_b * L + HB, L)])
                    ge_a = c_a >= rank_a
                    ge_b = c_b >= rank_b
                    return (jnp.where(ge_a, mid_a, lo_a),
                            jnp.where(ge_a, hi_a, mid_a),
                            jnp.where(ge_b, mid_b, lo_b),
                            jnp.where(ge_b, hi_b, mid_b))
                i0 = jnp.int32(0)
                i256 = jnp.int32(256)
                b_a, _, b_b, _ = lax.fori_loop(0, 8, bs_body,
                                               (i0, i256, i0, i256))

                above_a = jnp.sum(hist_v[pl.ds((b_a + 1) * L, L)])
                above_b = jnp.sum(hist_v[pl.ds((b_b + 1) * L + HB, L)])
                rank_a = rank_a - above_a
                rank_b = rank_b - above_b
                w = jnp.uint32(width)
                pfx_a = (pfx_a << w) | b_a.astype(jnp.uint32)
                pfx_b = (pfx_b << w) | b_b.astype(jnp.uint32)

            delta_a = lax.bitcast_convert_type(
                jnp.broadcast_to(pfx_a, (L,)), jnp.float32) + jnp.float32(EPS)
            delta_b = lax.bitcast_convert_type(
                jnp.broadcast_to(pfx_b, (L,)), jnp.float32) + jnp.float32(EPS)

            zf = jnp.float32(0.0)
            zv = jnp.zeros((L,), jnp.float32)

            @plsc.parallel_loop(0, COLS, 4 * L, unroll=2, carry=(zv, zv))
            def accs(off, a):
                acc_a, acc_b = a
                wa = [jnp.maximum(buf_a[pl.ds(off + k * L, L)] - delta_a, zf)
                      for k in range(4)]
                wb = [jnp.maximum(buf_b[pl.ds(off + k * L, L)] - delta_b, zf)
                      for k in range(4)]
                acc_a = acc_a + ((wa[0] + wa[1]) + (wa[2] + wa[3]))
                acc_b = acc_b + ((wb[0] + wb[1]) + (wb[2] + wb[3]))
                return (acc_a, acc_b)
            s_a = jnp.sum(accs[0]) + jnp.float32(EPS)
            s_b = jnp.sum(accs[1]) + jnp.float32(EPS)
            one_v = jnp.full((L,), 1.0, jnp.float32)
            rinv_a = one_v / jnp.broadcast_to(s_a, (L,))
            rinv_b = one_v / jnp.broadcast_to(s_b, (L,))

            @plsc.parallel_loop(0, COLS, L, unroll=UNROLL)
            def _(off):
                va = buf_a[pl.ds(off, L)]
                vb = buf_b[pl.ds(off, L)]
                buf_a[pl.ds(off, L)] = jnp.maximum(va - delta_a, zf) * rinv_a
                buf_b[pl.ds(off, L)] = jnp.maximum(vb - delta_b, zf) * rinv_b

        n_pairs = RPW // 2
        ld_a = pltpu.async_copy(in_hbm.at[base], buf_a, sem_a)
        ld_b = pltpu.async_copy(in_hbm.at[base + 1], buf_b, sem_b)
        for p in range(n_pairs):
            r = base + 2 * p
            ld_a.wait()
            ld_b.wait()
            process_pair()
            st_a = pltpu.async_copy(buf_a, out_hbm.at[r], sem_a)
            st_b = pltpu.async_copy(buf_b, out_hbm.at[r + 1], sem_b)
            if p + 1 < n_pairs:
                st_a.wait()
                ld_a = pltpu.async_copy(in_hbm.at[r + 2], buf_a, sem_a)
                st_b.wait()
                ld_b = pltpu.async_copy(in_hbm.at[r + 3], buf_b, sem_b)
        st_a.wait()
        st_b.wait()

    return sc_topk_norm


_sc_kernel = _build()


def kernel(attn_s):
    return _sc_kernel(attn_s)

# --- scband reference (transcript-rebuilt; emitter-appended) ---
"""Pipeline reference for scband-sparse-attention-25357486916379 (READ-ONLY COPY).

The authoritative reference and input builder live on the scoring server;
editing this copy changes nothing except your own understanding.
"""

import jax, jax.numpy as jnp
import numpy as np

TOP_K = 32

def setup_inputs(seed: int = 0) -> dict:
    key = jax.random.key(seed)
    attn_s = jax.random.uniform(key, (128, 32768), dtype=jnp.float32)
    return {"attn_s": attn_s}

def reference(attn_s):
    eps = 1e-07
    batch_size, time_step = attn_s.shape
    if time_step <= TOP_K:
        return attn_s
    topk_vals, _ = jax.lax.top_k(attn_s, TOP_K)
    delta = topk_vals[:, -1] + eps
    attn_w = attn_s - jnp.reshape(delta, (batch_size, 1))
    attn_w = jnp.clip(attn_w, 0.0, None)
    attn_w_sum = jnp.sum(attn_w, axis=1) + eps
    attn_w_normalize = attn_w / jnp.reshape(attn_w_sum, (batch_size, 1))
    return attn_w_normalize

if __name__ == "__main__":
    import jax
    _d = setup_inputs()
    print(jax.jit(kernel)(*tuple(_d.values())))

</pallas_src>

<mosaic_0001>
#map = affine_map<(d0, d1) -> (0, 0)>
module attributes {stable_mosaic.version = 14 : i64} {
  func.func @sc_topk_norm(%arg0: i32, %arg1: i32, %arg2: memref<128x32768xf32, #tpu.memory_space<hbm>>, %arg3: memref<128x32768xf32, #tpu.memory_space<hbm>>, %arg4: memref<32768xf32, #tpu.memory_space<vmem>>, %arg5: memref<32768xf32, #tpu.memory_space<vmem>>, %arg6: memref<8224xi32, #tpu.memory_space<vmem>>, %arg7: memref<!tpu.dma_semaphore, #tpu.memory_space<semaphore_mem>>, %arg8: memref<!tpu.dma_semaphore, #tpu.memory_space<semaphore_mem>>) attributes {dimension_semantics = [#tpu.dimension_semantics<core_parallel>, #tpu.dimension_semantics<subcore_parallel>], iteration_bounds = array<i64: 2, 16>, scalar_prefetch = 0 : i64, scratch_operands = 5 : i64, tpu.core_type = #tpu.core_type<sc_vector_subcore>, window_params = [{transform_indices = #map}, {transform_indices = #map}]} {
    %mul3A = arith.constant 2 : i32
    %mul3A_0 = arith.muli %arg1, %mul3A : i32
    %add3A = arith.addi %mul3A_0, %arg0 : i32
    %mul3A_1 = arith.constant 4 : i32
    %mul3A_2 = arith.muli %add3A, %mul3A_1 : i32
    %iota3A = tpu.iota {dimensions = array<i32: 0>} : vector<16xi32>
    %broadcast_in_dim3A = arith.constant 1 : i32
    %broadcast_in_dim3A_3 = vector.broadcast %broadcast_in_dim3A : i32 to vector<16xi32>
    %dma_start3A = arith.constant 0 : i32
    %dma_start3A_4 = tpu.memref_slice %arg2[%mul3A_2, %dma_start3A] : memref<128x32768xf32, #tpu.memory_space<hbm>> -> memref<1x32768xf32, #tpu.memory_space<hbm>>
    %dma_start3A_5 = tpu.memref_squeeze %dma_start3A_4 : memref<1x32768xf32, #tpu.memory_space<hbm>> -> memref<32768xf32, #tpu.memory_space<hbm>>
    %dma_start3A_6 = arith.constant 0 : i32
    %dma_start3A_7 = tpu.memref_slice %arg2[%mul3A_2, %dma_start3A_6] : memref<128x32768xf32, #tpu.memory_space<hbm>> -> memref<1x32768xf32, #tpu.memory_space<hbm>>
    %dma_start3A_8 = tpu.memref_squeeze %dma_start3A_7 : memref<1x32768xf32, #tpu.memory_space<hbm>> -> memref<32768xf32, #tpu.memory_space<hbm>>
    tpu.enqueue_dma source(%dma_start3A_8 : memref<32768xf32, #tpu.memory_space<hbm>>) target(%arg4 : memref<32768xf32, #tpu.memory_space<vmem>>) target_semaphore(%arg7 : memref<!tpu.dma_semaphore, #tpu.memory_space<semaphore_mem>>)
    %add3A_9 = arith.constant 1 : i32
    %add3A_10 = arith.addi %mul3A_2, %add3A_9 : i32
    %dma_start3A_11 = arith.constant 0 : i32
    %dma_start3A_12 = tpu.memref_slice %arg2[%add3A_10, %dma_start3A_11] : memref<128x32768xf32, #tpu.memory_space<hbm>> -> memref<1x32768xf32, #tpu.memory_space<hbm>>
    %dma_start3A_13 = tpu.memref_squeeze %dma_start3A_12 : memref<1x32768xf32, #tpu.memory_space<hbm>> -> memref<32768xf32, #tpu.memory_space<hbm>>
    %dma_start3A_14 = arith.constant 0 : i32
    %dma_start3A_15 = tpu.memref_slice %arg2[%add3A_10, %dma_start3A_14] : memref<128x32768xf32, #tpu.memory_space<hbm>> -> memref<1x32768xf32, #tpu.memory_space<hbm>>
    %dma_start3A_16 = tpu.memref_squeeze %dma_start3A_15 : memref<1x32768xf32, #tpu.memory_space<hbm>> -> memref<32768xf32, #tpu.memory_space<hbm>>
    tpu.enqueue_dma source(%dma_start3A_16 : memref<32768xf32, #tpu.memory_space<hbm>>) target(%arg5 : memref<32768xf32, #tpu.memory_space<vmem>>) target_semaphore(%arg8 : memref<!tpu.dma_semaphore, #tpu.memory_space<semaphore_mem>>)
    %add3A_17 = arith.constant 0 : i32
    %add3A_18 = arith.addi %mul3A_2, %add3A_17 : i32
    %dma_wait3A = arith.constant 0 : i32
    %dma_wait3A_19 = tpu.memref_slice %arg2[%mul3A_2, %dma_wait3A] : memref<128x32768xf32, #tpu.memory_space<hbm>> -> memref<1x32768xf32, #tpu.memory_space<hbm>>
    %dma_wait3A_20 = tpu.memref_squeeze %dma_wait3A_19 : memref<1x32768xf32, #tpu.memory_space<hbm>> -> memref<32768xf32, #tpu.memory_space<hbm>>
    %dma_wait3A_21 = arith.constant 0 : i32
    %dma_wait3A_22 = tpu.memref_slice %arg2[%mul3A_2, %dma_wait3A_21] : memref<128x32768xf32, #tpu.memory_space<hbm>> -> memref<1x32768xf32, #tpu.memory_space<hbm>>
    %dma_wait3A_23 = tpu.memref_squeeze %dma_wait3A_22 : memref<1x32768xf32, #tpu.memory_space<hbm>> -> memref<32768xf32, #tpu.memory_space<hbm>>
    tpu.wait_dma2 semaphore(%arg7 : memref<!tpu.dma_semaphore, #tpu.memory_space<semaphore_mem>>) src(%dma_wait3A_23 : memref<32768xf32, #tpu.memory_space<hbm>>) dst(%arg4 : memref<32768xf32, #tpu.memory_space<vmem>>)
    %dma_wait3A_24 = arith.constant 0 : i32
    %dma_wait3A_25 = tpu.memref_slice %arg2[%add3A_10, %dma_wait3A_24] : memref<128x32768xf32, #tpu.memory_space<hbm>> -> memref<1x32768xf32, #tpu.memory_space<hbm>>
    %dma_wait3A_26 = tpu.memref_squeeze %dma_wait3A_25 : memref<1x32768xf32, #tpu.memory_space<hbm>> -> memref<32768xf32, #tpu.memory_space<hbm>>
    %dma_wait3A_27 = arith.constant 0 : i32
    %dma_wait3A_28 = tpu.memref_slice %arg2[%add3A_10, %dma_wait3A_27] : memref<128x32768xf32, #tpu.memory_space<hbm>> -> memref<1x32768xf32, #tpu.memory_space<hbm>>
    %dma_wait3A_29 = tpu.memref_squeeze %dma_wait3A_28 : memref<1x32768xf32, #tpu.memory_space<hbm>> -> memref<32768xf32, #tpu.memory_space<hbm>>
    tpu.wait_dma2 semaphore(%arg8 : memref<!tpu.dma_semaphore, #tpu.memory_space<semaphore_mem>>) src(%dma_wait3A_29 : memref<32768xf32, #tpu.memory_space<hbm>>) dst(%arg5 : memref<32768xf32, #tpu.memory_space<vmem>>)
    %parallel_loop3A = arith.constant 0 : i32
    %parallel_loop3A_30 = arith.constant 8224 : i32
    %parallel_loop3A_31 = arith.constant 16 : i32
    scf.for %parallel_loop3A_633 = %parallel_loop3A to %parallel_loop3A_30 step %parallel_loop3A_31  : i32 {
      %parallel_loop3A_634 = arith.constant 0 : i32
      %parallel_loop3A_635 = vector.broadcast %parallel_loop3A_634 : i32 to vector<16xi32>
      %parallel_loop3A_636 = arith.index_cast %parallel_loop3A_633 : i32 to index
      %parallel_loop3A_637 = tpu.vector_load %arg6[%parallel_loop3A_636] {strides = array<i32>} : memref<8224xi32, #tpu.memory_space<vmem>>, vector<16xi32>,
      tpu.vector_store %arg6[%parallel_loop3A_636], %parallel_loop3A_635 {strides = array<i32>} : memref<8224xi32, #tpu.memory_space<vmem>>, vector<16xi32>,
    } {sc.loop_unroll_factor = 4 : i64, sc.parallel_access}
    %parallel_loop3A_32 = arith.constant 0 : i32
    %parallel_loop3A_33 = arith.constant 32768 : i32
    %parallel_loop3A_34 = arith.constant 16 : i32
    %parallel_loop3A_35 = arith.constant 4080 : i32
    scf.for %parallel_loop3A_633 = %parallel_loop3A_32 to %parallel_loop3A_33 step %parallel_loop3A_34  : i32 {
      %parallel_loop3A_634 = arith.index_cast %parallel_loop3A_633 : i32 to index
      %parallel_loop3A_635 = tpu.vector_load %arg4[%parallel_loop3A_634] {strides = array<i32>} : memref<32768xf32, #tpu.memory_space<vmem>>, vector<16xf32>,
      %parallel_loop3A_636 = tpu.bitcast %parallel_loop3A_635 : vector<16xf32> -> vector<16xi32>
      %parallel_loop3A_637 = arith.constant 19 : i32
      %parallel_loop3A_638 = vector.broadcast %parallel_loop3A_637 : i32 to vector<16xi32>
      %parallel_loop3A_639 = arith.shrui %parallel_loop3A_636, %parallel_loop3A_638 : vector<16xi32>
      %parallel_loop3A_640 = vector.broadcast %parallel_loop3A_35 : i32 to vector<16xi32>
      %parallel_loop3A_641 = arith.andi %parallel_loop3A_639, %parallel_loop3A_640 : vector<16xi32>
      %parallel_loop3A_642 = arith.ori %parallel_loop3A_641, %iota3A : vector<16xi32>
      tpu.vector_store_idx %arg6[%parallel_loop3A_642], %broadcast_in_dim3A_3 {add = true} : memref<8224xi32, #tpu.memory_space<vmem>>[vector<16xi32>], vector<16xi32>,
      %parallel_loop3A_643 = arith.index_cast %parallel_loop3A_633 : i32 to index
      %parallel_loop3A_644 = tpu.vector_load %arg5[%parallel_loop3A_643] {strides = array<i32>} : memref<32768xf32, #tpu.memory_space<vmem>>, vector<16xf32>,
      %parallel_loop3A_645 = tpu.bitcast %parallel_loop3A_644 : vector<16xf32> -> vector<16xi32>
      %parallel_loop3A_646 = arith.constant 19 : i32
      %parallel_loop3A_647 = vector.broadcast %parallel_loop3A_646 : i32 to vector<16xi32>
      %parallel_loop3A_648 = arith.shrui %parallel_loop3A_645, %parallel_loop3A_647 : vector<16xi32>
      %parallel_loop3A_649 = vector.broadcast %parallel_loop3A_35 : i32 to vector<16xi32>
      %parallel_loop3A_650 = arith.andi %parallel_loop3A_648, %parallel_loop3A_649 : vector<16xi32>
      %parallel_loop3A_651 = arith.ori %parallel_loop3A_650, %iota3A : vector<16xi32>
      %parallel_loop3A_652 = arith.constant 4112 : i32
      %parallel_loop3A_653 = vector.broadcast %parallel_loop3A_652 : i32 to vector<16xi32>
      %parallel_loop3A_654 = arith.addi %parallel_loop3A_651, %parallel_loop3A_653 : vector<16xi32>
      tpu.vector_store_idx %arg6[%parallel_loop3A_654], %broadcast_in_dim3A_3 {add = true} : memref<8224xi32, #tpu.memory_space<vmem>>[vector<16xi32>], vector<16xi32>,
    } {sc.loop_unroll_factor = 4 : i64, sc.parallel_access}
    %broadcast_in_dim3A_36 = arith.constant 0 : i32
    %broadcast_in_dim3A_37 = vector.broadcast %broadcast_in_dim3A_36 : i32 to vector<16xi32>
    %scan3A = arith.constant 0 : i32
    %scan3A_38 = arith.constant 256 : i32
    %scan3A_39 = arith.addi %scan3A, %scan3A_38 : i32
    %scan3A_40 = arith.constant 1 : i32
    %scan3A_41:2 = scf.for %scan3A_633 = %scan3A to %scan3A_39 step %scan3A_40 iter_args(%scan3A_634 = %broadcast_in_dim3A_37, %scan3A_635 = %broadcast_in_dim3A_37) -> (vector<16xi32>, vector<16xi32>)  : i32 {
      %sub3A_636 = arith.constant 255 : i32
      %sub3A_637 = arith.subi %sub3A_636, %scan3A_633 : i32
      %mul3A_638 = arith.constant 16 : i32
      %mul3A_639 = arith.muli %sub3A_637, %mul3A_638 : i32
      %get3A_640 = arith.index_cast %mul3A_639 : i32 to index
      %get3A_641 = tpu.vector_load %arg6[%get3A_640] {strides = array<i32>} : memref<8224xi32, #tpu.memory_space<vmem>>, vector<16xi32>,
      %add3A_642 = arith.addi %scan3A_634, %get3A_641 : vector<16xi32>
      %add3A_643 = arith.constant 4112 : i32
      %add3A_644 = arith.addi %mul3A_639, %add3A_643 : i32
      %get3A_645 = arith.index_cast %add3A_644 : i32 to index
      %get3A_646 = tpu.vector_load %arg6[%get3A_645] {strides = array<i32>} : memref<8224xi32, #tpu.memory_space<vmem>>, vector<16xi32>,
      %add3A_647 = arith.addi %scan3A_635, %get3A_646 : vector<16xi32>
      %swap3A = arith.index_cast %mul3A_639 : i32 to index
      %swap3A_648 = tpu.vector_load %arg6[%swap3A] {strides = array<i32>} : memref<8224xi32, #tpu.memory_space<vmem>>, vector<16xi32>,
      tpu.vector_store %arg6[%swap3A], %add3A_642 {strides = array<i32>} : memref<8224xi32, #tpu.memory_space<vmem>>, vector<16xi32>,
      %add3A_649 = arith.constant 4112 : i32
      %add3A_650 = arith.addi %mul3A_639, %add3A_649 : i32
      %swap3A_651 = arith.index_cast %add3A_650 : i32 to index
      %swap3A_652 = tpu.vector_load %arg6[%swap3A_651] {strides = array<i32>} : memref<8224xi32, #tpu.memory_space<vmem>>, vector<16xi32>,
      tpu.vector_store %arg6[%swap3A_651], %add3A_647 {strides = array<i32>} : memref<8224xi32, #tpu.memory_space<vmem>>, vector<16xi32>,
      scf.yield %add3A_642, %add3A_647 : vector<16xi32>, vector<16xi32>
    }
    %scan3A_42 = arith.constant 256 : i32
    %scan3A_43 = arith.constant 32 : i32
    %scan3A_44 = arith.constant 32 : i32
    %scan3A_45 = arith.constant 0 : i32
    %scan3A_46 = arith.constant 256 : i32
    %scan3A_47 = arith.constant 0 : i32
    %scan3A_48 = arith.constant 256 : i32
    %scan3A_49 = arith.constant 0 : i32
    %scan3A_50 = arith.constant 8 : i32
    %scan3A_51 = arith.addi %scan3A_49, %scan3A_50 : i32
    %scan3A_52 = arith.constant 1 : i32
    %scan3A_53:4 = scf.for %scan3A_633 = %scan3A_49 to %scan3A_51 step %scan3A_52 iter_args(%scan3A_634 = %scan3A_45, %scan3A_635 = %scan3A_46, %scan3A_636 = %scan3A_47, %scan3A_637 = %scan3A_48) -> (i32, i32, i32, i32)  : i32 {
      %add3A_638 = arith.addi %scan3A_634, %scan3A_635 : i32
      %jit3A = arith.constant 2 : i32
      %div3A_639 = arith.divsi %add3A_638, %jit3A : i32
      %sign3A = arith.constant 0 : i32
      %sign3A_640 = arith.cmpi sgt, %add3A_638, %sign3A : i32
      %sign3A_641 = arith.extui %sign3A_640 : i1 to i32
      %sign3A_642 = arith.constant 0 : i32
      %sign3A_643 = arith.cmpi slt, %add3A_638, %sign3A_642 : i32
      %sign3A_644 = arith.extui %sign3A_643 : i1 to i32
      %sign3A_645 = arith.subi %sign3A_641, %sign3A_644 : i32
      %sign3A_646 = arith.constant 0 : i32
      %sign3A_647 = arith.cmpi sgt, %jit3A, %sign3A_646 : i32
      %sign3A_648 = arith.extui %sign3A_647 : i1 to i32
      %sign3A_649 = arith.constant 0 : i32
      %sign3A_650 = arith.cmpi slt, %jit3A, %sign3A_649 : i32
      %sign3A_651 = arith.extui %sign3A_650 : i1 to i32
      %sign3A_652 = arith.subi %sign3A_648, %sign3A_651 : i32
      %ne3A = arith.cmpi ne, %sign3A_645, %sign3A_652 : i32
      %rem3A = arith.remsi %add3A_638, %jit3A : i32
      %ne3A_653 = arith.constant 0 : i32
      %ne3A_654 = arith.cmpi ne, %rem3A, %ne3A_653 : i32
      %and3A = arith.andi %ne3A, %ne3A_654 : i1
      %sub3A_655 = arith.constant 1 : i32
      %sub3A_656 = arith.subi %div3A_639, %sub3A_655 : i32
      %select_n3A = arith.select %and3A, %sub3A_656, %div3A_639 : i32
      %add3A_657 = arith.addi %scan3A_636, %scan3A_637 : i32
      %jit3A_658 = arith.constant 2 : i32
      %div3A_659 = arith.divsi %add3A_657, %jit3A_658 : i32
      %sign3A_660 = arith.constant 0 : i32
      %sign3A_661 = arith.cmpi sgt, %add3A_657, %sign3A_660 : i32
      %sign3A_662 = arith.extui %sign3A_661 : i1 to i32
      %sign3A_663 = arith.constant 0 : i32
      %sign3A_664 = arith.cmpi slt, %add3A_657, %sign3A_663 : i32
      %sign3A_665 = arith.extui %sign3A_664 : i1 to i32
      %sign3A_666 = arith.subi %sign3A_662, %sign3A_665 : i32
      %sign3A_667 = arith.constant 0 : i32
      %sign3A_668 = arith.cmpi sgt, %jit3A_658, %sign3A_667 : i32
      %sign3A_669 = arith.extui %sign3A_668 : i1 to i32
      %sign3A_670 = arith.constant 0 : i32
      %sign3A_671 = arith.cmpi slt, %jit3A_658, %sign3A_670 : i32
      %sign3A_672 = arith.extui %sign3A_671 : i1 to i32
      %sign3A_673 = arith.subi %sign3A_669, %sign3A_672 : i32
      %ne3A_674 = arith.cmpi ne, %sign3A_666, %sign3A_673 : i32
      %rem3A_675 = arith.remsi %add3A_657, %jit3A_658 : i32
      %ne3A_676 = arith.constant 0 : i32
      %ne3A_677 = arith.cmpi ne, %rem3A_675, %ne3A_676 : i32
      %and3A_678 = arith.andi %ne3A_674, %ne3A_677 : i1
      %sub3A_679 = arith.constant 1 : i32
      %sub3A_680 = arith.subi %div3A_659, %sub3A_679 : i32
      %select_n3A_681 = arith.select %and3A_678, %sub3A_680, %div3A_659 : i32
      %mul3A_682 = arith.constant 16 : i32
      %mul3A_683 = arith.muli %select_n3A, %mul3A_682 : i32
      %get3A_684 = arith.index_cast %mul3A_683 : i32 to index
      %get3A_685 = tpu.vector_load %arg6[%get3A_684] {strides = array<i32>} : memref<8224xi32, #tpu.memory_space<vmem>>, vector<16xi32>,
      %reduce_sum3A_686 = arith.constant true
      %reduce_sum3A_687 = vector.broadcast %reduce_sum3A_686 : i1 to vector<16xi1>
      %reduce_sum3A_688 = tpu.scan <sum>, %get3A_685 masked %reduce_sum3A_687 : vector<16xi32>, vector<16xi1> -> vector<16xi32>
      %reduce_sum3A_689 = vector.extract %reduce_sum3A_688[15] : i32 from vector<16xi32>
      %mul3A_690 = arith.constant 16 : i32
      %mul3A_691 = arith.muli %select_n3A_681, %mul3A_690 : i32
      %add3A_692 = arith.constant 4112 : i32
      %add3A_693 = arith.addi %mul3A_691, %add3A_692 : i32
      %get3A_694 = arith.index_cast %add3A_693 : i32 to index
      %get3A_695 = tpu.vector_load %arg6[%get3A_694] {strides = array<i32>} : memref<8224xi32, #tpu.memory_space<vmem>>, vector<16xi32>,
      %reduce_sum3A_696 = arith.constant true
      %reduce_sum3A_697 = vector.broadcast %reduce_sum3A_696 : i1 to vector<16xi1>
      %reduce_sum3A_698 = tpu.scan <sum>, %get3A_695 masked %reduce_sum3A_697 : vector<16xi32>, vector<16xi1> -> vector<16xi32>
      %reduce_sum3A_699 = vector.extract %reduce_sum3A_698[15] : i32 from vector<16xi32>
      %ge3A = arith.cmpi sge, %reduce_sum3A_689, %scan3A_43 : i32
      %ge3A_700 = arith.cmpi sge, %reduce_sum3A_699, %scan3A_44 : i32
      %select_n3A_701 = arith.select %ge3A, %select_n3A, %scan3A_634 : i32
      %select_n3A_702 = arith.select %ge3A, %scan3A_635, %select_n3A : i32
      %select_n3A_703 = arith.select %ge3A_700, %select_n3A_681, %scan3A_636 : i32
      %select_n3A_704 = arith.select %ge3A_700, %scan3A_637, %select_n3A_681 : i32
      scf.yield %select_n3A_701, %select_n3A_702, %select_n3A_703, %select_n3A_704 : i32, i32, i32, i32
    }
    %scan3A_54 = arith.constant 8 : i32
    %add3A_55 = arith.constant 1 : i32
    %add3A_56 = arith.addi %scan3A_53#0, %add3A_55 : i32
    %mul3A_57 = arith.constant 16 : i32
    %mul3A_58 = arith.muli %add3A_56, %mul3A_57 : i32
    %get3A = arith.index_cast %mul3A_58 : i32 to index
    %get3A_59 = tpu.vector_load %arg6[%get3A] {strides = array<i32>} : memref<8224xi32, #tpu.memory_space<vmem>>, vector<16xi32>,
    %reduce_sum3A = arith.constant true
    %reduce_sum3A_60 = vector.broadcast %reduce_sum3A : i1 to vector<16xi1>
    %reduce_sum3A_61 = tpu.scan <sum>, %get3A_59 masked %reduce_sum3A_60 : vector<16xi32>, vector<16xi1> -> vector<16xi32>
    %reduce_sum3A_62 = vector.extract %reduce_sum3A_61[15] : i32 from vector<16xi32>
    %add3A_63 = arith.constant 1 : i32
    %add3A_64 = arith.addi %scan3A_53#2, %add3A_63 : i32
    %mul3A_65 = arith.constant 16 : i32
    %mul3A_66 = arith.muli %add3A_64, %mul3A_65 : i32
    %add3A_67 = arith.constant 4112 : i32
    %add3A_68 = arith.addi %mul3A_66, %add3A_67 : i32
    %get3A_69 = arith.index_cast %add3A_68 : i32 to index
    %get3A_70 = tpu.vector_load %arg6[%get3A_69] {strides = array<i32>} : memref<8224xi32, #tpu.memory_space<vmem>>, vector<16xi32>,
    %reduce_sum3A_71 = arith.constant true
    %reduce_sum3A_72 = vector.broadcast %reduce_sum3A_71 : i1 to vector<16xi1>
    %reduce_sum3A_73 = tpu.scan <sum>, %get3A_70 masked %reduce_sum3A_72 : vector<16xi32>, vector<16xi1> -> vector<16xi32>
    %reduce_sum3A_74 = vector.extract %reduce_sum3A_73[15] : i32 from vector<16xi32>
    %sub3A = arith.constant 32 : i32
    %sub3A_75 = arith.subi %sub3A, %reduce_sum3A_62 : i32
    %sub3A_76 = arith.constant 32 : i32
    %sub3A_77 = arith.subi %sub3A_76, %reduce_sum3A_74 : i32
    %shift_left3A = arith.constant 0 : i32
    %shift_left3A_78 = arith.constant 8 : i32
    %shift_left3A_79 = arith.shli %shift_left3A, %shift_left3A_78 : i32
    %or3A = arith.ori %shift_left3A_79, %scan3A_53#0 : i32
    %shift_left3A_80 = arith.constant 0 : i32
    %shift_left3A_81 = arith.constant 8 : i32
    %shift_left3A_82 = arith.shli %shift_left3A_80, %shift_left3A_81 : i32
    %or3A_83 = arith.ori %shift_left3A_82, %scan3A_53#2 : i32
    %parallel_loop3A_84 = arith.constant 0 : i32
    %parallel_loop3A_85 = arith.constant 8224 : i32
    %parallel_loop3A_86 = arith.constant 16 : i32
    scf.for %parallel_loop3A_633 = %parallel_loop3A_84 to %parallel_loop3A_85 step %parallel_loop3A_86  : i32 {
      %parallel_loop3A_634 = arith.constant 0 : i32
      %parallel_loop3A_635 = vector.broadcast %parallel_loop3A_634 : i32 to vector<16xi32>
      %parallel_loop3A_636 = arith.index_cast %parallel_loop3A_633 : i32 to index
      %parallel_loop3A_637 = tpu.vector_load %arg6[%parallel_loop3A_636] {strides = array<i32>} : memref<8224xi32, #tpu.memory_space<vmem>>, vector<16xi32>,
      tpu.vector_store %arg6[%parallel_loop3A_636], %parallel_loop3A_635 {strides = array<i32>} : memref<8224xi32, #tpu.memory_space<vmem>>, vector<16xi32>,
    } {sc.loop_unroll_factor = 4 : i64, sc.parallel_access}
    %parallel_loop3A_87 = arith.constant 0 : i32
    %parallel_loop3A_88 = arith.constant 32768 : i32
    %parallel_loop3A_89 = arith.constant 16 : i32
    %parallel_loop3A_90 = arith.constant 4080 : i32
    scf.for %parallel_loop3A_633 = %parallel_loop3A_87 to %parallel_loop3A_88 step %parallel_loop3A_89  : i32 {
      %parallel_loop3A_634 = arith.index_cast %parallel_loop3A_633 : i32 to index
      %parallel_loop3A_635 = tpu.vector_load %arg4[%parallel_loop3A_634] {strides = array<i32>} : memref<32768xf32, #tpu.memory_space<vmem>>, vector<16xf32>,
      %parallel_loop3A_636 = tpu.bitcast %parallel_loop3A_635 : vector<16xf32> -> vector<16xi32>
      %parallel_loop3A_637 = arith.constant 11 : i32
      %parallel_loop3A_638 = vector.broadcast %parallel_loop3A_637 : i32 to vector<16xi32>
      %parallel_loop3A_639 = arith.shrui %parallel_loop3A_636, %parallel_loop3A_638 : vector<16xi32>
      %parallel_loop3A_640 = vector.broadcast %parallel_loop3A_90 : i32 to vector<16xi32>
      %parallel_loop3A_641 = arith.andi %parallel_loop3A_639, %parallel_loop3A_640 : vector<16xi32>
      %parallel_loop3A_642 = arith.ori %parallel_loop3A_641, %iota3A : vector<16xi32>
      %parallel_loop3A_643 = arith.constant 23 : i32
      %parallel_loop3A_644 = vector.broadcast %parallel_loop3A_643 : i32 to vector<16xi32>
      %parallel_loop3A_645 = arith.shrui %parallel_loop3A_636, %parallel_loop3A_644 : vector<16xi32>
      %parallel_loop3A_646 = vector.broadcast %or3A : i32 to vector<16xi32>
      %parallel_loop3A_647 = arith.cmpi eq, %parallel_loop3A_645, %parallel_loop3A_646 : vector<16xi32>
      tpu.vector_store_idx %arg6[%parallel_loop3A_642], %broadcast_in_dim3A_3 masked %parallel_loop3A_647 {add = true} : memref<8224xi32, #tpu.memory_space<vmem>>[vector<16xi32>], vector<16xi32>, vector<16xi1>
      %parallel_loop3A_648 = arith.index_cast %parallel_loop3A_633 : i32 to index
      %parallel_loop3A_649 = tpu.vector_load %arg5[%parallel_loop3A_648] {strides = array<i32>} : memref<32768xf32, #tpu.memory_space<vmem>>, vector<16xf32>,
      %parallel_loop3A_650 = tpu.bitcast %parallel_loop3A_649 : vector<16xf32> -> vector<16xi32>
      %parallel_loop3A_651 = arith.constant 11 : i32
      %parallel_loop3A_652 = vector.broadcast %parallel_loop3A_651 : i32 to vector<16xi32>
      %parallel_loop3A_653 = arith.shrui %parallel_loop3A_650, %parallel_loop3A_652 : vector<16xi32>
      %parallel_loop3A_654 = vector.broadcast %parallel_loop3A_90 : i32 to vector<16xi32>
      %parallel_loop3A_655 = arith.andi %parallel_loop3A_653, %parallel_loop3A_654 : vector<16xi32>
      %parallel_loop3A_656 = arith.ori %parallel_loop3A_655, %iota3A : vector<16xi32>
      %parallel_loop3A_657 = arith.constant 4112 : i32
      %parallel_loop3A_658 = vector.broadcast %parallel_loop3A_657 : i32 to vector<16xi32>
      %parallel_loop3A_659 = arith.addi %parallel_loop3A_656, %parallel_loop3A_658 : vector<16xi32>
      %parallel_loop3A_660 = arith.constant 23 : i32
      %parallel_loop3A_661 = vector.broadcast %parallel_loop3A_660 : i32 to vector<16xi32>
      %parallel_loop3A_662 = arith.shrui %parallel_loop3A_650, %parallel_loop3A_661 : vector<16xi32>
      %parallel_loop3A_663 = vector.broadcast %or3A_83 : i32 to vector<16xi32>
      %parallel_loop3A_664 = arith.cmpi eq, %parallel_loop3A_662, %parallel_loop3A_663 : vector<16xi32>
      tpu.vector_store_idx %arg6[%parallel_loop3A_659], %broadcast_in_dim3A_3 masked %parallel_loop3A_664 {add = true} : memref<8224xi32, #tpu.memory_space<vmem>>[vector<16xi32>], vector<16xi32>, vector<16xi1>
    } {sc.loop_unroll_factor = 4 : i64, sc.parallel_access}
    %broadcast_in_dim3A_91 = arith.constant 0 : i32
    %broadcast_in_dim3A_92 = vector.broadcast %broadcast_in_dim3A_91 : i32 to vector<16xi32>
    %scan3A_93 = arith.constant 0 : i32
    %scan3A_94 = arith.constant 256 : i32
    %scan3A_95 = arith.addi %scan3A_93, %scan3A_94 : i32
    %scan3A_96 = arith.constant 1 : i32
    %scan3A_97:2 = scf.for %scan3A_633 = %scan3A_93 to %scan3A_95 step %scan3A_96 iter_args(%scan3A_634 = %broadcast_in_dim3A_92, %scan3A_635 = %broadcast_in_dim3A_92) -> (vector<16xi32>, vector<16xi32>)  : i32 {
      %sub3A_636 = arith.constant 255 : i32
      %sub3A_637 = arith.subi %sub3A_636, %scan3A_633 : i32
      %mul3A_638 = arith.constant 16 : i32
      %mul3A_639 = arith.muli %sub3A_637, %mul3A_638 : i32
      %get3A_640 = arith.index_cast %mul3A_639 : i32 to index
      %get3A_641 = tpu.vector_load %arg6[%get3A_640] {strides = array<i32>} : memref<8224xi32, #tpu.memory_space<vmem>>, vector<16xi32>,
      %add3A_642 = arith.addi %scan3A_634, %get3A_641 : vector<16xi32>
      %add3A_643 = arith.constant 4112 : i32
      %add3A_644 = arith.addi %mul3A_639, %add3A_643 : i32
      %get3A_645 = arith.index_cast %add3A_644 : i32 to index
      %get3A_646 = tpu.vector_load %arg6[%get3A_645] {strides = array<i32>} : memref<8224xi32, #tpu.memory_space<vmem>>, vector<16xi32>,
      %add3A_647 = arith.addi %scan3A_635, %get3A_646 : vector<16xi32>
      %swap3A = arith.index_cast %mul3A_639 : i32 to index
      %swap3A_648 = tpu.vector_load %arg6[%swap3A] {strides = array<i32>} : memref<8224xi32, #tpu.memory_space<vmem>>, vector<16xi32>,
      tpu.vector_store %arg6[%swap3A], %add3A_642 {strides = array<i32>} : memref<8224xi32, #tpu.memory_space<vmem>>, vector<16xi32>,
      %add3A_649 = arith.constant 4112 : i32
      %add3A_650 = arith.addi %mul3A_639, %add3A_649 : i32
      %swap3A_651 = arith.index_cast %add3A_650 : i32 to index
      %swap3A_652 = tpu.vector_load %arg6[%swap3A_651] {strides = array<i32>} : memref<8224xi32, #tpu.memory_space<vmem>>, vector<16xi32>,
      tpu.vector_store %arg6[%swap3A_651], %add3A_647 {strides = array<i32>} : memref<8224xi32, #tpu.memory_space<vmem>>, vector<16xi32>,
      scf.yield %add3A_642, %add3A_647 : vector<16xi32>, vector<16xi32>
    }
    %scan3A_98 = arith.constant 256 : i32
    %scan3A_99 = arith.constant 0 : i32
    %scan3A_100 = arith.constant 256 : i32
    %scan3A_101 = arith.constant 0 : i32
    %scan3A_102 = arith.constant 256 : i32
    %scan3A_103 = arith.constant 0 : i32
    %scan3A_104 = arith.constant 8 : i32
    %scan3A_105 = arith.addi %scan3A_103, %scan3A_104 : i32
    %scan3A_106 = arith.constant 1 : i32
    %scan3A_107:4 = scf.for %scan3A_633 = %scan3A_103 to %scan3A_105 step %scan3A_106 iter_args(%scan3A_634 = %scan3A_99, %scan3A_635 = %scan3A_100, %scan3A_636 = %scan3A_101, %scan3A_637 = %scan3A_102) -> (i32, i32, i32, i32)  : i32 {
      %add3A_638 = arith.addi %scan3A_634, %scan3A_635 : i32
      %jit3A = arith.constant 2 : i32
      %div3A_639 = arith.divsi %add3A_638, %jit3A : i32
      %sign3A = arith.constant 0 : i32
      %sign3A_640 = arith.cmpi sgt, %add3A_638, %sign3A : i32
      %sign3A_641 = arith.extui %sign3A_640 : i1 to i32
      %sign3A_642 = arith.constant 0 : i32
      %sign3A_643 = arith.cmpi slt, %add3A_638, %sign3A_642 : i32
      %sign3A_644 = arith.extui %sign3A_643 : i1 to i32
      %sign3A_645 = arith.subi %sign3A_641, %sign3A_644 : i32
      %sign3A_646 = arith.constant 0 : i32
      %sign3A_647 = arith.cmpi sgt, %jit3A, %sign3A_646 : i32
      %sign3A_648 = arith.extui %sign3A_647 : i1 to i32
      %sign3A_649 = arith.constant 0 : i32
      %sign3A_650 = arith.cmpi slt, %jit3A, %sign3A_649 : i32
      %sign3A_651 = arith.extui %sign3A_650 : i1 to i32
      %sign3A_652 = arith.subi %sign3A_648, %sign3A_651 : i32
      %ne3A = arith.cmpi ne, %sign3A_645, %sign3A_652 : i32
      %rem3A = arith.remsi %add3A_638, %jit3A : i32
      %ne3A_653 = arith.constant 0 : i32
      %ne3A_654 = arith.cmpi ne, %rem3A, %ne3A_653 : i32
      %and3A = arith.andi %ne3A, %ne3A_654 : i1
      %sub3A_655 = arith.constant 1 : i32
      %sub3A_656 = arith.subi %div3A_639, %sub3A_655 : i32
      %select_n3A = arith.select %and3A, %sub3A_656, %div3A_639 : i32
      %add3A_657 = arith.addi %scan3A_636, %scan3A_637 : i32
      %jit3A_658 = arith.constant 2 : i32
      %div3A_659 = arith.divsi %add3A_657, %jit3A_658 : i32
      %sign3A_660 = arith.constant 0 : i32
      %sign3A_661 = arith.cmpi sgt, %add3A_657, %sign3A_660 : i32
      %sign3A_662 = arith.extui %sign3A_661 : i1 to i32
      %sign3A_663 = arith.constant 0 : i32
      %sign3A_664 = arith.cmpi slt, %add3A_657, %sign3A_663 : i32
      %sign3A_665 = arith.extui %sign3A_664 : i1 to i32
      %sign3A_666 = arith.subi %sign3A_662, %sign3A_665 : i32
      %sign3A_667 = arith.constant 0 : i32
      %sign3A_668 = arith.cmpi sgt, %jit3A_658, %sign3A_667 : i32
      %sign3A_669 = arith.extui %sign3A_668 : i1 to i32
      %sign3A_670 = arith.constant 0 : i32
      %sign3A_671 = arith.cmpi slt, %jit3A_658, %sign3A_670 : i32
      %sign3A_672 = arith.extui %sign3A_671 : i1 to i32
      %sign3A_673 = arith.subi %sign3A_669, %sign3A_672 : i32
      %ne3A_674 = arith.cmpi ne, %sign3A_666, %sign3A_673 : i32
      %rem3A_675 = arith.remsi %add3A_657, %jit3A_658 : i32
      %ne3A_676 = arith.constant 0 : i32
      %ne3A_677 = arith.cmpi ne, %rem3A_675, %ne3A_676 : i32
      %and3A_678 = arith.andi %ne3A_674, %ne3A_677 : i1
      %sub3A_679 = arith.constant 1 : i32
      %sub3A_680 = arith.subi %div3A_659, %sub3A_679 : i32
      %select_n3A_681 = arith.select %and3A_678, %sub3A_680, %div3A_659 : i32
      %mul3A_682 = arith.constant 16 : i32
      %mul3A_683 = arith.muli %select_n3A, %mul3A_682 : i32
      %get3A_684 = arith.index_cast %mul3A_683 : i32 to index
      %get3A_685 = tpu.vector_load %arg6[%get3A_684] {strides = array<i32>} : memref<8224xi32, #tpu.memory_space<vmem>>, vector<16xi32>,
      %reduce_sum3A_686 = arith.constant true
      %reduce_sum3A_687 = vector.broadcast %reduce_sum3A_686 : i1 to vector<16xi1>
      %reduce_sum3A_688 = tpu.scan <sum>, %get3A_685 masked %reduce_sum3A_687 : vector<16xi32>, vector<16xi1> -> vector<16xi32>
      %reduce_sum3A_689 = vector.extract %reduce_sum3A_688[15] : i32 from vector<16xi32>
      %mul3A_690 = arith.constant 16 : i32
      %mul3A_691 = arith.muli %select_n3A_681, %mul3A_690 : i32
      %add3A_692 = arith.constant 4112 : i32
      %add3A_693 = arith.addi %mul3A_691, %add3A_692 : i32
      %get3A_694 = arith.index_cast %add3A_693 : i32 to index
      %get3A_695 = tpu.vector_load %arg6[%get3A_694] {strides = array<i32>} : memref<8224xi32, #tpu.memory_space<vmem>>, vector<16xi32>,
      %reduce_sum3A_696 = arith.constant true
      %reduce_sum3A_697 = vector.broadcast %reduce_sum3A_696 : i1 to vector<16xi1>
      %reduce_sum3A_698 = tpu.scan <sum>, %get3A_695 masked %reduce_sum3A_697 : vector<16xi32>, vector<16xi1> -> vector<16xi32>
      %reduce_sum3A_699 = vector.extract %reduce_sum3A_698[15] : i32 from vector<16xi32>
      %ge3A = arith.cmpi sge, %reduce_sum3A_689, %sub3A_75 : i32
      %ge3A_700 = arith.cmpi sge, %reduce_sum3A_699, %sub3A_77 : i32
      %select_n3A_701 = arith.select %ge3A, %select_n3A, %scan3A_634 : i32
      %select_n3A_702 = arith.select %ge3A, %scan3A_635, %select_n3A : i32
      %select_n3A_703 = arith.select %ge3A_700, %select_n3A_681, %scan3A_636 : i32
      %select_n3A_704 = arith.select %ge3A_700, %scan3A_637, %select_n3A_681 : i32
      scf.yield %select_n3A_701, %select_n3A_702, %select_n3A_703, %select_n3A_704 : i32, i32, i32, i32
    }
    %scan3A_108 = arith.constant 8 : i32
    %add3A_109 = arith.constant 1 : i32
    %add3A_110 = arith.addi %scan3A_107#0, %add3A_109 : i32
    %mul3A_111 = arith.constant 16 : i32
    %mul3A_112 = arith.muli %add3A_110, %mul3A_111 : i32
    %get3A_113 = arith.index_cast %mul3A_112 : i32 to index
    %get3A_114 = tpu.vector_load %arg6[%get3A_113] {strides = array<i32>} : memref<8224xi32, #tpu.memory_space<vmem>>, vector<16xi32>,
    %reduce_sum3A_115 = arith.constant true
    %reduce_sum3A_116 = vector.broadcast %reduce_sum3A_115 : i1 to vector<16xi1>
    %reduce_sum3A_117 = tpu.scan <sum>, %get3A_114 masked %reduce_sum3A_116 : vector<16xi32>, vector<16xi1> -> vector<16xi32>
    %reduce_sum3A_118 = vector.extract %reduce_sum3A_117[15] : i32 from vector<16xi32>
    %add3A_119 = arith.constant 1 : i32
    %add3A_120 = arith.addi %scan3A_107#2, %add3A_119 : i32
    %mul3A_121 = arith.constant 16 : i32
    %mul3A_122 = arith.muli %add3A_120, %mul3A_121 : i32
    %add3A_123 = arith.constant 4112 : i32
    %add3A_124 = arith.addi %mul3A_122, %add3A_123 : i32
    %get3A_125 = arith.index_cast %add3A_124 : i32 to index
    %get3A_126 = tpu.vector_load %arg6[%get3A_125] {strides = array<i32>} : memref<8224xi32, #tpu.memory_space<vmem>>, vector<16xi32>,
    %reduce_sum3A_127 = arith.constant true
    %reduce_sum3A_128 = vector.broadcast %reduce_sum3A_127 : i1 to vector<16xi1>
    %reduce_sum3A_129 = tpu.scan <sum>, %get3A_126 masked %reduce_sum3A_128 : vector<16xi32>, vector<16xi1> -> vector<16xi32>
    %reduce_sum3A_130 = vector.extract %reduce_sum3A_129[15] : i32 from vector<16xi32>
    %sub3A_131 = arith.subi %sub3A_75, %reduce_sum3A_118 : i32
    %sub3A_132 = arith.subi %sub3A_77, %reduce_sum3A_130 : i32
    %shift_left3A_133 = arith.constant 8 : i32
    %shift_left3A_134 = arith.shli %or3A, %shift_left3A_133 : i32
    %or3A_135 = arith.ori %shift_left3A_134, %scan3A_107#0 : i32
    %shift_left3A_136 = arith.constant 8 : i32
    %shift_left3A_137 = arith.shli %or3A_83, %shift_left3A_136 : i32
    %or3A_138 = arith.ori %shift_left3A_137, %scan3A_107#2 : i32
    %parallel_loop3A_139 = arith.constant 0 : i32
    %parallel_loop3A_140 = arith.constant 8224 : i32
    %parallel_loop3A_141 = arith.constant 16 : i32
    scf.for %parallel_loop3A_633 = %parallel_loop3A_139 to %parallel_loop3A_140 step %parallel_loop3A_141  : i32 {
      %parallel_loop3A_634 = arith.constant 0 : i32
      %parallel_loop3A_635 = vector.broadcast %parallel_loop3A_634 : i32 to vector<16xi32>
      %parallel_loop3A_636 = arith.index_cast %parallel_loop3A_633 : i32 to index
      %parallel_loop3A_637 = tpu.vector_load %arg6[%parallel_loop3A_636] {strides = array<i32>} : memref<8224xi32, #tpu.memory_space<vmem>>, vector<16xi32>,
      tpu.vector_store %arg6[%parallel_loop3A_636], %parallel_loop3A_635 {strides = array<i32>} : memref<8224xi32, #tpu.memory_space<vmem>>, vector<16xi32>,
    } {sc.loop_unroll_factor = 4 : i64, sc.parallel_access}
    %parallel_loop3A_142 = arith.constant 0 : i32
    %parallel_loop3A_143 = arith.constant 32768 : i32
    %parallel_loop3A_144 = arith.constant 16 : i32
    %parallel_loop3A_145 = arith.constant 4080 : i32
    scf.for %parallel_loop3A_633 = %parallel_loop3A_142 to %parallel_loop3A_143 step %parallel_loop3A_144  : i32 {
      %parallel_loop3A_634 = arith.index_cast %parallel_loop3A_633 : i32 to index
      %parallel_loop3A_635 = tpu.vector_load %arg4[%parallel_loop3A_634] {strides = array<i32>} : memref<32768xf32, #tpu.memory_space<vmem>>, vector<16xf32>,
      %parallel_loop3A_636 = tpu.bitcast %parallel_loop3A_635 : vector<16xf32> -> vector<16xi32>
      %parallel_loop3A_637 = arith.constant 3 : i32
      %parallel_loop3A_638 = vector.broadcast %parallel_loop3A_637 : i32 to vector<16xi32>
      %parallel_loop3A_639 = arith.shrui %parallel_loop3A_636, %parallel_loop3A_638 : vector<16xi32>
      %parallel_loop3A_640 = vector.broadcast %parallel_loop3A_145 : i32 to vector<16xi32>
      %parallel_loop3A_641 = arith.andi %parallel_loop3A_639, %parallel_loop3A_640 : vector<16xi32>
      %parallel_loop3A_642 = arith.ori %parallel_loop3A_641, %iota3A : vector<16xi32>
      %parallel_loop3A_643 = arith.constant 15 : i32
      %parallel_loop3A_644 = vector.broadcast %parallel_loop3A_643 : i32 to vector<16xi32>
      %parallel_loop3A_645 = arith.shrui %parallel_loop3A_636, %parallel_loop3A_644 : vector<16xi32>
      %parallel_loop3A_646 = vector.broadcast %or3A_135 : i32 to vector<16xi32>
      %parallel_loop3A_647 = arith.cmpi eq, %parallel_loop3A_645, %parallel_loop3A_646 : vector<16xi32>
      tpu.vector_store_idx %arg6[%parallel_loop3A_642], %broadcast_in_dim3A_3 masked %parallel_loop3A_647 {add = true} : memref<8224xi32, #tpu.memory_space<vmem>>[vector<16xi32>], vector<16xi32>, vector<16xi1>
      %parallel_loop3A_648 = arith.index_cast %parallel_loop3A_633 : i32 to index
      %parallel_loop3A_649 = tpu.vector_load %arg5[%parallel_loop3A_648] {strides = array<i32>} : memref<32768xf32, #tpu.memory_space<vmem>>, vector<16xf32>,
      %parallel_loop3A_650 = tpu.bitcast %parallel_loop3A_649 : vector<16xf32> -> vector<16xi32>
      %parallel_loop3A_651 = arith.constant 3 : i32
      %parallel_loop3A_652 = vector.broadcast %parallel_loop3A_651 : i32 to vector<16xi32>
      %parallel_loop3A_653 = arith.shrui %parallel_loop3A_650, %parallel_loop3A_652 : vector<16xi32>
      %parallel_loop3A_654 = vector.broadcast %parallel_loop3A_145 : i32 to vector<16xi32>
      %parallel_loop3A_655 = arith.andi %parallel_loop3A_653, %parallel_loop3A_654 : vector<16xi32>
      %parallel_loop3A_656 = arith.ori %parallel_loop3A_655, %iota3A : vector<16xi32>
      %parallel_loop3A_657 = arith.constant 4112 : i32
      %parallel_loop3A_658 = vector.broadcast %parallel_loop3A_657 : i32 to vector<16xi32>
      %parallel_loop3A_659 = arith.addi %parallel_loop3A_656, %parallel_loop3A_658 : vector<16xi32>
      %parallel_loop3A_660 = arith.constant 15 : i32
      %parallel_loop3A_661 = vector.broadcast %parallel_loop3A_660 : i32 to vector<16xi32>
      %parallel_loop3A_662 = arith.shrui %parallel_loop3A_650, %parallel_loop3A_661 : vector<16xi32>
      %parallel_loop3A_663 = vector.broadcast %or3A_138 : i32 to vector<16xi32>
      %parallel_loop3A_664 = arith.cmpi eq, %parallel_loop3A_662, %parallel_loop3A_663 : vector<16xi32>
      tpu.vector_store_idx %arg6[%parallel_loop3A_659], %broadcast_in_dim3A_3 masked %parallel_loop3A_664 {add = true} : memref<8224xi32, #tpu.memory_space<vmem>>[vector<16xi32>], vector<16xi32>, vector<16xi1>
    } {sc.loop_unroll_factor = 4 : i64, sc.parallel_access}
    %broadcast_in_dim3A_146 = arith.constant 0 : i32
    %broadcast_in_dim3A_147 = vector.broadcast %broadcast_in_dim3A_146 : i32 to vector<16xi32>
    %scan3A_148 = arith.constant 0 : i32
    %scan3A_149 = arith.constant 256 : i32
    %scan3A_150 = arith.addi %scan3A_148, %scan3A_149 : i32
    %scan3A_151 = arith.constant 1 : i32
    %scan3A_152:2 = scf.for %scan3A_633 = %scan3A_148 to %scan3A_150 step %scan3A_151 iter_args(%scan3A_634 = %broadcast_in_dim3A_147, %scan3A_635 = %broadcast_in_dim3A_147) -> (vector<16xi32>, vector<16xi32>)  : i32 {
      %sub3A_636 = arith.constant 255 : i32
      %sub3A_637 = arith.subi %sub3A_636, %scan3A_633 : i32
      %mul3A_638 = arith.constant 16 : i32
      %mul3A_639 = arith.muli %sub3A_637, %mul3A_638 : i32
      %get3A_640 = arith.index_cast %mul3A_639 : i32 to index
      %get3A_641 = tpu.vector_load %arg6[%get3A_640] {strides = array<i32>} : memref<8224xi32, #tpu.memory_space<vmem>>, vector<16xi32>,
      %add3A_642 = arith.addi %scan3A_634, %get3A_641 : vector<16xi32>
      %add3A_643 = arith.constant 4112 : i32
      %add3A_644 = arith.addi %mul3A_639, %add3A_643 : i32
      %get3A_645 = arith.index_cast %add3A_644 : i32 to index
      %get3A_646 = tpu.vector_load %arg6[%get3A_645] {strides = array<i32>} : memref<8224xi32, #tpu.memory_space<vmem>>, vector<16xi32>,
      %add3A_647 = arith.addi %scan3A_635, %get3A_646 : vector<16xi32>
      %swap3A = arith.index_cast %mul3A_639 : i32 to index
      %swap3A_648 = tpu.vector_load %arg6[%swap3A] {strides = array<i32>} : memref<8224xi32, #tpu.memory_space<vmem>>, vector<16xi32>,
      tpu.vector_store %arg6[%swap3A], %add3A_642 {strides = array<i32>} : memref<8224xi32, #tpu.memory_space<vmem>>, vector<16xi32>,
      %add3A_649 = arith.constant 4112 : i32
      %add3A_650 = arith.addi %mul3A_639, %add3A_649 : i32
      %swap3A_651 = arith.index_cast %add3A_650 : i32 to index
      %swap3A_652 = tpu.vector_load %arg6[%swap3A_651] {strides = array<i32>} : memref<8224xi32, #tpu.memory_space<vmem>>, vector<16xi32>,
      tpu.vector_store %arg6[%swap3A_651], %add3A_647 {strides = array<i32>} : memref<8224xi32, #tpu.memory_space<vmem>>, vector<16xi32>,
      scf.yield %add3A_642, %add3A_647 : vector<16xi32>, vector<16xi32>
    }
    %scan3A_153 = arith.constant 256 : i32
    %scan3A_154 = arith.constant 0 : i32
    %scan3A_155 = arith.constant 256 : i32
    %scan3A_156 = arith.constant 0 : i32
    %scan3A_157 = arith.constant 256 : i32
    %scan3A_158 = arith.constant 0 : i32
    %scan3A_159 = arith.constant 8 : i32
    %scan3A_160 = arith.addi %scan3A_158, %scan3A_159 : i32
    %scan3A_161 = arith.constant 1 : i32
    %scan3A_162:4 = scf.for %scan3A_633 = %scan3A_158 to %scan3A_160 step %scan3A_161 iter_args(%scan3A_634 = %scan3A_154, %scan3A_635 = %scan3A_155, %scan3A_636 = %scan3A_156, %scan3A_637 = %scan3A_157) -> (i32, i32, i32, i32)  : i32 {
      %add3A_638 = arith.addi %scan3A_634, %scan3A_635 : i32
      %jit3A = arith.constant 2 : i32
      %div3A_639 = arith.divsi %add3A_638, %jit3A : i32
      %sign3A = arith.constant 0 : i32
      %sign3A_640 = arith.cmpi sgt, %add3A_638, %sign3A : i32
      %sign3A_641 = arith.extui %sign3A_640 : i1 to i32
      %sign3A_642 = arith.constant 0 : i32
      %sign3A_643 = arith.cmpi slt, %add3A_638, %sign3A_642 : i32
      %sign3A_644 = arith.extui %sign3A_643 : i1 to i32
      %sign3A_645 = arith.subi %sign3A_641, %sign3A_644 : i32
      %sign3A_646 = arith.constant 0 : i32
      %sign3A_647 = arith.cmpi sgt, %jit3A, %sign3A_646 : i32
      %sign3A_648 = arith.extui %sign3A_647 : i1 to i32
      %sign3A_649 = arith.constant 0 : i32
      %sign3A_650 = arith.cmpi slt, %jit3A, %sign3A_649 : i32
      %sign3A_651 = arith.extui %sign3A_650 : i1 to i32
      %sign3A_652 = arith.subi %sign3A_648, %sign3A_651 : i32
      %ne3A = arith.cmpi ne, %sign3A_645, %sign3A_652 : i32
      %rem3A = arith.remsi %add3A_638, %jit3A : i32
      %ne3A_653 = arith.constant 0 : i32
      %ne3A_654 = arith.cmpi ne, %rem3A, %ne3A_653 : i32
      %and3A = arith.andi %ne3A, %ne3A_654 : i1
      %sub3A_655 = arith.constant 1 : i32
      %sub3A_656 = arith.subi %div3A_639, %sub3A_655 : i32
      %select_n3A = arith.select %and3A, %sub3A_656, %div3A_639 : i32
      %add3A_657 = arith.addi %scan3A_636, %scan3A_637 : i32
      %jit3A_658 = arith.constant 2 : i32
      %div3A_659 = arith.divsi %add3A_657, %jit3A_658 : i32
      %sign3A_660 = arith.constant 0 : i32
      %sign3A_661 = arith.cmpi sgt, %add3A_657, %sign3A_660 : i32
      %sign3A_662 = arith.extui %sign3A_661 : i1 to i32
      %sign3A_663 = arith.constant 0 : i32
      %sign3A_664 = arith.cmpi slt, %add3A_657, %sign3A_663 : i32
      %sign3A_665 = arith.extui %sign3A_664 : i1 to i32
      %sign3A_666 = arith.subi %sign3A_662, %sign3A_665 : i32
      %sign3A_667 = arith.constant 0 : i32
      %sign3A_668 = arith.cmpi sgt, %jit3A_658, %sign3A_667 : i32
      %sign3A_669 = arith.extui %sign3A_668 : i1 to i32
      %sign3A_670 = arith.constant 0 : i32
      %sign3A_671 = arith.cmpi slt, %jit3A_658, %sign3A_670 : i32
      %sign3A_672 = arith.extui %sign3A_671 : i1 to i32
      %sign3A_673 = arith.subi %sign3A_669, %sign3A_672 : i32
      %ne3A_674 = arith.cmpi ne, %sign3A_666, %sign3A_673 : i32
      %rem3A_675 = arith.remsi %add3A_657, %jit3A_658 : i32
      %ne3A_676 = arith.constant 0 : i32
      %ne3A_677 = arith.cmpi ne, %rem3A_675, %ne3A_676 : i32
      %and3A_678 = arith.andi %ne3A_674, %ne3A_677 : i1
      %sub3A_679 = arith.constant 1 : i32
      %sub3A_680 = arith.subi %div3A_659, %sub3A_679 : i32
      %select_n3A_681 = arith.select %and3A_678, %sub3A_680, %div3A_659 : i32
      %mul3A_682 = arith.constant 16 : i32
      %mul3A_683 = arith.muli %select_n3A, %mul3A_682 : i32
      %get3A_684 = arith.index_cast %mul3A_683 : i32 to index
      %get3A_685 = tpu.vector_load %arg6[%get3A_684] {strides = array<i32>} : memref<8224xi32, #tpu.memory_space<vmem>>, vector<16xi32>,
      %reduce_sum3A_686 = arith.constant true
      %reduce_sum3A_687 = vector.broadcast %reduce_sum3A_686 : i1 to vector<16xi1>
      %reduce_sum3A_688 = tpu.scan <sum>, %get3A_685 masked %reduce_sum3A_687 : vector<16xi32>, vector<16xi1> -> vector<16xi32>
      %reduce_sum3A_689 = vector.extract %reduce_sum3A_688[15] : i32 from vector<16xi32>
      %mul3A_690 = arith.constant 16 : i32
      %mul3A_691 = arith.muli %select_n3A_681, %mul3A_690 : i32
      %add3A_692 = arith.constant 4112 : i32
      %add3A_693 = arith.addi %mul3A_691, %add3A_692 : i32
      %get3A_694 = arith.index_cast %add3A_693 : i32 to index
      %get3A_695 = tpu.vector_load %arg6[%get3A_694] {strides = array<i32>} : memref<8224xi32, #tpu.memory_space<vmem>>, vector<16xi32>,
      %reduce_sum3A_696 = arith.constant true
      %reduce_sum3A_697 = vector.broadcast %reduce_sum3A_696 : i1 to vector<16xi1>
      %reduce_sum3A_698 = tpu.scan <sum>, %get3A_695 masked %reduce_sum3A_697 : vector<16xi32>, vector<16xi1> -> vector<16xi32>
      %reduce_sum3A_699 = vector.extract %reduce_sum3A_698[15] : i32 from vector<16xi32>
      %ge3A = arith.cmpi sge, %reduce_sum3A_689, %sub3A_131 : i32
      %ge3A_700 = arith.cmpi sge, %reduce_sum3A_699, %sub3A_132 : i32
      %select_n3A_701 = arith.select %ge3A, %select_n3A, %scan3A_634 : i32
      %select_n3A_702 = arith.select %ge3A, %scan3A_635, %select_n3A : i32
      %select_n3A_703 = arith.select %ge3A_700, %select_n3A_681, %scan3A_636 : i32
      %select_n3A_704 = arith.select %ge3A_700, %scan3A_637, %select_n3A_681 : i32
      scf.yield %select_n3A_701, %select_n3A_702, %select_n3A_703, %select_n3A_704 : i32, i32, i32, i32
    }
    %scan3A_163 = arith.constant 8 : i32
    %add3A_164 = arith.constant 1 : i32
    %add3A_165 = arith.addi %scan3A_162#0, %add3A_164 : i32
    %mul3A_166 = arith.constant 16 : i32
    %mul3A_167 = arith.muli %add3A_165, %mul3A_166 : i32
    %get3A_168 = arith.index_cast %mul3A_167 : i32 to index
    %get3A_169 = tpu.vector_load %arg6[%get3A_168] {strides = array<i32>} : memref<8224xi32, #tpu.memory_space<vmem>>, vector<16xi32>,
    %reduce_sum3A_170 = arith.constant true
    %reduce_sum3A_171 = vector.broadcast %reduce_sum3A_170 : i1 to vector<16xi1>
    %reduce_sum3A_172 = tpu.scan <sum>, %get3A_169 masked %reduce_sum3A_171 : vector<16xi32>, vector<16xi1> -> vector<16xi32>
    %reduce_sum3A_173 = vector.extract %reduce_sum3A_172[15] : i32 from vector<16xi32>
    %add3A_174 = arith.constant 1 : i32
    %add3A_175 = arith.addi %scan3A_162#2, %add3A_174 : i32
    %mul3A_176 = arith.constant 16 : i32
    %mul3A_177 = arith.muli %add3A_175, %mul3A_176 : i32
    %add3A_178 = arith.constant 4112 : i32
    %add3A_179 = arith.addi %mul3A_177, %add3A_178 : i32
    %get3A_180 = arith.index_cast %add3A_179 : i32 to index
    %get3A_181 = tpu.vector_load %arg6[%get3A_180] {strides = array<i32>} : memref<8224xi32, #tpu.memory_space<vmem>>, vector<16xi32>,
    %reduce_sum3A_182 = arith.constant true
    %reduce_sum3A_183 = vector.broadcast %reduce_sum3A_182 : i1 to vector<16xi1>
    %reduce_sum3A_184 = tpu.scan <sum>, %get3A_181 masked %reduce_sum3A_183 : vector<16xi32>, vector<16xi1> -> vector<16xi32>
    %reduce_sum3A_185 = vector.extract %reduce_sum3A_184[15] : i32 from vector<16xi32>
    %sub3A_186 = arith.subi %sub3A_131, %reduce_sum3A_173 : i32
    %sub3A_187 = arith.subi %sub3A_132, %reduce_sum3A_185 : i32
    %shift_left3A_188 = arith.constant 8 : i32
    %shift_left3A_189 = arith.shli %or3A_135, %shift_left3A_188 : i32
    %or3A_190 = arith.ori %shift_left3A_189, %scan3A_162#0 : i32
    %shift_left3A_191 = arith.constant 8 : i32
    %shift_left3A_192 = arith.shli %or3A_138, %shift_left3A_191 : i32
    %or3A_193 = arith.ori %shift_left3A_192, %scan3A_162#2 : i32
    %parallel_loop3A_194 = arith.constant 0 : i32
    %parallel_loop3A_195 = arith.constant 8224 : i32
    %parallel_loop3A_196 = arith.constant 16 : i32
    scf.for %parallel_loop3A_633 = %parallel_loop3A_194 to %parallel_loop3A_195 step %parallel_loop3A_196  : i32 {
      %parallel_loop3A_634 = arith.constant 0 : i32
      %parallel_loop3A_635 = vector.broadcast %parallel_loop3A_634 : i32 to vector<16xi32>
      %parallel_loop3A_636 = arith.index_cast %parallel_loop3A_633 : i32 to index
      %parallel_loop3A_637 = tpu.vector_load %arg6[%parallel_loop3A_636] {strides = array<i32>} : memref<8224xi32, #tpu.memory_space<vmem>>, vector<16xi32>,
      tpu.vector_store %arg6[%parallel_loop3A_636], %parallel_loop3A_635 {strides = array<i32>} : memref<8224xi32, #tpu.memory_space<vmem>>, vector<16xi32>,
    } {sc.loop_unroll_factor = 4 : i64, sc.parallel_access}
    %parallel_loop3A_197 = arith.constant 0 : i32
    %parallel_loop3A_198 = arith.constant 32768 : i32
    %parallel_loop3A_199 = arith.constant 16 : i32
    %parallel_loop3A_200 = arith.constant 2032 : i32
    scf.for %parallel_loop3A_633 = %parallel_loop3A_197 to %parallel_loop3A_198 step %parallel_loop3A_199  : i32 {
      %parallel_loop3A_634 = arith.index_cast %parallel_loop3A_633 : i32 to index
      %parallel_loop3A_635 = tpu.vector_load %arg4[%parallel_loop3A_634] {strides = array<i32>} : memref<32768xf32, #tpu.memory_space<vmem>>, vector<16xf32>,
      %parallel_loop3A_636 = tpu.bitcast %parallel_loop3A_635 : vector<16xf32> -> vector<16xi32>
      %parallel_loop3A_637 = arith.constant 4 : i32
      %parallel_loop3A_638 = vector.broadcast %parallel_loop3A_637 : i32 to vector<16xi32>
      %parallel_loop3A_639 = arith.shli %parallel_loop3A_636, %parallel_loop3A_638 : vector<16xi32>
      %parallel_loop3A_640 = vector.broadcast %parallel_loop3A_200 : i32 to vector<16xi32>
      %parallel_loop3A_641 = arith.andi %parallel_loop3A_639, %parallel_loop3A_640 : vector<16xi32>
      %parallel_loop3A_642 = arith.ori %parallel_loop3A_641, %iota3A : vector<16xi32>
      %parallel_loop3A_643 = arith.constant 7 : i32
      %parallel_loop3A_644 = vector.broadcast %parallel_loop3A_643 : i32 to vector<16xi32>
      %parallel_loop3A_645 = arith.shrui %parallel_loop3A_636, %parallel_loop3A_644 : vector<16xi32>
      %parallel_loop3A_646 = vector.broadcast %or3A_190 : i32 to vector<16xi32>
      %parallel_loop3A_647 = arith.cmpi eq, %parallel_loop3A_645, %parallel_loop3A_646 : vector<16xi32>
      tpu.vector_store_idx %arg6[%parallel_loop3A_642], %broadcast_in_dim3A_3 masked %parallel_loop3A_647 {add = true} : memref<8224xi32, #tpu.memory_space<vmem>>[vector<16xi32>], vector<16xi32>, vector<16xi1>
      %parallel_loop3A_648 = arith.index_cast %parallel_loop3A_633 : i32 to index
      %parallel_loop3A_649 = tpu.vector_load %arg5[%parallel_loop3A_648] {strides = array<i32>} : memref<32768xf32, #tpu.memory_space<vmem>>, vector<16xf32>,
      %parallel_loop3A_650 = tpu.bitcast %parallel_loop3A_649 : vector<16xf32> -> vector<16xi32>
      %parallel_loop3A_651 = arith.constant 4 : i32
      %parallel_loop3A_652 = vector.broadcast %parallel_loop3A_651 : i32 to vector<16xi32>
      %parallel_loop3A_653 = arith.shli %parallel_loop3A_650, %parallel_loop3A_652 : vector<16xi32>
      %parallel_loop3A_654 = vector.broadcast %parallel_loop3A_200 : i32 to vector<16xi32>
      %parallel_loop3A_655 = arith.andi %parallel_loop3A_653, %parallel_loop3A_654 : vector<16xi32>
      %parallel_loop3A_656 = arith.ori %parallel_loop3A_655, %iota3A : vector<16xi32>
      %parallel_loop3A_657 = arith.constant 4112 : i32
      %parallel_loop3A_658 = vector.broadcast %parallel_loop3A_657 : i32 to vector<16xi32>
      %parallel_loop3A_659 = arith.addi %parallel_loop3A_656, %parallel_loop3A_658 : vector<16xi32>
      %parallel_loop3A_660 = arith.constant 7 : i32
      %parallel_loop3A_661 = vector.broadcast %parallel_loop3A_660 : i32 to vector<16xi32>
      %parallel_loop3A_662 = arith.shrui %parallel_loop3A_650, %parallel_loop3A_661 : vector<16xi32>
      %parallel_loop3A_663 = vector.broadcast %or3A_193 : i32 to vector<16xi32>
      %parallel_loop3A_664 = arith.cmpi eq, %parallel_loop3A_662, %parallel_loop3A_663 : vector<16xi32>
      tpu.vector_store_idx %arg6[%parallel_loop3A_659], %broadcast_in_dim3A_3 masked %parallel_loop3A_664 {add = true} : memref<8224xi32, #tpu.memory_space<vmem>>[vector<16xi32>], vector<16xi32>, vector<16xi1>
    } {sc.loop_unroll_factor = 4 : i64, sc.parallel_access}
    %broadcast_in_dim3A_201 = arith.constant 0 : i32
    %broadcast_in_dim3A_202 = vector.broadcast %broadcast_in_dim3A_201 : i32 to vector<16xi32>
    %scan3A_203 = arith.constant 0 : i32
    %scan3A_204 = arith.constant 256 : i32
    %scan3A_205 = arith.addi %scan3A_203, %scan3A_204 : i32
    %scan3A_206 = arith.constant 1 : i32
    %scan3A_207:2 = scf.for %scan3A_633 = %scan3A_203 to %scan3A_205 step %scan3A_206 iter_args(%scan3A_634 = %broadcast_in_dim3A_202, %scan3A_635 = %broadcast_in_dim3A_202) -> (vector<16xi32>, vector<16xi32>)  : i32 {
      %sub3A_636 = arith.constant 255 : i32
      %sub3A_637 = arith.subi %sub3A_636, %scan3A_633 : i32
      %mul3A_638 = arith.constant 16 : i32
      %mul3A_639 = arith.muli %sub3A_637, %mul3A_638 : i32
      %get3A_640 = arith.index_cast %mul3A_639 : i32 to index
      %get3A_641 = tpu.vector_load %arg6[%get3A_640] {strides = array<i32>} : memref<8224xi32, #tpu.memory_space<vmem>>, vector<16xi32>,
      %add3A_642 = arith.addi %scan3A_634, %get3A_641 : vector<16xi32>
      %add3A_643 = arith.constant 4112 : i32
      %add3A_644 = arith.addi %mul3A_639, %add3A_643 : i32
      %get3A_645 = arith.index_cast %add3A_644 : i32 to index
      %get3A_646 = tpu.vector_load %arg6[%get3A_645] {strides = array<i32>} : memref<8224xi32, #tpu.memory_space<vmem>>, vector<16xi32>,
      %add3A_647 = arith.addi %scan3A_635, %get3A_646 : vector<16xi32>
      %swap3A = arith.index_cast %mul3A_639 : i32 to index
      %swap3A_648 = tpu.vector_load %arg6[%swap3A] {strides = array<i32>} : memref<8224xi32, #tpu.memory_space<vmem>>, vector<16xi32>,
      tpu.vector_store %arg6[%swap3A], %add3A_642 {strides = array<i32>} : memref<8224xi32, #tpu.memory_space<vmem>>, vector<16xi32>,
      %add3A_649 = arith.constant 4112 : i32
      %add3A_650 = arith.addi %mul3A_639, %add3A_649 : i32
      %swap3A_651 = arith.index_cast %add3A_650 : i32 to index
      %swap3A_652 = tpu.vector_load %arg6[%swap3A_651] {strides = array<i32>} : memref<8224xi32, #tpu.memory_space<vmem>>, vector<16xi32>,
      tpu.vector_store %arg6[%swap3A_651], %add3A_647 {strides = array<i32>} : memref<8224xi32, #tpu.memory_space<vmem>>, vector<16xi32>,
      scf.yield %add3A_642, %add3A_647 : vector<16xi32>, vector<16xi32>
    }
    %scan3A_208 = arith.constant 256 : i32
    %scan3A_209 = arith.constant 0 : i32
    %scan3A_210 = arith.constant 256 : i32
    %scan3A_211 = arith.constant 0 : i32
    %scan3A_212 = arith.constant 256 : i32
    %scan3A_213 = arith.constant 0 : i32
    %scan3A_214 = arith.constant 8 : i32
    %scan3A_215 = arith.addi %scan3A_213, %scan3A_214 : i32
    %scan3A_216 = arith.constant 1 : i32
    %scan3A_217:4 = scf.for %scan3A_633 = %scan3A_213 to %scan3A_215 step %scan3A_216 iter_args(%scan3A_634 = %scan3A_209, %scan3A_635 = %scan3A_210, %scan3A_636 = %scan3A_211, %scan3A_637 = %scan3A_212) -> (i32, i32, i32, i32)  : i32 {
      %add3A_638 = arith.addi %scan3A_634, %scan3A_635 : i32
      %jit3A = arith.constant 2 : i32
      %div3A_639 = arith.divsi %add3A_638, %jit3A : i32
      %sign3A = arith.constant 0 : i32
      %sign3A_640 = arith.cmpi sgt, %add3A_638, %sign3A : i32
      %sign3A_641 = arith.extui %sign3A_640 : i1 to i32
      %sign3A_642 = arith.constant 0 : i32
      %sign3A_643 = arith.cmpi slt, %add3A_638, %sign3A_642 : i32
      %sign3A_644 = arith.extui %sign3A_643 : i1 to i32
      %sign3A_645 = arith.subi %sign3A_641, %sign3A_644 : i32
      %sign3A_646 = arith.constant 0 : i32
      %sign3A_647 = arith.cmpi sgt, %jit3A, %sign3A_646 : i32
      %sign3A_648 = arith.extui %sign3A_647 : i1 to i32
      %sign3A_649 = arith.constant 0 : i32
      %sign3A_650 = arith.cmpi slt, %jit3A, %sign3A_649 : i32
      %sign3A_651 = arith.extui %sign3A_650 : i1 to i32
      %sign3A_652 = arith.subi %sign3A_648, %sign3A_651 : i32
      %ne3A = arith.cmpi ne, %sign3A_645, %sign3A_652 : i32
      %rem3A = arith.remsi %add3A_638, %jit3A : i32
      %ne3A_653 = arith.constant 0 : i32
      %ne3A_654 = arith.cmpi ne, %rem3A, %ne3A_653 : i32
      %and3A = arith.andi %ne3A, %ne3A_654 : i1
      %sub3A_655 = arith.constant 1 : i32
      %sub3A_656 = arith.subi %div3A_639, %sub3A_655 : i32
      %select_n3A = arith.select %and3A, %sub3A_656, %div3A_639 : i32
      %add3A_657 = arith.addi %scan3A_636, %scan3A_637 : i32
      %jit3A_658 = arith.constant 2 : i32
      %div3A_659 = arith.divsi %add3A_657, %jit3A_658 : i32
      %sign3A_660 = arith.constant 0 : i32
      %sign3A_661 = arith.cmpi sgt, %add3A_657, %sign3A_660 : i32
      %sign3A_662 = arith.extui %sign3A_661 : i1 to i32
      %sign3A_663 = arith.constant 0 : i32
      %sign3A_664 = arith.cmpi slt, %add3A_657, %sign3A_663 : i32
      %sign3A_665 = arith.extui %sign3A_664 : i1 to i32
      %sign3A_666 = arith.subi %sign3A_662, %sign3A_665 : i32
      %sign3A_667 = arith.constant 0 : i32
      %sign3A_668 = arith.cmpi sgt, %jit3A_658, %sign3A_667 : i32
      %sign3A_669 = arith.extui %sign3A_668 : i1 to i32
      %sign3A_670 = arith.constant 0 : i32
      %sign3A_671 = arith.cmpi slt, %jit3A_658, %sign3A_670 : i32
      %sign3A_672 = arith.extui %sign3A_671 : i1 to i32
      %sign3A_673 = arith.subi %sign3A_669, %sign3A_672 : i32
      %ne3A_674 = arith.cmpi ne, %sign3A_666, %sign3A_673 : i32
      %rem3A_675 = arith.remsi %add3A_657, %jit3A_658 : i32
      %ne3A_676 = arith.constant 0 : i32
      %ne3A_677 = arith.cmpi ne, %rem3A_675, %ne3A_676 : i32
      %and3A_678 = arith.andi %ne3A_674, %ne3A_677 : i1
      %sub3A_679 = arith.constant 1 : i32
      %sub3A_680 = arith.subi %div3A_659, %sub3A_679 : i32
      %select_n3A_681 = arith.select %and3A_678, %sub3A_680, %div3A_659 : i32
      %mul3A_682 = arith.constant 16 : i32
      %mul3A_683 = arith.muli %select_n3A, %mul3A_682 : i32
      %get3A_684 = arith.index_cast %mul3A_683 : i32 to index
      %get3A_685 = tpu.vector_load %arg6[%get3A_684] {strides = array<i32>} : memref<8224xi32, #tpu.memory_space<vmem>>, vector<16xi32>,
      %reduce_sum3A_686 = arith.constant true
      %reduce_sum3A_687 = vector.broadcast %reduce_sum3A_686 : i1 to vector<16xi1>
      %reduce_sum3A_688 = tpu.scan <sum>, %get3A_685 masked %reduce_sum3A_687 : vector<16xi32>, vector<16xi1> -> vector<16xi32>
      %reduce_sum3A_689 = vector.extract %reduce_sum3A_688[15] : i32 from vector<16xi32>
      %mul3A_690 = arith.constant 16 : i32
      %mul3A_691 = arith.muli %select_n3A_681, %mul3A_690 : i32
      %add3A_692 = arith.constant 4112 : i32
      %add3A_693 = arith.addi %mul3A_691, %add3A_692 : i32
      %get3A_694 = arith.index_cast %add3A_693 : i32 to index
      %get3A_695 = tpu.vector_load %arg6[%get3A_694] {strides = array<i32>} : memref<8224xi32, #tpu.memory_space<vmem>>, vector<16xi32>,
      %reduce_sum3A_696 = arith.constant true
      %reduce_sum3A_697 = vector.broadcast %reduce_sum3A_696 : i1 to vector<16xi1>
      %reduce_sum3A_698 = tpu.scan <sum>, %get3A_695 masked %reduce_sum3A_697 : vector<16xi32>, vector<16xi1> -> vector<16xi32>
      %reduce_sum3A_699 = vector.extract %reduce_sum3A_698[15] : i32 from vector<16xi32>
      %ge3A = arith.cmpi sge, %reduce_sum3A_689, %sub3A_186 : i32
      %ge3A_700 = arith.cmpi sge, %reduce_sum3A_699, %sub3A_187 : i32
      %select_n3A_701 = arith.select %ge3A, %select_n3A, %scan3A_634 : i32
      %select_n3A_702 = arith.select %ge3A, %scan3A_635, %select_n3A : i32
      %select_n3A_703 = arith.select %ge3A_700, %select_n3A_681, %scan3A_636 : i32
      %select_n3A_704 = arith.select %ge3A_700, %scan3A_637, %select_n3A_681 : i32
      scf.yield %select_n3A_701, %select_n3A_702, %select_n3A_703, %select_n3A_704 : i32, i32, i32, i32
    }
    %scan3A_218 = arith.constant 8 : i32
    %add3A_219 = arith.constant 1 : i32
    %add3A_220 = arith.addi %scan3A_217#0, %add3A_219 : i32
    %mul3A_221 = arith.constant 16 : i32
    %mul3A_222 = arith.muli %add3A_220, %mul3A_221 : i32
    %get3A_223 = arith.index_cast %mul3A_222 : i32 to index
    %get3A_224 = tpu.vector_load %arg6[%get3A_223] {strides = array<i32>} : memref<8224xi32, #tpu.memory_space<vmem>>, vector<16xi32>,
    %reduce_sum3A_225 = arith.constant true
    %reduce_sum3A_226 = vector.broadcast %reduce_sum3A_225 : i1 to vector<16xi1>
    %reduce_sum3A_227 = tpu.scan <sum>, %get3A_224 masked %reduce_sum3A_226 : vector<16xi32>, vector<16xi1> -> vector<16xi32>
    %reduce_sum3A_228 = vector.extract %reduce_sum3A_227[15] : i32 from vector<16xi32>
    %add3A_229 = arith.constant 1 : i32
    %add3A_230 = arith.addi %scan3A_217#2, %add3A_229 : i32
    %mul3A_231 = arith.constant 16 : i32
    %mul3A_232 = arith.muli %add3A_230, %mul3A_231 : i32
    %add3A_233 = arith.constant 4112 : i32
    %add3A_234 = arith.addi %mul3A_232, %add3A_233 : i32
    %get3A_235 = arith.index_cast %add3A_234 : i32 to index
    %get3A_236 = tpu.vector_load %arg6[%get3A_235] {strides = array<i32>} : memref<8224xi32, #tpu.memory_space<vmem>>, vector<16xi32>,
    %reduce_sum3A_237 = arith.constant true
    %reduce_sum3A_238 = vector.broadcast %reduce_sum3A_237 : i1 to vector<16xi1>
    %reduce_sum3A_239 = tpu.scan <sum>, %get3A_236 masked %reduce_sum3A_238 : vector<16xi32>, vector<16xi1> -> vector<16xi32>
    %reduce_sum3A_240 = vector.extract %reduce_sum3A_239[15] : i32 from vector<16xi32>
    %sub3A_241 = arith.subi %sub3A_186, %reduce_sum3A_228 : i32
    %sub3A_242 = arith.subi %sub3A_187, %reduce_sum3A_240 : i32
    %shift_left3A_243 = arith.constant 7 : i32
    %shift_left3A_244 = arith.shli %or3A_190, %shift_left3A_243 : i32
    %or3A_245 = arith.ori %shift_left3A_244, %scan3A_217#0 : i32
    %shift_left3A_246 = arith.constant 7 : i32
    %shift_left3A_247 = arith.shli %or3A_193, %shift_left3A_246 : i32
    %or3A_248 = arith.ori %shift_left3A_247, %scan3A_217#2 : i32
    %broadcast_in_dim3A_249 = vector.broadcast %or3A_245 : i32 to vector<16xi32>
    %bitcast_convert_type3A = tpu.bitcast %broadcast_in_dim3A_249 : vector<16xi32> -> vector<16xf32>
    %add3A_250 = arith.constant 1.000000e-07 : f32
    %add3A_251 = vector.broadcast %add3A_250 : f32 to vector<16xf32>
    %add3A_252 = arith.addf %bitcast_convert_type3A, %add3A_251 : vector<16xf32>
    %broadcast_in_dim3A_253 = vector.broadcast %or3A_248 : i32 to vector<16xi32>
    %bitcast_convert_type3A_254 = tpu.bitcast %broadcast_in_dim3A_253 : vector<16xi32> -> vector<16xf32>
    %add3A_255 = arith.constant 1.000000e-07 : f32
    %add3A_256 = vector.broadcast %add3A_255 : f32 to vector<16xf32>
    %add3A_257 = arith.addf %bitcast_convert_type3A_254, %add3A_256 : vector<16xf32>
    %broadcast_in_dim3A_258 = arith.constant 0.000000e+00 : f32
    %broadcast_in_dim3A_259 = vector.broadcast %broadcast_in_dim3A_258 : f32 to vector<16xf32>
    %parallel_loop3A_260 = arith.constant 0 : i32
    %parallel_loop3A_261 = arith.constant 32768 : i32
    %parallel_loop3A_262 = arith.constant 64 : i32
    %parallel_loop3A_263 = arith.constant 0.000000e+00 : f32
    %parallel_loop3A_264:2 = scf.for %parallel_loop3A_633 = %parallel_loop3A_260 to %parallel_loop3A_261 step %parallel_loop3A_262 iter_args(%parallel_loop3A_634 = %broadcast_in_dim3A_259, %parallel_loop3A_635 = %broadcast_in_dim3A_259) -> (vector<16xf32>, vector<16xf32>)  : i32 {
      %parallel_loop3A_636 = arith.constant 0 : i32
      %parallel_loop3A_637 = arith.addi %parallel_loop3A_633, %parallel_loop3A_636 : i32
      %parallel_loop3A_638 = arith.index_cast %parallel_loop3A_637 : i32 to index
      %parallel_loop3A_639 = tpu.vector_load %arg4[%parallel_loop3A_638] {strides = array<i32>} : memref<32768xf32, #tpu.memory_space<vmem>>, vector<16xf32>,
      %parallel_loop3A_640 = arith.subf %parallel_loop3A_639, %add3A_252 : vector<16xf32>
      %parallel_loop3A_641 = vector.broadcast %parallel_loop3A_263 : f32 to vector<16xf32>
      %parallel_loop3A_642 = arith.maximumf %parallel_loop3A_640, %parallel_loop3A_641 : vector<16xf32>
      %parallel_loop3A_643 = arith.constant 16 : i32
      %parallel_loop3A_644 = arith.addi %parallel_loop3A_633, %parallel_loop3A_643 : i32
      %parallel_loop3A_645 = arith.index_cast %parallel_loop3A_644 : i32 to index
      %parallel_loop3A_646 = tpu.vector_load %arg4[%parallel_loop3A_645] {strides = array<i32>} : memref<32768xf32, #tpu.memory_space<vmem>>, vector<16xf32>,
      %parallel_loop3A_647 = arith.subf %parallel_loop3A_646, %add3A_252 : vector<16xf32>
      %parallel_loop3A_648 = vector.broadcast %parallel_loop3A_263 : f32 to vector<16xf32>
      %parallel_loop3A_649 = arith.maximumf %parallel_loop3A_647, %parallel_loop3A_648 : vector<16xf32>
      %parallel_loop3A_650 = arith.constant 32 : i32
      %parallel_loop3A_651 = arith.addi %parallel_loop3A_633, %parallel_loop3A_650 : i32
      %parallel_loop3A_652 = arith.index_cast %parallel_loop3A_651 : i32 to index
      %parallel_loop3A_653 = tpu.vector_load %arg4[%parallel_loop3A_652] {strides = array<i32>} : memref<32768xf32, #tpu.memory_space<vmem>>, vector<16xf32>,
      %parallel_loop3A_654 = arith.subf %parallel_loop3A_653, %add3A_252 : vector<16xf32>
      %parallel_loop3A_655 = vector.broadcast %parallel_loop3A_263 : f32 to vector<16xf32>
      %parallel_loop3A_656 = arith.maximumf %parallel_loop3A_654, %parallel_loop3A_655 : vector<16xf32>
      %parallel_loop3A_657 = arith.constant 48 : i32
      %parallel_loop3A_658 = arith.addi %parallel_loop3A_633, %parallel_loop3A_657 : i32
      %parallel_loop3A_659 = arith.index_cast %parallel_loop3A_658 : i32 to index
      %parallel_loop3A_660 = tpu.vector_load %arg4[%parallel_loop3A_659] {strides = array<i32>} : memref<32768xf32, #tpu.memory_space<vmem>>, vector<16xf32>,
      %parallel_loop3A_661 = arith.subf %parallel_loop3A_660, %add3A_252 : vector<16xf32>
      %parallel_loop3A_662 = vector.broadcast %parallel_loop3A_263 : f32 to vector<16xf32>
      %parallel_loop3A_663 = arith.maximumf %parallel_loop3A_661, %parallel_loop3A_662 : vector<16xf32>
      %parallel_loop3A_664 = arith.constant 0 : i32
      %parallel_loop3A_665 = arith.addi %parallel_loop3A_633, %parallel_loop3A_664 : i32
      %parallel_loop3A_666 = arith.index_cast %parallel_loop3A_665 : i32 to index
      %parallel_loop3A_667 = tpu.vector_load %arg5[%parallel_loop3A_666] {strides = array<i32>} : memref<32768xf32, #tpu.memory_space<vmem>>, vector<16xf32>,
      %parallel_loop3A_668 = arith.subf %parallel_loop3A_667, %add3A_257 : vector<16xf32>
      %parallel_loop3A_669 = vector.broadcast %parallel_loop3A_263 : f32 to vector<16xf32>
      %parallel_loop3A_670 = arith.maximumf %parallel_loop3A_668, %parallel_loop3A_669 : vector<16xf32>
      %parallel_loop3A_671 = arith.constant 16 : i32
      %parallel_loop3A_672 = arith.addi %parallel_loop3A_633, %parallel_loop3A_671 : i32
      %parallel_loop3A_673 = arith.index_cast %parallel_loop3A_672 : i32 to index
      %parallel_loop3A_674 = tpu.vector_load %arg5[%parallel_loop3A_673] {strides = array<i32>} : memref<32768xf32, #tpu.memory_space<vmem>>, vector<16xf32>,
      %parallel_loop3A_675 = arith.subf %parallel_loop3A_674, %add3A_257 : vector<16xf32>
      %parallel_loop3A_676 = vector.broadcast %parallel_loop3A_263 : f32 to vector<16xf32>
      %parallel_loop3A_677 = arith.maximumf %parallel_loop3A_675, %parallel_loop3A_676 : vector<16xf32>
      %parallel_loop3A_678 = arith.constant 32 : i32
      %parallel_loop3A_679 = arith.addi %parallel_loop3A_633, %parallel_loop3A_678 : i32
      %parallel_loop3A_680 = arith.index_cast %parallel_loop3A_679 : i32 to index
      %parallel_loop3A_681 = tpu.vector_load %arg5[%parallel_loop3A_680] {strides = array<i32>} : memref<32768xf32, #tpu.memory_space<vmem>>, vector<16xf32>,
      %parallel_loop3A_682 = arith.subf %parallel_loop3A_681, %add3A_257 : vector<16xf32>
      %parallel_loop3A_683 = vector.broadcast %parallel_loop3A_263 : f32 to vector<16xf32>
      %parallel_loop3A_684 = arith.maximumf %parallel_loop3A_682, %parallel_loop3A_683 : vector<16xf32>
      %parallel_loop3A_685 = arith.constant 48 : i32
      %parallel_loop3A_686 = arith.addi %parallel_loop3A_633, %parallel_loop3A_685 : i32
      %parallel_loop3A_687 = arith.index_cast %parallel_loop3A_686 : i32 to index
      %parallel_loop3A_688 = tpu.vector_load %arg5[%parallel_loop3A_687] {strides = array<i32>} : memref<32768xf32, #tpu.memory_space<vmem>>, vector<16xf32>,
      %parallel_loop3A_689 = arith.subf %parallel_loop3A_688, %add3A_257 : vector<16xf32>
      %parallel_loop3A_690 = vector.broadcast %parallel_loop3A_263 : f32 to vector<16xf32>
      %parallel_loop3A_691 = arith.maximumf %parallel_loop3A_689, %parallel_loop3A_690 : vector<16xf32>
      %parallel_loop3A_692 = arith.addf %parallel_loop3A_642, %parallel_loop3A_649 : vector<16xf32>
      %parallel_loop3A_693 = arith.addf %parallel_loop3A_656, %parallel_loop3A_663 : vector<16xf32>
      %parallel_loop3A_694 = arith.addf %parallel_loop3A_692, %parallel_loop3A_693 : vector<16xf32>
      %parallel_loop3A_695 = arith.addf %parallel_loop3A_634, %parallel_loop3A_694 : vector<16xf32>
      %parallel_loop3A_696 = arith.addf %parallel_loop3A_670, %parallel_loop3A_677 : vector<16xf32>
      %parallel_loop3A_697 = arith.addf %parallel_loop3A_684, %parallel_loop3A_691 : vector<16xf32>
      %parallel_loop3A_698 = arith.addf %parallel_loop3A_696, %parallel_loop3A_697 : vector<16xf32>
      %parallel_loop3A_699 = arith.addf %parallel_loop3A_635, %parallel_loop3A_698 : vector<16xf32>
      scf.yield %parallel_loop3A_695, %parallel_loop3A_699 : vector<16xf32>, vector<16xf32>
    } {sc.loop_unroll_factor = 2 : i64, sc.parallel_access}
    %reduce_sum3A_265 = arith.constant true
    %reduce_sum3A_266 = vector.broadcast %reduce_sum3A_265 : i1 to vector<16xi1>
    %reduce_sum3A_267 = tpu.scan <sum>, %parallel_loop3A_264#0 masked %reduce_sum3A_266 : vector<16xf32>, vector<16xi1> -> vector<16xf32>
    %reduce_sum3A_268 = vector.extract %reduce_sum3A_267[15] : f32 from vector<16xf32>
    %add3A_269 = arith.constant 1.000000e-07 : f32
    %add3A_270 = arith.addf %reduce_sum3A_268, %add3A_269 : f32
    %reduce_sum3A_271 = arith.constant true
    %reduce_sum3A_272 = vector.broadcast %reduce_sum3A_271 : i1 to vector<16xi1>
    %reduce_sum3A_273 = tpu.scan <sum>, %parallel_loop3A_264#1 masked %reduce_sum3A_272 : vector<16xf32>, vector<16xi1> -> vector<16xf32>
    %reduce_sum3A_274 = vector.extract %reduce_sum3A_273[15] : f32 from vector<16xf32>
    %add3A_275 = arith.constant 1.000000e-07 : f32
    %add3A_276 = arith.addf %reduce_sum3A_274, %add3A_275 : f32
    %broadcast_in_dim3A_277 = arith.constant 1.000000e+00 : f32
    %broadcast_in_dim3A_278 = vector.broadcast %broadcast_in_dim3A_277 : f32 to vector<16xf32>
    %broadcast_in_dim3A_279 = vector.broadcast %add3A_270 : f32 to vector<16xf32>
    %div3A = arith.divf %broadcast_in_dim3A_278, %broadcast_in_dim3A_279 : vector<16xf32>
    %broadcast_in_dim3A_280 = vector.broadcast %add3A_276 : f32 to vector<16xf32>
    %div3A_281 = arith.divf %broadcast_in_dim3A_278, %broadcast_in_dim3A_280 : vector<16xf32>
    %parallel_loop3A_282 = arith.constant 0 : i32
    %parallel_loop3A_283 = arith.constant 32768 : i32
    %parallel_loop3A_284 = arith.constant 16 : i32
    %parallel_loop3A_285 = arith.constant 0.000000e+00 : f32
    scf.for %parallel_loop3A_633 = %parallel_loop3A_282 to %parallel_loop3A_283 step %parallel_loop3A_284  : i32 {
      %parallel_loop3A_634 = arith.index_cast %parallel_loop3A_633 : i32 to index
      %parallel_loop3A_635 = tpu.vector_load %arg4[%parallel_loop3A_634] {strides = array<i32>} : memref<32768xf32, #tpu.memory_space<vmem>>, vector<16xf32>,
      %parallel_loop3A_636 = arith.index_cast %parallel_loop3A_633 : i32 to index
      %parallel_loop3A_637 = tpu.vector_load %arg5[%parallel_loop3A_636] {strides = array<i32>} : memref<32768xf32, #tpu.memory_space<vmem>>, vector<16xf32>,
      %parallel_loop3A_638 = arith.subf %parallel_loop3A_635, %add3A_252 : vector<16xf32>
      %parallel_loop3A_639 = vector.broadcast %parallel_loop3A_285 : f32 to vector<16xf32>
      %parallel_loop3A_640 = arith.maximumf %parallel_loop3A_638, %parallel_loop3A_639 : vector<16xf32>
      %parallel_loop3A_641 = arith.mulf %parallel_loop3A_640, %div3A : vector<16xf32>
      %parallel_loop3A_642 = arith.index_cast %parallel_loop3A_633 : i32 to index
      %parallel_loop3A_643 = tpu.vector_load %arg4[%parallel_loop3A_642] {strides = array<i32>} : memref<32768xf32, #tpu.memory_space<vmem>>, vector<16xf32>,
      tpu.vector_store %arg4[%parallel_loop3A_642], %parallel_loop3A_641 {strides = array<i32>} : memref<32768xf32, #tpu.memory_space<vmem>>, vector<16xf32>,
      %parallel_loop3A_644 = arith.subf %parallel_loop3A_637, %add3A_257 : vector<16xf32>
      %parallel_loop3A_645 = vector.broadcast %parallel_loop3A_285 : f32 to vector<16xf32>
      %parallel_loop3A_646 = arith.maximumf %parallel_loop3A_644, %parallel_loop3A_645 : vector<16xf32>
      %parallel_loop3A_647 = arith.mulf %parallel_loop3A_646, %div3A_281 : vector<16xf32>
      %parallel_loop3A_648 = arith.index_cast %parallel_loop3A_633 : i32 to index
      %parallel_loop3A_649 = tpu.vector_load %arg5[%parallel_loop3A_648] {strides = array<i32>} : memref<32768xf32, #tpu.memory_space<vmem>>, vector<16xf32>,
      tpu.vector_store %arg5[%parallel_loop3A_648], %parallel_loop3A_647 {strides = array<i32>} : memref<32768xf32, #tpu.memory_space<vmem>>, vector<16xf32>,
    } {sc.loop_unroll_factor = 4 : i64, sc.parallel_access}
    %dma_start3A_286 = arith.constant 0 : i32
    %dma_start3A_287 = tpu.memref_slice %arg3[%add3A_18, %dma_start3A_286] : memref<128x32768xf32, #tpu.memory_space<hbm>> -> memref<1x32768xf32, #tpu.memory_space<hbm>>
    %dma_start3A_288 = tpu.memref_squeeze %dma_start3A_287 : memref<1x32768xf32, #tpu.memory_space<hbm>> -> memref<32768xf32, #tpu.memory_space<hbm>>
    %dma_start3A_289 = arith.constant 0 : i32
    %dma_start3A_290 = tpu.memref_slice %arg3[%add3A_18, %dma_start3A_289] : memref<128x32768xf32, #tpu.memory_space<hbm>> -> memref<1x32768xf32, #tpu.memory_space<hbm>>
    %dma_start3A_291 = tpu.memref_squeeze %dma_start3A_290 : memref<1x32768xf32, #tpu.memory_space<hbm>> -> memref<32768xf32, #tpu.memory_space<hbm>>
    tpu.enqueue_dma source(%arg4 : memref<32768xf32, #tpu.memory_space<vmem>>) target(%dma_start3A_291 : memref<32768xf32, #tpu.memory_space<hbm>>) target_semaphore(%arg7 : memref<!tpu.dma_semaphore, #tpu.memory_space<semaphore_mem>>)
    %add3A_292 = arith.constant 1 : i32
    %add3A_293 = arith.addi %add3A_18, %add3A_292 : i32
    %dma_start3A_294 = arith.constant 0 : i32
    %dma_start3A_295 = tpu.memref_slice %arg3[%add3A_293, %dma_start3A_294] : memref<128x32768xf32, #tpu.memory_space<hbm>> -> memref<1x32768xf32, #tpu.memory_space<hbm>>
    %dma_start3A_296 = tpu.memref_squeeze %dma_start3A_295 : memref<1x32768xf32, #tpu.memory_space<hbm>> -> memref<32768xf32, #tpu.memory_space<hbm>>
    %dma_start3A_297 = arith.constant 0 : i32
    %dma_start3A_298 = tpu.memref_slice %arg3[%add3A_293, %dma_start3A_297] : memref<128x32768xf32, #tpu.memory_space<hbm>> -> memref<1x32768xf32, #tpu.memory_space<hbm>>
    %dma_start3A_299 = tpu.memref_squeeze %dma_start3A_298 : memref<1x32768xf32, #tpu.memory_space<hbm>> -> memref<32768xf32, #tpu.memory_space<hbm>>
    tpu.enqueue_dma source(%arg5 : memref<32768xf32, #tpu.memory_space<vmem>>) target(%dma_start3A_299 : memref<32768xf32, #tpu.memory_space<hbm>>) target_semaphore(%arg8 : memref<!tpu.dma_semaphore, #tpu.memory_space<semaphore_mem>>)
    %dma_wait3A_300 = arith.constant 0 : i32
    %dma_wait3A_301 = tpu.memref_slice %arg3[%add3A_18, %dma_wait3A_300] : memref<128x32768xf32, #tpu.memory_space<hbm>> -> memref<1x32768xf32, #tpu.memory_space<hbm>>
    %dma_wait3A_302 = tpu.memref_squeeze %dma_wait3A_301 : memref<1x32768xf32, #tpu.memory_space<hbm>> -> memref<32768xf32, #tpu.memory_space<hbm>>
    %dma_wait3A_303 = arith.constant 0 : i32
    %dma_wait3A_304 = tpu.memref_slice %arg3[%add3A_18, %dma_wait3A_303] : memref<128x32768xf32, #tpu.memory_space<hbm>> -> memref<1x32768xf32, #tpu.memory_space<hbm>>
    %dma_wait3A_305 = tpu.memref_squeeze %dma_wait3A_304 : memref<1x32768xf32, #tpu.memory_space<hbm>> -> memref<32768xf32, #tpu.memory_space<hbm>>
    tpu.wait_dma2 semaphore(%arg7 : memref<!tpu.dma_semaphore, #tpu.memory_space<semaphore_mem>>) src(%arg4 : memref<32768xf32, #tpu.memory_space<vmem>>) dst(%dma_wait3A_305 : memref<32768xf32, #tpu.memory_space<hbm>>)
    %add3A_306 = arith.constant 2 : i32
    %add3A_307 = arith.addi %add3A_18, %add3A_306 : i32
    %dma_start3A_308 = arith.constant 0 : i32
    %dma_start3A_309 = tpu.memref_slice %arg2[%add3A_307, %dma_start3A_308] : memref<128x32768xf32, #tpu.memory_space<hbm>> -> memref<1x32768xf32, #tpu.memory_space<hbm>>
    %dma_start3A_310 = tpu.memref_squeeze %dma_start3A_309 : memref<1x32768xf32, #tpu.memory_space<hbm>> -> memref<32768xf32, #tpu.memory_space<hbm>>
    %dma_start3A_311 = arith.constant 0 : i32
    %dma_start3A_312 = tpu.memref_slice %arg2[%add3A_307, %dma_start3A_311] : memref<128x32768xf32, #tpu.memory_space<hbm>> -> memref<1x32768xf32, #tpu.memory_space<hbm>>
    %dma_start3A_313 = tpu.memref_squeeze %dma_start3A_312 : memref<1x32768xf32, #tpu.memory_space<hbm>> -> memref<32768xf32, #tpu.memory_space<hbm>>
    tpu.enqueue_dma source(%dma_start3A_313 : memref<32768xf32, #tpu.memory_space<hbm>>) target(%arg4 : memref<32768xf32, #tpu.memory_space<vmem>>) target_semaphore(%arg7 : memref<!tpu.dma_semaphore, #tpu.memory_space<semaphore_mem>>)
    %dma_wait3A_314 = arith.constant 0 : i32
    %dma_wait3A_315 = tpu.memref_slice %arg3[%add3A_293, %dma_wait3A_314] : memref<128x32768xf32, #tpu.memory_space<hbm>> -> memref<1x32768xf32, #tpu.memory_space<hbm>>
    %dma_wait3A_316 = tpu.memref_squeeze %dma_wait3A_315 : memref<1x32768xf32, #tpu.memory_space<hbm>> -> memref<32768xf32, #tpu.memory_space<hbm>>
    %dma_wait3A_317 = arith.constant 0 : i32
    %dma_wait3A_318 = tpu.memref_slice %arg3[%add3A_293, %dma_wait3A_317] : memref<128x32768xf32, #tpu.memory_space<hbm>> -> memref<1x32768xf32, #tpu.memory_space<hbm>>
    %dma_wait3A_319 = tpu.memref_squeeze %dma_wait3A_318 : memref<1x32768xf32, #tpu.memory_space<hbm>> -> memref<32768xf32, #tpu.memory_space<hbm>>
    tpu.wait_dma2 semaphore(%arg8 : memref<!tpu.dma_semaphore, #tpu.memory_space<semaphore_mem>>) src(%arg5 : memref<32768xf32, #tpu.memory_space<vmem>>) dst(%dma_wait3A_319 : memref<32768xf32, #tpu.memory_space<hbm>>)
    %add3A_320 = arith.constant 3 : i32
    %add3A_321 = arith.addi %add3A_18, %add3A_320 : i32
    %dma_start3A_322 = arith.constant 0 : i32
    %dma_start3A_323 = tpu.memref_slice %arg2[%add3A_321, %dma_start3A_322] : memref<128x32768xf32, #tpu.memory_space<hbm>> -> memref<1x32768xf32, #tpu.memory_space<hbm>>
    %dma_start3A_324 = tpu.memref_squeeze %dma_start3A_323 : memref<1x32768xf32, #tpu.memory_space<hbm>> -> memref<32768xf32, #tpu.memory_space<hbm>>
    %dma_start3A_325 = arith.constant 0 : i32
    %dma_start3A_326 = tpu.memref_slice %arg2[%add3A_321, %dma_start3A_325] : memref<128x32768xf32, #tpu.memory_space<hbm>> -> memref<1x32768xf32, #tpu.memory_space<hbm>>
    %dma_start3A_327 = tpu.memref_squeeze %dma_start3A_326 : memref<1x32768xf32, #tpu.memory_space<hbm>> -> memref<32768xf32, #tpu.memory_space<hbm>>
    tpu.enqueue_dma source(%dma_start3A_327 : memref<32768xf32, #tpu.memory_space<hbm>>) target(%arg5 : memref<32768xf32, #tpu.memory_space<vmem>>) target_semaphore(%arg8 : memref<!tpu.dma_semaphore, #tpu.memory_space<semaphore_mem>>)
    %add3A_328 = arith.constant 2 : i32
    %add3A_329 = arith.addi %mul3A_2, %add3A_328 : i32
    %dma_wait3A_330 = arith.constant 0 : i32
    %dma_wait3A_331 = tpu.memref_slice %arg2[%add3A_307, %dma_wait3A_330] : memref<128x32768xf32, #tpu.memory_space<hbm>> -> memref<1x32768xf32, #tpu.memory_space<hbm>>
    %dma_wait3A_332 = tpu.memref_squeeze %dma_wait3A_331 : memref<1x32768xf32, #tpu.memory_space<hbm>> -> memref<32768xf32, #tpu.memory_space<hbm>>
    %dma_wait3A_333 = arith.constant 0 : i32
    %dma_wait3A_334 = tpu.memref_slice %arg2[%add3A_307, %dma_wait3A_333] : memref<128x32768xf32, #tpu.memory_space<hbm>> -> memref<1x32768xf32, #tpu.memory_space<hbm>>
    %dma_wait3A_335 = tpu.memref_squeeze %dma_wait3A_334 : memref<1x32768xf32, #tpu.memory_space<hbm>> -> memref<32768xf32, #tpu.memory_space<hbm>>
    tpu.wait_dma2 semaphore(%arg7 : memref<!tpu.dma_semaphore, #tpu.memory_space<semaphore_mem>>) src(%dma_wait3A_335 : memref<32768xf32, #tpu.memory_space<hbm>>) dst(%arg4 : memref<32768xf32, #tpu.memory_space<vmem>>)
    %dma_wait3A_336 = arith.constant 0 : i32
    %dma_wait3A_337 = tpu.memref_slice %arg2[%add3A_321, %dma_wait3A_336] : memref<128x32768xf32, #tpu.memory_space<hbm>> -> memref<1x32768xf32, #tpu.memory_space<hbm>>
    %dma_wait3A_338 = tpu.memref_squeeze %dma_wait3A_337 : memref<1x32768xf32, #tpu.memory_space<hbm>> -> memref<32768xf32, #tpu.memory_space<hbm>>
    %dma_wait3A_339 = arith.constant 0 : i32
    %dma_wait3A_340 = tpu.memref_slice %arg2[%add3A_321, %dma_wait3A_339] : memref<128x32768xf32, #tpu.memory_space<hbm>> -> memref<1x32768xf32, #tpu.memory_space<hbm>>
    %dma_wait3A_341 = tpu.memref_squeeze %dma_wait3A_340 : memref<1x32768xf32, #tpu.memory_space<hbm>> -> memref<32768xf32, #tpu.memory_space<hbm>>
    tpu.wait_dma2 semaphore(%arg8 : memref<!tpu.dma_semaphore, #tpu.memory_space<semaphore_mem>>) src(%dma_wait3A_341 : memref<32768xf32, #tpu.memory_space<hbm>>) dst(%arg5 : memref<32768xf32, #tpu.memory_space<vmem>>)
    %parallel_loop3A_342 = arith.constant 0 : i32
    %parallel_loop3A_343 = arith.constant 8224 : i32
    %parallel_loop3A_344 = arith.constant 16 : i32
    scf.for %parallel_loop3A_633 = %parallel_loop3A_342 to %parallel_loop3A_343 step %parallel_loop3A_344  : i32 {
      %parallel_loop3A_634 = arith.constant 0 : i32
      %parallel_loop3A_635 = vector.broadcast %parallel_loop3A_634 : i32 to vector<16xi32>
      %parallel_loop3A_636 = arith.index_cast %parallel_loop3A_633 : i32 to index
      %parallel_loop3A_637 = tpu.vector_load %arg6[%parallel_loop3A_636] {strides = array<i32>} : memref<8224xi32, #tpu.memory_space<vmem>>, vector<16xi32>,
      tpu.vector_store %arg6[%parallel_loop3A_636], %parallel_loop3A_635 {strides = array<i32>} : memref<8224xi32, #tpu.memory_space<vmem>>, vector<16xi32>,
    } {sc.loop_unroll_factor = 4 : i64, sc.parallel_access}
    %parallel_loop3A_345 = arith.constant 0 : i32
    %parallel_loop3A_346 = arith.constant 32768 : i32
    %parallel_loop3A_347 = arith.constant 16 : i32
    %parallel_loop3A_348 = arith.constant 4080 : i32
    scf.for %parallel_loop3A_633 = %parallel_loop3A_345 to %parallel_loop3A_346 step %parallel_loop3A_347  : i32 {
      %parallel_loop3A_634 = arith.index_cast %parallel_loop3A_633 : i32 to index
      %parallel_loop3A_635 = tpu.vector_load %arg4[%parallel_loop3A_634] {strides = array<i32>} : memref<32768xf32, #tpu.memory_space<vmem>>, vector<16xf32>,
      %parallel_loop3A_636 = tpu.bitcast %parallel_loop3A_635 : vector<16xf32> -> vector<16xi32>
      %parallel_loop3A_637 = arith.constant 19 : i32
      %parallel_loop3A_638 = vector.broadcast %parallel_loop3A_637 : i32 to vector<16xi32>
      %parallel_loop3A_639 = arith.shrui %parallel_loop3A_636, %parallel_loop3A_638 : vector<16xi32>
      %parallel_loop3A_640 = vector.broadcast %parallel_loop3A_348 : i32 to vector<16xi32>
      %parallel_loop3A_641 = arith.andi %parallel_loop3A_639, %parallel_loop3A_640 : vector<16xi32>
      %parallel_loop3A_642 = arith.ori %parallel_loop3A_641, %iota3A : vector<16xi32>
      tpu.vector_store_idx %arg6[%parallel_loop3A_642], %broadcast_in_dim3A_3 {add = true} : memref<8224xi32, #tpu.memory_space<vmem>>[vector<16xi32>], vector<16xi32>,
      %parallel_loop3A_643 = arith.index_cast %parallel_loop3A_633 : i32 to index
      %parallel_loop3A_644 = tpu.vector_load %arg5[%parallel_loop3A_643] {strides = array<i32>} : memref<32768xf32, #tpu.memory_space<vmem>>, vector<16xf32>,
      %parallel_loop3A_645 = tpu.bitcast %parallel_loop3A_644 : vector<16xf32> -> vector<16xi32>
      %parallel_loop3A_646 = arith.constant 19 : i32
      %parallel_loop3A_647 = vector.broadcast %parallel_loop3A_646 : i32 to vector<16xi32>
      %parallel_loop3A_648 = arith.shrui %parallel_loop3A_645, %parallel_loop3A_647 : vector<16xi32>
      %parallel_loop3A_649 = vector.broadcast %parallel_loop3A_348 : i32 to vector<16xi32>
      %parallel_loop3A_650 = arith.andi %parallel_loop3A_648, %parallel_loop3A_649 : vector<16xi32>
      %parallel_loop3A_651 = arith.ori %parallel_loop3A_650, %iota3A : vector<16xi32>
      %parallel_loop3A_652 = arith.constant 4112 : i32
      %parallel_loop3A_653 = vector.broadcast %parallel_loop3A_652 : i32 to vector<16xi32>
      %parallel_loop3A_654 = arith.addi %parallel_loop3A_651, %parallel_loop3A_653 : vector<16xi32>
      tpu.vector_store_idx %arg6[%parallel_loop3A_654], %broadcast_in_dim3A_3 {add = true} : memref<8224xi32, #tpu.memory_space<vmem>>[vector<16xi32>], vector<16xi32>,
    } {sc.loop_unroll_factor = 4 : i64, sc.parallel_access}
    %broadcast_in_dim3A_349 = arith.constant 0 : i32
    %broadcast_in_dim3A_350 = vector.broadcast %broadcast_in_dim3A_349 : i32 to vector<16xi32>
    %scan3A_351 = arith.constant 0 : i32
    %scan3A_352 = arith.constant 256 : i32
    %scan3A_353 = arith.addi %scan3A_351, %scan3A_352 : i32
    %scan3A_354 = arith.constant 1 : i32
    %scan3A_355:2 = scf.for %scan3A_633 = %scan3A_351 to %scan3A_353 step %scan3A_354 iter_args(%scan3A_634 = %broadcast_in_dim3A_350, %scan3A_635 = %broadcast_in_dim3A_350) -> (vector<16xi32>, vector<16xi32>)  : i32 {
      %sub3A_636 = arith.constant 255 : i32
      %sub3A_637 = arith.subi %sub3A_636, %scan3A_633 : i32
      %mul3A_638 = arith.constant 16 : i32
      %mul3A_639 = arith.muli %sub3A_637, %mul3A_638 : i32
      %get3A_640 = arith.index_cast %mul3A_639 : i32 to index
      %get3A_641 = tpu.vector_load %arg6[%get3A_640] {strides = array<i32>} : memref<8224xi32, #tpu.memory_space<vmem>>, vector<16xi32>,
      %add3A_642 = arith.addi %scan3A_634, %get3A_641 : vector<16xi32>
      %add3A_643 = arith.constant 4112 : i32
      %add3A_644 = arith.addi %mul3A_639, %add3A_643 : i32
      %get3A_645 = arith.index_cast %add3A_644 : i32 to index
      %get3A_646 = tpu.vector_load %arg6[%get3A_645] {strides = array<i32>} : memref<8224xi32, #tpu.memory_space<vmem>>, vector<16xi32>,
      %add3A_647 = arith.addi %scan3A_635, %get3A_646 : vector<16xi32>
      %swap3A = arith.index_cast %mul3A_639 : i32 to index
      %swap3A_648 = tpu.vector_load %arg6[%swap3A] {strides = array<i32>} : memref<8224xi32, #tpu.memory_space<vmem>>, vector<16xi32>,
      tpu.vector_store %arg6[%swap3A], %add3A_642 {strides = array<i32>} : memref<8224xi32, #tpu.memory_space<vmem>>, vector<16xi32>,
      %add3A_649 = arith.constant 4112 : i32
      %add3A_650 = arith.addi %mul3A_639, %add3A_649 : i32
      %swap3A_651 = arith.index_cast %add3A_650 : i32 to index
      %swap3A_652 = tpu.vector_load %arg6[%swap3A_651] {strides = array<i32>} : memref<8224xi32, #tpu.memory_space<vmem>>, vector<16xi32>,
      tpu.vector_store %arg6[%swap3A_651], %add3A_647 {strides = array<i32>} : memref<8224xi32, #tpu.memory_space<vmem>>, vector<16xi32>,
      scf.yield %add3A_642, %add3A_647 : vector<16xi32>, vector<16xi32>
    }
    %scan3A_356 = arith.constant 256 : i32
    %scan3A_357 = arith.constant 32 : i32
    %scan3A_358 = arith.constant 32 : i32
    %scan3A_359 = arith.constant 0 : i32
    %scan3A_360 = arith.constant 256 : i32
    %scan3A_361 = arith.constant 0 : i32
    %scan3A_362 = arith.constant 256 : i32
    %scan3A_363 = arith.constant 0 : i32
    %scan3A_364 = arith.constant 8 : i32
    %scan3A_365 = arith.addi %scan3A_363, %scan3A_364 : i32
    %scan3A_366 = arith.constant 1 : i32
    %scan3A_367:4 = scf.for %scan3A_633 = %scan3A_363 to %scan3A_365 step %scan3A_366 iter_args(%scan3A_634 = %scan3A_359, %scan3A_635 = %scan3A_360, %scan3A_636 = %scan3A_361, %scan3A_637 = %scan3A_362) -> (i32, i32, i32, i32)  : i32 {
      %add3A_638 = arith.addi %scan3A_634, %scan3A_635 : i32
      %jit3A = arith.constant 2 : i32
      %div3A_639 = arith.divsi %add3A_638, %jit3A : i32
      %sign3A = arith.constant 0 : i32
      %sign3A_640 = arith.cmpi sgt, %add3A_638, %sign3A : i32
      %sign3A_641 = arith.extui %sign3A_640 : i1 to i32
      %sign3A_642 = arith.constant 0 : i32
      %sign3A_643 = arith.cmpi slt, %add3A_638, %sign3A_642 : i32
      %sign3A_644 = arith.extui %sign3A_643 : i1 to i32
      %sign3A_645 = arith.subi %sign3A_641, %sign3A_644 : i32
      %sign3A_646 = arith.constant 0 : i32
      %sign3A_647 = arith.cmpi sgt, %jit3A, %sign3A_646 : i32
      %sign3A_648 = arith.extui %sign3A_647 : i1 to i32
      %sign3A_649 = arith.constant 0 : i32
      %sign3A_650 = arith.cmpi slt, %jit3A, %sign3A_649 : i32
      %sign3A_651 = arith.extui %sign3A_650 : i1 to i32
      %sign3A_652 = arith.subi %sign3A_648, %sign3A_651 : i32
      %ne3A = arith.cmpi ne, %sign3A_645, %sign3A_652 : i32
      %rem3A = arith.remsi %add3A_638, %jit3A : i32
      %ne3A_653 = arith.constant 0 : i32
      %ne3A_654 = arith.cmpi ne, %rem3A, %ne3A_653 : i32
      %and3A = arith.andi %ne3A, %ne3A_654 : i1
      %sub3A_655 = arith.constant 1 : i32
      %sub3A_656 = arith.subi %div3A_639, %sub3A_655 : i32
      %select_n3A = arith.select %and3A, %sub3A_656, %div3A_639 : i32
      %add3A_657 = arith.addi %scan3A_636, %scan3A_637 : i32
      %jit3A_658 = arith.constant 2 : i32
      %div3A_659 = arith.divsi %add3A_657, %jit3A_658 : i32
      %sign3A_660 = arith.constant 0 : i32
      %sign3A_661 = arith.cmpi sgt, %add3A_657, %sign3A_660 : i32
      %sign3A_662 = arith.extui %sign3A_661 : i1 to i32
      %sign3A_663 = arith.constant 0 : i32
      %sign3A_664 = arith.cmpi slt, %add3A_657, %sign3A_663 : i32
      %sign3A_665 = arith.extui %sign3A_664 : i1 to i32
      %sign3A_666 = arith.subi %sign3A_662, %sign3A_665 : i32
      %sign3A_667 = arith.constant 0 : i32
      %sign3A_668 = arith.cmpi sgt, %jit3A_658, %sign3A_667 : i32
      %sign3A_669 = arith.extui %sign3A_668 : i1 to i32
      %sign3A_670 = arith.constant 0 : i32
      %sign3A_671 = arith.cmpi slt, %jit3A_658, %sign3A_670 : i32
      %sign3A_672 = arith.extui %sign3A_671 : i1 to i32
      %sign3A_673 = arith.subi %sign3A_669, %sign3A_672 : i32
      %ne3A_674 = arith.cmpi ne, %sign3A_666, %sign3A_673 : i32
      %rem3A_675 = arith.remsi %add3A_657, %jit3A_658 : i32
      %ne3A_676 = arith.constant 0 : i32
      %ne3A_677 = arith.cmpi ne, %rem3A_675, %ne3A_676 : i32
      %and3A_678 = arith.andi %ne3A_674, %ne3A_677 : i1
      %sub3A_679 = arith.constant 1 : i32
      %sub3A_680 = arith.subi %div3A_659, %sub3A_679 : i32
      %select_n3A_681 = arith.select %and3A_678, %sub3A_680, %div3A_659 : i32
      %mul3A_682 = arith.constant 16 : i32
      %mul3A_683 = arith.muli %select_n3A, %mul3A_682 : i32
      %get3A_684 = arith.index_cast %mul3A_683 : i32 to index
      %get3A_685 = tpu.vector_load %arg6[%get3A_684] {strides = array<i32>} : memref<8224xi32, #tpu.memory_space<vmem>>, vector<16xi32>,
      %reduce_sum3A_686 = arith.constant true
      %reduce_sum3A_687 = vector.broadcast %reduce_sum3A_686 : i1 to vector<16xi1>
      %reduce_sum3A_688 = tpu.scan <sum>, %get3A_685 masked %reduce_sum3A_687 : vector<16xi32>, vector<16xi1> -> vector<16xi32>
      %reduce_sum3A_689 = vector.extract %reduce_sum3A_688[15] : i32 from vector<16xi32>
      %mul3A_690 = arith.constant 16 : i32
      %mul3A_691 = arith.muli %select_n3A_681, %mul3A_690 : i32
      %add3A_692 = arith.constant 4112 : i32
      %add3A_693 = arith.addi %mul3A_691, %add3A_692 : i32
      %get3A_694 = arith.index_cast %add3A_693 : i32 to index
      %get3A_695 = tpu.vector_load %arg6[%get3A_694] {strides = array<i32>} : memref<8224xi32, #tpu.memory_space<vmem>>, vector<16xi32>,
      %reduce_sum3A_696 = arith.constant true
      %reduce_sum3A_697 = vector.broadcast %reduce_sum3A_696 : i1 to vector<16xi1>
      %reduce_sum3A_698 = tpu.scan <sum>, %get3A_695 masked %reduce_sum3A_697 : vector<16xi32>, vector<16xi1> -> vector<16xi32>
      %reduce_sum3A_699 = vector.extract %reduce_sum3A_698[15] : i32 from vector<16xi32>
      %ge3A = arith.cmpi sge, %reduce_sum3A_689, %scan3A_357 : i32
      %ge3A_700 = arith.cmpi sge, %reduce_sum3A_699, %scan3A_358 : i32
      %select_n3A_701 = arith.select %ge3A, %select_n3A, %scan3A_634 : i32
      %select_n3A_702 = arith.select %ge3A, %scan3A_635, %select_n3A : i32
      %select_n3A_703 = arith.select %ge3A_700, %select_n3A_681, %scan3A_636 : i32
      %select_n3A_704 = arith.select %ge3A_700, %scan3A_637, %select_n3A_681 : i32
      scf.yield %select_n3A_701, %select_n3A_702, %select_n3A_703, %select_n3A_704 : i32, i32, i32, i32
    }
    %scan3A_368 = arith.constant 8 : i32
    %add3A_369 = arith.constant 1 : i32
    %add3A_370 = arith.addi %scan3A_367#0, %add3A_369 : i32
    %mul3A_371 = arith.constant 16 : i32
    %mul3A_372 = arith.muli %add3A_370, %mul3A_371 : i32
    %get3A_373 = arith.index_cast %mul3A_372 : i32 to index
    %get3A_374 = tpu.vector_load %arg6[%get3A_373] {strides = array<i32>} : memref<8224xi32, #tpu.memory_space<vmem>>, vector<16xi32>,
    %reduce_sum3A_375 = arith.constant true
    %reduce_sum3A_376 = vector.broadcast %reduce_sum3A_375 : i1 to vector<16xi1>
    %reduce_sum3A_377 = tpu.scan <sum>, %get3A_374 masked %reduce_sum3A_376 : vector<16xi32>, vector<16xi1> -> vector<16xi32>
    %reduce_sum3A_378 = vector.extract %reduce_sum3A_377[15] : i32 from vector<16xi32>
    %add3A_379 = arith.constant 1 : i32
    %add3A_380 = arith.addi %scan3A_367#2, %add3A_379 : i32
    %mul3A_381 = arith.constant 16 : i32
    %mul3A_382 = arith.muli %add3A_380, %mul3A_381 : i32
    %add3A_383 = arith.constant 4112 : i32
    %add3A_384 = arith.addi %mul3A_382, %add3A_383 : i32
    %get3A_385 = arith.index_cast %add3A_384 : i32 to index
    %get3A_386 = tpu.vector_load %arg6[%get3A_385] {strides = array<i32>} : memref<8224xi32, #tpu.memory_space<vmem>>, vector<16xi32>,
    %reduce_sum3A_387 = arith.constant true
    %reduce_sum3A_388 = vector.broadcast %reduce_sum3A_387 : i1 to vector<16xi1>
    %reduce_sum3A_389 = tpu.scan <sum>, %get3A_386 masked %reduce_sum3A_388 : vector<16xi32>, vector<16xi1> -> vector<16xi32>
    %reduce_sum3A_390 = vector.extract %reduce_sum3A_389[15] : i32 from vector<16xi32>
    %sub3A_391 = arith.constant 32 : i32
    %sub3A_392 = arith.subi %sub3A_391, %reduce_sum3A_378 : i32
    %sub3A_393 = arith.constant 32 : i32
    %sub3A_394 = arith.subi %sub3A_393, %reduce_sum3A_390 : i32
    %shift_left3A_395 = arith.constant 0 : i32
    %shift_left3A_396 = arith.constant 8 : i32
    %shift_left3A_397 = arith.shli %shift_left3A_395, %shift_left3A_396 : i32
    %or3A_398 = arith.ori %shift_left3A_397, %scan3A_367#0 : i32
    %shift_left3A_399 = arith.constant 0 : i32
    %shift_left3A_400 = arith.constant 8 : i32
    %shift_left3A_401 = arith.shli %shift_left3A_399, %shift_left3A_400 : i32
    %or3A_402 = arith.ori %shift_left3A_401, %scan3A_367#2 : i32
    %parallel_loop3A_403 = arith.constant 0 : i32
    %parallel_loop3A_404 = arith.constant 8224 : i32
    %parallel_loop3A_405 = arith.constant 16 : i32
    scf.for %parallel_loop3A_633 = %parallel_loop3A_403 to %parallel_loop3A_404 step %parallel_loop3A_405  : i32 {
      %parallel_loop3A_634 = arith.constant 0 : i32
      %parallel_loop3A_635 = vector.broadcast %parallel_loop3A_634 : i32 to vector<16xi32>
      %parallel_loop3A_636 = arith.index_cast %parallel_loop3A_633 : i32 to index
      %parallel_loop3A_637 = tpu.vector_load %arg6[%parallel_loop3A_636] {strides = array<i32>} : memref<8224xi32, #tpu.memory_space<vmem>>, vector<16xi32>,
      tpu.vector_store %arg6[%parallel_loop3A_636], %parallel_loop3A_635 {strides = array<i32>} : memref<8224xi32, #tpu.memory_space<vmem>>, vector<16xi32>,
    } {sc.loop_unroll_factor = 4 : i64, sc.parallel_access}
    %parallel_loop3A_406 = arith.constant 0 : i32
    %parallel_loop3A_407 = arith.constant 32768 : i32
    %parallel_loop3A_408 = arith.constant 16 : i32
    %parallel_loop3A_409 = arith.constant 4080 : i32
    scf.for %parallel_loop3A_633 = %parallel_loop3A_406 to %parallel_loop3A_407 step %parallel_loop3A_408  : i32 {
      %parallel_loop3A_634 = arith.index_cast %parallel_loop3A_633 : i32 to index
      %parallel_loop3A_635 = tpu.vector_load %arg4[%parallel_loop3A_634] {strides = array<i32>} : memref<32768xf32, #tpu.memory_space<vmem>>, vector<16xf32>,
      %parallel_loop3A_636 = tpu.bitcast %parallel_loop3A_635 : vector<16xf32> -> vector<16xi32>
      %parallel_loop3A_637 = arith.constant 11 : i32
      %parallel_loop3A_638 = vector.broadcast %parallel_loop3A_637 : i32 to vector<16xi32>
      %parallel_loop3A_639 = arith.shrui %parallel_loop3A_636, %parallel_loop3A_638 : vector<16xi32>
      %parallel_loop3A_640 = vector.broadcast %parallel_loop3A_409 : i32 to vector<16xi32>
      %parallel_loop3A_641 = arith.andi %parallel_loop3A_639, %parallel_loop3A_640 : vector<16xi32>
      %parallel_loop3A_642 = arith.ori %parallel_loop3A_641, %iota3A : vector<16xi32>
      %parallel_loop3A_643 = arith.constant 23 : i32
      %parallel_loop3A_644 = vector.broadcast %parallel_loop3A_643 : i32 to vector<16xi32>
      %parallel_loop3A_645 = arith.shrui %parallel_loop3A_636, %parallel_loop3A_644 : vector<16xi32>
      %parallel_loop3A_646 = vector.broadcast %or3A_398 : i32 to vector<16xi32>
      %parallel_loop3A_647 = arith.cmpi eq, %parallel_loop3A_645, %parallel_loop3A_646 : vector<16xi32>
      tpu.vector_store_idx %arg6[%parallel_loop3A_642], %broadcast_in_dim3A_3 masked %parallel_loop3A_647 {add = true} : memref<8224xi32, #tpu.memory_space<vmem>>[vector<16xi32>], vector<16xi32>, vector<16xi1>
      %parallel_loop3A_648 = arith.index_cast %parallel_loop3A_633 : i32 to index
      %parallel_loop3A_649 = tpu.vector_load %arg5[%parallel_loop3A_648] {strides = array<i32>} : memref<32768xf32, #tpu.memory_space<vmem>>, vector<16xf32>,
      %parallel_loop3A_650 = tpu.bitcast %parallel_loop3A_649 : vector<16xf32> -> vector<16xi32>
      %parallel_loop3A_651 = arith.constant 11 : i32
      %parallel_loop3A_652 = vector.broadcast %parallel_loop3A_651 : i32 to vector<16xi32>
      %parallel_loop3A_653 = arith.shrui %parallel_loop3A_650, %parallel_loop3A_652 : vector<16xi32>
      %parallel_loop3A_654 = vector.broadcast %parallel_loop3A_409 : i32 to vector<16xi32>
      %parallel_loop3A_655 = arith.andi %parallel_loop3A_653, %parallel_loop3A_654 : vector<16xi32>
      %parallel_loop3A_656 = arith.ori %parallel_loop3A_655, %iota3A : vector<16xi32>
      %parallel_loop3A_657 = arith.constant 4112 : i32
      %parallel_loop3A_658 = vector.broadcast %parallel_loop3A_657 : i32 to vector<16xi32>
      %parallel_loop3A_659 = arith.addi %parallel_loop3A_656, %parallel_loop3A_658 : vector<16xi32>
      %parallel_loop3A_660 = arith.constant 23 : i32
      %parallel_loop3A_661 = vector.broadcast %parallel_loop3A_660 : i32 to vector<16xi32>
      %parallel_loop3A_662 = arith.shrui %parallel_loop3A_650, %parallel_loop3A_661 : vector<16xi32>
      %parallel_loop3A_663 = vector.broadcast %or3A_402 : i32 to vector<16xi32>
      %parallel_loop3A_664 = arith.cmpi eq, %parallel_loop3A_662, %parallel_loop3A_663 : vector<16xi32>
      tpu.vector_store_idx %arg6[%parallel_loop3A_659], %broadcast_in_dim3A_3 masked %parallel_loop3A_664 {add = true} : memref<8224xi32, #tpu.memory_space<vmem>>[vector<16xi32>], vector<16xi32>, vector<16xi1>
    } {sc.loop_unroll_factor = 4 : i64, sc.parallel_access}
    %broadcast_in_dim3A_410 = arith.constant 0 : i32
    %broadcast_in_dim3A_411 = vector.broadcast %broadcast_in_dim3A_410 : i32 to vector<16xi32>
    %scan3A_412 = arith.constant 0 : i32
    %scan3A_413 = arith.constant 256 : i32
    %scan3A_414 = arith.addi %scan3A_412, %scan3A_413 : i32
    %scan3A_415 = arith.constant 1 : i32
    %scan3A_416:2 = scf.for %scan3A_633 = %scan3A_412 to %scan3A_414 step %scan3A_415 iter_args(%scan3A_634 = %broadcast_in_dim3A_411, %scan3A_635 = %broadcast_in_dim3A_411) -> (vector<16xi32>, vector<16xi32>)  : i32 {
      %sub3A_636 = arith.constant 255 : i32
      %sub3A_637 = arith.subi %sub3A_636, %scan3A_633 : i32
      %mul3A_638 = arith.constant 16 : i32
      %mul3A_639 = arith.muli %sub3A_637, %mul3A_638 : i32
      %get3A_640 = arith.index_cast %mul3A_639 : i32 to index
      %get3A_641 = tpu.vector_load %arg6[%get3A_640] {strides = array<i32>} : memref<8224xi32, #tpu.memory_space<vmem>>, vector<16xi32>,
      %add3A_642 = arith.addi %scan3A_634, %get3A_641 : vector<16xi32>
      %add3A_643 = arith.constant 4112 : i32
      %add3A_644 = arith.addi %mul3A_639, %add3A_643 : i32
      %get3A_645 = arith.index_cast %add3A_644 : i32 to index
      %get3A_646 = tpu.vector_load %arg6[%get3A_645] {strides = array<i32>} : memref<8224xi32, #tpu.memory_space<vmem>>, vector<16xi32>,
      %add3A_647 = arith.addi %scan3A_635, %get3A_646 : vector<16xi32>
      %swap3A = arith.index_cast %mul3A_639 : i32 to index
      %swap3A_648 = tpu.vector_load %arg6[%swap3A] {strides = array<i32>} : memref<8224xi32, #tpu.memory_space<vmem>>, vector<16xi32>,
      tpu.vector_store %arg6[%swap3A], %add3A_642 {strides = array<i32>} : memref<8224xi32, #tpu.memory_space<vmem>>, vector<16xi32>,
      %add3A_649 = arith.constant 4112 : i32
      %add3A_650 = arith.addi %mul3A_639, %add3A_649 : i32
      %swap3A_651 = arith.index_cast %add3A_650 : i32 to index
      %swap3A_652 = tpu.vector_load %arg6[%swap3A_651] {strides = array<i32>} : memref<8224xi32, #tpu.memory_space<vmem>>, vector<16xi32>,
      tpu.vector_store %arg6[%swap3A_651], %add3A_647 {strides = array<i32>} : memref<8224xi32, #tpu.memory_space<vmem>>, vector<16xi32>,
      scf.yield %add3A_642, %add3A_647 : vector<16xi32>, vector<16xi32>
    }
    %scan3A_417 = arith.constant 256 : i32
    %scan3A_418 = arith.constant 0 : i32
    %scan3A_419 = arith.constant 256 : i32
    %scan3A_420 = arith.constant 0 : i32
    %scan3A_421 = arith.constant 256 : i32
    %scan3A_422 = arith.constant 0 : i32
    %scan3A_423 = arith.constant 8 : i32
    %scan3A_424 = arith.addi %scan3A_422, %scan3A_423 : i32
    %scan3A_425 = arith.constant 1 : i32
    %scan3A_426:4 = scf.for %scan3A_633 = %scan3A_422 to %scan3A_424 step %scan3A_425 iter_args(%scan3A_634 = %scan3A_418, %scan3A_635 = %scan3A_419, %scan3A_636 = %scan3A_420, %scan3A_637 = %scan3A_421) -> (i32, i32, i32, i32)  : i32 {
      %add3A_638 = arith.addi %scan3A_634, %scan3A_635 : i32
      %jit3A = arith.constant 2 : i32
      %div3A_639 = arith.divsi %add3A_638, %jit3A : i32
      %sign3A = arith.constant 0 : i32
      %sign3A_640 = arith.cmpi sgt, %add3A_638, %sign3A : i32
      %sign3A_641 = arith.extui %sign3A_640 : i1 to i32
      %sign3A_642 = arith.constant 0 : i32
      %sign3A_643 = arith.cmpi slt, %add3A_638, %sign3A_642 : i32
      %sign3A_644 = arith.extui %sign3A_643 : i1 to i32
      %sign3A_645 = arith.subi %sign3A_641, %sign3A_644 : i32
      %sign3A_646 = arith.constant 0 : i32
      %sign3A_647 = arith.cmpi sgt, %jit3A, %sign3A_646 : i32
      %sign3A_648 = arith.extui %sign3A_647 : i1 to i32
      %sign3A_649 = arith.constant 0 : i32
      %sign3A_650 = arith.cmpi slt, %jit3A, %sign3A_649 : i32
      %sign3A_651 = arith.extui %sign3A_650 : i1 to i32
      %sign3A_652 = arith.subi %sign3A_648, %sign3A_651 : i32
      %ne3A = arith.cmpi ne, %sign3A_645, %sign3A_652 : i32
      %rem3A = arith.remsi %add3A_638, %jit3A : i32
      %ne3A_653 = arith.constant 0 : i32
      %ne3A_654 = arith.cmpi ne, %rem3A, %ne3A_653 : i32
      %and3A = arith.andi %ne3A, %ne3A_654 : i1
      %sub3A_655 = arith.constant 1 : i32
      %sub3A_656 = arith.subi %div3A_639, %sub3A_655 : i32
      %select_n3A = arith.select %and3A, %sub3A_656, %div3A_639 : i32
      %add3A_657 = arith.addi %scan3A_636, %scan3A_637 : i32
      %jit3A_658 = arith.constant 2 : i32
      %div3A_659 = arith.divsi %add3A_657, %jit3A_658 : i32
      %sign3A_660 = arith.constant 0 : i32
      %sign3A_661 = arith.cmpi sgt, %add3A_657, %sign3A_660 : i32
      %sign3A_662 = arith.extui %sign3A_661 : i1 to i32
      %sign3A_663 = arith.constant 0 : i32
      %sign3A_664 = arith.cmpi slt, %add3A_657, %sign3A_663 : i32
      %sign3A_665 = arith.extui %sign3A_664 : i1 to i32
      %sign3A_666 = arith.subi %sign3A_662, %sign3A_665 : i32
      %sign3A_667 = arith.constant 0 : i32
      %sign3A_668 = arith.cmpi sgt, %jit3A_658, %sign3A_667 : i32
      %sign3A_669 = arith.extui %sign3A_668 : i1 to i32
      %sign3A_670 = arith.constant 0 : i32
      %sign3A_671 = arith.cmpi slt, %jit3A_658, %sign3A_670 : i32
      %sign3A_672 = arith.extui %sign3A_671 : i1 to i32
      %sign3A_673 = arith.subi %sign3A_669, %sign3A_672 : i32
      %ne3A_674 = arith.cmpi ne, %sign3A_666, %sign3A_673 : i32
      %rem3A_675 = arith.remsi %add3A_657, %jit3A_658 : i32
      %ne3A_676 = arith.constant 0 : i32
      %ne3A_677 = arith.cmpi ne, %rem3A_675, %ne3A_676 : i32
      %and3A_678 = arith.andi %ne3A_674, %ne3A_677 : i1
      %sub3A_679 = arith.constant 1 : i32
      %sub3A_680 = arith.subi %div3A_659, %sub3A_679 : i32
      %select_n3A_681 = arith.select %and3A_678, %sub3A_680, %div3A_659 : i32
      %mul3A_682 = arith.constant 16 : i32
      %mul3A_683 = arith.muli %select_n3A, %mul3A_682 : i32
      %get3A_684 = arith.index_cast %mul3A_683 : i32 to index
      %get3A_685 = tpu.vector_load %arg6[%get3A_684] {strides = array<i32>} : memref<8224xi32, #tpu.memory_space<vmem>>, vector<16xi32>,
      %reduce_sum3A_686 = arith.constant true
      %reduce_sum3A_687 = vector.broadcast %reduce_sum3A_686 : i1 to vector<16xi1>
      %reduce_sum3A_688 = tpu.scan <sum>, %get3A_685 masked %reduce_sum3A_687 : vector<16xi32>, vector<16xi1> -> vector<16xi32>
      %reduce_sum3A_689 = vector.extract %reduce_sum3A_688[15] : i32 from vector<16xi32>
      %mul3A_690 = arith.constant 16 : i32
      %mul3A_691 = arith.muli %select_n3A_681, %mul3A_690 : i32
      %add3A_692 = arith.constant 4112 : i32
      %add3A_693 = arith.addi %mul3A_691, %add3A_692 : i32
      %get3A_694 = arith.index_cast %add3A_693 : i32 to index
      %get3A_695 = tpu.vector_load %arg6[%get3A_694] {strides = array<i32>} : memref<8224xi32, #tpu.memory_space<vmem>>, vector<16xi32>,
      %reduce_sum3A_696 = arith.constant true
      %reduce_sum3A_697 = vector.broadcast %reduce_sum3A_696 : i1 to vector<16xi1>
      %reduce_sum3A_698 = tpu.scan <sum>, %get3A_695 masked %reduce_sum3A_697 : vector<16xi32>, vector<16xi1> -> vector<16xi32>
      %reduce_sum3A_699 = vector.extract %reduce_sum3A_698[15] : i32 from vector<16xi32>
      %ge3A = arith.cmpi sge, %reduce_sum3A_689, %sub3A_392 : i32
      %ge3A_700 = arith.cmpi sge, %reduce_sum3A_699, %sub3A_394 : i32
      %select_n3A_701 = arith.select %ge3A, %select_n3A, %scan3A_634 : i32
      %select_n3A_702 = arith.select %ge3A, %scan3A_635, %select_n3A : i32
      %select_n3A_703 = arith.select %ge3A_700, %select_n3A_681, %scan3A_636 : i32
      %select_n3A_704 = arith.select %ge3A_700, %scan3A_637, %select_n3A_681 : i32
      scf.yield %select_n3A_701, %select_n3A_702, %select_n3A_703, %select_n3A_704 : i32, i32, i32, i32
    }
    %scan3A_427 = arith.constant 8 : i32
    %add3A_428 = arith.constant 1 : i32
    %add3A_429 = arith.addi %scan3A_426#0, %add3A_428 : i32
    %mul3A_430 = arith.constant 16 : i32
    %mul3A_431 = arith.muli %add3A_429, %mul3A_430 : i32
    %get3A_432 = arith.index_cast %mul3A_431 : i32 to index
    %get3A_433 = tpu.vector_load %arg6[%get3A_432] {strides = array<i32>} : memref<8224xi32, #tpu.memory_space<vmem>>, vector<16xi32>,
    %reduce_sum3A_434 = arith.constant true
    %reduce_sum3A_435 = vector.broadcast %reduce_sum3A_434 : i1 to vector<16xi1>
    %reduce_sum3A_436 = tpu.scan <sum>, %get3A_433 masked %reduce_sum3A_435 : vector<16xi32>, vector<16xi1> -> vector<16xi32>
    %reduce_sum3A_437 = vector.extract %reduce_sum3A_436[15] : i32 from vector<16xi32>
    %add3A_438 = arith.constant 1 : i32
    %add3A_439 = arith.addi %scan3A_426#2, %add3A_438 : i32
    %mul3A_440 = arith.constant 16 : i32
    %mul3A_441 = arith.muli %add3A_439, %mul3A_440 : i32
    %add3A_442 = arith.constant 4112 : i32
    %add3A_443 = arith.addi %mul3A_441, %add3A_442 : i32
    %get3A_444 = arith.index_cast %add3A_443 : i32 to index
    %get3A_445 = tpu.vector_load %arg6[%get3A_444] {strides = array<i32>} : memref<8224xi32, #tpu.memory_space<vmem>>, vector<16xi32>,
    %reduce_sum3A_446 = arith.constant true
    %reduce_sum3A_447 = vector.broadcast %reduce_sum3A_446 : i1 to vector<16xi1>
    %reduce_sum3A_448 = tpu.scan <sum>, %get3A_445 masked %reduce_sum3A_447 : vector<16xi32>, vector<16xi1> -> vector<16xi32>
    %reduce_sum3A_449 = vector.extract %reduce_sum3A_448[15] : i32 from vector<16xi32>
    %sub3A_450 = arith.subi %sub3A_392, %reduce_sum3A_437 : i32
    %sub3A_451 = arith.subi %sub3A_394, %reduce_sum3A_449 : i32
    %shift_left3A_452 = arith.constant 8 : i32
    %shift_left3A_453 = arith.shli %or3A_398, %shift_left3A_452 : i32
    %or3A_454 = arith.ori %shift_left3A_453, %scan3A_426#0 : i32
    %shift_left3A_455 = arith.constant 8 : i32
    %shift_left3A_456 = arith.shli %or3A_402, %shift_left3A_455 : i32
    %or3A_457 = arith.ori %shift_left3A_456, %scan3A_426#2 : i32
    %parallel_loop3A_458 = arith.constant 0 : i32
    %parallel_loop3A_459 = arith.constant 8224 : i32
    %parallel_loop3A_460 = arith.constant 16 : i32
    scf.for %parallel_loop3A_633 = %parallel_loop3A_458 to %parallel_loop3A_459 step %parallel_loop3A_460  : i32 {
      %parallel_loop3A_634 = arith.constant 0 : i32
      %parallel_loop3A_635 = vector.broadcast %parallel_loop3A_634 : i32 to vector<16xi32>
      %parallel_loop3A_636 = arith.index_cast %parallel_loop3A_633 : i32 to index
      %parallel_loop3A_637 = tpu.vector_load %arg6[%parallel_loop3A_636] {strides = array<i32>} : memref<8224xi32, #tpu.memory_space<vmem>>, vector<16xi32>,
      tpu.vector_store %arg6[%parallel_loop3A_636], %parallel_loop3A_635 {strides = array<i32>} : memref<8224xi32, #tpu.memory_space<vmem>>, vector<16xi32>,
    } {sc.loop_unroll_factor = 4 : i64, sc.parallel_access}
    %parallel_loop3A_461 = arith.constant 0 : i32
    %parallel_loop3A_462 = arith.constant 32768 : i32
    %parallel_loop3A_463 = arith.constant 16 : i32
    %parallel_loop3A_464 = arith.constant 4080 : i32
    scf.for %parallel_loop3A_633 = %parallel_loop3A_461 to %parallel_loop3A_462 step %parallel_loop3A_463  : i32 {
      %parallel_loop3A_634 = arith.index_cast %parallel_loop3A_633 : i32 to index
      %parallel_loop3A_635 = tpu.vector_load %arg4[%parallel_loop3A_634] {strides = array<i32>} : memref<32768xf32, #tpu.memory_space<vmem>>, vector<16xf32>,
      %parallel_loop3A_636 = tpu.bitcast %parallel_loop3A_635 : vector<16xf32> -> vector<16xi32>
      %parallel_loop3A_637 = arith.constant 3 : i32
      %parallel_loop3A_638 = vector.broadcast %parallel_loop3A_637 : i32 to vector<16xi32>
      %parallel_loop3A_639 = arith.shrui %parallel_loop3A_636, %parallel_loop3A_638 : vector<16xi32>
      %parallel_loop3A_640 = vector.broadcast %parallel_loop3A_464 : i32 to vector<16xi32>
      %parallel_loop3A_641 = arith.andi %parallel_loop3A_639, %parallel_loop3A_640 : vector<16xi32>
      %parallel_loop3A_642 = arith.ori %parallel_loop3A_641, %iota3A : vector<16xi32>
      %parallel_loop3A_643 = arith.constant 15 : i32
      %parallel_loop3A_644 = vector.broadcast %parallel_loop3A_643 : i32 to vector<16xi32>
      %parallel_loop3A_645 = arith.shrui %parallel_loop3A_636, %parallel_loop3A_644 : vector<16xi32>
      %parallel_loop3A_646 = vector.broadcast %or3A_454 : i32 to vector<16xi32>
      %parallel_loop3A_647 = arith.cmpi eq, %parallel_loop3A_645, %parallel_loop3A_646 : vector<16xi32>
      tpu.vector_store_idx %arg6[%parallel_loop3A_642], %broadcast_in_dim3A_3 masked %parallel_loop3A_647 {add = true} : memref<8224xi32, #tpu.memory_space<vmem>>[vector<16xi32>], vector<16xi32>, vector<16xi1>
      %parallel_loop3A_648 = arith.index_cast %parallel_loop3A_633 : i32 to index
      %parallel_loop3A_649 = tpu.vector_load %arg5[%parallel_loop3A_648] {strides = array<i32>} : memref<32768xf32, #tpu.memory_space<vmem>>, vector<16xf32>,
      %parallel_loop3A_650 = tpu.bitcast %parallel_loop3A_649 : vector<16xf32> -> vector<16xi32>
      %parallel_loop3A_651 = arith.constant 3 : i32
      %parallel_loop3A_652 = vector.broadcast %parallel_loop3A_651 : i32 to vector<16xi32>
      %parallel_loop3A_653 = arith.shrui %parallel_loop3A_650, %parallel_loop3A_652 : vector<16xi32>
      %parallel_loop3A_654 = vector.broadcast %parallel_loop3A_464 : i32 to vector<16xi32>
      %parallel_loop3A_655 = arith.andi %parallel_loop3A_653, %parallel_loop3A_654 : vector<16xi32>
      %parallel_loop3A_656 = arith.ori %parallel_loop3A_655, %iota3A : vector<16xi32>
      %parallel_loop3A_657 = arith.constant 4112 : i32
      %parallel_loop3A_658 = vector.broadcast %parallel_loop3A_657 : i32 to vector<16xi32>
      %parallel_loop3A_659 = arith.addi %parallel_loop3A_656, %parallel_loop3A_658 : vector<16xi32>
      %parallel_loop3A_660 = arith.constant 15 : i32
      %parallel_loop3A_661 = vector.broadcast %parallel_loop3A_660 : i32 to vector<16xi32>
      %parallel_loop3A_662 = arith.shrui %parallel_loop3A_650, %parallel_loop3A_661 : vector<16xi32>
      %parallel_loop3A_663 = vector.broadcast %or3A_457 : i32 to vector<16xi32>
      %parallel_loop3A_664 = arith.cmpi eq, %parallel_loop3A_662, %parallel_loop3A_663 : vector<16xi32>
      tpu.vector_store_idx %arg6[%parallel_loop3A_659], %broadcast_in_dim3A_3 masked %parallel_loop3A_664 {add = true} : memref<8224xi32, #tpu.memory_space<vmem>>[vector<16xi32>], vector<16xi32>, vector<16xi1>
    } {sc.loop_unroll_factor = 4 : i64, sc.parallel_access}
    %broadcast_in_dim3A_465 = arith.constant 0 : i32
    %broadcast_in_dim3A_466 = vector.broadcast %broadcast_in_dim3A_465 : i32 to vector<16xi32>
    %scan3A_467 = arith.constant 0 : i32
    %scan3A_468 = arith.constant 256 : i32
    %scan3A_469 = arith.addi %scan3A_467, %scan3A_468 : i32
    %scan3A_470 = arith.constant 1 : i32
    %scan3A_471:2 = scf.for %scan3A_633 = %scan3A_467 to %scan3A_469 step %scan3A_470 iter_args(%scan3A_634 = %broadcast_in_dim3A_466, %scan3A_635 = %broadcast_in_dim3A_466) -> (vector<16xi32>, vector<16xi32>)  : i32 {
      %sub3A_636 = arith.constant 255 : i32
      %sub3A_637 = arith.subi %sub3A_636, %scan3A_633 : i32
      %mul3A_638 = arith.constant 16 : i32
      %mul3A_639 = arith.muli %sub3A_637, %mul3A_638 : i32
      %get3A_640 = arith.index_cast %mul3A_639 : i32 to index
      %get3A_641 = tpu.vector_load %arg6[%get3A_640] {strides = array<i32>} : memref<8224xi32, #tpu.memory_space<vmem>>, vector<16xi32>,
      %add3A_642 = arith.addi %scan3A_634, %get3A_641 : vector<16xi32>
      %add3A_643 = arith.constant 4112 : i32
      %add3A_644 = arith.addi %mul3A_639, %add3A_643 : i32
      %get3A_645 = arith.index_cast %add3A_644 : i32 to index
      %get3A_646 = tpu.vector_load %arg6[%get3A_645] {strides = array<i32>} : memref<8224xi32, #tpu.memory_space<vmem>>, vector<16xi32>,
      %add3A_647 = arith.addi %scan3A_635, %get3A_646 : vector<16xi32>
      %swap3A = arith.index_cast %mul3A_639 : i32 to index
      %swap3A_648 = tpu.vector_load %arg6[%swap3A] {strides = array<i32>} : memref<8224xi32, #tpu.memory_space<vmem>>, vector<16xi32>,
      tpu.vector_store %arg6[%swap3A], %add3A_642 {strides = array<i32>} : memref<8224xi32, #tpu.memory_space<vmem>>, vector<16xi32>,
      %add3A_649 = arith.constant 4112 : i32
      %add3A_650 = arith.addi %mul3A_639, %add3A_649 : i32
      %swap3A_651 = arith.index_cast %add3A_650 : i32 to index
      %swap3A_652 = tpu.vector_load %arg6[%swap3A_651] {strides = array<i32>} : memref<8224xi32, #tpu.memory_space<vmem>>, vector<16xi32>,
      tpu.vector_store %arg6[%swap3A_651], %add3A_647 {strides = array<i32>} : memref<8224xi32, #tpu.memory_space<vmem>>, vector<16xi32>,
      scf.yield %add3A_642, %add3A_647 : vector<16xi32>, vector<16xi32>
    }
    %scan3A_472 = arith.constant 256 : i32
    %scan3A_473 = arith.constant 0 : i32
    %scan3A_474 = arith.constant 256 : i32
    %scan3A_475 = arith.constant 0 : i32
    %scan3A_476 = arith.constant 256 : i32
    %scan3A_477 = arith.constant 0 : i32
    %scan3A_478 = arith.constant 8 : i32
    %scan3A_479 = arith.addi %scan3A_477, %scan3A_478 : i32
    %scan3A_480 = arith.constant 1 : i32
    %scan3A_481:4 = scf.for %scan3A_633 = %scan3A_477 to %scan3A_479 step %scan3A_480 iter_args(%scan3A_634 = %scan3A_473, %scan3A_635 = %scan3A_474, %scan3A_636 = %scan3A_475, %scan3A_637 = %scan3A_476) -> (i32, i32, i32, i32)  : i32 {
      %add3A_638 = arith.addi %scan3A_634, %scan3A_635 : i32
      %jit3A = arith.constant 2 : i32
      %div3A_639 = arith.divsi %add3A_638, %jit3A : i32
      %sign3A = arith.constant 0 : i32
      %sign3A_640 = arith.cmpi sgt, %add3A_638, %sign3A : i32
      %sign3A_641 = arith.extui %sign3A_640 : i1 to i32
      %sign3A_642 = arith.constant 0 : i32
      %sign3A_643 = arith.cmpi slt, %add3A_638, %sign3A_642 : i32
      %sign3A_644 = arith.extui %sign3A_643 : i1 to i32
      %sign3A_645 = arith.subi %sign3A_641, %sign3A_644 : i32
      %sign3A_646 = arith.constant 0 : i32
      %sign3A_647 = arith.cmpi sgt, %jit3A, %sign3A_646 : i32
      %sign3A_648 = arith.extui %sign3A_647 : i1 to i32
      %sign3A_649 = arith.constant 0 : i32
      %sign3A_650 = arith.cmpi slt, %jit3A, %sign3A_649 : i32
      %sign3A_651 = arith.extui %sign3A_650 : i1 to i32
      %sign3A_652 = arith.subi %sign3A_648, %sign3A_651 : i32
      %ne3A = arith.cmpi ne, %sign3A_645, %sign3A_652 : i32
      %rem3A = arith.remsi %add3A_638, %jit3A : i32
      %ne3A_653 = arith.constant 0 : i32
      %ne3A_654 = arith.cmpi ne, %rem3A, %ne3A_653 : i32
      %and3A = arith.andi %ne3A, %ne3A_654 : i1
      %sub3A_655 = arith.constant 1 : i32
      %sub3A_656 = arith.subi %div3A_639, %sub3A_655 : i32
      %select_n3A = arith.select %and3A, %sub3A_656, %div3A_639 : i32
      %add3A_657 = arith.addi %scan3A_636, %scan3A_637 : i32
      %jit3A_658 = arith.constant 2 : i32
      %div3A_659 = arith.divsi %add3A_657, %jit3A_658 : i32
      %sign3A_660 = arith.constant 0 : i32
      %sign3A_661 = arith.cmpi sgt, %add3A_657, %sign3A_660 : i32
      %sign3A_662 = arith.extui %sign3A_661 : i1 to i32
      %sign3A_663 = arith.constant 0 : i32
      %sign3A_664 = arith.cmpi slt, %add3A_657, %sign3A_663 : i32
      %sign3A_665 = arith.extui %sign3A_664 : i1 to i32
      %sign3A_666 = arith.subi %sign3A_662, %sign3A_665 : i32
      %sign3A_667 = arith.constant 0 : i32
      %sign3A_668 = arith.cmpi sgt, %jit3A_658, %sign3A_667 : i32
      %sign3A_669 = arith.extui %sign3A_668 : i1 to i32
      %sign3A_670 = arith.constant 0 : i32
      %sign3A_671 = arith.cmpi slt, %jit3A_658, %sign3A_670 : i32
      %sign3A_672 = arith.extui %sign3A_671 : i1 to i32
      %sign3A_673 = arith.subi %sign3A_669, %sign3A_672 : i32
      %ne3A_674 = arith.cmpi ne, %sign3A_666, %sign3A_673 : i32
      %rem3A_675 = arith.remsi %add3A_657, %jit3A_658 : i32
      %ne3A_676 = arith.constant 0 : i32
      %ne3A_677 = arith.cmpi ne, %rem3A_675, %ne3A_676 : i32
      %and3A_678 = arith.andi %ne3A_674, %ne3A_677 : i1
      %sub3A_679 = arith.constant 1 : i32
      %sub3A_680 = arith.subi %div3A_659, %sub3A_679 : i32
      %select_n3A_681 = arith.select %and3A_678, %sub3A_680, %div3A_659 : i32
      %mul3A_682 = arith.constant 16 : i32
      %mul3A_683 = arith.muli %select_n3A, %mul3A_682 : i32
      %get3A_684 = arith.index_cast %mul3A_683 : i32 to index
      %get3A_685 = tpu.vector_load %arg6[%get3A_684] {strides = array<i32>} : memref<8224xi32, #tpu.memory_space<vmem>>, vector<16xi32>,
      %reduce_sum3A_686 = arith.constant true
      %reduce_sum3A_687 = vector.broadcast %reduce_sum3A_686 : i1 to vector<16xi1>
      %reduce_sum3A_688 = tpu.scan <sum>, %get3A_685 masked %reduce_sum3A_687 : vector<16xi32>, vector<16xi1> -> vector<16xi32>
      %reduce_sum3A_689 = vector.extract %reduce_sum3A_688[15] : i32 from vector<16xi32>
      %mul3A_690 = arith.constant 16 : i32
      %mul3A_691 = arith.muli %select_n3A_681, %mul3A_690 : i32
      %add3A_692 = arith.constant 4112 : i32
      %add3A_693 = arith.addi %mul3A_691, %add3A_692 : i32
      %get3A_694 = arith.index_cast %add3A_693 : i32 to index
      %get3A_695 = tpu.vector_load %arg6[%get3A_694] {strides = array<i32>} : memref<8224xi32, #tpu.memory_space<vmem>>, vector<16xi32>,
      %reduce_sum3A_696 = arith.constant true
      %reduce_sum3A_697 = vector.broadcast %reduce_sum3A_696 : i1 to vector<16xi1>
      %reduce_sum3A_698 = tpu.scan <sum>, %get3A_695 masked %reduce_sum3A_697 : vector<16xi32>, vector<16xi1> -> vector<16xi32>
      %reduce_sum3A_699 = vector.extract %reduce_sum3A_698[15] : i32 from vector<16xi32>
      %ge3A = arith.cmpi sge, %reduce_sum3A_689, %sub3A_450 : i32
      %ge3A_700 = arith.cmpi sge, %reduce_sum3A_699, %sub3A_451 : i32
      %select_n3A_701 = arith.select %ge3A, %select_n3A, %scan3A_634 : i32
      %select_n3A_702 = arith.select %ge3A, %scan3A_635, %select_n3A : i32
      %select_n3A_703 = arith.select %ge3A_700, %select_n3A_681, %scan3A_636 : i32
      %select_n3A_704 = arith.select %ge3A_700, %scan3A_637, %select_n3A_681 : i32
      scf.yield %select_n3A_701, %select_n3A_702, %select_n3A_703, %select_n3A_704 : i32, i32, i32, i32
    }
    %scan3A_482 = arith.constant 8 : i32
    %add3A_483 = arith.constant 1 : i32
    %add3A_484 = arith.addi %scan3A_481#0, %add3A_483 : i32
    %mul3A_485 = arith.constant 16 : i32
    %mul3A_486 = arith.muli %add3A_484, %mul3A_485 : i32
    %get3A_487 = arith.index_cast %mul3A_486 : i32 to index
    %get3A_488 = tpu.vector_load %arg6[%get3A_487] {strides = array<i32>} : memref<8224xi32, #tpu.memory_space<vmem>>, vector<16xi32>,
    %reduce_sum3A_489 = arith.constant true
    %reduce_sum3A_490 = vector.broadcast %reduce_sum3A_489 : i1 to vector<16xi1>
    %reduce_sum3A_491 = tpu.scan <sum>, %get3A_488 masked %reduce_sum3A_490 : vector<16xi32>, vector<16xi1> -> vector<16xi32>
    %reduce_sum3A_492 = vector.extract %reduce_sum3A_491[15] : i32 from vector<16xi32>
    %add3A_493 = arith.constant 1 : i32
    %add3A_494 = arith.addi %scan3A_481#2, %add3A_493 : i32
    %mul3A_495 = arith.constant 16 : i32
    %mul3A_496 = arith.muli %add3A_494, %mul3A_495 : i32
    %add3A_497 = arith.constant 4112 : i32
    %add3A_498 = arith.addi %mul3A_496, %add3A_497 : i32
    %get3A_499 = arith.index_cast %add3A_498 : i32 to index
    %get3A_500 = tpu.vector_load %arg6[%get3A_499] {strides = array<i32>} : memref<8224xi32, #tpu.memory_space<vmem>>, vector<16xi32>,
    %reduce_sum3A_501 = arith.constant true
    %reduce_sum3A_502 = vector.broadcast %reduce_sum3A_501 : i1 to vector<16xi1>
    %reduce_sum3A_503 = tpu.scan <sum>, %get3A_500 masked %reduce_sum3A_502 : vector<16xi32>, vector<16xi1> -> vector<16xi32>
    %reduce_sum3A_504 = vector.extract %reduce_sum3A_503[15] : i32 from vector<16xi32>
    %sub3A_505 = arith.subi %sub3A_450, %reduce_sum3A_492 : i32
    %sub3A_506 = arith.subi %sub3A_451, %reduce_sum3A_504 : i32
    %shift_left3A_507 = arith.constant 8 : i32
    %shift_left3A_508 = arith.shli %or3A_454, %shift_left3A_507 : i32
    %or3A_509 = arith.ori %shift_left3A_508, %scan3A_481#0 : i32
    %shift_left3A_510 = arith.constant 8 : i32
    %shift_left3A_511 = arith.shli %or3A_457, %shift_left3A_510 : i32
    %or3A_512 = arith.ori %shift_left3A_511, %scan3A_481#2 : i32
    %parallel_loop3A_513 = arith.constant 0 : i32
    %parallel_loop3A_514 = arith.constant 8224 : i32
    %parallel_loop3A_515 = arith.constant 16 : i32
    scf.for %parallel_loop3A_633 = %parallel_loop3A_513 to %parallel_loop3A_514 step %parallel_loop3A_515  : i32 {
      %parallel_loop3A_634 = arith.constant 0 : i32
      %parallel_loop3A_635 = vector.broadcast %parallel_loop3A_634 : i32 to vector<16xi32>
      %parallel_loop3A_636 = arith.index_cast %parallel_loop3A_633 : i32 to index
      %parallel_loop3A_637 = tpu.vector_load %arg6[%parallel_loop3A_636] {strides = array<i32>} : memref<8224xi32, #tpu.memory_space<vmem>>, vector<16xi32>,
      tpu.vector_store %arg6[%parallel_loop3A_636], %parallel_loop3A_635 {strides = array<i32>} : memref<8224xi32, #tpu.memory_space<vmem>>, vector<16xi32>,
    } {sc.loop_unroll_factor = 4 : i64, sc.parallel_access}
    %parallel_loop3A_516 = arith.constant 0 : i32
    %parallel_loop3A_517 = arith.constant 32768 : i32
    %parallel_loop3A_518 = arith.constant 16 : i32
    %parallel_loop3A_519 = arith.constant 2032 : i32
    scf.for %parallel_loop3A_633 = %parallel_loop3A_516 to %parallel_loop3A_517 step %parallel_loop3A_518  : i32 {
      %parallel_loop3A_634 = arith.index_cast %parallel_loop3A_633 : i32 to index
      %parallel_loop3A_635 = tpu.vector_load %arg4[%parallel_loop3A_634] {strides = array<i32>} : memref<32768xf32, #tpu.memory_space<vmem>>, vector<16xf32>,
      %parallel_loop3A_636 = tpu.bitcast %parallel_loop3A_635 : vector<16xf32> -> vector<16xi32>
      %parallel_loop3A_637 = arith.constant 4 : i32
      %parallel_loop3A_638 = vector.broadcast %parallel_loop3A_637 : i32 to vector<16xi32>
      %parallel_loop3A_639 = arith.shli %parallel_loop3A_636, %parallel_loop3A_638 : vector<16xi32>
      %parallel_loop3A_640 = vector.broadcast %parallel_loop3A_519 : i32 to vector<16xi32>
      %parallel_loop3A_641 = arith.andi %parallel_loop3A_639, %parallel_loop3A_640 : vector<16xi32>
      %parallel_loop3A_642 = arith.ori %parallel_loop3A_641, %iota3A : vector<16xi32>
      %parallel_loop3A_643 = arith.constant 7 : i32
      %parallel_loop3A_644 = vector.broadcast %parallel_loop3A_643 : i32 to vector<16xi32>
      %parallel_loop3A_645 = arith.shrui %parallel_loop3A_636, %parallel_loop3A_644 : vector<16xi32>
      %parallel_loop3A_646 = vector.broadcast %or3A_509 : i32 to vector<16xi32>
      %parallel_loop3A_647 = arith.cmpi eq, %parallel_loop3A_645, %parallel_loop3A_646 : vector<16xi32>
      tpu.vector_store_idx %arg6[%parallel_loop3A_642], %broadcast_in_dim3A_3 masked %parallel_loop3A_647 {add = true} : memref<8224xi32, #tpu.memory_space<vmem>>[vector<16xi32>], vector<16xi32>, vector<16xi1>
      %parallel_loop3A_648 = arith.index_cast %parallel_loop3A_633 : i32 to index
      %parallel_loop3A_649 = tpu.vector_load %arg5[%parallel_loop3A_648] {strides = array<i32>} : memref<32768xf32, #tpu.memory_space<vmem>>, vector<16xf32>,
      %parallel_loop3A_650 = tpu.bitcast %parallel_loop3A_649 : vector<16xf32> -> vector<16xi32>
      %parallel_loop3A_651 = arith.constant 4 : i32
      %parallel_loop3A_652 = vector.broadcast %parallel_loop3A_651 : i32 to vector<16xi32>
      %parallel_loop3A_653 = arith.shli %parallel_loop3A_650, %parallel_loop3A_652 : vector<16xi32>
      %parallel_loop3A_654 = vector.broadcast %parallel_loop3A_519 : i32 to vector<16xi32>
      %parallel_loop3A_655 = arith.andi %parallel_loop3A_653, %parallel_loop3A_654 : vector<16xi32>
      %parallel_loop3A_656 = arith.ori %parallel_loop3A_655, %iota3A : vector<16xi32>
      %parallel_loop3A_657 = arith.constant 4112 : i32
      %parallel_loop3A_658 = vector.broadcast %parallel_loop3A_657 : i32 to vector<16xi32>
      %parallel_loop3A_659 = arith.addi %parallel_loop3A_656, %parallel_loop3A_658 : vector<16xi32>
      %parallel_loop3A_660 = arith.constant 7 : i32
      %parallel_loop3A_661 = vector.broadcast %parallel_loop3A_660 : i32 to vector<16xi32>
      %parallel_loop3A_662 = arith.shrui %parallel_loop3A_650, %parallel_loop3A_661 : vector<16xi32>
      %parallel_loop3A_663 = vector.broadcast %or3A_512 : i32 to vector<16xi32>
      %parallel_loop3A_664 = arith.cmpi eq, %parallel_loop3A_662, %parallel_loop3A_663 : vector<16xi32>
      tpu.vector_store_idx %arg6[%parallel_loop3A_659], %broadcast_in_dim3A_3 masked %parallel_loop3A_664 {add = true} : memref<8224xi32, #tpu.memory_space<vmem>>[vector<16xi32>], vector<16xi32>, vector<16xi1>
    } {sc.loop_unroll_factor = 4 : i64, sc.parallel_access}
    %broadcast_in_dim3A_520 = arith.constant 0 : i32
    %broadcast_in_dim3A_521 = vector.broadcast %broadcast_in_dim3A_520 : i32 to vector<16xi32>
    %scan3A_522 = arith.constant 0 : i32
    %scan3A_523 = arith.constant 256 : i32
    %scan3A_524 = arith.addi %scan3A_522, %scan3A_523 : i32
    %scan3A_525 = arith.constant 1 : i32
    %scan3A_526:2 = scf.for %scan3A_633 = %scan3A_522 to %scan3A_524 step %scan3A_525 iter_args(%scan3A_634 = %broadcast_in_dim3A_521, %scan3A_635 = %broadcast_in_dim3A_521) -> (vector<16xi32>, vector<16xi32>)  : i32 {
      %sub3A_636 = arith.constant 255 : i32
      %sub3A_637 = arith.subi %sub3A_636, %scan3A_633 : i32
      %mul3A_638 = arith.constant 16 : i32
      %mul3A_639 = arith.muli %sub3A_637, %mul3A_638 : i32
      %get3A_640 = arith.index_cast %mul3A_639 : i32 to index
      %get3A_641 = tpu.vector_load %arg6[%get3A_640] {strides = array<i32>} : memref<8224xi32, #tpu.memory_space<vmem>>, vector<16xi32>,
      %add3A_642 = arith.addi %scan3A_634, %get3A_641 : vector<16xi32>
      %add3A_643 = arith.constant 4112 : i32
      %add3A_644 = arith.addi %mul3A_639, %add3A_643 : i32
      %get3A_645 = arith.index_cast %add3A_644 : i32 to index
      %get3A_646 = tpu.vector_load %arg6[%get3A_645] {strides = array<i32>} : memref<8224xi32, #tpu.memory_space<vmem>>, vector<16xi32>,
      %add3A_647 = arith.addi %scan3A_635, %get3A_646 : vector<16xi32>
      %swap3A = arith.index_cast %mul3A_639 : i32 to index
      %swap3A_648 = tpu.vector_load %arg6[%swap3A] {strides = array<i32>} : memref<8224xi32, #tpu.memory_space<vmem>>, vector<16xi32>,
      tpu.vector_store %arg6[%swap3A], %add3A_642 {strides = array<i32>} : memref<8224xi32, #tpu.memory_space<vmem>>, vector<16xi32>,
      %add3A_649 = arith.constant 4112 : i32
      %add3A_650 = arith.addi %mul3A_639, %add3A_649 : i32
      %swap3A_651 = arith.index_cast %add3A_650 : i32 to index
      %swap3A_652 = tpu.vector_load %arg6[%swap3A_651] {strides = array<i32>} : memref<8224xi32, #tpu.memory_space<vmem>>, vector<16xi32>,
      tpu.vector_store %arg6[%swap3A_651], %add3A_647 {strides = array<i32>} : memref<8224xi32, #tpu.memory_space<vmem>>, vector<16xi32>,
      scf.yield %add3A_642, %add3A_647 : vector<16xi32>, vector<16xi32>
    }
    %scan3A_527 = arith.constant 256 : i32
    %scan3A_528 = arith.constant 0 : i32
    %scan3A_529 = arith.constant 256 : i32
    %scan3A_530 = arith.constant 0 : i32
    %scan3A_531 = arith.constant 256 : i32
    %scan3A_532 = arith.constant 0 : i32
    %scan3A_533 = arith.constant 8 : i32
    %scan3A_534 = arith.addi %scan3A_532, %scan3A_533 : i32
    %scan3A_535 = arith.constant 1 : i32
    %scan3A_536:4 = scf.for %scan3A_633 = %scan3A_532 to %scan3A_534 step %scan3A_535 iter_args(%scan3A_634 = %scan3A_528, %scan3A_635 = %scan3A_529, %scan3A_636 = %scan3A_530, %scan3A_637 = %scan3A_531) -> (i32, i32, i32, i32)  : i32 {
      %add3A_638 = arith.addi %scan3A_634, %scan3A_635 : i32
      %jit3A = arith.constant 2 : i32
      %div3A_639 = arith.divsi %add3A_638, %jit3A : i32
      %sign3A = arith.constant 0 : i32
      %sign3A_640 = arith.cmpi sgt, %add3A_638, %sign3A : i32
      %sign3A_641 = arith.extui %sign3A_640 : i1 to i32
      %sign3A_642 = arith.constant 0 : i32
      %sign3A_643 = arith.cmpi slt, %add3A_638, %sign3A_642 : i32
      %sign3A_644 = arith.extui %sign3A_643 : i1 to i32
      %sign3A_645 = arith.subi %sign3A_641, %sign3A_644 : i32
      %sign3A_646 = arith.constant 0 : i32
      %sign3A_647 = arith.cmpi sgt, %jit3A, %sign3A_646 : i32
      %sign3A_648 = arith.extui %sign3A_647 : i1 to i32
      %sign3A_649 = arith.constant 0 : i32
      %sign3A_650 = arith.cmpi slt, %jit3A, %sign3A_649 : i32
      %sign3A_651 = arith.extui %sign3A_650 : i1 to i32
      %sign3A_652 = arith.subi %sign3A_648, %sign3A_651 : i32
      %ne3A = arith.cmpi ne, %sign3A_645, %sign3A_652 : i32
      %rem3A = arith.remsi %add3A_638, %jit3A : i32
      %ne3A_653 = arith.constant 0 : i32
      %ne3A_654 = arith.cmpi ne, %rem3A, %ne3A_653 : i32
      %and3A = arith.andi %ne3A, %ne3A_654 : i1
      %sub3A_655 = arith.constant 1 : i32
      %sub3A_656 = arith.subi %div3A_639, %sub3A_655 : i32
      %select_n3A = arith.select %and3A, %sub3A_656, %div3A_639 : i32
      %add3A_657 = arith.addi %scan3A_636, %scan3A_637 : i32
      %jit3A_658 = arith.constant 2 : i32
      %div3A_659 = arith.divsi %add3A_657, %jit3A_658 : i32
      %sign3A_660 = arith.constant 0 : i32
      %sign3A_661 = arith.cmpi sgt, %add3A_657, %sign3A_660 : i32
      %sign3A_662 = arith.extui %sign3A_661 : i1 to i32
      %sign3A_663 = arith.constant 0 : i32
      %sign3A_664 = arith.cmpi slt, %add3A_657, %sign3A_663 : i32
      %sign3A_665 = arith.extui %sign3A_664 : i1 to i32
      %sign3A_666 = arith.subi %sign3A_662, %sign3A_665 : i32
      %sign3A_667 = arith.constant 0 : i32
      %sign3A_668 = arith.cmpi sgt, %jit3A_658, %sign3A_667 : i32
      %sign3A_669 = arith.extui %sign3A_668 : i1 to i32
      %sign3A_670 = arith.constant 0 : i32
      %sign3A_671 = arith.cmpi slt, %jit3A_658, %sign3A_670 : i32
      %sign3A_672 = arith.extui %sign3A_671 : i1 to i32
      %sign3A_673 = arith.subi %sign3A_669, %sign3A_672 : i32
      %ne3A_674 = arith.cmpi ne, %sign3A_666, %sign3A_673 : i32
      %rem3A_675 = arith.remsi %add3A_657, %jit3A_658 : i32
      %ne3A_676 = arith.constant 0 : i32
      %ne3A_677 = arith.cmpi ne, %rem3A_675, %ne3A_676 : i32
      %and3A_678 = arith.andi %ne3A_674, %ne3A_677 : i1
      %sub3A_679 = arith.constant 1 : i32
      %sub3A_680 = arith.subi %div3A_659, %sub3A_679 : i32
      %select_n3A_681 = arith.select %and3A_678, %sub3A_680, %div3A_659 : i32
      %mul3A_682 = arith.constant 16 : i32
      %mul3A_683 = arith.muli %select_n3A, %mul3A_682 : i32
      %get3A_684 = arith.index_cast %mul3A_683 : i32 to index
      %get3A_685 = tpu.vector_load %arg6[%get3A_684] {strides = array<i32>} : memref<8224xi32, #tpu.memory_space<vmem>>, vector<16xi32>,
      %reduce_sum3A_686 = arith.constant true
      %reduce_sum3A_687 = vector.broadcast %reduce_sum3A_686 : i1 to vector<16xi1>
      %reduce_sum3A_688 = tpu.scan <sum>, %get3A_685 masked %reduce_sum3A_687 : vector<16xi32>, vector<16xi1> -> vector<16xi32>
      %reduce_sum3A_689 = vector.extract %reduce_sum3A_688[15] : i32 from vector<16xi32>
      %mul3A_690 = arith.constant 16 : i32
      %mul3A_691 = arith.muli %select_n3A_681, %mul3A_690 : i32
      %add3A_692 = arith.constant 4112 : i32
      %add3A_693 = arith.addi %mul3A_691, %add3A_692 : i32
      %get3A_694 = arith.index_cast %add3A_693 : i32 to index
      %get3A_695 = tpu.vector_load %arg6[%get3A_694] {strides = array<i32>} : memref<8224xi32, #tpu.memory_space<vmem>>, vector<16xi32>,
      %reduce_sum3A_696 = arith.constant true
      %reduce_sum3A_697 = vector.broadcast %reduce_sum3A_696 : i1 to vector<16xi1>
      %reduce_sum3A_698 = tpu.scan <sum>, %get3A_695 masked %reduce_sum3A_697 : vector<16xi32>, vector<16xi1> -> vector<16xi32>
      %reduce_sum3A_699 = vector.extract %reduce_sum3A_698[15] : i32 from vector<16xi32>
      %ge3A = arith.cmpi sge, %reduce_sum3A_689, %sub3A_505 : i32
      %ge3A_700 = arith.cmpi sge, %reduce_sum3A_699, %sub3A_506 : i32
      %select_n3A_701 = arith.select %ge3A, %select_n3A, %scan3A_634 : i32
      %select_n3A_702 = arith.select %ge3A, %scan3A_635, %select_n3A : i32
      %select_n3A_703 = arith.select %ge3A_700, %select_n3A_681, %scan3A_636 : i32
      %select_n3A_704 = arith.select %ge3A_700, %scan3A_637, %select_n3A_681 : i32
      scf.yield %select_n3A_701, %select_n3A_702, %select_n3A_703, %select_n3A_704 : i32, i32, i32, i32
    }
    %scan3A_537 = arith.constant 8 : i32
    %add3A_538 = arith.constant 1 : i32
    %add3A_539 = arith.addi %scan3A_536#0, %add3A_538 : i32
    %mul3A_540 = arith.constant 16 : i32
    %mul3A_541 = arith.muli %add3A_539, %mul3A_540 : i32
    %get3A_542 = arith.index_cast %mul3A_541 : i32 to index
    %get3A_543 = tpu.vector_load %arg6[%get3A_542] {strides = array<i32>} : memref<8224xi32, #tpu.memory_space<vmem>>, vector<16xi32>,
    %reduce_sum3A_544 = arith.constant true
    %reduce_sum3A_545 = vector.broadcast %reduce_sum3A_544 : i1 to vector<16xi1>
    %reduce_sum3A_546 = tpu.scan <sum>, %get3A_543 masked %reduce_sum3A_545 : vector<16xi32>, vector<16xi1> -> vector<16xi32>
    %reduce_sum3A_547 = vector.extract %reduce_sum3A_546[15] : i32 from vector<16xi32>
    %add3A_548 = arith.constant 1 : i32
    %add3A_549 = arith.addi %scan3A_536#2, %add3A_548 : i32
    %mul3A_550 = arith.constant 16 : i32
    %mul3A_551 = arith.muli %add3A_549, %mul3A_550 : i32
    %add3A_552 = arith.constant 4112 : i32
    %add3A_553 = arith.addi %mul3A_551, %add3A_552 : i32
    %get3A_554 = arith.index_cast %add3A_553 : i32 to index
    %get3A_555 = tpu.vector_load %arg6[%get3A_554] {strides = array<i32>} : memref<8224xi32, #tpu.memory_space<vmem>>, vector<16xi32>,
    %reduce_sum3A_556 = arith.constant true
    %reduce_sum3A_557 = vector.broadcast %reduce_sum3A_556 : i1 to vector<16xi1>
    %reduce_sum3A_558 = tpu.scan <sum>, %get3A_555 masked %reduce_sum3A_557 : vector<16xi32>, vector<16xi1> -> vector<16xi32>
    %reduce_sum3A_559 = vector.extract %reduce_sum3A_558[15] : i32 from vector<16xi32>
    %sub3A_560 = arith.subi %sub3A_505, %reduce_sum3A_547 : i32
    %sub3A_561 = arith.subi %sub3A_506, %reduce_sum3A_559 : i32
    %shift_left3A_562 = arith.constant 7 : i32
    %shift_left3A_563 = arith.shli %or3A_509, %shift_left3A_562 : i32
    %or3A_564 = arith.ori %shift_left3A_563, %scan3A_536#0 : i32
    %shift_left3A_565 = arith.constant 7 : i32
    %shift_left3A_566 = arith.shli %or3A_512, %shift_left3A_565 : i32
    %or3A_567 = arith.ori %shift_left3A_566, %scan3A_536#2 : i32
    %broadcast_in_dim3A_568 = vector.broadcast %or3A_564 : i32 to vector<16xi32>
    %bitcast_convert_type3A_569 = tpu.bitcast %broadcast_in_dim3A_568 : vector<16xi32> -> vector<16xf32>
    %add3A_570 = arith.constant 1.000000e-07 : f32
    %add3A_571 = vector.broadcast %add3A_570 : f32 to vector<16xf32>
    %add3A_572 = arith.addf %bitcast_convert_type3A_569, %add3A_571 : vector<16xf32>
    %broadcast_in_dim3A_573 = vector.broadcast %or3A_567 : i32 to vector<16xi32>
    %bitcast_convert_type3A_574 = tpu.bitcast %broadcast_in_dim3A_573 : vector<16xi32> -> vector<16xf32>
    %add3A_575 = arith.constant 1.000000e-07 : f32
    %add3A_576 = vector.broadcast %add3A_575 : f32 to vector<16xf32>
    %add3A_577 = arith.addf %bitcast_convert_type3A_574, %add3A_576 : vector<16xf32>
    %broadcast_in_dim3A_578 = arith.constant 0.000000e+00 : f32
    %broadcast_in_dim3A_579 = vector.broadcast %broadcast_in_dim3A_578 : f32 to vector<16xf32>
    %parallel_loop3A_580 = arith.constant 0 : i32
    %parallel_loop3A_581 = arith.constant 32768 : i32
    %parallel_loop3A_582 = arith.constant 64 : i32
    %parallel_loop3A_583 = arith.constant 0.000000e+00 : f32
    %parallel_loop3A_584:2 = scf.for %parallel_loop3A_633 = %parallel_loop3A_580 to %parallel_loop3A_581 step %parallel_loop3A_582 iter_args(%parallel_loop3A_634 = %broadcast_in_dim3A_579, %parallel_loop3A_635 = %broadcast_in_dim3A_579) -> (vector<16xf32>, vector<16xf32>)  : i32 {
      %parallel_loop3A_636 = arith.constant 0 : i32
      %parallel_loop3A_637 = arith.addi %parallel_loop3A_633, %parallel_loop3A_636 : i32
      %parallel_loop3A_638 = arith.index_cast %parallel_loop3A_637 : i32 to index
      %parallel_loop3A_639 = tpu.vector_load %arg4[%parallel_loop3A_638] {strides = array<i32>} : memref<32768xf32, #tpu.memory_space<vmem>>, vector<16xf32>,
      %parallel_loop3A_640 = arith.subf %parallel_loop3A_639, %add3A_572 : vector<16xf32>
      %parallel_loop3A_641 = vector.broadcast %parallel_loop3A_583 : f32 to vector<16xf32>
      %parallel_loop3A_642 = arith.maximumf %parallel_loop3A_640, %parallel_loop3A_641 : vector<16xf32>
      %parallel_loop3A_643 = arith.constant 16 : i32
      %parallel_loop3A_644 = arith.addi %parallel_loop3A_633, %parallel_loop3A_643 : i32
      %parallel_loop3A_645 = arith.index_cast %parallel_loop3A_644 : i32 to index
      %parallel_loop3A_646 = tpu.vector_load %arg4[%parallel_loop3A_645] {strides = array<i32>} : memref<32768xf32, #tpu.memory_space<vmem>>, vector<16xf32>,
      %parallel_loop3A_647 = arith.subf %parallel_loop3A_646, %add3A_572 : vector<16xf32>
      %parallel_loop3A_648 = vector.broadcast %parallel_loop3A_583 : f32 to vector<16xf32>
      %parallel_loop3A_649 = arith.maximumf %parallel_loop3A_647, %parallel_loop3A_648 : vector<16xf32>
      %parallel_loop3A_650 = arith.constant 32 : i32
      %parallel_loop3A_651 = arith.addi %parallel_loop3A_633, %parallel_loop3A_650 : i32
      %parallel_loop3A_652 = arith.index_cast %parallel_loop3A_651 : i32 to index
      %parallel_loop3A_653 = tpu.vector_load %arg4[%parallel_loop3A_652] {strides = array<i32>} : memref<32768xf32, #tpu.memory_space<vmem>>, vector<16xf32>,
      %parallel_loop3A_654 = arith.subf %parallel_loop3A_653, %add3A_572 : vector<16xf32>
      %parallel_loop3A_655 = vector.broadcast %parallel_loop3A_583 : f32 to vector<16xf32>
      %parallel_loop3A_656 = arith.maximumf %parallel_loop3A_654, %parallel_loop3A_655 : vector<16xf32>
      %parallel_loop3A_657 = arith.constant 48 : i32
      %parallel_loop3A_658 = arith.addi %parallel_loop3A_633, %parallel_loop3A_657 : i32
      %parallel_loop3A_659 = arith.index_cast %parallel_loop3A_658 : i32 to index
      %parallel_loop3A_660 = tpu.vector_load %arg4[%parallel_loop3A_659] {strides = array<i32>} : memref<32768xf32, #tpu.memory_space<vmem>>, vector<16xf32>,
      %parallel_loop3A_661 = arith.subf %parallel_loop3A_660, %add3A_572 : vector<16xf32>
      %parallel_loop3A_662 = vector.broadcast %parallel_loop3A_583 : f32 to vector<16xf32>
      %parallel_loop3A_663 = arith.maximumf %parallel_loop3A_661, %parallel_loop3A_662 : vector<16xf32>
      %parallel_loop3A_664 = arith.constant 0 : i32
      %parallel_loop3A_665 = arith.addi %parallel_loop3A_633, %parallel_loop3A_664 : i32
      %parallel_loop3A_666 = arith.index_cast %parallel_loop3A_665 : i32 to index
      %parallel_loop3A_667 = tpu.vector_load %arg5[%parallel_loop3A_666] {strides = array<i32>} : memref<32768xf32, #tpu.memory_space<vmem>>, vector<16xf32>,
      %parallel_loop3A_668 = arith.subf %parallel_loop3A_667, %add3A_577 : vector<16xf32>
      %parallel_loop3A_669 = vector.broadcast %parallel_loop3A_583 : f32 to vector<16xf32>
      %parallel_loop3A_670 = arith.maximumf %parallel_loop3A_668, %parallel_loop3A_669 : vector<16xf32>
      %parallel_loop3A_671 = arith.constant 16 : i32
      %parallel_loop3A_672 = arith.addi %parallel_loop3A_633, %parallel_loop3A_671 : i32
      %parallel_loop3A_673 = arith.index_cast %parallel_loop3A_672 : i32 to index
      %parallel_loop3A_674 = tpu.vector_load %arg5[%parallel_loop3A_673] {strides = array<i32>} : memref<32768xf32, #tpu.memory_space<vmem>>, vector<16xf32>,
      %parallel_loop3A_675 = arith.subf %parallel_loop3A_674, %add3A_577 : vector<16xf32>
      %parallel_loop3A_676 = vector.broadcast %parallel_loop3A_583 : f32 to vector<16xf32>
      %parallel_loop3A_677 = arith.maximumf %parallel_loop3A_675, %parallel_loop3A_676 : vector<16xf32>
      %parallel_loop3A_678 = arith.constant 32 : i32
      %parallel_loop3A_679 = arith.addi %parallel_loop3A_633, %parallel_loop3A_678 : i32
      %parallel_loop3A_680 = arith.index_cast %parallel_loop3A_679 : i32 to index
      %parallel_loop3A_681 = tpu.vector_load %arg5[%parallel_loop3A_680] {strides = array<i32>} : memref<32768xf32, #tpu.memory_space<vmem>>, vector<16xf32>,
      %parallel_loop3A_682 = arith.subf %parallel_loop3A_681, %add3A_577 : vector<16xf32>
      %parallel_loop3A_683 = vector.broadcast %parallel_loop3A_583 : f32 to vector<16xf32>
      %parallel_loop3A_684 = arith.maximumf %parallel_loop3A_682, %parallel_loop3A_683 : vector<16xf32>
      %parallel_loop3A_685 = arith.constant 48 : i32
      %parallel_loop3A_686 = arith.addi %parallel_loop3A_633, %parallel_loop3A_685 : i32
      %parallel_loop3A_687 = arith.index_cast %parallel_loop3A_686 : i32 to index
      %parallel_loop3A_688 = tpu.vector_load %arg5[%parallel_loop3A_687] {strides = array<i32>} : memref<32768xf32, #tpu.memory_space<vmem>>, vector<16xf32>,
      %parallel_loop3A_689 = arith.subf %parallel_loop3A_688, %add3A_577 : vector<16xf32>
      %parallel_loop3A_690 = vector.broadcast %parallel_loop3A_583 : f32 to vector<16xf32>
      %parallel_loop3A_691 = arith.maximumf %parallel_loop3A_689, %parallel_loop3A_690 : vector<16xf32>
      %parallel_loop3A_692 = arith.addf %parallel_loop3A_642, %parallel_loop3A_649 : vector<16xf32>
      %parallel_loop3A_693 = arith.addf %parallel_loop3A_656, %parallel_loop3A_663 : vector<16xf32>
      %parallel_loop3A_694 = arith.addf %parallel_loop3A_692, %parallel_loop3A_693 : vector<16xf32>
      %parallel_loop3A_695 = arith.addf %parallel_loop3A_634, %parallel_loop3A_694 : vector<16xf32>
      %parallel_loop3A_696 = arith.addf %parallel_loop3A_670, %parallel_loop3A_677 : vector<16xf32>
      %parallel_loop3A_697 = arith.addf %parallel_loop3A_684, %parallel_loop3A_691 : vector<16xf32>
      %parallel_loop3A_698 = arith.addf %parallel_loop3A_696, %parallel_loop3A_697 : vector<16xf32>
      %parallel_loop3A_699 = arith.addf %parallel_loop3A_635, %parallel_loop3A_698 : vector<16xf32>
      scf.yield %parallel_loop3A_695, %parallel_loop3A_699 : vector<16xf32>, vector<16xf32>
    } {sc.loop_unroll_factor = 2 : i64, sc.parallel_access}
    %reduce_sum3A_585 = arith.constant true
    %reduce_sum3A_586 = vector.broadcast %reduce_sum3A_585 : i1 to vector<16xi1>
    %reduce_sum3A_587 = tpu.scan <sum>, %parallel_loop3A_584#0 masked %reduce_sum3A_586 : vector<16xf32>, vector<16xi1> -> vector<16xf32>
    %reduce_sum3A_588 = vector.extract %reduce_sum3A_587[15] : f32 from vector<16xf32>
    %add3A_589 = arith.constant 1.000000e-07 : f32
    %add3A_590 = arith.addf %reduce_sum3A_588, %add3A_589 : f32
    %reduce_sum3A_591 = arith.constant true
    %reduce_sum3A_592 = vector.broadcast %reduce_sum3A_591 : i1 to vector<16xi1>
    %reduce_sum3A_593 = tpu.scan <sum>, %parallel_loop3A_584#1 masked %reduce_sum3A_592 : vector<16xf32>, vector<16xi1> -> vector<16xf32>
    %reduce_sum3A_594 = vector.extract %reduce_sum3A_593[15] : f32 from vector<16xf32>
    %add3A_595 = arith.constant 1.000000e-07 : f32
    %add3A_596 = arith.addf %reduce_sum3A_594, %add3A_595 : f32
    %broadcast_in_dim3A_597 = arith.constant 1.000000e+00 : f32
    %broadcast_in_dim3A_598 = vector.broadcast %broadcast_in_dim3A_597 : f32 to vector<16xf32>
    %broadcast_in_dim3A_599 = vector.broadcast %add3A_590 : f32 to vector<16xf32>
    %div3A_600 = arith.divf %broadcast_in_dim3A_598, %broadcast_in_dim3A_599 : vector<16xf32>
    %broadcast_in_dim3A_601 = vector.broadcast %add3A_596 : f32 to vector<16xf32>
    %div3A_602 = arith.divf %broadcast_in_dim3A_598, %broadcast_in_dim3A_601 : vector<16xf32>
    %parallel_loop3A_603 = arith.constant 0 : i32
    %parallel_loop3A_604 = arith.constant 32768 : i32
    %parallel_loop3A_605 = arith.constant 16 : i32
    %parallel_loop3A_606 = arith.constant 0.000000e+00 : f32
    scf.for %parallel_loop3A_633 = %parallel_loop3A_603 to %parallel_loop3A_604 step %parallel_loop3A_605  : i32 {
      %parallel_loop3A_634 = arith.index_cast %parallel_loop3A_633 : i32 to index
      %parallel_loop3A_635 = tpu.vector_load %arg4[%parallel_loop3A_634] {strides = array<i32>} : memref<32768xf32, #tpu.memory_space<vmem>>, vector<16xf32>,
      %parallel_loop3A_636 = arith.index_cast %parallel_loop3A_633 : i32 to index
      %parallel_loop3A_637 = tpu.vector_load %arg5[%parallel_loop3A_636] {strides = array<i32>} : memref<32768xf32, #tpu.memory_space<vmem>>, vector<16xf32>,
      %parallel_loop3A_638 = arith.subf %parallel_loop3A_635, %add3A_572 : vector<16xf32>
      %parallel_loop3A_639 = vector.broadcast %parallel_loop3A_606 : f32 to vector<16xf32>
      %parallel_loop3A_640 = arith.maximumf %parallel_loop3A_638, %parallel_loop3A_639 : vector<16xf32>
      %parallel_loop3A_641 = arith.mulf %parallel_loop3A_640, %div3A_600 : vector<16xf32>
      %parallel_loop3A_642 = arith.index_cast %parallel_loop3A_633 : i32 to index
      %parallel_loop3A_643 = tpu.vector_load %arg4[%parallel_loop3A_642] {strides = array<i32>} : memref<32768xf32, #tpu.memory_space<vmem>>, vector<16xf32>,
      tpu.vector_store %arg4[%parallel_loop3A_642], %parallel_loop3A_641 {strides = array<i32>} : memref<32768xf32, #tpu.memory_space<vmem>>, vector<16xf32>,
      %parallel_loop3A_644 = arith.subf %parallel_loop3A_637, %add3A_577 : vector<16xf32>
      %parallel_loop3A_645 = vector.broadcast %parallel_loop3A_606 : f32 to vector<16xf32>
      %parallel_loop3A_646 = arith.maximumf %parallel_loop3A_644, %parallel_loop3A_645 : vector<16xf32>
      %parallel_loop3A_647 = arith.mulf %parallel_loop3A_646, %div3A_602 : vector<16xf32>
      %parallel_loop3A_648 = arith.index_cast %parallel_loop3A_633 : i32 to index
      %parallel_loop3A_649 = tpu.vector_load %arg5[%parallel_loop3A_648] {strides = array<i32>} : memref<32768xf32, #tpu.memory_space<vmem>>, vector<16xf32>,
      tpu.vector_store %arg5[%parallel_loop3A_648], %parallel_loop3A_647 {strides = array<i32>} : memref<32768xf32, #tpu.memory_space<vmem>>, vector<16xf32>,
    } {sc.loop_unroll_factor = 4 : i64, sc.parallel_access}
    %dma_start3A_607 = arith.constant 0 : i32
    %dma_start3A_608 = tpu.memref_slice %arg3[%add3A_329, %dma_start3A_607] : memref<128x32768xf32, #tpu.memory_space<hbm>> -> memref<1x32768xf32, #tpu.memory_space<hbm>>
    %dma_start3A_609 = tpu.memref_squeeze %dma_start3A_608 : memref<1x32768xf32, #tpu.memory_space<hbm>> -> memref<32768xf32, #tpu.memory_space<hbm>>
    %dma_start3A_610 = arith.constant 0 : i32
    %dma_start3A_611 = tpu.memref_slice %arg3[%add3A_329, %dma_start3A_610] : memref<128x32768xf32, #tpu.memory_space<hbm>> -> memref<1x32768xf32, #tpu.memory_space<hbm>>
    %dma_start3A_612 = tpu.memref_squeeze %dma_start3A_611 : memref<1x32768xf32, #tpu.memory_space<hbm>> -> memref<32768xf32, #tpu.memory_space<hbm>>
    tpu.enqueue_dma source(%arg4 : memref<32768xf32, #tpu.memory_space<vmem>>) target(%dma_start3A_612 : memref<32768xf32, #tpu.memory_space<hbm>>) target_semaphore(%arg7 : memref<!tpu.dma_semaphore, #tpu.memory_space<semaphore_mem>>)
    %add3A_613 = arith.constant 1 : i32
    %add3A_614 = arith.addi %add3A_329, %add3A_613 : i32
    %dma_start3A_615 = arith.constant 0 : i32
    %dma_start3A_616 = tpu.memref_slice %arg3[%add3A_614, %dma_start3A_615] : memref<128x32768xf32, #tpu.memory_space<hbm>> -> memref<1x32768xf32, #tpu.memory_space<hbm>>
    %dma_start3A_617 = tpu.memref_squeeze %dma_start3A_616 : memref<1x32768xf32, #tpu.memory_space<hbm>> -> memref<32768xf32, #tpu.memory_space<hbm>>
    %dma_start3A_618 = arith.constant 0 : i32
    %dma_start3A_619 = tpu.memref_slice %arg3[%add3A_614, %dma_start3A_618] : memref<128x32768xf32, #tpu.memory_space<hbm>> -> memref<1x32768xf32, #tpu.memory_space<hbm>>
    %dma_start3A_620 = tpu.memref_squeeze %dma_start3A_619 : memref<1x32768xf32, #tpu.memory_space<hbm>> -> memref<32768xf32, #tpu.memory_space<hbm>>
    tpu.enqueue_dma source(%arg5 : memref<32768xf32, #tpu.memory_space<vmem>>) target(%dma_start3A_620 : memref<32768xf32, #tpu.memory_space<hbm>>) target_semaphore(%arg8 : memref<!tpu.dma_semaphore, #tpu.memory_space<semaphore_mem>>)
    %dma_wait3A_621 = arith.constant 0 : i32
    %dma_wait3A_622 = tpu.memref_slice %arg3[%add3A_329, %dma_wait3A_621] : memref<128x32768xf32, #tpu.memory_space<hbm>> -> memref<1x32768xf32, #tpu.memory_space<hbm>>
    %dma_wait3A_623 = tpu.memref_squeeze %dma_wait3A_622 : memref<1x32768xf32, #tpu.memory_space<hbm>> -> memref<32768xf32, #tpu.memory_space<hbm>>
    %dma_wait3A_624 = arith.constant 0 : i32
    %dma_wait3A_625 = tpu.memref_slice %arg3[%add3A_329, %dma_wait3A_624] : memref<128x32768xf32, #tpu.memory_space<hbm>> -> memref<1x32768xf32, #tpu.memory_space<hbm>>
    %dma_wait3A_626 = tpu.memref_squeeze %dma_wait3A_625 : memref<1x32768xf32, #tpu.memory_space<hbm>> -> memref<32768xf32, #tpu.memory_space<hbm>>
    tpu.wait_dma2 semaphore(%arg7 : memref<!tpu.dma_semaphore, #tpu.memory_space<semaphore_mem>>) src(%arg4 : memref<32768xf32, #tpu.memory_space<vmem>>) dst(%dma_wait3A_626 : memref<32768xf32, #tpu.memory_space<hbm>>)
    %dma_wait3A_627 = arith.constant 0 : i32
    %dma_wait3A_628 = tpu.memref_slice %arg3[%add3A_614, %dma_wait3A_627] : memref<128x32768xf32, #tpu.memory_space<hbm>> -> memref<1x32768xf32, #tpu.memory_space<hbm>>
    %dma_wait3A_629 = tpu.memref_squeeze %dma_wait3A_628 : memref<1x32768xf32, #tpu.memory_space<hbm>> -> memref<32768xf32, #tpu.memory_space<hbm>>
    %dma_wait3A_630 = arith.constant 0 : i32
    %dma_wait3A_631 = tpu.memref_slice %arg3[%add3A_614, %dma_wait3A_630] : memref<128x32768xf32, #tpu.memory_space<hbm>> -> memref<1x32768xf32, #tpu.memory_space<hbm>>
    %dma_wait3A_632 = tpu.memref_squeeze %dma_wait3A_631 : memref<1x32768xf32, #tpu.memory_space<hbm>> -> memref<32768xf32, #tpu.memory_space<hbm>>
    tpu.wait_dma2 semaphore(%arg8 : memref<!tpu.dma_semaphore, #tpu.memory_space<semaphore_mem>>) src(%arg5 : memref<32768xf32, #tpu.memory_space<vmem>>) dst(%dma_wait3A_632 : memref<32768xf32, #tpu.memory_space<hbm>>)
    return
  }
}

</mosaic_0001>

<sc_bundles>
// kernel: kernel.3.cloned.1.call-start
scs
__scs_entry_jumppad:
0x0: {  	(pc) =	sbr.rel $0x88, $3  }
0x1: {  	(tag) =	ssettag $0x0;
	lr =	simm.s32 $0x1  }
0x2: {  	[smem:$0x3FA0] =	sst lr;
	_ =	strace $0xD0000000  }
0x3: {  	_ = 	snop  }
0x4: {  	_ = 	snop  }
0x5: {  	_ = 	snop  }
0x6: {  	_ = 	snop  }
0x7: {  	_ = 	snop  }
__scs_overlays_trampoline_lowered:
0x8: {  	[smem:$0x3FAF] =	sst s0  }
0x9: {  	[smem:$0x3FB0] =	sst s1  }
0xa: {  	[smem:$0x3FB1] =	sst s2  }
0xb: {  	[smem:$0x3FB2] =	sst s3  }
0xc: {  	[smem:$0x3FB3] =	sst s4  }
0xd: {  	[smem:$0x3FB4] =	sst s5  }
0xe: {  	[smem:$0x3FB5] =	sst s6  }
0xf: {  	[smem:$0x3FB6] =	sst s7  }
0x10: {  	[smem:$0x3FB7] =	sst s8  }
0x11: {  	[smem:$0x3FB8] =	sst s9;
	s0 =	simm.s32 @!p0 $0x0  }
0x12: {  	s1 =	sld [smem:$0x3F9E];
	s0 =	simm.s32 @p0 $0x1  }
0x13: {  	[smem:$0x3FB9] =	sst s0;
	s0 =	simm.s32 @!p1 $0x0  }
0x14: {  	s2 =	sld [smem:$0x3F9D];
	s0 =	simm.s32 @p1 $0x1  }
0x15: {  	[smem:$0x3FBA] =	sst s0;
	s0 =	simm.s32 @!p2 $0x0  }
0x16: {  	s3 =	sld [smem:$0x3FDB];
	s0 =	simm.s32 @p2 $0x1  }
0x17: {  	s4 =	simm.s32 $0x1BF5;
	[smem:$0x3FBC] =	sst s0  }
0x18: {  	s0 =	sld [smem:$0x3F9F];
	_ =	swait.ge [sflag:s4], $0x0  }
0x19: {  	s7 =	sld [smem:$0x3FA0]  }
0x1a: {  	s8 =	sadd.s32 $0xFFFFE003, lr  }
0x1b: {  	s9 =	sadd.s32 $0xFFFFFEF7, lr;
	s5 =	simm.s32 $0xFFFFFFFF;
	p2 =	slt.u32 s8, $0xFFFFF086  }
0x1c: {  	p1 =	slt.u32 s9, $0xF7A;
	s5 =	simm.s32 @!p2 $0x0  }
0x1d: {  	s5 =	simm.s32 @p1 $0x1;
	p0 =	seq.s32 s7, s2  }
0x1e: {  	s7 =	smul.u32 @!p0 $0xF7A, s2;
	p2 =	seq.s32 @!p0 s5, $0x0  }
0x1f: {  	s9 =	smul.u32 $0xF7A, s1;
	s8 =	simm.s32 @!p0 $0x1BF5;
	p2 =	por !p2, p0  }
0x20: {  	[sflag:s8] =	ssyncset.s32 @!p0 $0xFFFFF086;
	s6 =	sadd.s32 @!p0 s3, s7;
	s7 =	simm.s32 @!p0 $0x108  }
0x21: {  	s3 =	sadd.s32 s3, s9;
	s6 =	sadd.s32 @!p0 $0x88, s6;
	s7 =	simm.s32 @p2 $0x1082  }
0x22: {  	[simem:s7], [sflag:s8] =	dma.local @!p0 [hbm:s6], $0xF7A  }
0x23: {  	s9 =	sor.u32 $0xD0000000, s2;
	s6 =	simm.s32 $0x108;
	_ =	swait.ge @!p0 [sflag:s8], $0x0  }
0x24: {  	s3 =	sadd.s32 $0x88, s3;
	s6 =	simm.s32 @!p1 $0x1082;
	[sflag:s4] =	ssyncset.s32 $0xFFFFF086  }
0x25: {  	[simem:s6], [sflag:s4] =	dma.local [hbm:s3], $0xF7A  }
0x26: {  	[smem:$0x3FA0] =	sst s1;
	(tag) =	ssettag s2;
	_ =	strace s9  }
0x27: {  	s1 =	sld [smem:$0x3FB0]  }
0x28: {  	s2 =	sld [smem:$0x3FB1]  }
0x29: {  	s4 =	sld [smem:$0x3FB3]  }
0x2a: {  	p0 =	seq.s32 s5, $0x0;
	s5 =	sld [smem:$0x3FB4]  }
0x2b: {  	s6 =	sld [smem:$0x3FB5]  }
0x2c: {  	s7 =	sld [smem:$0x3FB6]  }
0x2d: {  	s3 =	simm.s32 $0x108;
	s8 =	sld [smem:$0x3FB7]  }
0x2e: {  	s3 =	simm.s32 @!p0 $0x1082;
	s9 =	sld [smem:$0x3FB8]  }
0x2f: {  	lr =	sadd.s32 s0, s3;
	s0 =	sld [smem:$0x3FAF]  }
0x30: {  	s3 =	sld [smem:$0x3FB2]  }
0x31: {  	[smem:$0x3FBB] =	sst s10  }
0x32: {  	s10 =	sld [smem:$0x3FB9];
	_ =	sdelay $0x3  }
0x33: {  	p0 =	seq.s32 s10, $0x1;
	s10 =	sld [smem:$0x3FBB];
	_ =	sdelay $0x3  }
0x34: {  	[smem:$0x3FBB] =	sst s10  }
0x35: {  	s10 =	sld [smem:$0x3FBA];
	_ =	sdelay $0x3  }
0x36: {  	p1 =	seq.s32 s10, $0x1;
	s10 =	sld [smem:$0x3FBB];
	_ =	sdelay $0x3  }
0x37: {  	[smem:$0x3FBB] =	sst s10  }
0x38: {  	s10 =	sld [smem:$0x3FBC]  }
0x39: {  	_ = 	snop;
	(pc) =	sbr.ind lr, $3  }
0x3a: {  	_ = 	snop  }
0x3b: {  	_ = 	snop  }
0x3c: {  	p2 =	seq.s32 s10, $0x1;
	s10 =	sld [smem:$0x3FBB]  }
0x3d: {  	_ =	shalt  }
0x3e: {  	_ =	shalt  }
0x3f: {  	_ =	shalt  }
0x40: {  	_ =	shalt  }
0x41: {  	_ =	shalt  }
0x42: {  	_ =	shalt  }
0x43: {  	_ =	shalt  }
0x44: {  	_ =	shalt  }
0x45: {  	_ =	shalt  }
0x46: {  	_ =	shalt  }
0x47: {  	_ =	shalt  }
0x48: {  	_ =	shalt  }
0x49: {  	_ =	shalt  }
0x4a: {  	_ =	shalt  }
0x4b: {  	_ =	shalt  }
0x4c: {  	_ =	shalt  }
0x4d: {  	_ =	shalt  }
0x4e: {  	_ =	shalt  }
0x4f: {  	_ =	shalt  }
0x50: {  	_ =	shalt  }
0x51: {  	_ =	shalt  }
0x52: {  	_ =	shalt  }
0x53: {  	_ =	shalt  }
0x54: {  	_ =	shalt  }
0x55: {  	_ =	shalt  }
0x56: {  	_ =	shalt  }
0x57: {  	_ =	shalt  }
0x58: {  	_ =	shalt  }
0x59: {  	_ =	shalt  }
0x5a: {  	_ =	shalt  }
0x5b: {  	_ =	shalt  }
0x5c: {  	_ =	shalt  }
0x5d: {  	_ =	shalt  }
0x5e: {  	_ =	shalt  }
0x5f: {  	_ =	shalt  }
0x60: {  	_ =	shalt  }
0x61: {  	_ =	shalt  }
0x62: {  	_ =	shalt  }
0x63: {  	_ =	shalt  }
0x64: {  	_ =	shalt  }
0x65: {  	_ =	shalt  }
0x66: {  	_ =	shalt  }
0x67: {  	_ =	shalt  }
0x68: {  	_ =	shalt  }
0x69: {  	_ =	shalt  }
0x6a: {  	_ =	shalt  }
0x6b: {  	_ =	shalt  }
0x6c: {  	_ =	shalt  }
0x6d: {  	_ =	shalt  }
0x6e: {  	_ =	shalt  }
0x6f: {  	_ =	shalt  }
0x70: {  	_ =	shalt  }
0x71: {  	_ =	shalt  }
0x72: {  	_ =	shalt  }
0x73: {  	_ =	shalt  }
0x74: {  	_ =	shalt  }
0x75: {  	_ =	shalt  }
0x76: {  	_ =	shalt  }
0x77: {  	_ =	shalt  }
0x78: {  	_ =	shalt  }
0x79: {  	_ =	shalt  }
0x7a: {  	_ =	shalt  }
0x7b: {  	_ =	shalt  }
0x7c: {  	_ =	shalt  }
0x7d: {  	_ =	shalt  }
0x7e: {  	_ =	shalt  }
0x7f: {  	_ =	shalt  }
0x80: {  	_ =	shalt  }
0x81: {  	_ =	shalt  }
0x82: {  	_ =	shalt  }
0x83: {  	_ =	shalt  }
0x84: {  	_ =	shalt  }
0x85: {  	_ =	shalt  }
0x86: {  	_ =	shalt  }
0x87: {  	_ =	shalt  }
.Lfunc_end0:
.L_simem_size_0:
called_computation_lowered:
.L_overlay_start_0:
0x88: {  	s2 =	sld [smem:$0x3FD9]  }
0x89: {  	s3 =	sld [smem:$0x3FFE];
	_ =	sdelay $0x1  }
0x8a: {  	s1 =	srdreg.scid  }
0x8b: {  	s0 =	sand.u32 $0x1, s1  }
0x8c: {  	s18 =	sshll.u32 s0, $0xA;
	s2 =	sadd.s32 s3, s2  }
0x8d: {  	s2 =	sadd.s32 s2, s18  }
0x8e: {  	[smem:$0x3FC7] =	sst s2  }
0x8f: {  	_ = 	snop  }
0x90: {  	s2 =	sld [smem:$0x3FC9]  }
0x91: {  	s19 =	sld [smem:$0x3FD0];
	(tm) =	ssettm $0x1  }
0x92: {  	s4 =	sld [smem:$0x3FFB];
	_ =	sdelay $0x3  }
0x93: {  	_ =	strace s4  }
0x94: {  	s4 =	sld [smem:$0x3FFC];
	_ =	sdelay $0x3  }
0x95: {  	_ =	strace s4  }
0x96: {  	s4 =	sld [smem:$0x3FFD];
	_ =	sdelay $0x3  }
0x97: {  	_ =	strace s4  }
0x98: {  	_ =	strace $0x8FFFFFFF  }
0x99: {  	s20 =	sld [smem:$0x3FDB];
	_ =	sdelay $0x1  }
0x9a: {  	s5 =	simm.s32 $_scs_section_size  }
0x9b: {  	s6 =	simm.s32 $_size__tile_overlayer_lowered;
	s7 =	simm.s32 $_tile_overlayer_lowered  }
0x9c: {  	s23 =	simm.s32 $0x1BFF;
	s22 =	sshll.u32 s7, $0x1;
	s4 =	sadd.s32 s5, s20  }
0x9d: {  	s8 =	simm.s32 $0x0;
	s21 =	sshll.u32 s6, $0x1;
	s6 =	sadd.s32 s22, s4  }
0x9e: {  	[timem:s8], [sflag:s23] =	dma.local [hbm:s6], s21  }
0x9f: {  	_ =	swait.ge [sflag:s23], s21  }
0xa0: {  	s5 =	ssub.s32 $0x0, s21;
	[sflag:s23] =	ssyncset.done $0x0  }
0xa1: {  	[sflag:s23] =	ssyncadd.s32 s5;
	_ =	sdelay $0x1  }
0xa2: {  	s24 =	simm.s32 $0x1B8B  }
0xa3: {  	_ =	swait.ge [sflag:s24], $0x1  }
0xa4: {  	[sflag:s24] =	ssyncset.done $0x0  }
0xa5: {  	s25 =	simm.s32 $0x1B8E;
	[sflag:s24] =	ssyncadd.s32 $0xFFFFFFFF  }
0xa6: {  	s26 =	simm.s32 $execute0_lowered;
	[smem:$0x3FD2] =	sst s25  }
0xa7: {  	s5 =	sshll.u32 s26, $0x1;
	_ =	strace $0x80000046;
	[dreg:$0x1] =	wrdreg $0xFFFFFFFF  }
0xa8: {  	s28 =	simm.s32 $_size_execute0_lowered;
	s4 =	sadd.s32 s4, s5;
	[dreg:$0x0] =	wrdreg $0x0  }
0xa9: {  	s5 =	sshll.u32 s28, $0x1;
	[dreg:$0x2] =	wrdreg s4  }
0xaa: {  	[dreg:$0x3] =	wrdreg s5  }
0xab: {  	[dreg:$0x4] =	wrdreg $0xC0  }
0xac: {  	_ =	task [dreg:s8], $0x5FFFF  }
0xad: {  	[dreg:$0x1] =	wrdreg $0xFFFFFFFF  }
0xae: {  	[dreg:$0x0] =	wrdreg $0x60  }
0xaf: {  	[dreg:$0x2] =	wrdreg s2  }
0xb0: {  	[dreg:$0x3] =	wrdreg s19  }
0xb1: {  	[dreg:$0x4] =	wrdreg $0x9  }
0xb2: {  	_ =	task.clear_ibuf [dreg:s8], $0x5FFFF;
	_ =	strace $0x90000046  }
0xb3: {  	s29 =	simm.s32 $0x9;
	_ =	strace $0x80000048  }
0xb4: {  	_ =	swait.ge [sflag:s29], $0x1  }
0xb5: {  	[sflag:s29] =	ssyncadd.s32 $0xFFFFFFFF  }
0xb6: {  	_ =	strace $0x90000048  }
0xb7: {  	_ =	sfence  }
0xb8: {  	s30 =	sld [smem:$0x0];
	_ =	sdelay $0x2  }
0xb9: {  	s31 =	sshll.u32 s1, $0xD;
	s1 =	sshrl.u32 s1, $0x2  }
0xba: {  	s3 =	sand.u32 $0x4000, s31;
	s1 =	sadd.s32 s1, s30  }
0xbb: {  	s0 =	sor.u32 s3, s0;
	s1 =	sshll.u32 s1, $0x11  }
0xbc: {  	s0 =	sor.u32 s1, s0  }
0xbd: {  	s0 =	sadd.s32 $0x8F2B, s0  }
0xbe: {  	[sflag:s0] =	ssyncadd.remote.s32 $0x1  }
0xbf: {  	_ =	sfence.sel $0xFFFF  }
0xc0: {  	[dreg:$0x0] =	wrdreg $0xFFFFFFFF;
	(pc) =	sbr.abs _section_cstart, $3  }
0xc1: {  	[dreg:$0x1] =	wrdreg $0xFFFFFFFF  }
0xc2: {  	_ =	task.clear_ibuf [dreg:s8], $0x2FFFF;
	_ =	strace $0x9FFFFFFF  }
0xc3: {  	(tm) =	ssettm $0x7FFFFFFF  }
tec
execute0_lowered:
.L_overlay_start_1:
0x0: {  	(tag) =	ssettag $0x1  }
0x1: {  	s8 =	rddreg [dreg:$0x0]  }
0x2: {  	s10 =	rddreg [dreg:$0x1];
	s3 =	srdreg.scid  }
0x3: {  	s2 =	simm.s32 $0x0;
	s0 =	stileid.u32;
	s13 =	simm.s32 $0x400  }
0x4: {  	s14 =	simm.s32 $0x8000;
	s15 =	simm.s32 $0x1;
	s16 =	simm.s32 $0x2  }
0x5: {  	s17 =	simm.s32 $0x10000;
	s18 =	simm.s32 $0x0;
	s3 =	sand.u32 $0x1, s3  }
0x6: {  	s5 =	sshll.u32 s0, $0xF;
	s4 =	ssub.s32 $0x2, s3;
	s3 =	sshll.u32 s3, $0x6  }
0x7: {  	[smem:$0x7FF] =	sst s2;
	s6 =	sshrl.u32 s4, $0x1;
	s7 =	sor.u32 s3, s5  }
0x8: {  	_ =	strace $0x80000047;
	s11 =	ssub.s32 s4, s6;
	s31 =	sor.u32 $0x10, s7  }
0x9: {  	s3 =	sadd.s32 s8, s7;
	s5 =	sadd.s32 s10, s7;
	s9 =	sor.u32 $0x20, s7  }
0xa: {  	s12 =	sor.u32 $0x30, s7;
	s4 =	sadd.s32 s8, s31;
	s6 =	sadd.s32 s10, s31  }
0xb: {  	v0 =	vlaneseq.u32;
	s7 =	sadd.s32 s8, s9;
	s8 =	sadd.s32 s8, s12;
	s9 =	sadd.s32 s10, s9  }
0xc: {  	v1 =	vimm.s32 $0x0;
	v2 =	vimm.s32 $0x1;
	v3 =	vor.u32 $0x1010, v0;
	s10 =	sadd.s32 s10, s12;
	s11 =	smax.u32 s11, $0x1;
	s12 =	simm.s32 $0x80  }
.LBB2_1:
0xd: {  	[tilespmem:s2], [sflag:$0x1] =	stream.strided.gather [hbm4b:s3+s12], $0x8000, s13, s12, $0x38;
	[tilespmem:$0x12080] =	vst v63  }
0xe: {  	_ = 	snop  }
0xf: {  	[tilespmem:s14], [sflag:$0x2] =	stream.strided.gather [hbm4b:s4+s12], $0x8000, s13, s12, $0x38;
	[tilespmem:$0x12080] =	vst v63  }
0x10: {  	_ =	swait.ge [sflag:s15], $0x8000  }
0x11: {  	[sflag:s15] =	ssyncset.done $0x0  }
0x12: {  	[sflag:s15] =	ssyncadd.s32 $0xFFFF8000  }
0x13: {  	_ =	swait.ge [sflag:s16], $0x8000  }
0x14: {  	[sflag:s16] =	ssyncset.done $0x0  }
0x15: {  	s19 =	simm.s32 $0x10020;
	[sflag:s16] =	ssyncadd.s32 $0xFFFF8000  }
0x16: {  	[tilespmem:s19+$0xFFFFFFE0] =	vst v1  }
0x17: {  	[tilespmem:s19+$0x10] =	vst v1  }
0x18: {  	s20 =	simm.s32 $0x0;
	s21 =	simm.s32 $0x12000;
	[tilespmem:s19+$0x0] =	vst v1  }
.LBB2_2:
0x19: {  	s20 =	sadd.s32 $0x40, s20  }
0x1a: {  	[tilespmem:s19+$0xFFFFFFF0] =	vst v1;
	s19 =	sadd.s32 $0x40, s19;
	s22 =	simm.s32 $0x1FF0;
	p0 =	slt.u32 s20, $0x1FC0  }
.Ltmp0:
0x1b: {  	[tilespmem:s19+$0xFFFFFFE0] =	vst v1;
	(pc) =	sbr.rel @p0 .LBB2_2-.Ltmp0, $3  }
0x1c: {  	_ =	sdelay $0x1  }
0x1d: {  	[tilespmem:s19+$0x10] =	vst v1  }
0x1e: {  	[tilespmem:s19+$0x0] =	vst v1  }
0x1f: {  	[tilespmem:s19+$0xFFFFFFF0] =	vst v1  }
.LBB2_4:
0x20: {  	s22 =	sadd.s32 $0x10, s22  }
0x21: {  	p0 =	slt.u32 s22, $0x2010  }
.Ltmp1:
0x22: {  	_ = 	snop;
	(pc) =	sbr.rel @p0 .LBB2_4-.Ltmp1, $3  }
0x23: {  	_ =	sdelay $0x1  }
0x24: {  	[tilespmem:s21+$0x0] =	vst v1;
	s21 =	sadd.s32 $0x10, s21  }
0x25: {  	s20 =	simm.s32 $0xFFFFFFC0;
	s19 =	simm.s32 $0x8020;
	s23 =	simm.s32 $0x20  }
0x26: {  	v4 =	vld [tilespmem:s23+$0x10]  }
0x27: {  	v5 =	vld [tilespmem:s23+$0xFFFFFFF0];
	_ =	sdelay $0x2  }
0x28: {  	v6 =	vld [tilespmem:s23+$0xFFFFFFE0]  }
0x29: {  	v4 =	vshrl.u32 v4, $0x13  }
0x2a: {  	v5 =	vshrl.u32 v5, $0x13;
	v4 =	vand.u32 $0xFF0, v4  }
0x2b: {  	v5 =	vand.u32 $0xFF0, v5;
	v4 =	vor.u32 v0, v4  }
0x2c: {  	v7 =	vld [tilespmem:s23+$0x0];
	v5 =	vor.u32 v0, v5  }
0x2d: {  	v6 =	vshrl.u32 v6, $0x13  }
0x2e: {  	v6 =	vand.u32 $0xFF0, v6  }
0x2f: {  	v6 =	vor.u32 v0, v6  }
0x30: {  	[tilespmem:v4+s17+$0x0] =	vst.idx.add.s32.msk $0xffff, v2  }
0x31: {  	v4 =	vshrl.u32 v7, $0x13;
	[tilespmem:v5+s17+$0x0] =	vst.idx.add.s32.msk $0xffff, v2  }
0x32: {  	s21 =	sadd.s32 $0x40, s23;
	v7 =	vld [tilespmem:s19+$0x10];
	v4 =	vand.u32 $0xFF0, v4  }
0x33: {  	v5 =	vld [tilespmem:s21+$0x10];
	v4 =	vor.u32 v0, v4  }
0x34: {  	[tilespmem:v6+s17+$0x0] =	vst.idx.add.s32.msk $0xffff, v2  }
0x35: {  	v6 =	vld [tilespmem:s21+$0xFFFFFFF0]  }
0x36: {  	v8 =	vld [tilespmem:s21+$0xFFFFFFE0]  }
0x37: {  	v9 =	vld [tilespmem:s21+$0x0];
	v7 =	vshrl.u32 v7, $0x13  }
0x38: {  	v7 =	vand.u32 $0xFF0, v7;
	[tilespmem:v4+s17+$0x0] =	vst.idx.add.s32.msk $0xffff, v2;
	v4 =	vshrl.u32 v5, $0x13  }
0x39: {  	v10 =	vld [tilespmem:s19+$0xFFFFFFE0];
	v5 =	vadd.s32 v3, v7;
	v4 =	vand.u32 $0xFF0, v4  }
0x3a: {  	v11 =	vld [tilespmem:s19+$0xFFFFFFF0];
	v6 =	vshrl.u32 v6, $0x13;
	v4 =	vor.u32 v0, v4  }
0x3b: {  	v6 =	vand.u32 $0xFF0, v6;
	v12 =	vld [tilespmem:s19+$0x0];
	v7 =	vshrl.u32 v8, $0x13  }
0x3c: {  	v13 =	vor.u32 v0, v6;
	v6 =	vand.u32 $0xFF0, v7  }
0x3d: {  	v7 =	vshrl.u32 v9, $0x13;
	v9 =	vor.u32 v0, v6  }
0x3e: {  	v6 =	vand.u32 $0xFF0, v7;
	[tilespmem:v5+s17+$0x0] =	vst.idx.add.s32.msk $0xffff, v2  }
0x3f: {  	s19 =	sadd.s32 $0x40, s19;
	v7 =	vor.u32 v0, v6;
	v5 =	vshrl.u32 v10, $0x13;
	[tilespmem:v4+s17+$0x0] =	vst.idx.add.s32.msk $0xffff, v2  }
0x40: {  	v10 =	vshrl.u32 v12, $0x13;
	v4 =	vand.u32 $0xFF0, v5;
	v5 =	vshrl.u32 v11, $0x13;
	v8 =	vld [tilespmem:s19+$0x10]  }
0x41: {  	s20 =	sadd.s32 $0x40, s20;
	[tilespmem:v13+s17+$0x0] =	vst.idx.add.s32.msk $0xffff, v2;
	v6 =	vadd.s32 v3, v4;
	v4 =	vand.u32 $0xFF0, v5;
	v5 =	vand.u32 $0xFF0, v10  }
0x42: {  	s20 =	sadd.s32 $0x40, s20;
	s21 =	sadd.s32 $0x40, s21;
	[tilespmem:v9+s17+$0x0] =	vst.idx.add.s32.msk $0xffff, v2;
	v4 =	vadd.s32 v3, v4;
	v5 =	vadd.s32 v3, v5  }
.LBB2_6:
0x43: {  	v9 =	vld [tilespmem:s21+$0x10];
	s20 =	sadd.s32 $0x40, s20  }
0x44: {  	v10 =	vld [tilespmem:s21+$0xFFFFFFF0];
	p0 =	slt.u32 s20, $0x7FC0  }
0x45: {  	v11 =	vld [tilespmem:s21+$0x0];
	v8 =	vshrl.u32 v8, $0x13  }
0x46: {  	v12 =	vld [tilespmem:s21+$0xFFFFFFE0];
	v8 =	vand.u32 $0xFF0, v8  }
0x47: {  	[tilespmem:v7+s17+$0x0] =	vst.idx.add.s32.msk $0xffff, v2;
	v8 =	vadd.s32 v3, v8  }
0x48: {  	v7 =	vshrl.u32 v9, $0x13;
	v9 =	vld [tilespmem:s19+$0xFFFFFFE0]  }
0x49: {  	v10 =	vshrl.u32 v10, $0x13;
	v7 =	vand.u32 $0xFF0, v7;
	v13 =	vld [tilespmem:s19+$0xFFFFFFF0]  }
0x4a: {  	v10 =	vand.u32 $0xFF0, v10;
	v11 =	vshrl.u32 v11, $0x13;
	v14 =	vor.u32 v0, v7;
	v15 =	vld [tilespmem:s19+$0x0]  }
0x4b: {  	v7 =	vshrl.u32 v12, $0x13;
	v10 =	vor.u32 v0, v10;
	v11 =	vand.u32 $0xFF0, v11;
	[tilespmem:v6+s17+$0x0] =	vst.idx.add.s32.msk $0xffff, v2  }
0x4c: {  	v6 =	vand.u32 $0xFF0, v7;
	v7 =	vor.u32 v0, v11;
	[tilespmem:v8+s17+$0x0] =	vst.idx.add.s32.msk $0xffff, v2  }
0x4d: {  	v11 =	vor.u32 v0, v6;
	v6 =	vshrl.u32 v9, $0x13;
	[tilespmem:v4+s17+$0x0] =	vst.idx.add.s32.msk $0xffff, v2  }
.Ltmp2:
0x4e: {  	v4 =	vand.u32 $0xFF0, v6;
	v8 =	vshrl.u32 v13, $0x13;
	[tilespmem:v5+s17+$0x0] =	vst.idx.add.s32.msk $0xffff, v2;
	(pc) =	sbr.rel @p0 .LBB2_6-.Ltmp2, $4  }
0x4f: {  	s19 =	sadd.s32 $0x40, s19;
	[tilespmem:v14+s17+$0x0] =	vst.idx.add.s32.msk $0xffff, v2;
	v6 =	vadd.s32 v3, v4;
	v4 =	vand.u32 $0xFF0, v8;
	v5 =	vshrl.u32 v15, $0x13  }
0x50: {  	v8 =	vld [tilespmem:s19+$0x10];
	v4 =	vadd.s32 v3, v4;
	v5 =	vand.u32 $0xFF0, v5  }
0x51: {  	[tilespmem:v10+s17+$0x0] =	vst.idx.add.s32.msk $0xffff, v2;
	v5 =	vadd.s32 v3, v5  }
0x52: {  	s21 =	sadd.s32 $0x40, s21;
	[tilespmem:v11+s17+$0x0] =	vst.idx.add.s32.msk $0xffff, v2  }
0x53: {  	_ =	sdelay $0x3  }
0x54: {  	[tilespmem:v7+s17+$0x0] =	vst.idx.add.s32.msk $0xffff, v2  }
0x55: {  	v7 =	vld [tilespmem:s19+$0xFFFFFFE0]  }
0x56: {  	v9 =	vld [tilespmem:s19+$0xFFFFFFF0]  }
0x57: {  	v10 =	vld [tilespmem:s19+$0x0];
	v8 =	vshrl.u32 v8, $0x13  }
0x58: {  	v8 =	vand.u32 $0xFF0, v8  }
0x59: {  	v8 =	vadd.s32 v3, v8  }
0x5a: {  	v7 =	vshrl.u32 v7, $0x13  }
0x5b: {  	v9 =	vshrl.u32 v9, $0x13;
	v7 =	vand.u32 $0xFF0, v7  }
0x5c: {  	v9 =	vand.u32 $0xFF0, v9;
	v10 =	vshrl.u32 v10, $0x13;
	v7 =	vadd.s32 v3, v7  }
0x5d: {  	[tilespmem:v6+s17+$0x0] =	vst.idx.add.s32.msk $0xffff, v2;
	v6 =	vadd.s32 v3, v9;
	v63 =	vand.u32 $0xFF0, v10  }
0x5e: {  	[tilespmem:v8+s17+$0x0] =	vst.idx.add.s32.msk $0xffff, v2;
	v8 =	vadd.s32 v3, v63  }
0x5f: {  	[tilespmem:v4+s17+$0x0] =	vst.idx.add.s32.msk $0xffff, v2;
	p0 =	por $0x1, $0x1  }
.Ltmp3:
0x60: {  	[tilespmem:v5+s17+$0x0] =	vst.idx.add.s32.msk $0xffff, v2;
	(pc) =	sbr.rel @!p0 .LBB2_9-.Ltmp3, $4  }
0x61: {  	[tilespmem:v7+s17+$0x0] =	vst.idx.add.s32.msk $0xffff, v2  }
0x62: {  	[tilespmem:v6+s17+$0x0] =	vst.idx.add.s32.msk $0xffff, v2  }
0x63: {  	s20 =	simm.s32 $0x0;
	[tilespmem:v8+s17+$0x0] =	vst.idx.add.s32.msk $0xffff, v2  }
0x64: {  	v4 =	vimm.s32 $0x0;
	s21 =	simm.s32 $0xFFFFFFC0;
	v5 =	vimm.s32 $0x0;
	s19 =	simm.s32 $0x0;
	v6 =	vld [tilespmem:s20+$0x10FF0]  }
.LBB2_8:
0x65: {  	p0 =	sne.s32 s21, $0xFFFFC040;
	v7 =	vld [tilespmem:s20+$0x12000];
	_ =	sdelay $0x1  }
.Ltmp4:
0x66: {  	(pc) =	sbr.rel @p0 .LBB2_8-.Ltmp4, $4  }
0x67: {  	_ = 	snop  }
0x68: {  	v4 =	vadd.s32 v4, v6  }
0x69: {  	s22 =	sshra.s32 s21, $0x2;
	v5 =	vadd.s32 v5, v7;
	[tilespmem:s20+$0x10FF0] =	vst v4  }
0x6a: {  	s21 =	sadd.s32 $0xFFFFFFC0, s21;
	v6 =	vld [tilespmem:s22+$0x10FF0];
	[tilespmem:s20+$0x12000] =	vst v5;
	s20 =	smov.u32 s22  }
.LBB2_9:
0x6b: {  	s21 =	simm.s32 $0x100  }
0x6c: {  	s21 =	sand.u32 $0x1, s21  }
0x6d: {  	v7 =	vld [tilespmem:s20+$0x12000];
	p0 =	por $0x0, $0x0;
	p1 =	seq.s32 s21, $0x1  }
0x6e: {  	p0 =	por !p0, !p1  }
0x6f: {  	s21 =	simm.s32 $0x1;
	p0 =	por !p0, !p0  }
0x70: {  	s21 =	simm.s32 @!p0 $0x0  }
0x71: {  	v4 =	vadd.s32 v4, v6;
	s23 =	ssub.s32 $0x80, s21  }
0x72: {  	v5 =	vadd.s32 v5, v7;
	[tilespmem:s20+$0x10FF0] =	vst v4;
	s21 =	sshll.u32 s23, $0x6  }
0x73: {  	[tilespmem:s20+$0x12000] =	vst v5;
	s31 =	sshra.s32 s21, $0x2  }
0x74: {  	v4 =	vld [tilespmem:s31+$0x11010]  }
0x75: {  	v5 =	vld [tilespmem:s31+$0x10000];
	_ =	sdelay $0x3  }
0x76: {  	(xrf0) =	vadd.scan.msk.s32 $0xffff, v4  }
0x77: {  	(xrf0) =	vadd.scan.msk.s32 $0xffff, v5;
	_ =	sdelay $0x4  }
0x78: {  	v4, _, _ =	vpop (xrf0)  }
0x79: {  	s22 =	simm.s32 $0x100;
	s24 =	simm.s32 $0x100;
	v5, _, _ =	vpop (xrf0);
	(v2sf) =	vpush v4, $0xF  }
0x7a: {  	s20 =	simm.s32 $0x0;
	s25 =	smov.u32 s23;
	s21 =	simm.s32 $0x7;
	(v2sf) =	vpush v5, $0xF  }
.LBB2_10:
0x7b: {  	_ =	sdelay $0x9  }
0x7c: {  	s26 =	smov.u32 s24;
	s24 =	smov.u32 s22  }
0x7d: {  	p0 =	sne.s32 s21, $0x1;
	s21 =	sadd.s32 $0xFFFFFFFF, s21;
	_ =	sdelay $0x1  }
0x7e: {  	s22 =	spop (v2sf)  }
0x7f: {  	p1 =	sgt.s32 s22, $0x1F;
	s22 =	spop (v2sf)  }
0x80: {  	p2 =	sgt.s32 s22, $0x1F;
	s22 =	smov.u32 s23  }
0x81: {  	s19 =	smov.u32 @p1 s23;
	s22 =	smov.u32 @p1 s24;
	s24 =	smov.u32 s25  }
0x82: {  	s20 =	smov.u32 @p2 s25;
	s23 =	sadd.s32 s19, s22;
	s24 =	smov.u32 @p2 s26  }
0x83: {  	s25 =	sadd.s32 s20, s24;
	s26 =	sshrl.u32 s23, $0x1F  }
0x84: {  	s28 =	sand.u32 $0x1, s23;
	p1 =	slt.s32 s23, $0x1;
	s29 =	sshrl.u32 s25, $0x1F  }
0x85: {  	p2 =	seq.s32 s28, $0x1;
	p3 =	slt.s32 s25, $0x1;
	s28 =	sand.u32 $0x1, s25  }
0x86: {  	s23 =	sadd.s32 s26, s23;
	s26 =	simm.s32 $0x1;
	p1 =	por !p1, !p2  }
0x87: {  	p2 =	seq.s32 s28, $0x1;
	s23 =	sshra.s32 s23, $0x1;
	p1 =	por !p1, !p1  }
0x88: {  	s25 =	sadd.s32 s29, s25;
	p2 =	por !p3, !p2;
	s26 =	simm.s32 @!p1 $0x0  }
0x89: {  	p1 =	por !p2, !p2;
	s23 =	ssub.s32 s23, s26;
	s26 =	simm.s32 $0x1  }
0x8a: {  	s25 =	sshra.s32 s25, $0x1;
	s26 =	simm.s32 @!p1 $0x0;
	s28 =	sshll.u32 s23, $0x6  }
0x8b: {  	s25 =	ssub.s32 s25, s26;
	s26 =	sshra.s32 s28, $0x2  }
0x8c: {  	s28 =	sshll.u32 s25, $0x6;
	v4 =	vld [tilespmem:s26+$0x11010]  }
0x8d: {  	s26 =	sshra.s32 s28, $0x2  }
0x8e: {  	v5 =	vld [tilespmem:s26+$0x10000];
	_ =	sdelay $0x2  }
0x8f: {  	(xrf0) =	vadd.scan.msk.s32 $0xffff, v4;
	_ =	sdelay $0x1  }
0x90: {  	(xrf0) =	vadd.scan.msk.s32 $0xffff, v5;
	_ =	sdelay $0x2  }
.Ltmp5:
0x91: {  	(pc) =	sbr.rel @p0 .LBB2_10-.Ltmp5, $3  }
0x92: {  	v4, _, _ =	vpop (xrf0);
	_ =	sdelay $0x1  }
0x93: {  	v5, _, _ =	vpop (xrf0);
	(v2sf) =	vpush v4, $0xF  }
0x94: {  	(v2sf) =	vpush v5, $0xF  }
0x95: {  	_ =	sdelay $0xc  }
0x96: {  	s21 =	spop (v2sf)  }
0x97: {  	s22 =	spop (v2sf)  }
0x98: {  	p0 =	sgt.s32 s22, $0x1F  }
0x99: {  	p1 =	sgt.s32 s21, $0x1F;
	s20 =	smov.u32 @p0 s25  }
0x9a: {  	s19 =	smov.u32 @p1 s23;
	s29 =	sshll.u32 s20, $0x6  }
0x9b: {  	s30 =	sshll.u32 s19, $0x6;
	s21 =	sshra.s32 s29, $0x2  }
0x9c: {  	s31 =	sshra.s32 s30, $0x2;
	v4 =	vld [tilespmem:s21+$0x10010];
	s21 =	simm.s32 $0x10020  }
0x9d: {  	v5 =	vld [tilespmem:s31+$0x11020];
	[tilespmem:s21+$0xFFFFFFE0] =	vst v1  }
0x9e: {  	[tilespmem:s21+$0x10] =	vst v1  }
0x9f: {  	s22 =	simm.s32 $0x0;
	[tilespmem:s21+$0x0] =	vst v1  }
.LBB2_12:
0xa0: {  	s22 =	sadd.s32 $0x40, s22  }
0xa1: {  	[tilespmem:s21+$0xFFFFFFF0] =	vst v1;
	s21 =	sadd.s32 $0x40, s21;
	p0 =	slt.u32 s22, $0x1FC0  }
.Ltmp6:
0xa2: {  	[tilespmem:s21+$0xFFFFFFE0] =	vst v1;
	(pc) =	sbr.rel @p0 .LBB2_12-.Ltmp6, $3  }
0xa3: {  	_ =	sdelay $0x1  }
0xa4: {  	[tilespmem:s21+$0x10] =	vst v1  }
0xa5: {  	s23 =	simm.s32 $0x12000;
	[tilespmem:s21+$0x0] =	vst v1  }
0xa6: {  	[tilespmem:s21+$0xFFFFFFF0] =	vst v1;
	s21 =	simm.s32 $0x1FF0  }
.LBB2_14:
0xa7: {  	s21 =	sadd.s32 $0x10, s21  }
0xa8: {  	p0 =	slt.u32 s21, $0x2010  }
.Ltmp7:
0xa9: {  	_ = 	snop;
	(pc) =	sbr.rel @p0 .LBB2_14-.Ltmp7, $2  }
0xaa: {  	_ =	sdelay $0x2  }
0xab: {  	[tilespmem:s23+$0x0] =	vst v1;
	s23 =	sadd.s32 $0x10, s23  }
0xac: {  	s21 =	simm.s32 $0x20  }
0xad: {  	v8 =	vld [tilespmem:s21+$0xFFFFFFE0];
	_ =	sdelay $0x2  }
0xae: {  	v9 =	vld [tilespmem:s21+$0x0];
	_ =	sdelay $0x1  }
0xaf: {  	v7 =	vmov s20;
	v10 =	vshrl.u32 v8, $0xB;
	v8 =	vshrl.u32 v8, $0x17  }
0xb0: {  	vm0 =	veq.s32 v8, v7;
	v8 =	vand.u32 $0xFF0, v10  }
0xb1: {  	v10 =	vld [tilespmem:s21+$0xFFFFFFF0];
	v8 =	vor.u32 v0, v8  }
0xb2: {  	v12 =	vshrl.u32 v9, $0xB;
	v9 =	vshrl.u32 v9, $0x17  }
0xb3: {  	s31 =	simm.s32 $0x60;
	v11 =	vld [tilespmem:s21+$0x10];
	vm1 =	veq.s32 v9, v7;
	v9 =	vand.u32 $0xFF0, v12  }
0xb4: {  	v12 =	vld [tilespmem:s31+$0xFFFFFFE0];
	v9 =	vor.u32 v0, v9;
	_ =	sdelay $0x1  }
0xb5: {  	[tilespmem:v8+s17+$0x0] =	vst.idx.add.s32.msk vm0, v2;
	v8 =	vshrl.u32 v10, $0xB;
	v10 =	vshrl.u32 v10, $0x17  }
0xb6: {  	s22 =	simm.s32 $0x8020;
	v15 =	vld [tilespmem:s31+$0xFFFFFFF0];
	vm0 =	veq.s32 v10, v7;
	v8 =	vand.u32 $0xFF0, v8  }
0xb7: {  	v13 =	vld [tilespmem:s22+$0xFFFFFFE0];
	v8 =	vor.u32 v0, v8  }
0xb8: {  	[tilespmem:v9+s17+$0x0] =	vst.idx.add.s32.msk vm1, v2;
	v9 =	vshrl.u32 v12, $0xB;
	v10 =	vshrl.u32 v11, $0x17;
	v11 =	vshrl.u32 v11, $0xB  }
0xb9: {  	v14 =	vld [tilespmem:s31+$0x0];
	vm2 =	veq.s32 v10, v7;
	v10 =	vshrl.u32 v12, $0x17;
	v11 =	vand.u32 $0xFF0, v11  }
0xba: {  	v16 =	vld [tilespmem:s22+$0x0];
	v9 =	vand.u32 $0xFF0, v9;
	vm1 =	veq.s32 v10, v7;
	v12 =	vor.u32 v0, v11  }
0xbb: {  	v9 =	vor.u32 v0, v9  }
0xbc: {  	v6 =	vmov s19;
	v11 =	vshrl.u32 v13, $0x17;
	[tilespmem:v8+s17+$0x0] =	vst.idx.add.s32.msk vm0, v2  }
0xbd: {  	v17 =	vshrl.u32 v15, $0xB;
	v10 =	vshrl.u32 v13, $0xB;
	vm0 =	veq.s32 v11, v6;
	v11 =	vld [tilespmem:s22+$0xFFFFFFF0]  }
0xbe: {  	v13 =	vshrl.u32 v14, $0xB;
	v14 =	vshrl.u32 v14, $0x17;
	v8 =	vand.u32 $0xFF0, v10;
	v10 =	vld [tilespmem:s31+$0x10]  }
0xbf: {  	v18 =	vshrl.u32 v16, $0x17;
	vm3 =	veq.s32 v14, v7;
	v14 =	vand.u32 $0xFF0, v17;
	[tilespmem:v12+s17+$0x0] =	vst.idx.add.s32.msk vm2, v2  }
0xc0: {  	s21 =	simm.s32 $0x8060;
	vm0 =	vmmov vm0;
	v12 =	vshrl.u32 v15, $0x17;
	[tilespmem:v9+s17+$0x0] =	vst.idx.add.s32.msk vm1, v2;
	v9 =	vand.u32 $0xFF0, v13  }
0xc1: {  	v15 =	vshrl.u32 v16, $0xB;
	vm2 =	veq.s32 v12, v7;
	v12 =	vld [tilespmem:s21+$0xFFFFFFE0];
	v13 =	vor.u32 v0, v9  }
0xc2: {  	s23 =	simm.s32 $0x40;
	s24 =	simm.s32 $0xA0;
	v14 =	vor.u32 v0, v14;
	vm1 =	veq.s32 v18, v6;
	v9 =	vld [tilespmem:s22+$0x10];
	s22 =	simm.s32 $0x8060;
	v16 =	vshrl.u32 v11, $0xB  }
.LBB2_16:
0xc3: {  	v17 =	vld [tilespmem:s24+$0xFFFFFFE0];
	s23 =	sadd.s32 $0x40, s23;
	v16 =	vand.u32 $0xFF0, v16;
	v11 =	vshrl.u32 v11, $0x17;
	v15 =	vand.u32 $0xFF0, v15  }
0xc4: {  	v18 =	vld [tilespmem:s24+$0x0];
	p0 =	slt.u32 s23, $0x7FC0;
	v16 =	vadd.s32 v3, v16;
	vm4 =	veq.s32 v11, v6;
	v11 =	vadd.s32 v3, v15  }
0xc5: {  	v19 =	vshrl.u32 v10, $0xB;
	v10 =	vshrl.u32 v10, $0x17;
	v20 =	vadd.s32 v3, v8;
	v15 =	vld [tilespmem:s24+$0xFFFFFFF0]  }
0xc6: {  	v8 =	vshrl.u32 v12, $0xB;
	v12 =	vshrl.u32 v12, $0x17;
	[tilespmem:v13+s17+$0x0] =	vst.idx.add.s32.msk vm3, v2;
	vm3 =	veq.s32 v10, v7  }
0xc7: {  	v8 =	vand.u32 $0xFF0, v8;
	vm5 =	veq.s32 v12, v6;
	v10 =	vshrl.u32 v9, $0xB;
	[tilespmem:v14+s17+$0x0] =	vst.idx.add.s32.msk vm2, v2  }
0xc8: {  	v12 =	vshrl.u32 v17, $0xB;
	v13 =	vshrl.u32 v17, $0x17;
	v14 =	vld [tilespmem:s21+$0x0];
	v17 =	vand.u32 $0xFF0, v19  }
0xc9: {  	vm2 =	veq.s32 v13, v7;
	v12 =	vand.u32 $0xFF0, v12;
	v13 =	vor.u32 v0, v17;
	[tilespmem:v11+s17+$0x0] =	vst.idx.add.s32.msk vm1, v2  }
0xca: {  	v9 =	vshrl.u32 v9, $0x17;
	v11 =	vand.u32 $0xFF0, v10;
	v12 =	vor.u32 v0, v12;
	[tilespmem:v20+s17+$0x0] =	vst.idx.add.s32.msk vm0, v2  }
0xcb: {  	vm0 =	vmmov vm5;
	[tilespmem:v16+s17+$0x0] =	vst.idx.add.s32.msk vm4, v2;
	vm4 =	veq.s32 v9, v6  }
0xcc: {  	v17 =	vadd.s32 v3, v11;
	v10 =	vld [tilespmem:s24+$0x10]  }
0xcd: {  	v11 =	vld [tilespmem:s21+$0xFFFFFFF0]  }
.Ltmp8:
0xce: {  	v9 =	vshrl.u32 v18, $0xB;
	v16 =	vshrl.u32 v18, $0x17;
	[tilespmem:v13+s17+$0x0] =	vst.idx.add.s32.msk vm3, v2;
	(pc) =	sbr.rel @p0 .LBB2_16-.Ltmp8, $4  }
0xcf: {  	v18 =	vshrl.u32 v14, $0x17;
	s21 =	sadd.s32 $0x40, s21;
	v13 =	vshrl.u32 v15, $0xB;
	v15 =	vshrl.u32 v15, $0x17;
	[tilespmem:v12+s17+$0x0] =	vst.idx.add.s32.msk vm2, v2  }
0xd0: {  	v9 =	vand.u32 $0xFF0, v9;
	vm3 =	veq.s32 v16, v7;
	vm2 =	veq.s32 v15, v7;
	v12 =	vld [tilespmem:s21+$0xFFFFFFE0]  }
0xd1: {  	v16 =	vand.u32 $0xFF0, v13;
	v13 =	vor.u32 v0, v9;
	v15 =	vshrl.u32 v14, $0xB;
	v9 =	vld [tilespmem:s22+$0x10];
	s22 =	smov.u32 s21  }
0xd2: {  	s24 =	sadd.s32 $0x40, s24;
	vm1 =	veq.s32 v18, v6;
	v14 =	vor.u32 v0, v16;
	v16 =	vshrl.u32 v11, $0xB;
	[tilespmem:v17+s17+$0x0] =	vst.idx.add.s32.msk vm4, v2  }
0xd3: {  	_ =	sdelay $0x2  }
0xd4: {  	v17 =	vshrl.u32 v10, $0xB;
	v10 =	vshrl.u32 v10, $0x17  }
0xd5: {  	vm4 =	veq.s32 v10, v7;
	v7 =	vand.u32 $0xFF0, v17  }
0xd6: {  	[tilespmem:v13+s17+$0x0] =	vst.idx.add.s32.msk vm3, v2;
	v7 =	vor.u32 v0, v7  }
0xd7: {  	[tilespmem:v14+s17+$0x0] =	vst.idx.add.s32.msk vm2, v2  }
0xd8: {  	v11 =	vshrl.u32 v11, $0x17;
	v55 =	vand.u32 $0xFF0, v15;
	v13 =	vld [tilespmem:s21+$0x0]  }
0xd9: {  	v8 =	vadd.s32 v3, v8;
	v10 =	vand.u32 $0xFF0, v16;
	vm12 =	veq.s32 v11, v6;
	v11 =	vld [tilespmem:s21+$0xFFFFFFF0]  }
0xda: {  	v14 =	vadd.s32 v3, v55;
	v10 =	vadd.s32 v3, v10;
	v56 =	vshrl.u32 v12, $0xB  }
0xdb: {  	v57 =	vshrl.u32 v12, $0x17;
	v58 =	vshrl.u32 v9, $0xB;
	v9 =	vshrl.u32 v9, $0x17;
	[tilespmem:v7+s17+$0x0] =	vst.idx.add.s32.msk vm4, v2  }
0xdc: {  	v15 =	vand.u32 $0xFF0, v56;
	vm13 =	veq.s32 v57, v6;
	vm14 =	veq.s32 v9, v6;
	v59 =	vld [tilespmem:s22+$0x10]  }
0xdd: {  	vm3 =	vmmov vm13;
	v9 =	vshrl.u32 v13, $0x17;
	v13 =	vshrl.u32 v13, $0xB  }
0xde: {  	v60 =	vshrl.u32 v11, $0xB;
	v7 =	vand.u32 $0xFF0, v58;
	vm5 =	veq.s32 v9, v6  }
0xdf: {  	v9 =	vshrl.u32 v11, $0x17;
	v11 =	vand.u32 $0xFF0, v13;
	v7 =	vadd.s32 v3, v7  }
0xe0: {  	v61 =	vand.u32 $0xFF0, v60;
	vm6 =	veq.s32 v9, v6;
	v9 =	vadd.s32 v3, v11  }
0xe1: {  	[tilespmem:v8+s17+$0x0] =	vst.idx.add.s32.msk vm0, v2;
	v11 =	vadd.s32 v3, v15;
	v62 =	vshrl.u32 v59, $0xB;
	v12 =	vshrl.u32 v59, $0x17  }
0xe2: {  	[tilespmem:v14+s17+$0x0] =	vst.idx.add.s32.msk vm1, v2;
	v8 =	vadd.s32 v3, v61;
	v63 =	vand.u32 $0xFF0, v62;
	vm15 =	veq.s32 v12, v6  }
0xe3: {  	[tilespmem:v10+s17+$0x0] =	vst.idx.add.s32.msk vm12, v2;
	v6 =	vadd.s32 v3, v63  }
0xe4: {  	[tilespmem:v7+s17+$0x0] =	vst.idx.add.s32.msk vm14, v2  }
0xe5: {  	[tilespmem:v9+s17+$0x0] =	vst.idx.add.s32.msk vm5, v2  }
0xe6: {  	[tilespmem:v11+s17+$0x0] =	vst.idx.add.s32.msk vm3, v2  }
0xe7: {  	[tilespmem:v8+s17+$0x0] =	vst.idx.add.s32.msk vm6, v2  }
0xe8: {  	s21 =	simm.s32 $0x0;
	[tilespmem:v6+s17+$0x0] =	vst.idx.add.s32.msk vm15, v2  }
0xe9: {  	s22 =	simm.s32 $0xFFFFFFC0;
	v7 =	vimm.s32 $0x0;
	v6 =	vimm.s32 $0x0;
	v8 =	vld [tilespmem:s21+$0x10FF0]  }
.LBB2_18:
0xea: {  	p0 =	sne.s32 s22, $0xFFFFC040;
	v9 =	vld [tilespmem:s21+$0x12000];
	_ =	sdelay $0x1  }
.Ltmp9:
0xeb: {  	(pc) =	sbr.rel @p0 .LBB2_18-.Ltmp9, $4  }
0xec: {  	_ = 	snop  }
0xed: {  	v6 =	vadd.s32 v6, v8  }
0xee: {  	s23 =	sshra.s32 s22, $0x2;
	v7 =	vadd.s32 v7, v9;
	[tilespmem:s21+$0x10FF0] =	vst v6  }
0xef: {  	s22 =	sadd.s32 $0xFFFFFFC0, s22;
	v8 =	vld [tilespmem:s23+$0x10FF0];
	[tilespmem:s21+$0x12000] =	vst v7;
	s21 =	smov.u32 s23  }
0xf0: {  	(xrf0) =	vadd.scan.msk.s32 $0xffff, v4  }
0xf1: {  	(xrf0) =	vadd.scan.msk.s32 $0xffff, v5  }
0xf2: {  	s22 =	simm.s32 $0x100  }
0xf3: {  	v4 =	vld [tilespmem:s21+$0x12000];
	s22 =	sand.u32 $0x1, s22  }
0xf4: {  	p0 =	por $0x0, $0x0;
	p1 =	seq.s32 s22, $0x1  }
0xf5: {  	p0 =	por !p0, !p1  }
0xf6: {  	s22 =	simm.s32 $0x1;
	p0 =	por !p0, !p0;
	v5, _, _ =	vpop (xrf0)  }
0xf7: {  	s22 =	simm.s32 @!p0 $0x0;
	(v2sf) =	vpush v5, $0xF;
	v5, _, _ =	vpop (xrf0)  }
0xf8: {  	v4 =	vadd.s32 v7, v4;
	s24 =	ssub.s32 $0x80, s22;
	(v2sf) =	vpush v5, $0xF  }
0xf9: {  	[tilespmem:s21+$0x12000] =	vst v4;
	s22 =	sshll.u32 s24, $0x6;
	v5 =	vadd.s32 v6, v8  }
0xfa: {  	s25 =	sshra.s32 s22, $0x2;
	[tilespmem:s21+$0x10FF0] =	vst v5  }
0xfb: {  	v4 =	vld [tilespmem:s25+$0x11010]  }
0xfc: {  	v5 =	vld [tilespmem:s25+$0x10000];
	_ =	sdelay $0x3  }
0xfd: {  	(xrf0) =	vadd.scan.msk.s32 $0xffff, v4  }
0xfe: {  	(xrf0) =	vadd.scan.msk.s32 $0xffff, v5;
	_ =	sdelay $0x3  }
0xff: {  	s28 =	simm.s32 $0x0  }
0x100: {  	s30 =	simm.s32 $0x0;
	s29 =	simm.s32 $0x100;
	v4, _, _ =	vpop (xrf0);
	s26 =	spop (v2sf)  }
0x101: {  	s23 =	smov.u32 s24;
	s25 =	simm.s32 $0x100;
	v5, _, _ =	vpop (xrf0);
	(v2sf) =	vpush v4, $0xF;
	s31 =	spop (v2sf)  }
0x102: {  	s21 =	ssub.s32 $0x20, s26;
	s26 =	simm.s32 $0x7;
	(v2sf) =	vpush v5, $0xF;
	s22 =	ssub.s32 $0x20, s31  }
.LBB2_20:
0x103: {  	_ =	sdelay $0x9  }
0x104: {  	s31 =	smov.u32 s30;
	s30 =	smov.u32 s28  }
0x105: {  	p0 =	sne.s32 s26, $0x1;
	s26 =	sadd.s32 $0xFFFFFFFF, s26;
	_ =	sdelay $0x1  }
0x106: {  	s28 =	spop (v2sf)  }
0x107: {  	p1 =	slt.s32 s28, s22;
	s28 =	spop (v2sf)  }
0x108: {  	p2 =	slt.s32 s28, s21;
	s28 =	smov.u32 s24  }
0x109: {  	s25 =	smov.u32 @p1 s24;
	s28 =	smov.u32 @p1 s30;
	s30 =	smov.u32 s23  }
0x10a: {  	s29 =	smov.u32 @p2 s23;
	s24 =	sadd.s32 s28, s25;
	s30 =	smov.u32 @p2 s31  }
0x10b: {  	s23 =	sadd.s32 s30, s29;
	s31 =	sshrl.u32 s24, $0x1F;
	s0 =	sand.u32 $0x1, s24  }
0x10c: {  	p1 =	slt.s32 s24, $0x1;
	s1 =	sshrl.u32 s23, $0x1F;
	p2 =	seq.s32 s0, $0x1  }
0x10d: {  	p3 =	slt.s32 s23, $0x1;
	s0 =	sand.u32 $0x1, s23;
	p1 =	por !p1, !p2  }
0x10e: {  	p2 =	seq.s32 s0, $0x1;
	s0 =	sadd.s32 s31, s24;
	s24 =	simm.s32 $0x1  }
0x10f: {  	s1 =	sadd.s32 s1, s23;
	p1 =	por !p1, !p1;
	p2 =	por !p3, !p2  }
0x110: {  	s0 =	sshra.s32 s0, $0x1;
	s24 =	simm.s32 @!p1 $0x0;
	p1 =	por !p2, !p2  }
0x111: {  	s24 =	ssub.s32 s0, s24;
	s0 =	sshra.s32 s1, $0x1;
	s1 =	simm.s32 $0x1  }
0x112: {  	s1 =	simm.s32 @!p1 $0x0;
	s31 =	sshll.u32 s24, $0x6  }
0x113: {  	s23 =	ssub.s32 s0, s1;
	s0 =	sshra.s32 s31, $0x2  }
0x114: {  	s1 =	sshll.u32 s23, $0x6;
	v4 =	vld [tilespmem:s0+$0x11010]  }
0x115: {  	s0 =	sshra.s32 s1, $0x2  }
0x116: {  	v5 =	vld [tilespmem:s0+$0x10000];
	_ =	sdelay $0x2  }
0x117: {  	(xrf0) =	vadd.scan.msk.s32 $0xffff, v4;
	_ =	sdelay $0x1  }
0x118: {  	(xrf0) =	vadd.scan.msk.s32 $0xffff, v5;
	_ =	sdelay $0x2  }
.Ltmp10:
0x119: {  	(pc) =	sbr.rel @p0 .LBB2_20-.Ltmp10, $3  }
0x11a: {  	v4, _, _ =	vpop (xrf0);
	_ =	sdelay $0x1  }
0x11b: {  	v5, _, _ =	vpop (xrf0);
	(v2sf) =	vpush v4, $0xF  }
0x11c: {  	(v2sf) =	vpush v5, $0xF  }
0x11d: {  	_ =	sdelay $0xc  }
0x11e: {  	s0 =	spop (v2sf)  }
0x11f: {  	s1 =	spop (v2sf);
	p1 =	slt.s32 s0, s22  }
0x120: {  	p0 =	slt.s32 s1, s21;
	s24 =	smov.u32 @p1 s28  }
0x121: {  	s23 =	smov.u32 @p0 s30;
	s30 =	sshll.u32 s24, $0x6  }
0x122: {  	s29 =	sshll.u32 s23, $0x6;
	s31 =	sshra.s32 s30, $0x2  }
0x123: {  	s25 =	simm.s32 $0x10020;
	s0 =	sshra.s32 s29, $0x2;
	v5 =	vld [tilespmem:s31+$0x11020]  }
0x124: {  	v4 =	vld [tilespmem:s0+$0x10010];
	[tilespmem:s25+$0xFFFFFFE0] =	vst v1  }
0x125: {  	[tilespmem:s25+$0x10] =	vst v1  }
0x126: {  	s26 =	simm.s32 $0x0;
	[tilespmem:s25+$0x0] =	vst v1  }
.LBB2_22:
0x127: {  	s26 =	sadd.s32 $0x40, s26  }
0x128: {  	[tilespmem:s25+$0xFFFFFFF0] =	vst v1;
	s25 =	sadd.s32 $0x40, s25;
	p0 =	slt.u32 s26, $0x1FC0  }
.Ltmp11:
0x129: {  	[tilespmem:s25+$0xFFFFFFE0] =	vst v1;
	(pc) =	sbr.rel @p0 .LBB2_22-.Ltmp11, $3  }
0x12a: {  	_ =	sdelay $0x1  }
0x12b: {  	[tilespmem:s25+$0x10] =	vst v1  }
0x12c: {  	s28 =	simm.s32 $0x12000;
	[tilespmem:s25+$0x0] =	vst v1  }
0x12d: {  	[tilespmem:s25+$0xFFFFFFF0] =	vst v1;
	s25 =	simm.s32 $0x1FF0  }
.LBB2_24:
0x12e: {  	s25 =	sadd.s32 $0x10, s25  }
0x12f: {  	p0 =	slt.u32 s25, $0x2010  }
.Ltmp12:
0x130: {  	_ = 	snop;
	(pc) =	sbr.rel @p0 .LBB2_24-.Ltmp12, $2  }
0x131: {  	_ =	sdelay $0x2  }
0x132: {  	[tilespmem:s28+$0x0] =	vst v1;
	s28 =	sadd.s32 $0x10, s28  }
0x133: {  	s30 =	simm.s32 $0x20  }
0x134: {  	v8 =	vld [tilespmem:s30+$0xFFFFFFE0];
	_ =	sdelay $0x2  }
0x135: {  	s0 =	sshll.u32 s20, $0x8;
	v9 =	vld [tilespmem:s30+$0x0]  }
0x136: {  	s23 =	sor.u32 s0, s23  }
0x137: {  	v7 =	vmov s23;
	v10 =	vshrl.u32 v8, $0x3;
	v8 =	vshrl.u32 v8, $0xF  }
0x138: {  	vm0 =	veq.s32 v8, v7;
	v8 =	vand.u32 $0xFF0, v10  }
0x139: {  	v10 =	vld [tilespmem:s30+$0xFFFFFFF0];
	v8 =	vor.u32 v0, v8  }
0x13a: {  	v12 =	vshrl.u32 v9, $0x3;
	v9 =	vshrl.u32 v9, $0xF  }
0x13b: {  	s31 =	simm.s32 $0x60;
	v11 =	vld [tilespmem:s30+$0x10];
	vm1 =	veq.s32 v9, v7;
	v9 =	vand.u32 $0xFF0, v12  }
0x13c: {  	v12 =	vld [tilespmem:s31+$0xFFFFFFE0];
	v9 =	vor.u32 v0, v9;
	_ =	sdelay $0x1  }
0x13d: {  	[tilespmem:v8+s17+$0x0] =	vst.idx.add.s32.msk vm0, v2;
	v8 =	vshrl.u32 v10, $0x3;
	v10 =	vshrl.u32 v10, $0xF  }
0x13e: {  	s29 =	simm.s32 $0x8020;
	v15 =	vld [tilespmem:s31+$0xFFFFFFF0];
	vm0 =	veq.s32 v10, v7;
	v8 =	vand.u32 $0xFF0, v8  }
0x13f: {  	v13 =	vld [tilespmem:s29+$0xFFFFFFE0];
	v8 =	vor.u32 v0, v8  }
0x140: {  	[tilespmem:v9+s17+$0x0] =	vst.idx.add.s32.msk vm1, v2;
	v9 =	vshrl.u32 v12, $0x3;
	v10 =	vshrl.u32 v11, $0xF;
	v11 =	vshrl.u32 v11, $0x3  }
0x141: {  	v14 =	vld [tilespmem:s31+$0x0];
	vm2 =	veq.s32 v10, v7;
	v10 =	vshrl.u32 v12, $0xF;
	v11 =	vand.u32 $0xFF0, v11  }
0x142: {  	s1 =	sshll.u32 s19, $0x8;
	v16 =	vld [tilespmem:s29+$0x0];
	v9 =	vand.u32 $0xFF0, v9;
	vm1 =	veq.s32 v10, v7;
	v12 =	vor.u32 v0, v11  }
0x143: {  	s24 =	sor.u32 s1, s24;
	v9 =	vor.u32 v0, v9  }
0x144: {  	v6 =	vmov s24;
	v11 =	vshrl.u32 v13, $0xF;
	[tilespmem:v8+s17+$0x0] =	vst.idx.add.s32.msk vm0, v2  }
0x145: {  	v17 =	vshrl.u32 v15, $0x3;
	v10 =	vshrl.u32 v13, $0x3;
	vm0 =	veq.s32 v11, v6;
	v11 =	vld [tilespmem:s29+$0xFFFFFFF0]  }
0x146: {  	v13 =	vshrl.u32 v14, $0x3;
	v14 =	vshrl.u32 v14, $0xF;
	v8 =	vand.u32 $0xFF0, v10;
	v10 =	vld [tilespmem:s31+$0x10]  }
0x147: {  	v18 =	vshrl.u32 v16, $0xF;
	vm3 =	veq.s32 v14, v7;
	v14 =	vand.u32 $0xFF0, v17;
	[tilespmem:v12+s17+$0x0] =	vst.idx.add.s32.msk vm2, v2  }
0x148: {  	s19 =	simm.s32 $0x8060;
	vm0 =	vmmov vm0;
	v12 =	vshrl.u32 v15, $0xF;
	[tilespmem:v9+s17+$0x0] =	vst.idx.add.s32.msk vm1, v2;
	v9 =	vand.u32 $0xFF0, v13  }
0x149: {  	v15 =	vshrl.u32 v16, $0x3;
	vm2 =	veq.s32 v12, v7;
	v12 =	vld [tilespmem:s19+$0xFFFFFFE0];
	v13 =	vor.u32 v0, v9  }
0x14a: {  	s25 =	simm.s32 $0x40;
	s26 =	simm.s32 $0xA0;
	s20 =	simm.s32 $0x8060;
	v14 =	vor.u32 v0, v14;
	vm1 =	veq.s32 v18, v6;
	v9 =	vld [tilespmem:s29+$0x10];
	v16 =	vshrl.u32 v11, $0x3  }
.LBB2_26:
0x14b: {  	v17 =	vld [tilespmem:s26+$0xFFFFFFE0];
	s25 =	sadd.s32 $0x40, s25;
	v16 =	vand.u32 $0xFF0, v16;
	v11 =	vshrl.u32 v11, $0xF;
	v15 =	vand.u32 $0xFF0, v15  }
0x14c: {  	v18 =	vld [tilespmem:s26+$0x0];
	p0 =	slt.u32 s25, $0x7FC0;
	v16 =	vadd.s32 v3, v16;
	vm4 =	veq.s32 v11, v6;
	v11 =	vadd.s32 v3, v15  }
0x14d: {  	v19 =	vshrl.u32 v10, $0x3;
	v10 =	vshrl.u32 v10, $0xF;
	v20 =	vadd.s32 v3, v8;
	v15 =	vld [tilespmem:s26+$0xFFFFFFF0]  }
0x14e: {  	v8 =	vshrl.u32 v12, $0x3;
	v12 =	vshrl.u32 v12, $0xF;
	[tilespmem:v13+s17+$0x0] =	vst.idx.add.s32.msk vm3, v2;
	vm3 =	veq.s32 v10, v7  }
0x14f: {  	v8 =	vand.u32 $0xFF0, v8;
	vm5 =	veq.s32 v12, v6;
	v10 =	vshrl.u32 v9, $0x3;
	[tilespmem:v14+s17+$0x0] =	vst.idx.add.s32.msk vm2, v2  }
0x150: {  	v12 =	vshrl.u32 v17, $0x3;
	v13 =	vshrl.u32 v17, $0xF;
	v14 =	vld [tilespmem:s19+$0x0];
	v17 =	vand.u32 $0xFF0, v19  }
0x151: {  	vm2 =	veq.s32 v13, v7;
	v12 =	vand.u32 $0xFF0, v12;
	v13 =	vor.u32 v0, v17;
	[tilespmem:v11+s17+$0x0] =	vst.idx.add.s32.msk vm1, v2  }
0x152: {  	v9 =	vshrl.u32 v9, $0xF;
	v11 =	vand.u32 $0xFF0, v10;
	v12 =	vor.u32 v0, v12;
	[tilespmem:v20+s17+$0x0] =	vst.idx.add.s32.msk vm0, v2  }
0x153: {  	vm0 =	vmmov vm5;
	[tilespmem:v16+s17+$0x0] =	vst.idx.add.s32.msk vm4, v2;
	vm4 =	veq.s32 v9, v6  }
0x154: {  	v17 =	vadd.s32 v3, v11;
	v10 =	vld [tilespmem:s26+$0x10]  }
0x155: {  	v11 =	vld [tilespmem:s19+$0xFFFFFFF0]  }
.Ltmp13:
0x156: {  	v9 =	vshrl.u32 v18, $0x3;
	v16 =	vshrl.u32 v18, $0xF;
	[tilespmem:v13+s17+$0x0] =	vst.idx.add.s32.msk vm3, v2;
	(pc) =	sbr.rel @p0 .LBB2_26-.Ltmp13, $4  }
0x157: {  	v18 =	vshrl.u32 v14, $0xF;
	s19 =	sadd.s32 $0x40, s19;
	v13 =	vshrl.u32 v15, $0x3;
	v15 =	vshrl.u32 v15, $0xF;
	[tilespmem:v12+s17+$0x0] =	vst.idx.add.s32.msk vm2, v2  }
0x158: {  	v9 =	vand.u32 $0xFF0, v9;
	vm3 =	veq.s32 v16, v7;
	vm2 =	veq.s32 v15, v7;
	v12 =	vld [tilespmem:s19+$0xFFFFFFE0]  }
0x159: {  	v16 =	vand.u32 $0xFF0, v13;
	v13 =	vor.u32 v0, v9;
	v15 =	vshrl.u32 v14, $0x3;
	v9 =	vld [tilespmem:s20+$0x10];
	s20 =	smov.u32 s19  }
0x15a: {  	s26 =	sadd.s32 $0x40, s26;
	vm1 =	veq.s32 v18, v6;
	v14 =	vor.u32 v0, v16;
	v16 =	vshrl.u32 v11, $0x3;
	[tilespmem:v17+s17+$0x0] =	vst.idx.add.s32.msk vm4, v2  }
0x15b: {  	_ =	sdelay $0x2  }
0x15c: {  	v17 =	vshrl.u32 v10, $0x3;
	v10 =	vshrl.u32 v10, $0xF  }
0x15d: {  	vm4 =	veq.s32 v10, v7;
	v7 =	vand.u32 $0xFF0, v17  }
0x15e: {  	[tilespmem:v13+s17+$0x0] =	vst.idx.add.s32.msk vm3, v2;
	v7 =	vor.u32 v0, v7  }
0x15f: {  	[tilespmem:v14+s17+$0x0] =	vst.idx.add.s32.msk vm2, v2  }
0x160: {  	v11 =	vshrl.u32 v11, $0xF;
	v55 =	vand.u32 $0xFF0, v15;
	v13 =	vld [tilespmem:s19+$0x0]  }
0x161: {  	v8 =	vadd.s32 v3, v8;
	v10 =	vand.u32 $0xFF0, v16;
	vm12 =	veq.s32 v11, v6;
	v11 =	vld [tilespmem:s19+$0xFFFFFFF0]  }
0x162: {  	v14 =	vadd.s32 v3, v55;
	v10 =	vadd.s32 v3, v10;
	v56 =	vshrl.u32 v12, $0x3  }
0x163: {  	v57 =	vshrl.u32 v12, $0xF;
	v58 =	vshrl.u32 v9, $0x3;
	v9 =	vshrl.u32 v9, $0xF;
	[tilespmem:v7+s17+$0x0] =	vst.idx.add.s32.msk vm4, v2  }
0x164: {  	v15 =	vand.u32 $0xFF0, v56;
	vm13 =	veq.s32 v57, v6;
	vm14 =	veq.s32 v9, v6;
	v59 =	vld [tilespmem:s20+$0x10]  }
0x165: {  	vm3 =	vmmov vm13;
	v9 =	vshrl.u32 v13, $0xF;
	v13 =	vshrl.u32 v13, $0x3  }
0x166: {  	v60 =	vshrl.u32 v11, $0x3;
	v7 =	vand.u32 $0xFF0, v58;
	vm5 =	veq.s32 v9, v6  }
0x167: {  	v9 =	vshrl.u32 v11, $0xF;
	v11 =	vand.u32 $0xFF0, v13;
	v7 =	vadd.s32 v3, v7  }
0x168: {  	v61 =	vand.u32 $0xFF0, v60;
	vm6 =	veq.s32 v9, v6;
	v9 =	vadd.s32 v3, v11  }
0x169: {  	[tilespmem:v8+s17+$0x0] =	vst.idx.add.s32.msk vm0, v2;
	v11 =	vadd.s32 v3, v15;
	v62 =	vshrl.u32 v59, $0x3;
	v12 =	vshrl.u32 v59, $0xF  }
0x16a: {  	[tilespmem:v14+s17+$0x0] =	vst.idx.add.s32.msk vm1, v2;
	v8 =	vadd.s32 v3, v61;
	v63 =	vand.u32 $0xFF0, v62;
	vm15 =	veq.s32 v12, v6  }
0x16b: {  	[tilespmem:v10+s17+$0x0] =	vst.idx.add.s32.msk vm12, v2;
	v6 =	vadd.s32 v3, v63  }
0x16c: {  	[tilespmem:v7+s17+$0x0] =	vst.idx.add.s32.msk vm14, v2  }
0x16d: {  	[tilespmem:v9+s17+$0x0] =	vst.idx.add.s32.msk vm5, v2  }
0x16e: {  	[tilespmem:v11+s17+$0x0] =	vst.idx.add.s32.msk vm3, v2  }
0x16f: {  	[tilespmem:v8+s17+$0x0] =	vst.idx.add.s32.msk vm6, v2  }
0x170: {  	s19 =	simm.s32 $0x0;
	[tilespmem:v6+s17+$0x0] =	vst.idx.add.s32.msk vm15, v2  }
0x171: {  	s20 =	simm.s32 $0xFFFFFFC0;
	v7 =	vimm.s32 $0x0;
	v6 =	vimm.s32 $0x0;
	v8 =	vld [tilespmem:s19+$0x10FF0]  }
.LBB2_28:
0x172: {  	p0 =	sne.s32 s20, $0xFFFFC040;
	v9 =	vld [tilespmem:s19+$0x12000];
	_ =	sdelay $0x1  }
.Ltmp14:
0x173: {  	(pc) =	sbr.rel @p0 .LBB2_28-.Ltmp14, $4  }
0x174: {  	_ = 	snop  }
0x175: {  	v6 =	vadd.s32 v6, v8  }
0x176: {  	s0 =	sshra.s32 s20, $0x2;
	v7 =	vadd.s32 v7, v9;
	[tilespmem:s19+$0x10FF0] =	vst v6  }
0x177: {  	s20 =	sadd.s32 $0xFFFFFFC0, s20;
	v8 =	vld [tilespmem:s0+$0x10FF0];
	[tilespmem:s19+$0x12000] =	vst v7;
	s19 =	smov.u32 s0  }
0x178: {  	(xrf0) =	vadd.scan.msk.s32 $0xffff, v4  }
0x179: {  	(xrf0) =	vadd.scan.msk.s32 $0xffff, v5  }
0x17a: {  	s0 =	simm.s32 $0x100  }
0x17b: {  	v4 =	vld [tilespmem:s19+$0x12000];
	s0 =	sand.u32 $0x1, s0  }
0x17c: {  	p0 =	por $0x0, $0x0;
	p1 =	seq.s32 s0, $0x1  }
0x17d: {  	p0 =	por !p0, !p1  }
0x17e: {  	s0 =	simm.s32 $0x1;
	p0 =	por !p0, !p0;
	v5, _, _ =	vpop (xrf0)  }
0x17f: {  	s0 =	simm.s32 @!p0 $0x0;
	(v2sf) =	vpush v5, $0xF;
	v5, _, _ =	vpop (xrf0)  }
0x180: {  	v4 =	vadd.s32 v7, v4;
	s25 =	ssub.s32 $0x80, s0;
	(v2sf) =	vpush v5, $0xF  }
0x181: {  	[tilespmem:s19+$0x12000] =	vst v4;
	s0 =	sshll.u32 s25, $0x6;
	v5 =	vadd.s32 v6, v8  }
0x182: {  	s0 =	sshra.s32 s0, $0x2;
	[tilespmem:s19+$0x10FF0] =	vst v5  }
0x183: {  	v4 =	vld [tilespmem:s0+$0x11010]  }
0x184: {  	v5 =	vld [tilespmem:s0+$0x10000];
	_ =	sdelay $0x3  }
0x185: {  	(xrf0) =	vadd.scan.msk.s32 $0xffff, v4  }
0x186: {  	(xrf0) =	vadd.scan.msk.s32 $0xffff, v5;
	_ =	sdelay $0x3  }
0x187: {  	s28 =	simm.s32 $0x0  }
0x188: {  	s26 =	simm.s32 $0x7;
	s30 =	simm.s32 $0x0;
	v4, _, _ =	vpop (xrf0);
	s31 =	spop (v2sf)  }
0x189: {  	s29 =	simm.s32 $0x100;
	v5, _, _ =	vpop (xrf0);
	(v2sf) =	vpush v4, $0xF;
	s1 =	spop (v2sf);
	s19 =	ssub.s32 s21, s31  }
0x18a: {  	(v2sf) =	vpush v5, $0xF;
	s21 =	smov.u32 s25;
	s20 =	ssub.s32 s22, s1;
	s22 =	simm.s32 $0x100  }
.LBB2_30:
0x18b: {  	_ =	sdelay $0x9  }
0x18c: {  	s0 =	smov.u32 s30;
	s1 =	smov.u32 s28  }
0x18d: {  	p0 =	sne.s32 s26, $0x1;
	s26 =	sadd.s32 $0xFFFFFFFF, s26;
	_ =	sdelay $0x1  }
0x18e: {  	s28 =	spop (v2sf)  }
0x18f: {  	p1 =	slt.s32 s28, s20;
	s28 =	spop (v2sf)  }
0x190: {  	p2 =	slt.s32 s28, s19;
	s28 =	smov.u32 s25  }
0x191: {  	s30 =	smov.u32 s21;
	s22 =	smov.u32 @p1 s25;
	s28 =	smov.u32 @p1 s1  }
0x192: {  	s30 =	smov.u32 @p2 s0;
	s29 =	smov.u32 @p2 s21;
	s1 =	sadd.s32 s28, s22  }
0x193: {  	s0 =	sadd.s32 s30, s29;
	s21 =	sshrl.u32 s1, $0x1F  }
0x194: {  	s25 =	sand.u32 $0x1, s1;
	s31 =	sshrl.u32 s0, $0x1F;
	p1 =	slt.s32 s1, $0x1  }
0x195: {  	p3 =	slt.s32 s0, $0x1;
	p2 =	seq.s32 s25, $0x1;
	s25 =	sand.u32 $0x1, s0  }
0x196: {  	s1 =	sadd.s32 s21, s1;
	s21 =	simm.s32 $0x1;
	p1 =	por !p1, !p2  }
0x197: {  	s0 =	sadd.s32 s31, s0;
	p2 =	seq.s32 s25, $0x1;
	p1 =	por !p1, !p1  }
0x198: {  	s1 =	sshra.s32 s1, $0x1;
	p2 =	por !p3, !p2;
	s21 =	simm.s32 @!p1 $0x0  }
0x199: {  	p1 =	por !p2, !p2;
	s25 =	ssub.s32 s1, s21;
	s1 =	simm.s32 $0x1  }
0x19a: {  	s0 =	sshra.s32 s0, $0x1;
	s1 =	simm.s32 @!p1 $0x0;
	s31 =	sshll.u32 s25, $0x6  }
0x19b: {  	s21 =	ssub.s32 s0, s1;
	s0 =	sshra.s32 s31, $0x2  }
0x19c: {  	s1 =	sshll.u32 s21, $0x6;
	v4 =	vld [tilespmem:s0+$0x11010]  }
0x19d: {  	s0 =	sshra.s32 s1, $0x2  }
0x19e: {  	v5 =	vld [tilespmem:s0+$0x10000];
	_ =	sdelay $0x2  }
0x19f: {  	(xrf0) =	vadd.scan.msk.s32 $0xffff, v4;
	_ =	sdelay $0x1  }
0x1a0: {  	(xrf0) =	vadd.scan.msk.s32 $0xffff, v5;
	_ =	sdelay $0x2  }
.Ltmp15:
0x1a1: {  	(pc) =	sbr.rel @p0 .LBB2_30-.Ltmp15, $3  }
0x1a2: {  	v4, _, _ =	vpop (xrf0);
	_ =	sdelay $0x1  }
0x1a3: {  	v5, _, _ =	vpop (xrf0);
	(v2sf) =	vpush v4, $0xF  }
0x1a4: {  	(v2sf) =	vpush v5, $0xF  }
0x1a5: {  	_ =	sdelay $0xc  }
0x1a6: {  	s0 =	spop (v2sf)  }
0x1a7: {  	s1 =	spop (v2sf);
	p1 =	slt.s32 s0, s20  }
0x1a8: {  	p0 =	slt.s32 s1, s19;
	s25 =	smov.u32 @p1 s28  }
0x1a9: {  	s21 =	smov.u32 @p0 s30;
	s30 =	sshll.u32 s25, $0x6  }
0x1aa: {  	s29 =	sshll.u32 s21, $0x6;
	s31 =	sshra.s32 s30, $0x2  }
0x1ab: {  	s22 =	simm.s32 $0x10020;
	s0 =	sshra.s32 s29, $0x2;
	v5 =	vld [tilespmem:s31+$0x11020]  }
0x1ac: {  	v4 =	vld [tilespmem:s0+$0x10010];
	[tilespmem:s22+$0xFFFFFFE0] =	vst v1  }
0x1ad: {  	[tilespmem:s22+$0x10] =	vst v1  }
0x1ae: {  	s26 =	simm.s32 $0x0;
	[tilespmem:s22+$0x0] =	vst v1  }
.LBB2_32:
0x1af: {  	s26 =	sadd.s32 $0x40, s26  }
0x1b0: {  	[tilespmem:s22+$0xFFFFFFF0] =	vst v1;
	s22 =	sadd.s32 $0x40, s22;
	p0 =	slt.u32 s26, $0x1FC0  }
.Ltmp16:
0x1b1: {  	[tilespmem:s22+$0xFFFFFFE0] =	vst v1;
	(pc) =	sbr.rel @p0 .LBB2_32-.Ltmp16, $3  }
0x1b2: {  	_ =	sdelay $0x1  }
0x1b3: {  	[tilespmem:s22+$0x10] =	vst v1  }
0x1b4: {  	s28 =	simm.s32 $0x12000;
	[tilespmem:s22+$0x0] =	vst v1  }
0x1b5: {  	[tilespmem:s22+$0xFFFFFFF0] =	vst v1;
	s22 =	simm.s32 $0x1FF0  }
.LBB2_34:
0x1b6: {  	s22 =	sadd.s32 $0x10, s22  }
0x1b7: {  	p0 =	slt.u32 s22, $0x2010  }
.Ltmp17:
0x1b8: {  	_ = 	snop;
	(pc) =	sbr.rel @p0 .LBB2_34-.Ltmp17, $2  }
0x1b9: {  	_ =	sdelay $0x2  }
0x1ba: {  	[tilespmem:s28+$0x0] =	vst v1;
	s28 =	sadd.s32 $0x10, s28  }
0x1bb: {  	s30 =	simm.s32 $0x20  }
0x1bc: {  	v8 =	vld [tilespmem:s30+$0x10];
	_ =	sdelay $0x2  }
0x1bd: {  	s0 =	sshll.u32 s23, $0x8  }
0x1be: {  	s21 =	sor.u32 s0, s21  }
0x1bf: {  	v7 =	vmov s21;
	v9 =	vshll.u32 v8, $0x4;
	v8 =	vshrl.u32 v8, $0x7  }
0x1c0: {  	v10 =	vld [tilespmem:s30+$0xFFFFFFE0];
	v9 =	vor.u32 v0, v9;
	vm0 =	veq.s32 v8, v7  }
0x1c1: {  	v9 =	vand.u32 $0x7FF, v9  }
0x1c2: {  	v8 =	vld [tilespmem:s30+$0xFFFFFFF0];
	_ =	sdelay $0x2  }
0x1c3: {  	v11 =	vld [tilespmem:s30+$0x0];
	v12 =	vshll.u32 v10, $0x4  }
0x1c4: {  	s29 =	simm.s32 $0x8020;
	v10 =	vshrl.u32 v10, $0x7;
	v12 =	vor.u32 v0, v12;
	[tilespmem:v9+s17+$0x0] =	vst.idx.add.s32.msk vm0, v2  }
0x1c5: {  	s31 =	simm.s32 $0x60;
	v9 =	vshll.u32 v8, $0x4;
	v8 =	vshrl.u32 v8, $0x7;
	vm0 =	veq.s32 v10, v7;
	v13 =	vld [tilespmem:s29+$0x10]  }
0x1c6: {  	v10 =	vand.u32 $0x7FF, v12;
	v9 =	vor.u32 v0, v9;
	vm1 =	veq.s32 v8, v7;
	v8 =	vld [tilespmem:s31+$0x10]  }
0x1c7: {  	v9 =	vand.u32 $0x7FF, v9  }
0x1c8: {  	s1 =	sshll.u32 s24, $0x8;
	v15 =	vld [tilespmem:s31+$0x0];
	v14 =	vshll.u32 v11, $0x4;
	v11 =	vshrl.u32 v11, $0x7  }
0x1c9: {  	s22 =	sor.u32 s1, s25;
	v16 =	vld [tilespmem:s31+$0xFFFFFFE0];
	v14 =	vor.u32 v0, v14;
	vm2 =	veq.s32 v11, v7  }
0x1ca: {  	v6 =	vmov s22;
	v14 =	vand.u32 $0x7FF, v14;
	v12 =	vld [tilespmem:s31+$0xFFFFFFF0]  }
0x1cb: {  	v11 =	vshll.u32 v13, $0x4;
	v13 =	vshrl.u32 v13, $0x7;
	[tilespmem:v10+s17+$0x0] =	vst.idx.add.s32.msk vm0, v2;
	v10 =	vshll.u32 v8, $0x4  }
0x1cc: {  	v8 =	vshrl.u32 v8, $0x7;
	v11 =	vand.u32 $0x7F0, v11;
	vm4 =	veq.s32 v13, v6;
	[tilespmem:v9+s17+$0x0] =	vst.idx.add.s32.msk vm1, v2  }
0x1cd: {  	v10 =	vor.u32 v0, v10;
	vm0 =	veq.s32 v8, v7;
	v17 =	vld [tilespmem:s29+$0xFFFFFFE0];
	v13 =	vadd.s32 v3, v11  }
0x1ce: {  	v18 =	vand.u32 $0x7FF, v10;
	v10 =	vshll.u32 v16, $0x4;
	v11 =	vshrl.u32 v16, $0x7;
	v16 =	vld [tilespmem:s29+$0xFFFFFFF0]  }
0x1cf: {  	[tilespmem:v14+s17+$0x0] =	vst.idx.add.s32.msk vm2, v2;
	v14 =	vshrl.u32 v15, $0x7;
	v9 =	vshll.u32 v12, $0x4;
	v12 =	vshrl.u32 v12, $0x7  }
0x1d0: {  	v8 =	vor.u32 v0, v9;
	v9 =	vshll.u32 v15, $0x4;
	vm2 =	veq.s32 v12, v7  }
0x1d1: {  	v19 =	vld [tilespmem:s29+$0x0];
	v10 =	vor.u32 v0, v10;
	v9 =	vor.u32 v0, v9;
	vm3 =	veq.s32 v11, v7  }
0x1d2: {  	v12 =	vand.u32 $0x7FF, v8;
	v11 =	vand.u32 $0x7FF, v10;
	v8 =	vshll.u32 v17, $0x4;
	[tilespmem:v13+s17+$0x0] =	vst.idx.add.s32.msk vm4, v2  }
0x1d3: {  	s23 =	simm.s32 $0x8060;
	v10 =	vand.u32 $0x7FF, v9;
	v8 =	vand.u32 $0x7F0, v8;
	v13 =	vshll.u32 v16, $0x4;
	[tilespmem:v18+s17+$0x0] =	vst.idx.add.s32.msk vm0, v2  }
0x1d4: {  	v15 =	vshrl.u32 v17, $0x7;
	v9 =	vadd.s32 v3, v8;
	v8 =	vand.u32 $0x7F0, v13;
	v13 =	vld [tilespmem:s23+$0x10]  }
0x1d5: {  	vm1 =	veq.s32 v14, v7;
	v14 =	vshrl.u32 v16, $0x7;
	vm0 =	veq.s32 v15, v6  }
0x1d6: {  	s24 =	simm.s32 $0x40;
	s25 =	simm.s32 $0xA0;
	v15 =	vshll.u32 v19, $0x4;
	v16 =	vshrl.u32 v19, $0x7;
	v8 =	vadd.s32 v3, v8  }
.LBB2_36:
0x1d7: {  	v17 =	vld [tilespmem:s25+$0x10];
	s24 =	sadd.s32 $0x40, s24;
	vm5 =	veq.s32 v14, v6;
	v14 =	vand.u32 $0x7F0, v15;
	vm4 =	veq.s32 v16, v6  }
0x1d8: {  	v15 =	vld [tilespmem:s25+$0xFFFFFFF0];
	p0 =	slt.u32 s24, $0x7FC0;
	v18 =	vadd.s32 v3, v14  }
0x1d9: {  	v14 =	vld [tilespmem:s25+$0x0];
	v16 =	vshll.u32 v13, $0x4;
	v13 =	vshrl.u32 v13, $0x7  }
0x1da: {  	v19 =	vld [tilespmem:s25+$0xFFFFFFE0];
	v16 =	vand.u32 $0x7F0, v16;
	vm6 =	veq.s32 v13, v6  }
0x1db: {  	[tilespmem:v11+s17+$0x0] =	vst.idx.add.s32.msk vm3, v2;
	v11 =	vadd.s32 v3, v16  }
0x1dc: {  	v13 =	vshll.u32 v17, $0x4;
	v16 =	vshrl.u32 v17, $0x7;
	[tilespmem:v12+s17+$0x0] =	vst.idx.add.s32.msk vm2, v2  }
0x1dd: {  	v12 =	vshll.u32 v15, $0x4;
	v13 =	vor.u32 v0, v13;
	vm7 =	veq.s32 v16, v7;
	[tilespmem:v10+s17+$0x0] =	vst.idx.add.s32.msk vm1, v2  }
0x1de: {  	v10 =	vor.u32 v0, v12;
	v12 =	vshll.u32 v14, $0x4;
	v13 =	vand.u32 $0x7FF, v13;
	v16 =	vld [tilespmem:s23+$0xFFFFFFE0]  }
0x1df: {  	v15 =	vshrl.u32 v15, $0x7;
	v17 =	vshll.u32 v19, $0x4;
	v19 =	vshrl.u32 v19, $0x7;
	v20 =	vld [tilespmem:s23+$0xFFFFFFF0]  }
0x1e0: {  	v14 =	vshrl.u32 v14, $0x7;
	v21 =	vor.u32 v0, v12;
	v17 =	vor.u32 v0, v17;
	[tilespmem:v11+s17+$0x0] =	vst.idx.add.s32.msk vm6, v2  }
0x1e1: {  	vm2 =	veq.s32 v15, v7;
	vm3 =	veq.s32 v19, v7;
	v11 =	vand.u32 $0x7FF, v17;
	v17 =	vld [tilespmem:s23+$0x0]  }
.Ltmp18:
0x1e2: {  	v12 =	vand.u32 $0x7FF, v10;
	vm1 =	veq.s32 v14, v7;
	v10 =	vand.u32 $0x7FF, v21;
	[tilespmem:v9+s17+$0x0] =	vst.idx.add.s32.msk vm0, v2;
	(pc) =	sbr.rel @p0 .LBB2_36-.Ltmp18, $4  }
0x1e3: {  	s23 =	sadd.s32 $0x40, s23;
	[tilespmem:v13+s17+$0x0] =	vst.idx.add.s32.msk vm7, v2;
	v9 =	vshll.u32 v16, $0x4;
	v15 =	vshrl.u32 v16, $0x7  }
0x1e4: {  	v13 =	vld [tilespmem:s23+$0x10];
	v9 =	vand.u32 $0x7F0, v9;
	v16 =	vshll.u32 v20, $0x4;
	v14 =	vshrl.u32 v20, $0x7  }
0x1e5: {  	vm0 =	veq.s32 v15, v6;
	v9 =	vadd.s32 v3, v9;
	v15 =	vand.u32 $0x7F0, v16;
	[tilespmem:v8+s17+$0x0] =	vst.idx.add.s32.msk vm5, v2  }
0x1e6: {  	s25 =	sadd.s32 $0x40, s25;
	v8 =	vadd.s32 v3, v15;
	v15 =	vshll.u32 v17, $0x4;
	v16 =	vshrl.u32 v17, $0x7;
	[tilespmem:v18+s17+$0x0] =	vst.idx.add.s32.msk vm4, v2  }
0x1e7: {  	_ =	sdelay $0x4  }
0x1e8: {  	[tilespmem:v11+s17+$0x0] =	vst.idx.add.s32.msk vm3, v2  }
0x1e9: {  	[tilespmem:v12+s17+$0x0] =	vst.idx.add.s32.msk vm2, v2  }
0x1ea: {  	[tilespmem:v10+s17+$0x0] =	vst.idx.add.s32.msk vm1, v2  }
0x1eb: {  	v7 =	vld [tilespmem:s23+$0xFFFFFFE0]  }
0x1ec: {  	v11 =	vld [tilespmem:s23+$0xFFFFFFF0]  }
0x1ed: {  	v59 =	vld [tilespmem:s23+$0x0]  }
0x1ee: {  	v10 =	vshll.u32 v13, $0x4;
	v58 =	vshrl.u32 v13, $0x7  }
0x1ef: {  	vm12 =	veq.s32 v14, v6;
	v10 =	vand.u32 $0x7F0, v10;
	vm13 =	veq.s32 v58, v6  }
0x1f0: {  	v60 =	vand.u32 $0x7F0, v15;
	vm14 =	veq.s32 v16, v6;
	v10 =	vadd.s32 v3, v10  }
0x1f1: {  	v13 =	vadd.s32 v3, v60;
	v61 =	vshll.u32 v7, $0x4;
	v7 =	vshrl.u32 v7, $0x7  }
0x1f2: {  	v62 =	vshll.u32 v11, $0x4;
	v11 =	vshrl.u32 v11, $0x7;
	v63 =	vshll.u32 v59, $0x4  }
0x1f3: {  	v12 =	vshrl.u32 v59, $0x7;
	v14 =	vand.u32 $0x7F0, v61;
	vm4 =	veq.s32 v7, v6  }
0x1f4: {  	v7 =	vand.u32 $0x7F0, v62;
	vm5 =	veq.s32 v11, v6;
	v14 =	vadd.s32 v3, v14  }
0x1f5: {  	vm15 =	veq.s32 v12, v6;
	v7 =	vadd.s32 v3, v7;
	[tilespmem:v10+s17+$0x0] =	vst.idx.add.s32.msk vm13, v2;
	v10 =	vand.u32 $0x7F0, v63  }
0x1f6: {  	[tilespmem:v9+s17+$0x0] =	vst.idx.add.s32.msk vm0, v2;
	v6 =	vadd.s32 v3, v10  }
0x1f7: {  	p0 =	por $0x1, $0x1;
	[tilespmem:v8+s17+$0x0] =	vst.idx.add.s32.msk vm12, v2  }
.Ltmp19:
0x1f8: {  	[tilespmem:v13+s17+$0x0] =	vst.idx.add.s32.msk vm14, v2;
	(pc) =	sbr.rel @!p0 .LBB2_39-.Ltmp19, $4  }
0x1f9: {  	[tilespmem:v14+s17+$0x0] =	vst.idx.add.s32.msk vm4, v2  }
0x1fa: {  	[tilespmem:v7+s17+$0x0] =	vst.idx.add.s32.msk vm5, v2  }
0x1fb: {  	s25 =	simm.s32 $0x0;
	[tilespmem:v6+s17+$0x0] =	vst.idx.add.s32.msk vm15, v2  }
0x1fc: {  	s24 =	simm.s32 $0xFFFFFFC0;
	s23 =	simm.s32 $0x0;
	v7 =	vimm.s32 $0x0;
	v6 =	vimm.s32 $0x0;
	v8 =	vld [tilespmem:s25+$0x10FF0]  }
.LBB2_38:
0x1fd: {  	p0 =	sne.s32 s24, $0xFFFFC040;
	v9 =	vld [tilespmem:s25+$0x12000];
	_ =	sdelay $0x1  }
.Ltmp20:
0x1fe: {  	(pc) =	sbr.rel @p0 .LBB2_38-.Ltmp20, $4  }
0x1ff: {  	_ = 	snop  }
0x200: {  	v6 =	vadd.s32 v6, v8  }
0x201: {  	s0 =	sshra.s32 s24, $0x2;
	v7 =	vadd.s32 v7, v9;
	[tilespmem:s25+$0x10FF0] =	vst v6  }
0x202: {  	s24 =	sadd.s32 $0xFFFFFFC0, s24;
	v8 =	vld [tilespmem:s0+$0x10FF0];
	[tilespmem:s25+$0x12000] =	vst v7;
	s25 =	smov.u32 s0  }
.LBB2_39:
0x203: {  	(xrf0) =	vadd.scan.msk.s32 $0xffff, v4  }
0x204: {  	(xrf0) =	vadd.scan.msk.s32 $0xffff, v5  }
0x205: {  	s0 =	simm.s32 $0x100  }
0x206: {  	v4 =	vld [tilespmem:s25+$0x12000];
	s0 =	sand.u32 $0x1, s0  }
0x207: {  	p0 =	por $0x0, $0x0;
	p1 =	seq.s32 s0, $0x1  }
0x208: {  	p0 =	por !p0, !p1  }
0x209: {  	s0 =	simm.s32 $0x1;
	p0 =	por !p0, !p0;
	v5, _, _ =	vpop (xrf0)  }
0x20a: {  	s0 =	simm.s32 @!p0 $0x0;
	(v2sf) =	vpush v5, $0xF;
	v5, _, _ =	vpop (xrf0)  }
0x20b: {  	v4 =	vadd.s32 v7, v4;
	s24 =	ssub.s32 $0x80, s0;
	(v2sf) =	vpush v5, $0xF  }
0x20c: {  	[tilespmem:s25+$0x12000] =	vst v4;
	s0 =	sshll.u32 s24, $0x6;
	v5 =	vadd.s32 v6, v8  }
0x20d: {  	s0 =	sshra.s32 s0, $0x2;
	[tilespmem:s25+$0x10FF0] =	vst v5  }
0x20e: {  	v4 =	vld [tilespmem:s0+$0x11010]  }
0x20f: {  	v5 =	vld [tilespmem:s0+$0x10000];
	_ =	sdelay $0x3  }
0x210: {  	(xrf0) =	vadd.scan.msk.s32 $0xffff, v4  }
0x211: {  	(xrf0) =	vadd.scan.msk.s32 $0xffff, v5;
	_ =	sdelay $0x4  }
0x212: {  	s26 =	simm.s32 $0x7;
	s29 =	simm.s32 $0x0;
	v4, _, _ =	vpop (xrf0);
	s31 =	spop (v2sf)  }
0x213: {  	s28 =	simm.s32 $0x100;
	s30 =	smov.u32 s24;
	v5, _, _ =	vpop (xrf0);
	s1 =	spop (v2sf);
	(v2sf) =	vpush v4, $0xF  }
0x214: {  	s25 =	simm.s32 $0x100;
	s19 =	ssub.s32 s19, s31;
	s20 =	ssub.s32 s20, s1;
	(v2sf) =	vpush v5, $0xF  }
.LBB2_40:
0x215: {  	_ =	sdelay $0x9  }
0x216: {  	s0 =	smov.u32 s29;
	s1 =	smov.u32 s23  }
0x217: {  	p0 =	sne.s32 s26, $0x1;
	s26 =	sadd.s32 $0xFFFFFFFF, s26;
	_ =	sdelay $0x1  }
0x218: {  	s23 =	spop (v2sf)  }
0x219: {  	p1 =	slt.s32 s23, s20;
	s23 =	spop (v2sf)  }
0x21a: {  	p2 =	slt.s32 s23, s19;
	s23 =	smov.u32 s24  }
0x21b: {  	s29 =	smov.u32 s30;
	s25 =	smov.u32 @p1 s24;
	s23 =	smov.u32 @p1 s1  }
0x21c: {  	s29 =	smov.u32 @p2 s0;
	s28 =	smov.u32 @p2 s30;
	s1 =	sadd.s32 s23, s25  }
0x21d: {  	s0 =	sadd.s32 s29, s28;
	s24 =	sshrl.u32 s1, $0x1F  }
0x21e: {  	s30 =	sand.u32 $0x1, s1;
	s31 =	sshrl.u32 s0, $0x1F;
	p1 =	slt.s32 s1, $0x1  }
0x21f: {  	p3 =	slt.s32 s0, $0x1;
	p2 =	seq.s32 s30, $0x1;
	s30 =	sand.u32 $0x1, s0  }
0x220: {  	s1 =	sadd.s32 s24, s1;
	s24 =	simm.s32 $0x1;
	p1 =	por !p1, !p2  }
0x221: {  	s0 =	sadd.s32 s31, s0;
	p2 =	seq.s32 s30, $0x1;
	p1 =	por !p1, !p1  }
0x222: {  	s1 =	sshra.s32 s1, $0x1;
	p2 =	por !p3, !p2;
	s24 =	simm.s32 @!p1 $0x0  }
0x223: {  	p1 =	por !p2, !p2;
	s24 =	ssub.s32 s1, s24;
	s1 =	simm.s32 $0x1  }
0x224: {  	s0 =	sshra.s32 s0, $0x1;
	s1 =	simm.s32 @!p1 $0x0;
	s31 =	sshll.u32 s24, $0x6  }
0x225: {  	s30 =	ssub.s32 s0, s1;
	s0 =	sshra.s32 s31, $0x2  }
0x226: {  	s1 =	sshll.u32 s30, $0x6;
	v4 =	vld [tilespmem:s0+$0x11010]  }
0x227: {  	s0 =	sshra.s32 s1, $0x2  }
0x228: {  	v5 =	vld [tilespmem:s0+$0x10000];
	_ =	sdelay $0x2  }
0x229: {  	(xrf0) =	vadd.scan.msk.s32 $0xffff, v4;
	_ =	sdelay $0x1  }
0x22a: {  	(xrf0) =	vadd.scan.msk.s32 $0xffff, v5;
	_ =	sdelay $0x2  }
.Ltmp21:
0x22b: {  	(pc) =	sbr.rel @p0 .LBB2_40-.Ltmp21, $3  }
0x22c: {  	v4, _, _ =	vpop (xrf0);
	_ =	sdelay $0x1  }
0x22d: {  	v5, _, _ =	vpop (xrf0);
	(v2sf) =	vpush v4, $0xF  }
0x22e: {  	(v2sf) =	vpush v5, $0xF  }
0x22f: {  	_ =	sdelay $0x8  }
0x230: {  	s0 =	simm.s32 $0x8040  }
0x231: {  	s1 =	simm.s32 $0x40;
	v6 =	vld [tilespmem:s0+$0xFFFFFFC0]  }
0x232: {  	v7 =	vld [tilespmem:s1+$0x20]  }
0x233: {  	v8 =	vld [tilespmem:s0+$0x30]  }
0x234: {  	v9 =	vld [tilespmem:s0+$0x20];
	s25 =	spop (v2sf)  }
0x235: {  	v10 =	vld [tilespmem:s0+$0x0];
	p0 =	slt.s32 s25, s20  }
0x236: {  	s28 =	sshll.u32 s22, $0x7;
	v11 =	vld [tilespmem:s0+$0x10];
	s26 =	spop (v2sf);
	s24 =	smov.u32 @p0 s23  }
0x237: {  	v12 =	vld [tilespmem:s1+$0xFFFFFFC0];
	p1 =	slt.s32 s26, s19;
	s19 =	sor.u32 s28, s24  }
0x238: {  	v14 =	vld [tilespmem:s0+$0xFFFFFFF0];
	s30 =	smov.u32 @p1 s29;
	s29 =	sshll.u32 s21, $0x7;
	v4 =	vmov s19  }
0x239: {  	v15 =	vld [tilespmem:s0+$0xFFFFFFD0];
	s20 =	sor.u32 s29, s30;
	v4 =	vadd.f32 $1.000000010e-07, v4  }
0x23a: {  	s31 =	simm.s32 $0x80C0;
	v20 =	vld [tilespmem:s0+$0xFFFFFFE0];
	v5 =	vmov s20  }
0x23b: {  	v25 =	vld [tilespmem:s31+$0x30];
	v13 =	vadd.f32 $1.000000010e-07, v5;
	v5 =	vbroadcast v4, $0x0  }
0x23c: {  	v16 =	vld [tilespmem:s1+$0xFFFFFFF0]  }
0x23d: {  	v27 =	vld [tilespmem:s31+$0x0];
	v6 =	vsub.f32 v6, v5;
	v11 =	vsub.f32 v11, v5  }
0x23e: {  	v18 =	vld [tilespmem:s1+$0x0];
	v8 =	vsub.f32 v8, v5;
	v15 =	vsub.f32 v15, v5  }
0x23f: {  	v22 =	vld [tilespmem:s1+$0x30];
	v4 =	vbroadcast v13, $0x0;
	v10 =	vsub.f32 v10, v5;
	v14 =	vsub.f32 v14, v5  }
0x240: {  	v20 =	vsub.f32 v20, v5;
	v30 =	vsub.f32 v25, v5  }
0x241: {  	v13 =	vld [tilespmem:s1+$0xFFFFFFD0];
	v17 =	vsub.f32 v7, v4;
	v7 =	vsub.f32 v9, v5  }
0x242: {  	v25 =	vsub.f32 v27, v5;
	v9 =	vld [tilespmem:s1+$0x10];
	v12 =	vsub.f32 v12, v4  }
0x243: {  	v16 =	vsub.f32 v16, v4;
	v18 =	vsub.f32 v18, v4;
	v19 =	vmax.f32 v7, $0.0e+00;
	v7 =	vld [tilespmem:s1+$0xFFFFFFE0]  }
0x244: {  	v22 =	vsub.f32 v22, v4;
	v6 =	vmax.f32 v6, $0.0e+00;
	v11 =	vmax.f32 v11, $0.0e+00  }
0x245: {  	v21 =	vld [tilespmem:s31+$0xFFFFFFC0];
	s19 =	simm.s32 $0xC0;
	v15 =	vmax.f32 v15, $0.0e+00;
	v10 =	vmax.f32 v10, $0.0e+00;
	v12 =	vmax.f32 v12, $0.0e+00  }
0x246: {  	v15 =	vadd.f32 v15, v6;
	v6 =	vmax.f32 v8, $0.0e+00;
	v8 =	vld [tilespmem:s19+$0x20];
	v13 =	vsub.f32 v13, v4  }
0x247: {  	v24 =	vld [tilespmem:s31+$0x20];
	v16 =	vmax.f32 v16, $0.0e+00;
	v18 =	vmax.f32 v18, $0.0e+00;
	v9 =	vsub.f32 v9, v4  }
0x248: {  	v26 =	vadd.f32 v11, v10;
	v10 =	vld [tilespmem:s31+$0x10];
	v13 =	vmax.f32 v13, $0.0e+00;
	v7 =	vsub.f32 v7, v4  }
0x249: {  	v12 =	vadd.f32 v13, v12;
	v13 =	vmax.f32 v17, $0.0e+00;
	v17 =	vld [tilespmem:s31+$0xFFFFFFD0];
	v9 =	vmax.f32 v9, $0.0e+00  }
0x24a: {  	v28 =	vld [tilespmem:s19+$0xFFFFFFC0];
	v11 =	vsub.f32 v21, v5;
	v18 =	vadd.f32 v9, v18;
	v21 =	vmax.f32 v7, $0.0e+00  }
0x24b: {  	v14 =	vmax.f32 v14, $0.0e+00;
	v7 =	vsub.f32 v8, v4;
	v8 =	vadd.f32 v16, v21  }
0x24c: {  	v9 =	vld [tilespmem:s31+$0xFFFFFFF0];
	v16 =	vmax.f32 v20, $0.0e+00;
	v20 =	vsub.f32 v24, v5;
	v24 =	vadd.f32 v6, v19  }
0x24d: {  	v23 =	vimm.f32 $0.0e+00;
	v21 =	vsub.f32 v10, v5;
	v10 =	vld [tilespmem:s19+$0xFFFFFFD0];
	v14 =	vadd.f32 v14, v16  }
0x24e: {  	v16 =	vmax.f32 v22, $0.0e+00;
	v22 =	vld [tilespmem:s19+$0xFFFFFFF0];
	v17 =	vsub.f32 v17, v5;
	v29 =	vadd.f32 v8, v12  }
0x24f: {  	v19 =	vmax.f32 v11, $0.0e+00;
	v8 =	vadd.f32 v16, v13;
	v12 =	vld [tilespmem:s19+$0xFFFFFFE0];
	v16 =	vsub.f32 v28, v4  }
0x250: {  	v6 =	vmax.f32 v20, $0.0e+00;
	v13 =	vmax.f32 v21, $0.0e+00;
	v20 =	vld [tilespmem:s19+$0x10];
	v24 =	vadd.f32 v24, v26  }
0x251: {  	v21 =	vld [tilespmem:s19+$0x0];
	v11 =	vadd.f32 v14, v15;
	v14 =	vadd.f32 v8, v18;
	v8 =	vmax.f32 v16, $0.0e+00  }
0x252: {  	v15 =	vld [tilespmem:s31+$0xFFFFFFE0];
	v16 =	vadd.f32 v29, v23;
	v18 =	vmax.f32 v25, $0.0e+00;
	v25 =	vmax.f32 v17, $0.0e+00  }
0x253: {  	s21 =	simm.s32 $0x8140;
	s20 =	simm.s32 $0x80;
	v17 =	vld [tilespmem:s19+$0x30];
	v23 =	vadd.f32 v11, v23;
	v11 =	vmax.f32 v30, $0.0e+00;
	v22 =	vsub.f32 v22, v4  }
.LBB2_42:
0x254: {  	v26 =	vld [tilespmem:s21+$0xFFFFFFC0];
	s20 =	sadd.s32 $0x80, s20;
	v9 =	vsub.f32 v9, v5;
	v25 =	vadd.f32 v25, v19;
	s19 =	sadd.s32 $0x80, s19  }
0x255: {  	v22 =	vmax.f32 v22, $0.0e+00;
	v19 =	vld [tilespmem:s19+$0x20];
	p0 =	slt.u32 s20, $0x7F80;
	v20 =	vsub.f32 v20, v4;
	v23 =	vadd.f32 v24, v23  }
0x256: {  	v10 =	vsub.f32 v10, v4;
	v27 =	vmax.f32 v7, $0.0e+00;
	v24 =	vld [tilespmem:s21+$0x30];
	v21 =	vsub.f32 v21, v4  }
0x257: {  	v7 =	vsub.f32 v12, v4;
	v12 =	vsub.f32 v15, v5;
	v28 =	vld [tilespmem:s21+$0x20];
	v15 =	vmax.f32 v20, $0.0e+00  }
0x258: {  	v30 =	vadd.f32 v13, v18;
	v16 =	vadd.f32 v14, v16;
	v29 =	vld [tilespmem:s21+$0x0];
	v20 =	vmax.f32 v21, $0.0e+00  }
0x259: {  	v18 =	vmax.f32 v7, $0.0e+00;
	v17 =	vsub.f32 v17, v4;
	v13 =	vsub.f32 v26, v5;
	v14 =	vld [tilespmem:s21+$0x10]  }
0x25a: {  	v31 =	vmax.f32 v9, $0.0e+00;
	v26 =	vmax.f32 v10, $0.0e+00;
	v32 =	vadd.f32 v15, v20;
	v21 =	vld [tilespmem:s19+$0xFFFFFFC0]  }
0x25b: {  	v12 =	vmax.f32 v12, $0.0e+00;
	v15 =	vadd.f32 v22, v18;
	v7 =	vsub.f32 v19, v4;
	v9 =	vld [tilespmem:s21+$0xFFFFFFF0]  }
0x25c: {  	v8 =	vadd.f32 v26, v8;
	v17 =	vmax.f32 v17, $0.0e+00;
	v10 =	vld [tilespmem:s19+$0xFFFFFFD0];
	v18 =	vsub.f32 v28, v5  }
0x25d: {  	v20 =	vadd.f32 v31, v12;
	v26 =	vadd.f32 v11, v6;
	v22 =	vld [tilespmem:s21+$0xFFFFFFD0]  }
0x25e: {  	v11 =	vld [tilespmem:s19+$0xFFFFFFF0];
	v14 =	vsub.f32 v14, v5;
	v6 =	vmax.f32 v18, $0.0e+00;
	v18 =	vadd.f32 v15, v8  }
0x25f: {  	v24 =	vsub.f32 v24, v5;
	v8 =	vadd.f32 v17, v27;
	v12 =	vld [tilespmem:s19+$0xFFFFFFE0]  }
.Ltmp22:
0x260: {  	v19 =	vmax.f32 v13, $0.0e+00;
	v25 =	vadd.f32 v20, v25;
	v17 =	vsub.f32 v21, v4;
	v15 =	vld [tilespmem:s21+$0xFFFFFFE0];
	(pc) =	sbr.rel @p0 .LBB2_42-.Ltmp22, $4  }
0x261: {  	v27 =	vsub.f32 v29, v5;
	v13 =	vmax.f32 v14, $0.0e+00;
	v14 =	vadd.f32 v8, v32;
	v20 =	vld [tilespmem:s19+$0x10]  }
0x262: {  	v16 =	vadd.f32 v18, v16;
	v8 =	vmax.f32 v17, $0.0e+00;
	v17 =	vsub.f32 v22, v5;
	v21 =	vld [tilespmem:s19+$0x0]  }
0x263: {  	v23 =	vadd.f32 v25, v23;
	v18 =	vmax.f32 v27, $0.0e+00;
	v22 =	vsub.f32 v11, v4  }
0x264: {  	s21 =	sadd.s32 $0x80, s21;
	v11 =	vmax.f32 v24, $0.0e+00;
	v24 =	vadd.f32 v26, v30;
	v25 =	vmax.f32 v17, $0.0e+00;
	v17 =	vld [tilespmem:s19+$0x30]  }
0x265: {  	v9 =	vsub.f32 v9, v5;
	v19 =	vadd.f32 v25, v19  }
0x266: {  	v10 =	vsub.f32 v10, v4;
	v12 =	vsub.f32 v12, v4  }
0x267: {  	v15 =	vsub.f32 v15, v5;
	v13 =	vadd.f32 v13, v18  }
0x268: {  	v22 =	vmax.f32 v22, $0.0e+00;
	v14 =	vadd.f32 v14, v16;
	v6 =	vadd.f32 v11, v6  }
0x269: {  	v7 =	vmax.f32 v7, $0.0e+00;
	v20 =	vsub.f32 v20, v4;
	v21 =	vsub.f32 v21, v4  }
0x26a: {  	v12 =	vmax.f32 v12, $0.0e+00;
	v10 =	vmax.f32 v10, $0.0e+00;
	v9 =	vmax.f32 v9, $0.0e+00  }
0x26b: {  	v15 =	vmax.f32 v15, $0.0e+00;
	v20 =	vmax.f32 v20, $0.0e+00;
	v16 =	vsub.f32 v17, v4  }
0x26c: {  	v12 =	vadd.f32 v22, v12;
	v8 =	vadd.f32 v10, v8;
	v21 =	vmax.f32 v21, $0.0e+00  }
0x26d: {  	v9 =	vadd.f32 v9, v15;
	v10 =	vadd.f32 v20, v21;
	v16 =	vmax.f32 v16, $0.0e+00  }
0x26e: {  	v8 =	vadd.f32 v12, v8;
	v7 =	vadd.f32 v16, v7  }
0x26f: {  	v23 =	vadd.f32 v24, v23;
	v9 =	vadd.f32 v9, v19  }
0x270: {  	v8 =	vadd.f32 v8, v14;
	v7 =	vadd.f32 v7, v10  }
0x271: {  	v6 =	vadd.f32 v6, v13;
	v9 =	vadd.f32 v9, v23  }
0x272: {  	v7 =	vadd.f32 v7, v8  }
0x273: {  	v6 =	vadd.f32 v6, v9  }
0x274: {  	(xrf2) =	vadd.scan.msk.f32 $0xffff, v7  }
0x275: {  	(xrf2) =	vadd.scan.msk.f32 $0xffff, v6;
	_ =	sdelay $0x8  }
0x276: {  	v6, _, _ =	vpop (xrf2)  }
0x277: {  	(v2sf) =	vpush v6, $0xF;
	v6, _, _ =	vpop (xrf2)  }
0x278: {  	(v2sf) =	vpush v6, $0xF;
	_ =	sdelay $0xd  }
0x279: {  	s0 =	spop (v2sf)  }
0x27a: {  	s0 =	sadd.f32 $1.000000010e-07, s0;
	s1 =	spop (v2sf)  }
0x27b: {  	s1 =	sadd.f32 $1.000000010e-07, s1  }
0x27c: {  	s21 =	simm.s32 $0x20;
	v6 =	vmov s0  }
0x27d: {  	s19 =	simm.s32 $0x8020;
	v11 =	vld [tilespmem:s21+$0x0];
	(erf) = vrcp.f32 v6;
	v6 =	vmov s1  }
0x27e: {  	v13 =	vld [tilespmem:s19+$0x0];
	(erf) = vrcp.f32 v6  }
0x27f: {  	v6 =	vld [tilespmem:s21+$0x10]  }
0x280: {  	v7 =	vld [tilespmem:s19+$0x10]  }
0x281: {  	v9 =	vld [tilespmem:s21+$0xFFFFFFF0]  }
0x282: {  	v10 =	vld [tilespmem:s19+$0xFFFFFFF0]  }
0x283: {  	v8 =	vld [tilespmem:s19+$0xFFFFFFE0]  }
0x284: {  	v11 =	vsub.f32 v11, v4;
	v12 =	vsub.f32 v6, v4  }
0x285: {  	s20 =	simm.s32 $0x60;
	v15 =	vld [tilespmem:s21+$0xFFFFFFE0];
	v13 =	vsub.f32 v13, v5;
	v14 =	vsub.f32 v7, v5  }
0x286: {  	s22 =	simm.s32 $0x8060;
	v16 =	vld [tilespmem:s20+$0x10];
	v11 =	vmax.f32 v11, $0.0e+00;
	v9 =	vsub.f32 v9, v4;
	v12 =	vmax.f32 v12, $0.0e+00;
	v6 =	vpop (erf)  }
0x287: {  	v17 =	vld [tilespmem:s22+$0x10];
	v10 =	vsub.f32 v10, v5;
	v14 =	vmax.f32 v14, $0.0e+00;
	v7 =	vpop (erf);
	v12 =	vmul.f32 v12, v6  }
0x288: {  	v18 =	vld [tilespmem:s22+$0xFFFFFFE0];
	v8 =	vsub.f32 v8, v5;
	v9 =	vmax.f32 v9, $0.0e+00;
	v14 =	vmul.f32 v14, v7  }
0x289: {  	v13 =	vmax.f32 v13, $0.0e+00;
	v19 =	vmul.f32 v9, v6;
	v9 =	vmax.f32 v10, $0.0e+00;
	[tilespmem:s21+$0x10] =	vst v12;
	v12 =	vld [tilespmem:s20+$0xFFFFFFF0]  }
0x28a: {  	v8 =	vmax.f32 v8, $0.0e+00;
	v10 =	vld [tilespmem:s22+$0xFFFFFFF0];
	v20 =	vmul.f32 v9, v7;
	[tilespmem:s19+$0x10] =	vst v14;
	v14 =	vsub.f32 v15, v4  }
0x28b: {  	v63 =	vsub.f32 v16, v4;
	v8 =	vmul.f32 v8, v7;
	v9 =	vld [tilespmem:s20+$0x0];
	[tilespmem:s21+$0xFFFFFFF0] =	vst v19;
	v19 =	vmul.f32 v11, v6  }
0x28c: {  	v16 =	vmul.f32 v13, v7;
	v11 =	vld [tilespmem:s22+$0x0];
	v15 =	vsub.f32 v17, v5;
	[tilespmem:s19+$0xFFFFFFF0] =	vst v20;
	v17 =	vmax.f32 v14, $0.0e+00  }
0x28d: {  	s24 =	simm.s32 $0x40;
	s25 =	simm.s32 $0xA0;
	s23 =	simm.s32 $0x8060;
	v13 =	vld [tilespmem:s20+$0xFFFFFFE0];
	[tilespmem:s21+$0x0] =	vst v19;
	v14 =	vsub.f32 v18, v5;
	v18 =	vmax.f32 v63, $0.0e+00;
	v17 =	vmul.f32 v17, v6  }
.LBB2_44:
0x28e: {  	v19 =	vld [tilespmem:s25+$0x10];
	v12 =	vsub.f32 v12, v4;
	v18 =	vmul.f32 v18, v6;
	v15 =	vmax.f32 v15, $0.0e+00;
	s22 =	sadd.s32 $0x40, s22;
	[tilespmem:s19+$0x0] =	vst v16  }
0x28f: {  	s24 =	sadd.s32 $0x40, s24;
	v16 =	vld [tilespmem:s22+$0x10];
	v14 =	vmax.f32 v14, $0.0e+00;
	v10 =	vsub.f32 v10, v5;
	v15 =	vmul.f32 v15, v7;
	[tilespmem:s21+$0xFFFFFFE0] =	vst v17;
	s21 =	smov.u32 s20;
	s20 =	smov.u32 s25  }
0x290: {  	p0 =	slt.u32 s24, $0x7FC0;
	v17 =	vld [tilespmem:s22+$0xFFFFFFE0];
	v14 =	vmul.f32 v14, v7;
	v20 =	vmax.f32 v12, $0.0e+00;
	v9 =	vsub.f32 v9, v4;
	[tilespmem:s21+$0x10] =	vst v18  }
.Ltmp23:
0x291: {  	v12 =	vld [tilespmem:s25+$0xFFFFFFF0];
	v18 =	vmul.f32 v20, v6;
	v20 =	vmax.f32 v10, $0.0e+00;
	v11 =	vsub.f32 v11, v5;
	[tilespmem:s23+$0x10] =	vst v15;
	(pc) =	sbr.rel @p0 .LBB2_44-.Ltmp23, $4  }
0x292: {  	v10 =	vld [tilespmem:s22+$0xFFFFFFF0];
	v13 =	vsub.f32 v13, v4;
	v20 =	vmul.f32 v20, v7;
	v15 =	vmax.f32 v9, $0.0e+00;
	[tilespmem:s19+$0xFFFFFFE0] =	vst v8;
	v8 =	vmovc v14;
	s19 =	smov.u32 s23;
	s23 =	smov.u32 s22  }
0x293: {  	v9 =	vld [tilespmem:s25+$0x0];
	v19 =	vsub.f32 v19, v4;
	[tilespmem:s21+$0xFFFFFFF0] =	vst v18;
	v21 =	vmul.f32 v15, v6;
	v14 =	vmax.f32 v11, $0.0e+00  }
0x294: {  	v11 =	vld [tilespmem:s22+$0x0];
	v15 =	vsub.f32 v16, v5;
	v22 =	vmax.f32 v13, $0.0e+00;
	[tilespmem:s19+$0xFFFFFFF0] =	vst v20;
	v16 =	vmul.f32 v14, v7  }
0x295: {  	s25 =	sadd.s32 $0x40, s25;
	v13 =	vld [tilespmem:s20+$0xFFFFFFE0];
	v14 =	vsub.f32 v17, v5;
	v18 =	vmax.f32 v19, $0.0e+00;
	v17 =	vmul.f32 v22, v6;
	[tilespmem:s21+$0x0] =	vst v21  }
0x296: {  	v12 =	vsub.f32 v12, v4;
	v18 =	vmul.f32 v18, v6;
	[tilespmem:s19+$0x0] =	vst v16  }
0x297: {  	v15 =	vmax.f32 v15, $0.0e+00;
	v10 =	vsub.f32 v10, v5;
	[tilespmem:s21+$0xFFFFFFE0] =	vst v17  }
0x298: {  	v15 =	vmul.f32 v15, v7;
	v12 =	vmax.f32 v12, $0.0e+00;
	v9 =	vsub.f32 v9, v4;
	[tilespmem:s20+$0x10] =	vst v18  }
0x299: {  	[tilespmem:s19+$0xFFFFFFE0] =	vst v8;
	v12 =	vmul.f32 v12, v6;
	v10 =	vmax.f32 v10, $0.0e+00;
	v5 =	vsub.f32 v11, v5  }
0x29a: {  	[tilespmem:s23+$0x10] =	vst v15;
	v4 =	vsub.f32 v13, v4;
	v10 =	vmul.f32 v10, v7;
	v9 =	vmax.f32 v9, $0.0e+00  }
0x29b: {  	[tilespmem:s20+$0xFFFFFFF0] =	vst v12;
	v61 =	vmul.f32 v9, v6;
	v5 =	vmax.f32 v5, $0.0e+00  }
0x29c: {  	v4 =	vmax.f32 v4, $0.0e+00;
	[tilespmem:s23+$0xFFFFFFF0] =	vst v10;
	v5 =	vmul.f32 v5, v7  }
0x29d: {  	v62 =	vmax.f32 v14, $0.0e+00;
	v4 =	vmul.f32 v4, v6;
	[tilespmem:s20+$0x0] =	vst v61  }
0x29e: {  	v63 =	vmul.f32 v62, v7;
	[tilespmem:s23+$0x0] =	vst v5  }
0x29f: {  	[tilespmem:s20+$0xFFFFFFE0] =	vst v4  }
0x2a0: {  	[tilespmem:s23+$0xFFFFFFE0] =	vst v63  }
0x2a1: {  	[hbm4b:s5+s12] =	stream.strided.scatter [tilespmem:s2], [sflag:$0x1], $0x8000, s13, s12, $0x38;
	[tilespmem:$0x12080] =	vst v63  }
0x2a2: {  	_ = 	snop  }
0x2a3: {  	[hbm4b:s6+s12] =	stream.strided.scatter [tilespmem:s14], [sflag:$0x2], $0x8000, s13, s12, $0x38;
	[tilespmem:$0x12080] =	vst v63  }
0x2a4: {  	_ =	swait.ge [sflag:s15], $0x8000  }
0x2a5: {  	[sflag:s15] =	ssyncset.done $0x0  }
0x2a6: {  	[sflag:s15] =	ssyncadd.s32 $0xFFFF8000  }
0x2a7: {  	[tilespmem:s2], [sflag:$0x1] =	stream.strided.gather [hbm4b:s7+s12], $0x8000, s13, s12, $0x38;
	[tilespmem:$0x12080] =	vst v63  }
0x2a8: {  	_ =	swait.ge [sflag:s16], $0x8000  }
0x2a9: {  	[sflag:s16] =	ssyncset.done $0x0  }
0x2aa: {  	[sflag:s16] =	ssyncadd.s32 $0xFFFF8000  }
0x2ab: {  	[tilespmem:s14], [sflag:$0x2] =	stream.strided.gather [hbm4b:s8+s12], $0x8000, s13, s12, $0x38;
	[tilespmem:$0x12080] =	vst v63  }
0x2ac: {  	_ =	swait.ge [sflag:s15], $0x8000  }
0x2ad: {  	[sflag:s15] =	ssyncset.done $0x0  }
0x2ae: {  	[sflag:s15] =	ssyncadd.s32 $0xFFFF8000  }
0x2af: {  	_ =	swait.ge [sflag:s16], $0x8000  }
0x2b0: {  	[sflag:s16] =	ssyncset.done $0x0  }
0x2b1: {  	s19 =	simm.s32 $0x10020;
	[sflag:s16] =	ssyncadd.s32 $0xFFFF8000  }
0x2b2: {  	[tilespmem:s19+$0xFFFFFFE0] =	vst v1  }
0x2b3: {  	[tilespmem:s19+$0x10] =	vst v1  }
0x2b4: {  	s20 =	simm.s32 $0x0;
	[tilespmem:s19+$0x0] =	vst v1  }
.LBB2_46:
0x2b5: {  	s20 =	sadd.s32 $0x40, s20  }
0x2b6: {  	[tilespmem:s19+$0xFFFFFFF0] =	vst v1;
	s19 =	sadd.s32 $0x40, s19;
	p0 =	slt.u32 s20, $0x1FC0  }
.Ltmp24:
0x2b7: {  	[tilespmem:s19+$0xFFFFFFE0] =	vst v1;
	(pc) =	sbr.rel @p0 .LBB2_46-.Ltmp24, $3  }
0x2b8: {  	_ =	sdelay $0x1  }
0x2b9: {  	[tilespmem:s19+$0x10] =	vst v1  }
0x2ba: {  	s22 =	simm.s32 $0x12000;
	[tilespmem:s19+$0x0] =	vst v1  }
0x2bb: {  	[tilespmem:s19+$0xFFFFFFF0] =	vst v1;
	s23 =	simm.s32 $0x1FF0  }
.LBB2_48:
0x2bc: {  	s23 =	sadd.s32 $0x10, s23  }
0x2bd: {  	p0 =	slt.u32 s23, $0x2010  }
.Ltmp25:
0x2be: {  	_ = 	snop;
	(pc) =	sbr.rel @p0 .LBB2_48-.Ltmp25, $3  }
0x2bf: {  	_ =	sdelay $0x1  }
0x2c0: {  	[tilespmem:s22+$0x0] =	vst v1;
	s22 =	sadd.s32 $0x10, s22  }
0x2c1: {  	s20 =	simm.s32 $0xFFFFFFC0;
	s19 =	simm.s32 $0x8020;
	s21 =	simm.s32 $0x20  }
0x2c2: {  	v4 =	vld [tilespmem:s21+$0x10]  }
0x2c3: {  	v5 =	vld [tilespmem:s21+$0xFFFFFFF0];
	_ =	sdelay $0x2  }
0x2c4: {  	v6 =	vld [tilespmem:s21+$0xFFFFFFE0]  }
0x2c5: {  	v4 =	vshrl.u32 v4, $0x13  }
0x2c6: {  	v5 =	vshrl.u32 v5, $0x13;
	v4 =	vand.u32 $0xFF0, v4  }
0x2c7: {  	v5 =	vand.u32 $0xFF0, v5;
	v4 =	vor.u32 v0, v4  }
0x2c8: {  	v7 =	vld [tilespmem:s21+$0x0];
	v5 =	vor.u32 v0, v5  }
0x2c9: {  	v6 =	vshrl.u32 v6, $0x13  }
0x2ca: {  	v6 =	vand.u32 $0xFF0, v6  }
0x2cb: {  	v6 =	vor.u32 v0, v6  }
0x2cc: {  	[tilespmem:v4+s17+$0x0] =	vst.idx.add.s32.msk $0xffff, v2  }
0x2cd: {  	v4 =	vshrl.u32 v7, $0x13;
	[tilespmem:v5+s17+$0x0] =	vst.idx.add.s32.msk $0xffff, v2  }
0x2ce: {  	s0 =	sadd.s32 $0x40, s21;
	v7 =	vld [tilespmem:s19+$0x10];
	v4 =	vand.u32 $0xFF0, v4  }
0x2cf: {  	v5 =	vld [tilespmem:s0+$0x10];
	v4 =	vor.u32 v0, v4  }
0x2d0: {  	[tilespmem:v6+s17+$0x0] =	vst.idx.add.s32.msk $0xffff, v2  }
0x2d1: {  	v6 =	vld [tilespmem:s0+$0xFFFFFFF0]  }
0x2d2: {  	v8 =	vld [tilespmem:s0+$0xFFFFFFE0]  }
0x2d3: {  	v9 =	vld [tilespmem:s0+$0x0];
	v7 =	vshrl.u32 v7, $0x13  }
0x2d4: {  	v7 =	vand.u32 $0xFF0, v7;
	[tilespmem:v4+s17+$0x0] =	vst.idx.add.s32.msk $0xffff, v2;
	v4 =	vshrl.u32 v5, $0x13  }
0x2d5: {  	v10 =	vld [tilespmem:s19+$0xFFFFFFE0];
	v5 =	vadd.s32 v3, v7;
	v4 =	vand.u32 $0xFF0, v4  }
0x2d6: {  	v11 =	vld [tilespmem:s19+$0xFFFFFFF0];
	v6 =	vshrl.u32 v6, $0x13;
	v4 =	vor.u32 v0, v4  }
0x2d7: {  	v6 =	vand.u32 $0xFF0, v6;
	v12 =	vld [tilespmem:s19+$0x0];
	v7 =	vshrl.u32 v8, $0x13  }
0x2d8: {  	v13 =	vor.u32 v0, v6;
	v6 =	vand.u32 $0xFF0, v7  }
0x2d9: {  	v7 =	vshrl.u32 v9, $0x13;
	v9 =	vor.u32 v0, v6  }
0x2da: {  	v6 =	vand.u32 $0xFF0, v7;
	[tilespmem:v5+s17+$0x0] =	vst.idx.add.s32.msk $0xffff, v2  }
0x2db: {  	s19 =	sadd.s32 $0x40, s19;
	v7 =	vor.u32 v0, v6;
	v5 =	vshrl.u32 v10, $0x13;
	[tilespmem:v4+s17+$0x0] =	vst.idx.add.s32.msk $0xffff, v2  }
0x2dc: {  	v10 =	vshrl.u32 v12, $0x13;
	v4 =	vand.u32 $0xFF0, v5;
	v5 =	vshrl.u32 v11, $0x13;
	v8 =	vld [tilespmem:s19+$0x10]  }
0x2dd: {  	s1 =	sadd.s32 $0x40, s20;
	[tilespmem:v13+s17+$0x0] =	vst.idx.add.s32.msk $0xffff, v2;
	v6 =	vadd.s32 v3, v4;
	v4 =	vand.u32 $0xFF0, v5;
	v5 =	vand.u32 $0xFF0, v10  }
0x2de: {  	s20 =	sadd.s32 $0x40, s1;
	s21 =	sadd.s32 $0x40, s0;
	[tilespmem:v9+s17+$0x0] =	vst.idx.add.s32.msk $0xffff, v2;
	v4 =	vadd.s32 v3, v4;
	v5 =	vadd.s32 v3, v5  }
.LBB2_50:
0x2df: {  	v9 =	vld [tilespmem:s21+$0x10];
	s20 =	sadd.s32 $0x40, s20  }
0x2e0: {  	v10 =	vld [tilespmem:s21+$0xFFFFFFF0];
	p0 =	slt.u32 s20, $0x7FC0  }
0x2e1: {  	v11 =	vld [tilespmem:s21+$0x0];
	v8 =	vshrl.u32 v8, $0x13  }
0x2e2: {  	v12 =	vld [tilespmem:s21+$0xFFFFFFE0];
	v8 =	vand.u32 $0xFF0, v8  }
0x2e3: {  	[tilespmem:v7+s17+$0x0] =	vst.idx.add.s32.msk $0xffff, v2;
	v8 =	vadd.s32 v3, v8  }
0x2e4: {  	v7 =	vshrl.u32 v9, $0x13;
	v9 =	vld [tilespmem:s19+$0xFFFFFFE0]  }
0x2e5: {  	v10 =	vshrl.u32 v10, $0x13;
	v7 =	vand.u32 $0xFF0, v7;
	v13 =	vld [tilespmem:s19+$0xFFFFFFF0]  }
0x2e6: {  	v10 =	vand.u32 $0xFF0, v10;
	v11 =	vshrl.u32 v11, $0x13;
	v14 =	vor.u32 v0, v7;
	v15 =	vld [tilespmem:s19+$0x0]  }
0x2e7: {  	v7 =	vshrl.u32 v12, $0x13;
	v10 =	vor.u32 v0, v10;
	v11 =	vand.u32 $0xFF0, v11;
	[tilespmem:v6+s17+$0x0] =	vst.idx.add.s32.msk $0xffff, v2  }
0x2e8: {  	v6 =	vand.u32 $0xFF0, v7;
	v7 =	vor.u32 v0, v11;
	[tilespmem:v8+s17+$0x0] =	vst.idx.add.s32.msk $0xffff, v2  }
0x2e9: {  	v11 =	vor.u32 v0, v6;
	v6 =	vshrl.u32 v9, $0x13;
	[tilespmem:v4+s17+$0x0] =	vst.idx.add.s32.msk $0xffff, v2  }
.Ltmp26:
0x2ea: {  	v4 =	vand.u32 $0xFF0, v6;
	v8 =	vshrl.u32 v13, $0x13;
	[tilespmem:v5+s17+$0x0] =	vst.idx.add.s32.msk $0xffff, v2;
	(pc) =	sbr.rel @p0 .LBB2_50-.Ltmp26, $4  }
0x2eb: {  	s19 =	sadd.s32 $0x40, s19;
	[tilespmem:v14+s17+$0x0] =	vst.idx.add.s32.msk $0xffff, v2;
	v6 =	vadd.s32 v3, v4;
	v4 =	vand.u32 $0xFF0, v8;
	v5 =	vshrl.u32 v15, $0x13  }
0x2ec: {  	v8 =	vld [tilespmem:s19+$0x10];
	v4 =	vadd.s32 v3, v4;
	v5 =	vand.u32 $0xFF0, v5  }
0x2ed: {  	[tilespmem:v10+s17+$0x0] =	vst.idx.add.s32.msk $0xffff, v2;
	v5 =	vadd.s32 v3, v5  }
0x2ee: {  	s21 =	sadd.s32 $0x40, s21;
	[tilespmem:v11+s17+$0x0] =	vst.idx.add.s32.msk $0xffff, v2  }
0x2ef: {  	_ =	sdelay $0x3  }
0x2f0: {  	[tilespmem:v7+s17+$0x0] =	vst.idx.add.s32.msk $0xffff, v2  }
0x2f1: {  	v7 =	vld [tilespmem:s19+$0xFFFFFFE0]  }
0x2f2: {  	v9 =	vld [tilespmem:s19+$0xFFFFFFF0]  }
0x2f3: {  	v10 =	vld [tilespmem:s19+$0x0];
	v8 =	vshrl.u32 v8, $0x13  }
0x2f4: {  	v8 =	vand.u32 $0xFF0, v8  }
0x2f5: {  	v8 =	vadd.s32 v3, v8  }
0x2f6: {  	v7 =	vshrl.u32 v7, $0x13  }
0x2f7: {  	v9 =	vshrl.u32 v9, $0x13;
	v7 =	vand.u32 $0xFF0, v7  }
0x2f8: {  	v9 =	vand.u32 $0xFF0, v9;
	v10 =	vshrl.u32 v10, $0x13;
	v7 =	vadd.s32 v3, v7  }
0x2f9: {  	[tilespmem:v6+s17+$0x0] =	vst.idx.add.s32.msk $0xffff, v2;
	v6 =	vadd.s32 v3, v9;
	v63 =	vand.u32 $0xFF0, v10  }
0x2fa: {  	[tilespmem:v8+s17+$0x0] =	vst.idx.add.s32.msk $0xffff, v2;
	v8 =	vadd.s32 v3, v63  }
0x2fb: {  	[tilespmem:v4+s17+$0x0] =	vst.idx.add.s32.msk $0xffff, v2;
	p0 =	por $0x1, $0x1  }
.Ltmp27:
0x2fc: {  	[tilespmem:v5+s17+$0x0] =	vst.idx.add.s32.msk $0xffff, v2;
	(pc) =	sbr.rel @!p0 .LBB2_53-.Ltmp27, $4  }
0x2fd: {  	[tilespmem:v7+s17+$0x0] =	vst.idx.add.s32.msk $0xffff, v2  }
0x2fe: {  	[tilespmem:v6+s17+$0x0] =	vst.idx.add.s32.msk $0xffff, v2  }
0x2ff: {  	s20 =	simm.s32 $0x0;
	[tilespmem:v8+s17+$0x0] =	vst.idx.add.s32.msk $0xffff, v2  }
0x300: {  	v4 =	vimm.s32 $0x0;
	s21 =	simm.s32 $0xFFFFFFC0;
	v5 =	vimm.s32 $0x0;
	s19 =	simm.s32 $0x0;
	v6 =	vld [tilespmem:s20+$0x10FF0]  }
.LBB2_52:
0x301: {  	p0 =	sne.s32 s21, $0xFFFFC040;
	v7 =	vld [tilespmem:s20+$0x12000];
	_ =	sdelay $0x1  }
.Ltmp28:
0x302: {  	(pc) =	sbr.rel @p0 .LBB2_52-.Ltmp28, $4  }
0x303: {  	_ = 	snop  }
0x304: {  	v4 =	vadd.s32 v4, v6  }
0x305: {  	s0 =	sshra.s32 s21, $0x2;
	v5 =	vadd.s32 v5, v7;
	[tilespmem:s20+$0x10FF0] =	vst v4  }
0x306: {  	s21 =	sadd.s32 $0xFFFFFFC0, s21;
	v6 =	vld [tilespmem:s0+$0x10FF0];
	[tilespmem:s20+$0x12000] =	vst v5;
	s20 =	smov.u32 s0  }
.LBB2_53:
0x307: {  	s0 =	simm.s32 $0x100  }
0x308: {  	s0 =	sand.u32 $0x1, s0  }
0x309: {  	v7 =	vld [tilespmem:s20+$0x12000];
	p0 =	por $0x0, $0x0;
	p1 =	seq.s32 s0, $0x1  }
0x30a: {  	p0 =	por !p0, !p1  }
0x30b: {  	s0 =	simm.s32 $0x1;
	p0 =	por !p0, !p0  }
0x30c: {  	s0 =	simm.s32 @!p0 $0x0  }
0x30d: {  	v4 =	vadd.s32 v4, v6;
	s23 =	ssub.s32 $0x80, s0  }
0x30e: {  	v5 =	vadd.s32 v5, v7;
	[tilespmem:s20+$0x10FF0] =	vst v4;
	s0 =	sshll.u32 s23, $0x6  }
0x30f: {  	[tilespmem:s20+$0x12000] =	vst v5;
	s0 =	sshra.s32 s0, $0x2  }
0x310: {  	v4 =	vld [tilespmem:s0+$0x11010]  }
0x311: {  	v5 =	vld [tilespmem:s0+$0x10000];
	_ =	sdelay $0x3  }
0x312: {  	(xrf0) =	vadd.scan.msk.s32 $0xffff, v4  }
0x313: {  	(xrf0) =	vadd.scan.msk.s32 $0xffff, v5;
	_ =	sdelay $0x4  }
0x314: {  	v4, _, _ =	vpop (xrf0)  }
0x315: {  	s22 =	simm.s32 $0x100;
	s21 =	simm.s32 $0x7;
	v5, _, _ =	vpop (xrf0);
	(v2sf) =	vpush v4, $0xF  }
0x316: {  	s24 =	simm.s32 $0x100;
	s20 =	simm.s32 $0x0;
	s25 =	smov.u32 s23;
	(v2sf) =	vpush v5, $0xF  }
.LBB2_54:
0x317: {  	_ =	sdelay $0x9  }
0x318: {  	s0 =	smov.u32 s24;
	s1 =	smov.u32 s22  }
0x319: {  	p0 =	sne.s32 s21, $0x1;
	s21 =	sadd.s32 $0xFFFFFFFF, s21;
	_ =	sdelay $0x1  }
0x31a: {  	s22 =	spop (v2sf)  }
0x31b: {  	p1 =	sgt.s32 s22, $0x1F;
	s22 =	spop (v2sf)  }
0x31c: {  	p2 =	sgt.s32 s22, $0x1F;
	s22 =	smov.u32 s23  }
0x31d: {  	s24 =	smov.u32 s25;
	s19 =	smov.u32 @p1 s23;
	s22 =	smov.u32 @p1 s1  }
0x31e: {  	s20 =	smov.u32 @p2 s25;
	s24 =	smov.u32 @p2 s0;
	s1 =	sadd.s32 s19, s22  }
0x31f: {  	s0 =	sadd.s32 s20, s24;
	s23 =	sshrl.u32 s1, $0x1F  }
0x320: {  	s25 =	sand.u32 $0x1, s1;
	s26 =	sshrl.u32 s0, $0x1F;
	p1 =	slt.s32 s1, $0x1  }
0x321: {  	p3 =	slt.s32 s0, $0x1;
	p2 =	seq.s32 s25, $0x1;
	s25 =	sand.u32 $0x1, s0  }
0x322: {  	s1 =	sadd.s32 s23, s1;
	s23 =	simm.s32 $0x1;
	p1 =	por !p1, !p2  }
0x323: {  	s0 =	sadd.s32 s26, s0;
	p2 =	seq.s32 s25, $0x1;
	p1 =	por !p1, !p1  }
0x324: {  	s1 =	sshra.s32 s1, $0x1;
	p2 =	por !p3, !p2;
	s23 =	simm.s32 @!p1 $0x0  }
0x325: {  	p1 =	por !p2, !p2;
	s23 =	ssub.s32 s1, s23;
	s1 =	simm.s32 $0x1  }
0x326: {  	s0 =	sshra.s32 s0, $0x1;
	s1 =	simm.s32 @!p1 $0x0;
	s26 =	sshll.u32 s23, $0x6  }
0x327: {  	s25 =	ssub.s32 s0, s1;
	s0 =	sshra.s32 s26, $0x2  }
0x328: {  	s1 =	sshll.u32 s25, $0x6;
	v4 =	vld [tilespmem:s0+$0x11010]  }
0x329: {  	s0 =	sshra.s32 s1, $0x2  }
0x32a: {  	v5 =	vld [tilespmem:s0+$0x10000];
	_ =	sdelay $0x2  }
0x32b: {  	(xrf0) =	vadd.scan.msk.s32 $0xffff, v4;
	_ =	sdelay $0x1  }
0x32c: {  	(xrf0) =	vadd.scan.msk.s32 $0xffff, v5;
	_ =	sdelay $0x2  }
.Ltmp29:
0x32d: {  	(pc) =	sbr.rel @p0 .LBB2_54-.Ltmp29, $3  }
0x32e: {  	v4, _, _ =	vpop (xrf0);
	_ =	sdelay $0x1  }
0x32f: {  	v5, _, _ =	vpop (xrf0);
	(v2sf) =	vpush v4, $0xF  }
0x330: {  	(v2sf) =	vpush v5, $0xF  }
0x331: {  	_ =	sdelay $0xc  }
0x332: {  	s0 =	spop (v2sf)  }
0x333: {  	s1 =	spop (v2sf);
	p1 =	sgt.s32 s0, $0x1F  }
0x334: {  	p0 =	sgt.s32 s1, $0x1F;
	s19 =	smov.u32 @p1 s23  }
0x335: {  	s20 =	smov.u32 @p0 s25;
	s30 =	sshll.u32 s19, $0x6  }
0x336: {  	s29 =	sshll.u32 s20, $0x6;
	s31 =	sshra.s32 s30, $0x2  }
0x337: {  	s21 =	simm.s32 $0x10020;
	s0 =	sshra.s32 s29, $0x2;
	v5 =	vld [tilespmem:s31+$0x11020]  }
0x338: {  	v4 =	vld [tilespmem:s0+$0x10010];
	[tilespmem:s21+$0xFFFFFFE0] =	vst v1  }
0x339: {  	[tilespmem:s21+$0x10] =	vst v1  }
0x33a: {  	s22 =	simm.s32 $0x0;
	[tilespmem:s21+$0x0] =	vst v1  }
.LBB2_56:
0x33b: {  	s22 =	sadd.s32 $0x40, s22  }
0x33c: {  	[tilespmem:s21+$0xFFFFFFF0] =	vst v1;
	s21 =	sadd.s32 $0x40, s21;
	p0 =	slt.u32 s22, $0x1FC0  }
.Ltmp30:
0x33d: {  	[tilespmem:s21+$0xFFFFFFE0] =	vst v1;
	(pc) =	sbr.rel @p0 .LBB2_56-.Ltmp30, $3  }
0x33e: {  	_ =	sdelay $0x1  }
0x33f: {  	[tilespmem:s21+$0x10] =	vst v1  }
0x340: {  	s23 =	simm.s32 $0x12000;
	[tilespmem:s21+$0x0] =	vst v1  }
0x341: {  	[tilespmem:s21+$0xFFFFFFF0] =	vst v1;
	s21 =	simm.s32 $0x1FF0  }
.LBB2_58:
0x342: {  	s21 =	sadd.s32 $0x10, s21  }
0x343: {  	p0 =	slt.u32 s21, $0x2010  }
.Ltmp31:
0x344: {  	_ = 	snop;
	(pc) =	sbr.rel @p0 .LBB2_58-.Ltmp31, $2  }
0x345: {  	_ =	sdelay $0x2  }
0x346: {  	[tilespmem:s23+$0x0] =	vst v1;
	s23 =	sadd.s32 $0x10, s23  }
0x347: {  	s21 =	simm.s32 $0x20  }
0x348: {  	v8 =	vld [tilespmem:s21+$0xFFFFFFE0];
	_ =	sdelay $0x2  }
0x349: {  	v9 =	vld [tilespmem:s21+$0x0];
	_ =	sdelay $0x1  }
0x34a: {  	v7 =	vmov s20;
	v10 =	vshrl.u32 v8, $0xB;
	v8 =	vshrl.u32 v8, $0x17  }
0x34b: {  	vm0 =	veq.s32 v8, v7;
	v8 =	vand.u32 $0xFF0, v10  }
0x34c: {  	v10 =	vld [tilespmem:s21+$0xFFFFFFF0];
	v8 =	vor.u32 v0, v8  }
0x34d: {  	v12 =	vshrl.u32 v9, $0xB;
	v9 =	vshrl.u32 v9, $0x17  }
0x34e: {  	s0 =	simm.s32 $0x60;
	v11 =	vld [tilespmem:s21+$0x10];
	vm1 =	veq.s32 v9, v7;
	v9 =	vand.u32 $0xFF0, v12  }
0x34f: {  	v12 =	vld [tilespmem:s0+$0xFFFFFFE0];
	v9 =	vor.u32 v0, v9;
	_ =	sdelay $0x1  }
0x350: {  	[tilespmem:v8+s17+$0x0] =	vst.idx.add.s32.msk vm0, v2;
	v8 =	vshrl.u32 v10, $0xB;
	v10 =	vshrl.u32 v10, $0x17  }
0x351: {  	s22 =	simm.s32 $0x8020;
	v15 =	vld [tilespmem:s0+$0xFFFFFFF0];
	vm0 =	veq.s32 v10, v7;
	v8 =	vand.u32 $0xFF0, v8  }
0x352: {  	v13 =	vld [tilespmem:s22+$0xFFFFFFE0];
	v8 =	vor.u32 v0, v8  }
0x353: {  	[tilespmem:v9+s17+$0x0] =	vst.idx.add.s32.msk vm1, v2;
	v9 =	vshrl.u32 v12, $0xB;
	v10 =	vshrl.u32 v11, $0x17;
	v11 =	vshrl.u32 v11, $0xB  }
0x354: {  	v14 =	vld [tilespmem:s0+$0x0];
	vm2 =	veq.s32 v10, v7;
	v10 =	vshrl.u32 v12, $0x17;
	v11 =	vand.u32 $0xFF0, v11  }
0x355: {  	v16 =	vld [tilespmem:s22+$0x0];
	v9 =	vand.u32 $0xFF0, v9;
	vm1 =	veq.s32 v10, v7;
	v12 =	vor.u32 v0, v11  }
0x356: {  	v9 =	vor.u32 v0, v9  }
0x357: {  	v6 =	vmov s19;
	v11 =	vshrl.u32 v13, $0x17;
	[tilespmem:v8+s17+$0x0] =	vst.idx.add.s32.msk vm0, v2  }
0x358: {  	v17 =	vshrl.u32 v15, $0xB;
	v10 =	vshrl.u32 v13, $0xB;
	vm0 =	veq.s32 v11, v6;
	v11 =	vld [tilespmem:s22+$0xFFFFFFF0]  }
0x359: {  	v13 =	vshrl.u32 v14, $0xB;
	v14 =	vshrl.u32 v14, $0x17;
	v8 =	vand.u32 $0xFF0, v10;
	v10 =	vld [tilespmem:s0+$0x10]  }
0x35a: {  	v18 =	vshrl.u32 v16, $0x17;
	vm3 =	veq.s32 v14, v7;
	v14 =	vand.u32 $0xFF0, v17;
	[tilespmem:v12+s17+$0x0] =	vst.idx.add.s32.msk vm2, v2  }
0x35b: {  	s21 =	simm.s32 $0x8060;
	vm0 =	vmmov vm0;
	v12 =	vshrl.u32 v15, $0x17;
	[tilespmem:v9+s17+$0x0] =	vst.idx.add.s32.msk vm1, v2;
	v9 =	vand.u32 $0xFF0, v13  }
0x35c: {  	v15 =	vshrl.u32 v16, $0xB;
	vm2 =	veq.s32 v12, v7;
	v12 =	vld [tilespmem:s21+$0xFFFFFFE0];
	v13 =	vor.u32 v0, v9  }
0x35d: {  	s23 =	simm.s32 $0x40;
	s24 =	simm.s32 $0xA0;
	v14 =	vor.u32 v0, v14;
	vm1 =	veq.s32 v18, v6;
	v9 =	vld [tilespmem:s22+$0x10];
	s22 =	simm.s32 $0x8060;
	v16 =	vshrl.u32 v11, $0xB  }
.LBB2_60:
0x35e: {  	v17 =	vld [tilespmem:s24+$0xFFFFFFE0];
	s23 =	sadd.s32 $0x40, s23;
	v16 =	vand.u32 $0xFF0, v16;
	v11 =	vshrl.u32 v11, $0x17;
	v15 =	vand.u32 $0xFF0, v15  }
0x35f: {  	v18 =	vld [tilespmem:s24+$0x0];
	p0 =	slt.u32 s23, $0x7FC0;
	v16 =	vadd.s32 v3, v16;
	vm4 =	veq.s32 v11, v6;
	v11 =	vadd.s32 v3, v15  }
0x360: {  	v19 =	vshrl.u32 v10, $0xB;
	v10 =	vshrl.u32 v10, $0x17;
	v20 =	vadd.s32 v3, v8;
	v15 =	vld [tilespmem:s24+$0xFFFFFFF0]  }
0x361: {  	v8 =	vshrl.u32 v12, $0xB;
	v12 =	vshrl.u32 v12, $0x17;
	[tilespmem:v13+s17+$0x0] =	vst.idx.add.s32.msk vm3, v2;
	vm3 =	veq.s32 v10, v7  }
0x362: {  	v8 =	vand.u32 $0xFF0, v8;
	vm5 =	veq.s32 v12, v6;
	v10 =	vshrl.u32 v9, $0xB;
	[tilespmem:v14+s17+$0x0] =	vst.idx.add.s32.msk vm2, v2  }
0x363: {  	v12 =	vshrl.u32 v17, $0xB;
	v13 =	vshrl.u32 v17, $0x17;
	v14 =	vld [tilespmem:s21+$0x0];
	v17 =	vand.u32 $0xFF0, v19  }
0x364: {  	vm2 =	veq.s32 v13, v7;
	v12 =	vand.u32 $0xFF0, v12;
	v13 =	vor.u32 v0, v17;
	[tilespmem:v11+s17+$0x0] =	vst.idx.add.s32.msk vm1, v2  }
0x365: {  	v9 =	vshrl.u32 v9, $0x17;
	v11 =	vand.u32 $0xFF0, v10;
	v12 =	vor.u32 v0, v12;
	[tilespmem:v20+s17+$0x0] =	vst.idx.add.s32.msk vm0, v2  }
0x366: {  	vm0 =	vmmov vm5;
	[tilespmem:v16+s17+$0x0] =	vst.idx.add.s32.msk vm4, v2;
	vm4 =	veq.s32 v9, v6  }
0x367: {  	v17 =	vadd.s32 v3, v11;
	v10 =	vld [tilespmem:s24+$0x10]  }
0x368: {  	v11 =	vld [tilespmem:s21+$0xFFFFFFF0]  }
.Ltmp32:
0x369: {  	v9 =	vshrl.u32 v18, $0xB;
	v16 =	vshrl.u32 v18, $0x17;
	[tilespmem:v13+s17+$0x0] =	vst.idx.add.s32.msk vm3, v2;
	(pc) =	sbr.rel @p0 .LBB2_60-.Ltmp32, $4  }
0x36a: {  	v18 =	vshrl.u32 v14, $0x17;
	s21 =	sadd.s32 $0x40, s21;
	v13 =	vshrl.u32 v15, $0xB;
	v15 =	vshrl.u32 v15, $0x17;
	[tilespmem:v12+s17+$0x0] =	vst.idx.add.s32.msk vm2, v2  }
0x36b: {  	v9 =	vand.u32 $0xFF0, v9;
	vm3 =	veq.s32 v16, v7;
	vm2 =	veq.s32 v15, v7;
	v12 =	vld [tilespmem:s21+$0xFFFFFFE0]  }
0x36c: {  	v16 =	vand.u32 $0xFF0, v13;
	v13 =	vor.u32 v0, v9;
	v15 =	vshrl.u32 v14, $0xB;
	v9 =	vld [tilespmem:s22+$0x10];
	s22 =	smov.u32 s21  }
0x36d: {  	s24 =	sadd.s32 $0x40, s24;
	vm1 =	veq.s32 v18, v6;
	v14 =	vor.u32 v0, v16;
	v16 =	vshrl.u32 v11, $0xB;
	[tilespmem:v17+s17+$0x0] =	vst.idx.add.s32.msk vm4, v2  }
0x36e: {  	_ =	sdelay $0x2  }
0x36f: {  	v17 =	vshrl.u32 v10, $0xB;
	v10 =	vshrl.u32 v10, $0x17  }
0x370: {  	vm4 =	veq.s32 v10, v7;
	v7 =	vand.u32 $0xFF0, v17  }
0x371: {  	[tilespmem:v13+s17+$0x0] =	vst.idx.add.s32.msk vm3, v2;
	v7 =	vor.u32 v0, v7  }
0x372: {  	[tilespmem:v14+s17+$0x0] =	vst.idx.add.s32.msk vm2, v2  }
0x373: {  	v11 =	vshrl.u32 v11, $0x17;
	v55 =	vand.u32 $0xFF0, v15;
	v13 =	vld [tilespmem:s21+$0x0]  }
0x374: {  	v8 =	vadd.s32 v3, v8;
	v10 =	vand.u32 $0xFF0, v16;
	vm12 =	veq.s32 v11, v6;
	v11 =	vld [tilespmem:s21+$0xFFFFFFF0]  }
0x375: {  	v14 =	vadd.s32 v3, v55;
	v10 =	vadd.s32 v3, v10;
	v56 =	vshrl.u32 v12, $0xB  }
0x376: {  	v57 =	vshrl.u32 v12, $0x17;
	v58 =	vshrl.u32 v9, $0xB;
	v9 =	vshrl.u32 v9, $0x17;
	[tilespmem:v7+s17+$0x0] =	vst.idx.add.s32.msk vm4, v2  }
0x377: {  	v15 =	vand.u32 $0xFF0, v56;
	vm13 =	veq.s32 v57, v6;
	vm14 =	veq.s32 v9, v6;
	v59 =	vld [tilespmem:s22+$0x10]  }
0x378: {  	vm3 =	vmmov vm13;
	v9 =	vshrl.u32 v13, $0x17;
	v13 =	vshrl.u32 v13, $0xB  }
0x379: {  	v60 =	vshrl.u32 v11, $0xB;
	v7 =	vand.u32 $0xFF0, v58;
	vm5 =	veq.s32 v9, v6  }
0x37a: {  	v9 =	vshrl.u32 v11, $0x17;
	v11 =	vand.u32 $0xFF0, v13;
	v7 =	vadd.s32 v3, v7  }
0x37b: {  	v61 =	vand.u32 $0xFF0, v60;
	vm6 =	veq.s32 v9, v6;
	v9 =	vadd.s32 v3, v11  }
0x37c: {  	[tilespmem:v8+s17+$0x0] =	vst.idx.add.s32.msk vm0, v2;
	v11 =	vadd.s32 v3, v15;
	v62 =	vshrl.u32 v59, $0xB;
	v12 =	vshrl.u32 v59, $0x17  }
0x37d: {  	[tilespmem:v14+s17+$0x0] =	vst.idx.add.s32.msk vm1, v2;
	v8 =	vadd.s32 v3, v61;
	v63 =	vand.u32 $0xFF0, v62;
	vm15 =	veq.s32 v12, v6  }
0x37e: {  	[tilespmem:v10+s17+$0x0] =	vst.idx.add.s32.msk vm12, v2;
	v6 =	vadd.s32 v3, v63  }
0x37f: {  	[tilespmem:v7+s17+$0x0] =	vst.idx.add.s32.msk vm14, v2  }
0x380: {  	[tilespmem:v9+s17+$0x0] =	vst.idx.add.s32.msk vm5, v2  }
0x381: {  	[tilespmem:v11+s17+$0x0] =	vst.idx.add.s32.msk vm3, v2  }
0x382: {  	[tilespmem:v8+s17+$0x0] =	vst.idx.add.s32.msk vm6, v2  }
0x383: {  	s21 =	simm.s32 $0x0;
	[tilespmem:v6+s17+$0x0] =	vst.idx.add.s32.msk vm15, v2  }
0x384: {  	s22 =	simm.s32 $0xFFFFFFC0;
	v7 =	vimm.s32 $0x0;
	v6 =	vimm.s32 $0x0;
	v8 =	vld [tilespmem:s21+$0x10FF0]  }
.LBB2_62:
0x385: {  	p0 =	sne.s32 s22, $0xFFFFC040;
	v9 =	vld [tilespmem:s21+$0x12000];
	_ =	sdelay $0x1  }
.Ltmp33:
0x386: {  	(pc) =	sbr.rel @p0 .LBB2_62-.Ltmp33, $4  }
0x387: {  	_ = 	snop  }
0x388: {  	v6 =	vadd.s32 v6, v8  }
0x389: {  	s0 =	sshra.s32 s22, $0x2;
	v7 =	vadd.s32 v7, v9;
	[tilespmem:s21+$0x10FF0] =	vst v6  }
0x38a: {  	s22 =	sadd.s32 $0xFFFFFFC0, s22;
	v8 =	vld [tilespmem:s0+$0x10FF0];
	[tilespmem:s21+$0x12000] =	vst v7;
	s21 =	smov.u32 s0  }
0x38b: {  	(xrf0) =	vadd.scan.msk.s32 $0xffff, v4  }
0x38c: {  	(xrf0) =	vadd.scan.msk.s32 $0xffff, v5  }
0x38d: {  	s0 =	simm.s32 $0x100  }
0x38e: {  	v4 =	vld [tilespmem:s21+$0x12000];
	s0 =	sand.u32 $0x1, s0  }
0x38f: {  	p0 =	por $0x0, $0x0;
	p1 =	seq.s32 s0, $0x1  }
0x390: {  	p0 =	por !p0, !p1  }
0x391: {  	s0 =	simm.s32 $0x1;
	p0 =	por !p0, !p0;
	v5, _, _ =	vpop (xrf0)  }
0x392: {  	s0 =	simm.s32 @!p0 $0x0;
	(v2sf) =	vpush v5, $0xF;
	v5, _, _ =	vpop (xrf0)  }
0x393: {  	v4 =	vadd.s32 v7, v4;
	s24 =	ssub.s32 $0x80, s0;
	(v2sf) =	vpush v5, $0xF  }
0x394: {  	[tilespmem:s21+$0x12000] =	vst v4;
	s0 =	sshll.u32 s24, $0x6;
	v5 =	vadd.s32 v6, v8  }
0x395: {  	s0 =	sshra.s32 s0, $0x2;
	[tilespmem:s21+$0x10FF0] =	vst v5  }
0x396: {  	v4 =	vld [tilespmem:s0+$0x11010]  }
0x397: {  	v5 =	vld [tilespmem:s0+$0x10000];
	_ =	sdelay $0x3  }
0x398: {  	(xrf0) =	vadd.scan.msk.s32 $0xffff, v4  }
0x399: {  	(xrf0) =	vadd.scan.msk.s32 $0xffff, v5;
	_ =	sdelay $0x3  }
0x39a: {  	s28 =	simm.s32 $0x0  }
0x39b: {  	s25 =	simm.s32 $0x100;
	s26 =	simm.s32 $0x7;
	v4, _, _ =	vpop (xrf0);
	s31 =	spop (v2sf)  }
0x39c: {  	s30 =	simm.s32 $0x0;
	s29 =	simm.s32 $0x100;
	v5, _, _ =	vpop (xrf0);
	(v2sf) =	vpush v4, $0xF;
	s1 =	spop (v2sf)  }
0x39d: {  	s23 =	smov.u32 s24;
	s21 =	ssub.s32 $0x20, s31;
	(v2sf) =	vpush v5, $0xF;
	s22 =	ssub.s32 $0x20, s1  }
.LBB2_64:
0x39e: {  	_ =	sdelay $0x9  }
0x39f: {  	s0 =	smov.u32 s30;
	s1 =	smov.u32 s28  }
0x3a0: {  	p0 =	sne.s32 s26, $0x1;
	s26 =	sadd.s32 $0xFFFFFFFF, s26;
	_ =	sdelay $0x1  }
0x3a1: {  	s28 =	spop (v2sf)  }
0x3a2: {  	p1 =	slt.s32 s28, s22;
	s28 =	spop (v2sf)  }
0x3a3: {  	p2 =	slt.s32 s28, s21;
	s28 =	smov.u32 s24  }
0x3a4: {  	s30 =	smov.u32 s23;
	s25 =	smov.u32 @p1 s24;
	s28 =	smov.u32 @p1 s1  }
0x3a5: {  	s30 =	smov.u32 @p2 s0;
	s29 =	smov.u32 @p2 s23;
	s1 =	sadd.s32 s28, s25  }
0x3a6: {  	s0 =	sadd.s32 s30, s29;
	s23 =	sshrl.u32 s1, $0x1F  }
0x3a7: {  	s24 =	sand.u32 $0x1, s1;
	s31 =	sshrl.u32 s0, $0x1F;
	p1 =	slt.s32 s1, $0x1  }
0x3a8: {  	p3 =	slt.s32 s0, $0x1;
	p2 =	seq.s32 s24, $0x1;
	s24 =	sand.u32 $0x1, s0  }
0x3a9: {  	s1 =	sadd.s32 s23, s1;
	s23 =	simm.s32 $0x1;
	p1 =	por !p1, !p2  }
0x3aa: {  	s0 =	sadd.s32 s31, s0;
	p2 =	seq.s32 s24, $0x1;
	p1 =	por !p1, !p1  }
0x3ab: {  	s1 =	sshra.s32 s1, $0x1;
	p2 =	por !p3, !p2;
	s23 =	simm.s32 @!p1 $0x0  }
0x3ac: {  	p1 =	por !p2, !p2;
	s24 =	ssub.s32 s1, s23;
	s1 =	simm.s32 $0x1  }
0x3ad: {  	s0 =	sshra.s32 s0, $0x1;
	s1 =	simm.s32 @!p1 $0x0;
	s31 =	sshll.u32 s24, $0x6  }
0x3ae: {  	s23 =	ssub.s32 s0, s1;
	s0 =	sshra.s32 s31, $0x2  }
0x3af: {  	s1 =	sshll.u32 s23, $0x6;
	v4 =	vld [tilespmem:s0+$0x11010]  }
0x3b0: {  	s0 =	sshra.s32 s1, $0x2  }
0x3b1: {  	v5 =	vld [tilespmem:s0+$0x10000];
	_ =	sdelay $0x2  }
0x3b2: {  	(xrf0) =	vadd.scan.msk.s32 $0xffff, v4;
	_ =	sdelay $0x1  }
0x3b3: {  	(xrf0) =	vadd.scan.msk.s32 $0xffff, v5;
	_ =	sdelay $0x2  }
.Ltmp34:
0x3b4: {  	(pc) =	sbr.rel @p0 .LBB2_64-.Ltmp34, $3  }
0x3b5: {  	v4, _, _ =	vpop (xrf0);
	_ =	sdelay $0x1  }
0x3b6: {  	v5, _, _ =	vpop (xrf0);
	(v2sf) =	vpush v4, $0xF  }
0x3b7: {  	(v2sf) =	vpush v5, $0xF  }
0x3b8: {  	_ =	sdelay $0xc  }
0x3b9: {  	s0 =	spop (v2sf)  }
0x3ba: {  	s1 =	spop (v2sf);
	p1 =	slt.s32 s0, s22  }
0x3bb: {  	p0 =	slt.s32 s1, s21;
	s24 =	smov.u32 @p1 s28  }
0x3bc: {  	s23 =	smov.u32 @p0 s30;
	s30 =	sshll.u32 s24, $0x6  }
0x3bd: {  	s29 =	sshll.u32 s23, $0x6;
	s31 =	sshra.s32 s30, $0x2  }
0x3be: {  	s25 =	simm.s32 $0x10020;
	s0 =	sshra.s32 s29, $0x2;
	v5 =	vld [tilespmem:s31+$0x11020]  }
0x3bf: {  	v4 =	vld [tilespmem:s0+$0x10010];
	[tilespmem:s25+$0xFFFFFFE0] =	vst v1  }
0x3c0: {  	[tilespmem:s25+$0x10] =	vst v1  }
0x3c1: {  	s26 =	simm.s32 $0x0;
	[tilespmem:s25+$0x0] =	vst v1  }
.LBB2_66:
0x3c2: {  	s26 =	sadd.s32 $0x40, s26  }
0x3c3: {  	[tilespmem:s25+$0xFFFFFFF0] =	vst v1;
	s25 =	sadd.s32 $0x40, s25;
	p0 =	slt.u32 s26, $0x1FC0  }
.Ltmp35:
0x3c4: {  	[tilespmem:s25+$0xFFFFFFE0] =	vst v1;
	(pc) =	sbr.rel @p0 .LBB2_66-.Ltmp35, $3  }
0x3c5: {  	_ =	sdelay $0x1  }
0x3c6: {  	[tilespmem:s25+$0x10] =	vst v1  }
0x3c7: {  	s28 =	simm.s32 $0x12000;
	[tilespmem:s25+$0x0] =	vst v1  }
0x3c8: {  	[tilespmem:s25+$0xFFFFFFF0] =	vst v1;
	s25 =	simm.s32 $0x1FF0  }
.LBB2_68:
0x3c9: {  	s25 =	sadd.s32 $0x10, s25  }
0x3ca: {  	p0 =	slt.u32 s25, $0x2010  }
.Ltmp36:
0x3cb: {  	_ = 	snop;
	(pc) =	sbr.rel @p0 .LBB2_68-.Ltmp36, $2  }
0x3cc: {  	_ =	sdelay $0x2  }
0x3cd: {  	[tilespmem:s28+$0x0] =	vst v1;
	s28 =	sadd.s32 $0x10, s28  }
0x3ce: {  	s30 =	simm.s32 $0x20  }
0x3cf: {  	v8 =	vld [tilespmem:s30+$0xFFFFFFE0];
	_ =	sdelay $0x2  }
0x3d0: {  	s0 =	sshll.u32 s20, $0x8;
	v9 =	vld [tilespmem:s30+$0x0]  }
0x3d1: {  	s23 =	sor.u32 s0, s23  }
0x3d2: {  	v7 =	vmov s23;
	v10 =	vshrl.u32 v8, $0x3;
	v8 =	vshrl.u32 v8, $0xF  }
0x3d3: {  	vm0 =	veq.s32 v8, v7;
	v8 =	vand.u32 $0xFF0, v10  }
0x3d4: {  	v10 =	vld [tilespmem:s30+$0xFFFFFFF0];
	v8 =	vor.u32 v0, v8  }
0x3d5: {  	v12 =	vshrl.u32 v9, $0x3;
	v9 =	vshrl.u32 v9, $0xF  }
0x3d6: {  	s31 =	simm.s32 $0x60;
	v11 =	vld [tilespmem:s30+$0x10];
	vm1 =	veq.s32 v9, v7;
	v9 =	vand.u32 $0xFF0, v12  }
0x3d7: {  	v12 =	vld [tilespmem:s31+$0xFFFFFFE0];
	v9 =	vor.u32 v0, v9;
	_ =	sdelay $0x1  }
0x3d8: {  	[tilespmem:v8+s17+$0x0] =	vst.idx.add.s32.msk vm0, v2;
	v8 =	vshrl.u32 v10, $0x3;
	v10 =	vshrl.u32 v10, $0xF  }
0x3d9: {  	s29 =	simm.s32 $0x8020;
	v15 =	vld [tilespmem:s31+$0xFFFFFFF0];
	vm0 =	veq.s32 v10, v7;
	v8 =	vand.u32 $0xFF0, v8  }
0x3da: {  	v13 =	vld [tilespmem:s29+$0xFFFFFFE0];
	v8 =	vor.u32 v0, v8  }
0x3db: {  	[tilespmem:v9+s17+$0x0] =	vst.idx.add.s32.msk vm1, v2;
	v9 =	vshrl.u32 v12, $0x3;
	v10 =	vshrl.u32 v11, $0xF;
	v11 =	vshrl.u32 v11, $0x3  }
0x3dc: {  	v14 =	vld [tilespmem:s31+$0x0];
	vm2 =	veq.s32 v10, v7;
	v10 =	vshrl.u32 v12, $0xF;
	v11 =	vand.u32 $0xFF0, v11  }
0x3dd: {  	s1 =	sshll.u32 s19, $0x8;
	v16 =	vld [tilespmem:s29+$0x0];
	v9 =	vand.u32 $0xFF0, v9;
	vm1 =	veq.s32 v10, v7;
	v12 =	vor.u32 v0, v11  }
0x3de: {  	s24 =	sor.u32 s1, s24;
	v9 =	vor.u32 v0, v9  }
0x3df: {  	v6 =	vmov s24;
	v11 =	vshrl.u32 v13, $0xF;
	[tilespmem:v8+s17+$0x0] =	vst.idx.add.s32.msk vm0, v2  }
0x3e0: {  	v17 =	vshrl.u32 v15, $0x3;
	v10 =	vshrl.u32 v13, $0x3;
	vm0 =	veq.s32 v11, v6;
	v11 =	vld [tilespmem:s29+$0xFFFFFFF0]  }
0x3e1: {  	v13 =	vshrl.u32 v14, $0x3;
	v14 =	vshrl.u32 v14, $0xF;
	v8 =	vand.u32 $0xFF0, v10;
	v10 =	vld [tilespmem:s31+$0x10]  }
0x3e2: {  	v18 =	vshrl.u32 v16, $0xF;
	vm3 =	veq.s32 v14, v7;
	v14 =	vand.u32 $0xFF0, v17;
	[tilespmem:v12+s17+$0x0] =	vst.idx.add.s32.msk vm2, v2  }
0x3e3: {  	s19 =	simm.s32 $0x8060;
	vm0 =	vmmov vm0;
	v12 =	vshrl.u32 v15, $0xF;
	[tilespmem:v9+s17+$0x0] =	vst.idx.add.s32.msk vm1, v2;
	v9 =	vand.u32 $0xFF0, v13  }
0x3e4: {  	v15 =	vshrl.u32 v16, $0x3;
	vm2 =	veq.s32 v12, v7;
	v12 =	vld [tilespmem:s19+$0xFFFFFFE0];
	v13 =	vor.u32 v0, v9  }
0x3e5: {  	s25 =	simm.s32 $0x40;
	s26 =	simm.s32 $0xA0;
	s20 =	simm.s32 $0x8060;
	v14 =	vor.u32 v0, v14;
	vm1 =	veq.s32 v18, v6;
	v9 =	vld [tilespmem:s29+$0x10];
	v16 =	vshrl.u32 v11, $0x3  }
.LBB2_70:
0x3e6: {  	v17 =	vld [tilespmem:s26+$0xFFFFFFE0];
	s25 =	sadd.s32 $0x40, s25;
	v16 =	vand.u32 $0xFF0, v16;
	v11 =	vshrl.u32 v11, $0xF;
	v15 =	vand.u32 $0xFF0, v15  }
0x3e7: {  	v18 =	vld [tilespmem:s26+$0x0];
	p0 =	slt.u32 s25, $0x7FC0;
	v16 =	vadd.s32 v3, v16;
	vm4 =	veq.s32 v11, v6;
	v11 =	vadd.s32 v3, v15  }
0x3e8: {  	v19 =	vshrl.u32 v10, $0x3;
	v10 =	vshrl.u32 v10, $0xF;
	v20 =	vadd.s32 v3, v8;
	v15 =	vld [tilespmem:s26+$0xFFFFFFF0]  }
0x3e9: {  	v8 =	vshrl.u32 v12, $0x3;
	v12 =	vshrl.u32 v12, $0xF;
	[tilespmem:v13+s17+$0x0] =	vst.idx.add.s32.msk vm3, v2;
	vm3 =	veq.s32 v10, v7  }
0x3ea: {  	v8 =	vand.u32 $0xFF0, v8;
	vm5 =	veq.s32 v12, v6;
	v10 =	vshrl.u32 v9, $0x3;
	[tilespmem:v14+s17+$0x0] =	vst.idx.add.s32.msk vm2, v2  }
0x3eb: {  	v12 =	vshrl.u32 v17, $0x3;
	v13 =	vshrl.u32 v17, $0xF;
	v14 =	vld [tilespmem:s19+$0x0];
	v17 =	vand.u32 $0xFF0, v19  }
0x3ec: {  	vm2 =	veq.s32 v13, v7;
	v12 =	vand.u32 $0xFF0, v12;
	v13 =	vor.u32 v0, v17;
	[tilespmem:v11+s17+$0x0] =	vst.idx.add.s32.msk vm1, v2  }
0x3ed: {  	v9 =	vshrl.u32 v9, $0xF;
	v11 =	vand.u32 $0xFF0, v10;
	v12 =	vor.u32 v0, v12;
	[tilespmem:v20+s17+$0x0] =	vst.idx.add.s32.msk vm0, v2  }
0x3ee: {  	vm0 =	vmmov vm5;
	[tilespmem:v16+s17+$0x0] =	vst.idx.add.s32.msk vm4, v2;
	vm4 =	veq.s32 v9, v6  }
0x3ef: {  	v17 =	vadd.s32 v3, v11;
	v10 =	vld [tilespmem:s26+$0x10]  }
0x3f0: {  	v11 =	vld [tilespmem:s19+$0xFFFFFFF0]  }
.Ltmp37:
0x3f1: {  	v9 =	vshrl.u32 v18, $0x3;
	v16 =	vshrl.u32 v18, $0xF;
	[tilespmem:v13+s17+$0x0] =	vst.idx.add.s32.msk vm3, v2;
	(pc) =	sbr.rel @p0 .LBB2_70-.Ltmp37, $4  }
0x3f2: {  	v18 =	vshrl.u32 v14, $0xF;
	s19 =	sadd.s32 $0x40, s19;
	v13 =	vshrl.u32 v15, $0x3;
	v15 =	vshrl.u32 v15, $0xF;
	[tilespmem:v12+s17+$0x0] =	vst.idx.add.s32.msk vm2, v2  }
0x3f3: {  	v9 =	vand.u32 $0xFF0, v9;
	vm3 =	veq.s32 v16, v7;
	vm2 =	veq.s32 v15, v7;
	v12 =	vld [tilespmem:s19+$0xFFFFFFE0]  }
0x3f4: {  	v16 =	vand.u32 $0xFF0, v13;
	v13 =	vor.u32 v0, v9;
	v15 =	vshrl.u32 v14, $0x3;
	v9 =	vld [tilespmem:s20+$0x10];
	s20 =	smov.u32 s19  }
0x3f5: {  	s26 =	sadd.s32 $0x40, s26;
	vm1 =	veq.s32 v18, v6;
	v14 =	vor.u32 v0, v16;
	v16 =	vshrl.u32 v11, $0x3;
	[tilespmem:v17+s17+$0x0] =	vst.idx.add.s32.msk vm4, v2  }
0x3f6: {  	_ =	sdelay $0x2  }
0x3f7: {  	v17 =	vshrl.u32 v10, $0x3;
	v10 =	vshrl.u32 v10, $0xF  }
0x3f8: {  	vm4 =	veq.s32 v10, v7;
	v7 =	vand.u32 $0xFF0, v17  }
0x3f9: {  	[tilespmem:v13+s17+$0x0] =	vst.idx.add.s32.msk vm3, v2;
	v7 =	vor.u32 v0, v7  }
0x3fa: {  	[tilespmem:v14+s17+$0x0] =	vst.idx.add.s32.msk vm2, v2  }
0x3fb: {  	v11 =	vshrl.u32 v11, $0xF;
	v55 =	vand.u32 $0xFF0, v15;
	v13 =	vld [tilespmem:s19+$0x0]  }
0x3fc: {  	v8 =	vadd.s32 v3, v8;
	v10 =	vand.u32 $0xFF0, v16;
	vm12 =	veq.s32 v11, v6;
	v11 =	vld [tilespmem:s19+$0xFFFFFFF0]  }
0x3fd: {  	v14 =	vadd.s32 v3, v55;
	v10 =	vadd.s32 v3, v10;
	v56 =	vshrl.u32 v12, $0x3  }
0x3fe: {  	v57 =	vshrl.u32 v12, $0xF;
	v58 =	vshrl.u32 v9, $0x3;
	v9 =	vshrl.u32 v9, $0xF;
	[tilespmem:v7+s17+$0x0] =	vst.idx.add.s32.msk vm4, v2  }
0x3ff: {  	v15 =	vand.u32 $0xFF0, v56;
	vm13 =	veq.s32 v57, v6;
	vm14 =	veq.s32 v9, v6;
	v59 =	vld [tilespmem:s20+$0x10]  }
0x400: {  	vm3 =	vmmov vm13;
	v9 =	vshrl.u32 v13, $0xF;
	v13 =	vshrl.u32 v13, $0x3  }
0x401: {  	v60 =	vshrl.u32 v11, $0x3;
	v7 =	vand.u32 $0xFF0, v58;
	vm5 =	veq.s32 v9, v6  }
0x402: {  	v9 =	vshrl.u32 v11, $0xF;
	v11 =	vand.u32 $0xFF0, v13;
	v7 =	vadd.s32 v3, v7  }
0x403: {  	v61 =	vand.u32 $0xFF0, v60;
	vm6 =	veq.s32 v9, v6;
	v9 =	vadd.s32 v3, v11  }
0x404: {  	[tilespmem:v8+s17+$0x0] =	vst.idx.add.s32.msk vm0, v2;
	v11 =	vadd.s32 v3, v15;
	v62 =	vshrl.u32 v59, $0x3;
	v12 =	vshrl.u32 v59, $0xF  }
0x405: {  	[tilespmem:v14+s17+$0x0] =	vst.idx.add.s32.msk vm1, v2;
	v8 =	vadd.s32 v3, v61;
	v63 =	vand.u32 $0xFF0, v62;
	vm15 =	veq.s32 v12, v6  }
0x406: {  	[tilespmem:v10+s17+$0x0] =	vst.idx.add.s32.msk vm12, v2;
	v6 =	vadd.s32 v3, v63  }
0x407: {  	[tilespmem:v7+s17+$0x0] =	vst.idx.add.s32.msk vm14, v2  }
0x408: {  	[tilespmem:v9+s17+$0x0] =	vst.idx.add.s32.msk vm5, v2  }
0x409: {  	[tilespmem:v11+s17+$0x0] =	vst.idx.add.s32.msk vm3, v2  }
0x40a: {  	[tilespmem:v8+s17+$0x0] =	vst.idx.add.s32.msk vm6, v2  }
0x40b: {  	s19 =	simm.s32 $0x0;
	[tilespmem:v6+s17+$0x0] =	vst.idx.add.s32.msk vm15, v2  }
0x40c: {  	s20 =	simm.s32 $0xFFFFFFC0;
	v7 =	vimm.s32 $0x0;
	v6 =	vimm.s32 $0x0;
	v8 =	vld [tilespmem:s19+$0x10FF0]  }
.LBB2_72:
0x40d: {  	p0 =	sne.s32 s20, $0xFFFFC040;
	v9 =	vld [tilespmem:s19+$0x12000];
	_ =	sdelay $0x1  }
.Ltmp38:
0x40e: {  	(pc) =	sbr.rel @p0 .LBB2_72-.Ltmp38, $4  }
0x40f: {  	_ = 	snop  }
0x410: {  	v6 =	vadd.s32 v6, v8  }
0x411: {  	s0 =	sshra.s32 s20, $0x2;
	v7 =	vadd.s32 v7, v9;
	[tilespmem:s19+$0x10FF0] =	vst v6  }
0x412: {  	s20 =	sadd.s32 $0xFFFFFFC0, s20;
	v8 =	vld [tilespmem:s0+$0x10FF0];
	[tilespmem:s19+$0x12000] =	vst v7;
	s19 =	smov.u32 s0  }
0x413: {  	(xrf0) =	vadd.scan.msk.s32 $0xffff, v4  }
0x414: {  	(xrf0) =	vadd.scan.msk.s32 $0xffff, v5  }
0x415: {  	s0 =	simm.s32 $0x100  }
0x416: {  	v4 =	vld [tilespmem:s19+$0x12000];
	s0 =	sand.u32 $0x1, s0  }
0x417: {  	p0 =	por $0x0, $0x0;
	p1 =	seq.s32 s0, $0x1  }
0x418: {  	p0 =	por !p0, !p1  }
0x419: {  	s0 =	simm.s32 $0x1;
	p0 =	por !p0, !p0;
	v5, _, _ =	vpop (xrf0)  }
0x41a: {  	s0 =	simm.s32 @!p0 $0x0;
	(v2sf) =	vpush v5, $0xF;
	v5, _, _ =	vpop (xrf0)  }
0x41b: {  	v4 =	vadd.s32 v7, v4;
	s25 =	ssub.s32 $0x80, s0;
	(v2sf) =	vpush v5, $0xF  }
0x41c: {  	[tilespmem:s19+$0x12000] =	vst v4;
	s0 =	sshll.u32 s25, $0x6;
	v5 =	vadd.s32 v6, v8  }
0x41d: {  	s0 =	sshra.s32 s0, $0x2;
	[tilespmem:s19+$0x10FF0] =	vst v5  }
0x41e: {  	v4 =	vld [tilespmem:s0+$0x11010]  }
0x41f: {  	v5 =	vld [tilespmem:s0+$0x10000];
	_ =	sdelay $0x3  }
0x420: {  	(xrf0) =	vadd.scan.msk.s32 $0xffff, v4  }
0x421: {  	(xrf0) =	vadd.scan.msk.s32 $0xffff, v5;
	_ =	sdelay $0x3  }
0x422: {  	s28 =	simm.s32 $0x0  }
0x423: {  	s26 =	simm.s32 $0x7;
	s30 =	simm.s32 $0x0;
	v4, _, _ =	vpop (xrf0);
	s31 =	spop (v2sf)  }
0x424: {  	s29 =	simm.s32 $0x100;
	v5, _, _ =	vpop (xrf0);
	(v2sf) =	vpush v4, $0xF;
	s1 =	spop (v2sf);
	s19 =	ssub.s32 s21, s31  }
0x425: {  	(v2sf) =	vpush v5, $0xF;
	s21 =	smov.u32 s25;
	s20 =	ssub.s32 s22, s1;
	s22 =	simm.s32 $0x100  }
.LBB2_74:
0x426: {  	_ =	sdelay $0x9  }
0x427: {  	s0 =	smov.u32 s30;
	s1 =	smov.u32 s28  }
0x428: {  	p0 =	sne.s32 s26, $0x1;
	s26 =	sadd.s32 $0xFFFFFFFF, s26;
	_ =	sdelay $0x1  }
0x429: {  	s28 =	spop (v2sf)  }
0x42a: {  	p1 =	slt.s32 s28, s20;
	s28 =	spop (v2sf)  }
0x42b: {  	p2 =	slt.s32 s28, s19;
	s28 =	smov.u32 s25  }
0x42c: {  	s30 =	smov.u32 s21;
	s22 =	smov.u32 @p1 s25;
	s28 =	smov.u32 @p1 s1  }
0x42d: {  	s30 =	smov.u32 @p2 s0;
	s29 =	smov.u32 @p2 s21;
	s1 =	sadd.s32 s28, s22  }
0x42e: {  	s0 =	sadd.s32 s30, s29;
	s21 =	sshrl.u32 s1, $0x1F  }
0x42f: {  	s25 =	sand.u32 $0x1, s1;
	s31 =	sshrl.u32 s0, $0x1F;
	p1 =	slt.s32 s1, $0x1  }
0x430: {  	p3 =	slt.s32 s0, $0x1;
	p2 =	seq.s32 s25, $0x1;
	s25 =	sand.u32 $0x1, s0  }
0x431: {  	s1 =	sadd.s32 s21, s1;
	s21 =	simm.s32 $0x1;
	p1 =	por !p1, !p2  }
0x432: {  	s0 =	sadd.s32 s31, s0;
	p2 =	seq.s32 s25, $0x1;
	p1 =	por !p1, !p1  }
0x433: {  	s1 =	sshra.s32 s1, $0x1;
	p2 =	por !p3, !p2;
	s21 =	simm.s32 @!p1 $0x0  }
0x434: {  	p1 =	por !p2, !p2;
	s25 =	ssub.s32 s1, s21;
	s1 =	simm.s32 $0x1  }
0x435: {  	s0 =	sshra.s32 s0, $0x1;
	s1 =	simm.s32 @!p1 $0x0;
	s31 =	sshll.u32 s25, $0x6  }
0x436: {  	s21 =	ssub.s32 s0, s1;
	s0 =	sshra.s32 s31, $0x2  }
0x437: {  	s1 =	sshll.u32 s21, $0x6;
	v4 =	vld [tilespmem:s0+$0x11010]  }
0x438: {  	s0 =	sshra.s32 s1, $0x2  }
0x439: {  	v5 =	vld [tilespmem:s0+$0x10000];
	_ =	sdelay $0x2  }
0x43a: {  	(xrf0) =	vadd.scan.msk.s32 $0xffff, v4;
	_ =	sdelay $0x1  }
0x43b: {  	(xrf0) =	vadd.scan.msk.s32 $0xffff, v5;
	_ =	sdelay $0x2  }
.Ltmp39:
0x43c: {  	(pc) =	sbr.rel @p0 .LBB2_74-.Ltmp39, $3  }
0x43d: {  	v4, _, _ =	vpop (xrf0);
	_ =	sdelay $0x1  }
0x43e: {  	v5, _, _ =	vpop (xrf0);
	(v2sf) =	vpush v4, $0xF  }
0x43f: {  	(v2sf) =	vpush v5, $0xF  }
0x440: {  	_ =	sdelay $0xc  }
0x441: {  	s0 =	spop (v2sf)  }
0x442: {  	s1 =	spop (v2sf);
	p1 =	slt.s32 s0, s20  }
0x443: {  	p0 =	slt.s32 s1, s19;
	s25 =	smov.u32 @p1 s28  }
0x444: {  	s21 =	smov.u32 @p0 s30;
	s30 =	sshll.u32 s25, $0x6  }
0x445: {  	s29 =	sshll.u32 s21, $0x6;
	s31 =	sshra.s32 s30, $0x2  }
0x446: {  	s22 =	simm.s32 $0x10020;
	s0 =	sshra.s32 s29, $0x2;
	v5 =	vld [tilespmem:s31+$0x11020]  }
0x447: {  	v4 =	vld [tilespmem:s0+$0x10010];
	[tilespmem:s22+$0xFFFFFFE0] =	vst v1  }
0x448: {  	[tilespmem:s22+$0x10] =	vst v1  }
0x449: {  	s26 =	simm.s32 $0x0;
	[tilespmem:s22+$0x0] =	vst v1  }
.LBB2_76:
0x44a: {  	s26 =	sadd.s32 $0x40, s26  }
0x44b: {  	[tilespmem:s22+$0xFFFFFFF0] =	vst v1;
	s22 =	sadd.s32 $0x40, s22;
	p0 =	slt.u32 s26, $0x1FC0  }
.Ltmp40:
0x44c: {  	[tilespmem:s22+$0xFFFFFFE0] =	vst v1;
	(pc) =	sbr.rel @p0 .LBB2_76-.Ltmp40, $3  }
0x44d: {  	_ =	sdelay $0x1  }
0x44e: {  	[tilespmem:s22+$0x10] =	vst v1  }
0x44f: {  	s28 =	simm.s32 $0x12000;
	[tilespmem:s22+$0x0] =	vst v1  }
0x450: {  	[tilespmem:s22+$0xFFFFFFF0] =	vst v1;
	s22 =	simm.s32 $0x1FF0  }
.LBB2_78:
0x451: {  	s22 =	sadd.s32 $0x10, s22  }
0x452: {  	p0 =	slt.u32 s22, $0x2010  }
.Ltmp41:
0x453: {  	_ = 	snop;
	(pc) =	sbr.rel @p0 .LBB2_78-.Ltmp41, $2  }
0x454: {  	_ =	sdelay $0x2  }
0x455: {  	[tilespmem:s28+$0x0] =	vst v1;
	s28 =	sadd.s32 $0x10, s28  }
0x456: {  	s30 =	simm.s32 $0x20  }
0x457: {  	v8 =	vld [tilespmem:s30+$0x10];
	_ =	sdelay $0x2  }
0x458: {  	s0 =	sshll.u32 s23, $0x8  }
0x459: {  	s21 =	sor.u32 s0, s21  }
0x45a: {  	v7 =	vmov s21;
	v9 =	vshll.u32 v8, $0x4;
	v8 =	vshrl.u32 v8, $0x7  }
0x45b: {  	v10 =	vld [tilespmem:s30+$0xFFFFFFE0];
	v9 =	vor.u32 v0, v9;
	vm0 =	veq.s32 v8, v7  }
0x45c: {  	v9 =	vand.u32 $0x7FF, v9  }
0x45d: {  	v8 =	vld [tilespmem:s30+$0xFFFFFFF0];
	_ =	sdelay $0x2  }
0x45e: {  	v11 =	vld [tilespmem:s30+$0x0];
	v12 =	vshll.u32 v10, $0x4  }
0x45f: {  	s29 =	simm.s32 $0x8020;
	v10 =	vshrl.u32 v10, $0x7;
	v12 =	vor.u32 v0, v12;
	[tilespmem:v9+s17+$0x0] =	vst.idx.add.s32.msk vm0, v2  }
0x460: {  	s31 =	simm.s32 $0x60;
	v9 =	vshll.u32 v8, $0x4;
	v8 =	vshrl.u32 v8, $0x7;
	vm0 =	veq.s32 v10, v7;
	v13 =	vld [tilespmem:s29+$0x10]  }
0x461: {  	v10 =	vand.u32 $0x7FF, v12;
	v9 =	vor.u32 v0, v9;
	vm1 =	veq.s32 v8, v7;
	v8 =	vld [tilespmem:s31+$0x10]  }
0x462: {  	v9 =	vand.u32 $0x7FF, v9  }
0x463: {  	s1 =	sshll.u32 s24, $0x8;
	v15 =	vld [tilespmem:s31+$0x0];
	v14 =	vshll.u32 v11, $0x4;
	v11 =	vshrl.u32 v11, $0x7  }
0x464: {  	s22 =	sor.u32 s1, s25;
	v16 =	vld [tilespmem:s31+$0xFFFFFFE0];
	v14 =	vor.u32 v0, v14;
	vm2 =	veq.s32 v11, v7  }
0x465: {  	v6 =	vmov s22;
	v14 =	vand.u32 $0x7FF, v14;
	v12 =	vld [tilespmem:s31+$0xFFFFFFF0]  }
0x466: {  	v11 =	vshll.u32 v13, $0x4;
	v13 =	vshrl.u32 v13, $0x7;
	[tilespmem:v10+s17+$0x0] =	vst.idx.add.s32.msk vm0, v2;
	v10 =	vshll.u32 v8, $0x4  }
0x467: {  	v8 =	vshrl.u32 v8, $0x7;
	v11 =	vand.u32 $0x7F0, v11;
	vm4 =	veq.s32 v13, v6;
	[tilespmem:v9+s17+$0x0] =	vst.idx.add.s32.msk vm1, v2  }
0x468: {  	v10 =	vor.u32 v0, v10;
	vm0 =	veq.s32 v8, v7;
	v17 =	vld [tilespmem:s29+$0xFFFFFFE0];
	v13 =	vadd.s32 v3, v11  }
0x469: {  	v18 =	vand.u32 $0x7FF, v10;
	v10 =	vshll.u32 v16, $0x4;
	v11 =	vshrl.u32 v16, $0x7;
	v16 =	vld [tilespmem:s29+$0xFFFFFFF0]  }
0x46a: {  	[tilespmem:v14+s17+$0x0] =	vst.idx.add.s32.msk vm2, v2;
	v14 =	vshrl.u32 v15, $0x7;
	v9 =	vshll.u32 v12, $0x4;
	v12 =	vshrl.u32 v12, $0x7  }
0x46b: {  	v8 =	vor.u32 v0, v9;
	v9 =	vshll.u32 v15, $0x4;
	vm2 =	veq.s32 v12, v7  }
0x46c: {  	v19 =	vld [tilespmem:s29+$0x0];
	v10 =	vor.u32 v0, v10;
	v9 =	vor.u32 v0, v9;
	vm3 =	veq.s32 v11, v7  }
0x46d: {  	v12 =	vand.u32 $0x7FF, v8;
	v11 =	vand.u32 $0x7FF, v10;
	v8 =	vshll.u32 v17, $0x4;
	[tilespmem:v13+s17+$0x0] =	vst.idx.add.s32.msk vm4, v2  }
0x46e: {  	s23 =	simm.s32 $0x8060;
	v10 =	vand.u32 $0x7FF, v9;
	v8 =	vand.u32 $0x7F0, v8;
	v13 =	vshll.u32 v16, $0x4;
	[tilespmem:v18+s17+$0x0] =	vst.idx.add.s32.msk vm0, v2  }
0x46f: {  	v15 =	vshrl.u32 v17, $0x7;
	v9 =	vadd.s32 v3, v8;
	v8 =	vand.u32 $0x7F0, v13;
	v13 =	vld [tilespmem:s23+$0x10]  }
0x470: {  	vm1 =	veq.s32 v14, v7;
	v14 =	vshrl.u32 v16, $0x7;
	vm0 =	veq.s32 v15, v6  }
0x471: {  	s24 =	simm.s32 $0x40;
	s25 =	simm.s32 $0xA0;
	v15 =	vshll.u32 v19, $0x4;
	v16 =	vshrl.u32 v19, $0x7;
	v8 =	vadd.s32 v3, v8  }
.LBB2_80:
0x472: {  	v17 =	vld [tilespmem:s25+$0x10];
	s24 =	sadd.s32 $0x40, s24;
	vm5 =	veq.s32 v14, v6;
	v14 =	vand.u32 $0x7F0, v15;
	vm4 =	veq.s32 v16, v6  }
0x473: {  	v15 =	vld [tilespmem:s25+$0xFFFFFFF0];
	p0 =	slt.u32 s24, $0x7FC0;
	v18 =	vadd.s32 v3, v14  }
0x474: {  	v14 =	vld [tilespmem:s25+$0x0];
	v16 =	vshll.u32 v13, $0x4;
	v13 =	vshrl.u32 v13, $0x7  }
0x475: {  	v19 =	vld [tilespmem:s25+$0xFFFFFFE0];
	v16 =	vand.u32 $0x7F0, v16;
	vm6 =	veq.s32 v13, v6  }
0x476: {  	[tilespmem:v11+s17+$0x0] =	vst.idx.add.s32.msk vm3, v2;
	v11 =	vadd.s32 v3, v16  }
0x477: {  	v13 =	vshll.u32 v17, $0x4;
	v16 =	vshrl.u32 v17, $0x7;
	[tilespmem:v12+s17+$0x0] =	vst.idx.add.s32.msk vm2, v2  }
0x478: {  	v12 =	vshll.u32 v15, $0x4;
	v13 =	vor.u32 v0, v13;
	vm7 =	veq.s32 v16, v7;
	[tilespmem:v10+s17+$0x0] =	vst.idx.add.s32.msk vm1, v2  }
0x479: {  	v10 =	vor.u32 v0, v12;
	v12 =	vshll.u32 v14, $0x4;
	v13 =	vand.u32 $0x7FF, v13;
	v16 =	vld [tilespmem:s23+$0xFFFFFFE0]  }
0x47a: {  	v15 =	vshrl.u32 v15, $0x7;
	v17 =	vshll.u32 v19, $0x4;
	v19 =	vshrl.u32 v19, $0x7;
	v20 =	vld [tilespmem:s23+$0xFFFFFFF0]  }
0x47b: {  	v14 =	vshrl.u32 v14, $0x7;
	v21 =	vor.u32 v0, v12;
	v17 =	vor.u32 v0, v17;
	[tilespmem:v11+s17+$0x0] =	vst.idx.add.s32.msk vm6, v2  }
0x47c: {  	vm2 =	veq.s32 v15, v7;
	vm3 =	veq.s32 v19, v7;
	v11 =	vand.u32 $0x7FF, v17;
	v17 =	vld [tilespmem:s23+$0x0]  }
.Ltmp42:
0x47d: {  	v12 =	vand.u32 $0x7FF, v10;
	vm1 =	veq.s32 v14, v7;
	v10 =	vand.u32 $0x7FF, v21;
	[tilespmem:v9+s17+$0x0] =	vst.idx.add.s32.msk vm0, v2;
	(pc) =	sbr.rel @p0 .LBB2_80-.Ltmp42, $4  }
0x47e: {  	s23 =	sadd.s32 $0x40, s23;
	[tilespmem:v13+s17+$0x0] =	vst.idx.add.s32.msk vm7, v2;
	v9 =	vshll.u32 v16, $0x4;
	v15 =	vshrl.u32 v16, $0x7  }
0x47f: {  	v13 =	vld [tilespmem:s23+$0x10];
	v9 =	vand.u32 $0x7F0, v9;
	v16 =	vshll.u32 v20, $0x4;
	v14 =	vshrl.u32 v20, $0x7  }
0x480: {  	vm0 =	veq.s32 v15, v6;
	v9 =	vadd.s32 v3, v9;
	v15 =	vand.u32 $0x7F0, v16;
	[tilespmem:v8+s17+$0x0] =	vst.idx.add.s32.msk vm5, v2  }
0x481: {  	s25 =	sadd.s32 $0x40, s25;
	v8 =	vadd.s32 v3, v15;
	v15 =	vshll.u32 v17, $0x4;
	v16 =	vshrl.u32 v17, $0x7;
	[tilespmem:v18+s17+$0x0] =	vst.idx.add.s32.msk vm4, v2  }
0x482: {  	_ =	sdelay $0x4  }
0x483: {  	[tilespmem:v11+s17+$0x0] =	vst.idx.add.s32.msk vm3, v2  }
0x484: {  	[tilespmem:v12+s17+$0x0] =	vst.idx.add.s32.msk vm2, v2  }
0x485: {  	[tilespmem:v10+s17+$0x0] =	vst.idx.add.s32.msk vm1, v2  }
0x486: {  	v7 =	vld [tilespmem:s23+$0xFFFFFFE0]  }
0x487: {  	v11 =	vld [tilespmem:s23+$0xFFFFFFF0]  }
0x488: {  	v59 =	vld [tilespmem:s23+$0x0]  }
0x489: {  	v10 =	vshll.u32 v13, $0x4;
	v58 =	vshrl.u32 v13, $0x7  }
0x48a: {  	vm12 =	veq.s32 v14, v6;
	v10 =	vand.u32 $0x7F0, v10;
	vm13 =	veq.s32 v58, v6  }
0x48b: {  	v60 =	vand.u32 $0x7F0, v15;
	vm14 =	veq.s32 v16, v6;
	v10 =	vadd.s32 v3, v10  }
0x48c: {  	v13 =	vadd.s32 v3, v60;
	v61 =	vshll.u32 v7, $0x4;
	v7 =	vshrl.u32 v7, $0x7  }
0x48d: {  	v62 =	vshll.u32 v11, $0x4;
	v11 =	vshrl.u32 v11, $0x7;
	v63 =	vshll.u32 v59, $0x4  }
0x48e: {  	v12 =	vshrl.u32 v59, $0x7;
	v14 =	vand.u32 $0x7F0, v61;
	vm4 =	veq.s32 v7, v6  }
0x48f: {  	v7 =	vand.u32 $0x7F0, v62;
	vm5 =	veq.s32 v11, v6;
	v14 =	vadd.s32 v3, v14  }
0x490: {  	vm15 =	veq.s32 v12, v6;
	v7 =	vadd.s32 v3, v7;
	[tilespmem:v10+s17+$0x0] =	vst.idx.add.s32.msk vm13, v2;
	v10 =	vand.u32 $0x7F0, v63  }
0x491: {  	[tilespmem:v9+s17+$0x0] =	vst.idx.add.s32.msk vm0, v2;
	v6 =	vadd.s32 v3, v10  }
0x492: {  	p0 =	por $0x1, $0x1;
	[tilespmem:v8+s17+$0x0] =	vst.idx.add.s32.msk vm12, v2  }
.Ltmp43:
0x493: {  	[tilespmem:v13+s17+$0x0] =	vst.idx.add.s32.msk vm14, v2;
	(pc) =	sbr.rel @!p0 .LBB2_83-.Ltmp43, $4  }
0x494: {  	[tilespmem:v14+s17+$0x0] =	vst.idx.add.s32.msk vm4, v2  }
0x495: {  	[tilespmem:v7+s17+$0x0] =	vst.idx.add.s32.msk vm5, v2  }
0x496: {  	s25 =	simm.s32 $0x0;
	[tilespmem:v6+s17+$0x0] =	vst.idx.add.s32.msk vm15, v2  }
0x497: {  	s24 =	simm.s32 $0xFFFFFFC0;
	s23 =	simm.s32 $0x0;
	v7 =	vimm.s32 $0x0;
	v6 =	vimm.s32 $0x0;
	v8 =	vld [tilespmem:s25+$0x10FF0]  }
.LBB2_82:
0x498: {  	p0 =	sne.s32 s24, $0xFFFFC040;
	v9 =	vld [tilespmem:s25+$0x12000];
	_ =	sdelay $0x1  }
.Ltmp44:
0x499: {  	(pc) =	sbr.rel @p0 .LBB2_82-.Ltmp44, $4  }
0x49a: {  	_ = 	snop  }
0x49b: {  	v6 =	vadd.s32 v6, v8  }
0x49c: {  	s0 =	sshra.s32 s24, $0x2;
	v7 =	vadd.s32 v7, v9;
	[tilespmem:s25+$0x10FF0] =	vst v6  }
0x49d: {  	s24 =	sadd.s32 $0xFFFFFFC0, s24;
	v8 =	vld [tilespmem:s0+$0x10FF0];
	[tilespmem:s25+$0x12000] =	vst v7;
	s25 =	smov.u32 s0  }
.LBB2_83:
0x49e: {  	(xrf0) =	vadd.scan.msk.s32 $0xffff, v4  }
0x49f: {  	(xrf0) =	vadd.scan.msk.s32 $0xffff, v5  }
0x4a0: {  	s0 =	simm.s32 $0x100  }
0x4a1: {  	v4 =	vld [tilespmem:s25+$0x12000];
	s0 =	sand.u32 $0x1, s0  }
0x4a2: {  	p0 =	por $0x0, $0x0;
	p1 =	seq.s32 s0, $0x1  }
0x4a3: {  	p0 =	por !p0, !p1  }
0x4a4: {  	s0 =	simm.s32 $0x1;
	p0 =	por !p0, !p0;
	v5, _, _ =	vpop (xrf0)  }
0x4a5: {  	s0 =	simm.s32 @!p0 $0x0;
	(v2sf) =	vpush v5, $0xF;
	v5, _, _ =	vpop (xrf0)  }
0x4a6: {  	v4 =	vadd.s32 v7, v4;
	s24 =	ssub.s32 $0x80, s0;
	(v2sf) =	vpush v5, $0xF  }
0x4a7: {  	[tilespmem:s25+$0x12000] =	vst v4;
	s0 =	sshll.u32 s24, $0x6;
	v5 =	vadd.s32 v6, v8  }
0x4a8: {  	s0 =	sshra.s32 s0, $0x2;
	[tilespmem:s25+$0x10FF0] =	vst v5  }
0x4a9: {  	v4 =	vld [tilespmem:s0+$0x11010]  }
0x4aa: {  	v5 =	vld [tilespmem:s0+$0x10000];
	_ =	sdelay $0x3  }
0x4ab: {  	(xrf0) =	vadd.scan.msk.s32 $0xffff, v4  }
0x4ac: {  	(xrf0) =	vadd.scan.msk.s32 $0xffff, v5;
	_ =	sdelay $0x4  }
0x4ad: {  	s26 =	simm.s32 $0x7;
	s29 =	simm.s32 $0x0;
	v4, _, _ =	vpop (xrf0);
	s31 =	spop (v2sf)  }
0x4ae: {  	s28 =	simm.s32 $0x100;
	s30 =	smov.u32 s24;
	v5, _, _ =	vpop (xrf0);
	s1 =	spop (v2sf);
	(v2sf) =	vpush v4, $0xF  }
0x4af: {  	s25 =	simm.s32 $0x100;
	s19 =	ssub.s32 s19, s31;
	s20 =	ssub.s32 s20, s1;
	(v2sf) =	vpush v5, $0xF  }
.LBB2_84:
0x4b0: {  	_ =	sdelay $0x9  }
0x4b1: {  	s0 =	smov.u32 s29;
	s1 =	smov.u32 s23  }
0x4b2: {  	p0 =	sne.s32 s26, $0x1;
	s26 =	sadd.s32 $0xFFFFFFFF, s26;
	_ =	sdelay $0x1  }
0x4b3: {  	s23 =	spop (v2sf)  }
0x4b4: {  	p1 =	slt.s32 s23, s20;
	s23 =	spop (v2sf)  }
0x4b5: {  	p2 =	slt.s32 s23, s19;
	s23 =	smov.u32 s24  }
0x4b6: {  	s29 =	smov.u32 s30;
	s25 =	smov.u32 @p1 s24;
	s23 =	smov.u32 @p1 s1  }
0x4b7: {  	s29 =	smov.u32 @p2 s0;
	s28 =	smov.u32 @p2 s30;
	s1 =	sadd.s32 s23, s25  }
0x4b8: {  	s0 =	sadd.s32 s29, s28;
	s24 =	sshrl.u32 s1, $0x1F  }
0x4b9: {  	s30 =	sand.u32 $0x1, s1;
	s31 =	sshrl.u32 s0, $0x1F;
	p1 =	slt.s32 s1, $0x1  }
0x4ba: {  	p3 =	slt.s32 s0, $0x1;
	p2 =	seq.s32 s30, $0x1;
	s30 =	sand.u32 $0x1, s0  }
0x4bb: {  	s1 =	sadd.s32 s24, s1;
	s24 =	simm.s32 $0x1;
	p1 =	por !p1, !p2  }
0x4bc: {  	s0 =	sadd.s32 s31, s0;
	p2 =	seq.s32 s30, $0x1;
	p1 =	por !p1, !p1  }
0x4bd: {  	s1 =	sshra.s32 s1, $0x1;
	p2 =	por !p3, !p2;
	s24 =	simm.s32 @!p1 $0x0  }
0x4be: {  	p1 =	por !p2, !p2;
	s24 =	ssub.s32 s1, s24;
	s1 =	simm.s32 $0x1  }
0x4bf: {  	s0 =	sshra.s32 s0, $0x1;
	s1 =	simm.s32 @!p1 $0x0;
	s31 =	sshll.u32 s24, $0x6  }
0x4c0: {  	s30 =	ssub.s32 s0, s1;
	s0 =	sshra.s32 s31, $0x2  }
0x4c1: {  	s1 =	sshll.u32 s30, $0x6;
	v4 =	vld [tilespmem:s0+$0x11010]  }
0x4c2: {  	s0 =	sshra.s32 s1, $0x2  }
0x4c3: {  	v5 =	vld [tilespmem:s0+$0x10000];
	_ =	sdelay $0x2  }
0x4c4: {  	(xrf0) =	vadd.scan.msk.s32 $0xffff, v4;
	_ =	sdelay $0x1  }
0x4c5: {  	(xrf0) =	vadd.scan.msk.s32 $0xffff, v5;
	_ =	sdelay $0x2  }
.Ltmp45:
0x4c6: {  	(pc) =	sbr.rel @p0 .LBB2_84-.Ltmp45, $3  }
0x4c7: {  	v4, _, _ =	vpop (xrf0);
	_ =	sdelay $0x1  }
0x4c8: {  	v5, _, _ =	vpop (xrf0);
	(v2sf) =	vpush v4, $0xF  }
0x4c9: {  	(v2sf) =	vpush v5, $0xF  }
0x4ca: {  	_ =	sdelay $0x8  }
0x4cb: {  	s0 =	simm.s32 $0x8040  }
0x4cc: {  	s1 =	simm.s32 $0x40;
	v6 =	vld [tilespmem:s0+$0xFFFFFFC0]  }
0x4cd: {  	v7 =	vld [tilespmem:s1+$0x20]  }
0x4ce: {  	v8 =	vld [tilespmem:s0+$0x30]  }
0x4cf: {  	v9 =	vld [tilespmem:s0+$0x20];
	s25 =	spop (v2sf)  }
0x4d0: {  	v10 =	vld [tilespmem:s0+$0x0];
	p0 =	slt.s32 s25, s20  }
0x4d1: {  	s28 =	sshll.u32 s22, $0x7;
	v11 =	vld [tilespmem:s0+$0x10];
	s26 =	spop (v2sf);
	s24 =	smov.u32 @p0 s23  }
0x4d2: {  	v12 =	vld [tilespmem:s1+$0xFFFFFFC0];
	p1 =	slt.s32 s26, s19;
	s19 =	sor.u32 s28, s24  }
0x4d3: {  	v14 =	vld [tilespmem:s0+$0xFFFFFFF0];
	s30 =	smov.u32 @p1 s29;
	s29 =	sshll.u32 s21, $0x7;
	v4 =	vmov s19  }
0x4d4: {  	v15 =	vld [tilespmem:s0+$0xFFFFFFD0];
	s20 =	sor.u32 s29, s30;
	v4 =	vadd.f32 $1.000000010e-07, v4  }
0x4d5: {  	s31 =	simm.s32 $0x80C0;
	v20 =	vld [tilespmem:s0+$0xFFFFFFE0];
	v5 =	vmov s20  }
0x4d6: {  	v25 =	vld [tilespmem:s31+$0x30];
	v13 =	vadd.f32 $1.000000010e-07, v5;
	v5 =	vbroadcast v4, $0x0  }
0x4d7: {  	v16 =	vld [tilespmem:s1+$0xFFFFFFF0]  }
0x4d8: {  	v27 =	vld [tilespmem:s31+$0x0];
	v6 =	vsub.f32 v6, v5;
	v11 =	vsub.f32 v11, v5  }
0x4d9: {  	v18 =	vld [tilespmem:s1+$0x0];
	v8 =	vsub.f32 v8, v5;
	v15 =	vsub.f32 v15, v5  }
0x4da: {  	v22 =	vld [tilespmem:s1+$0x30];
	v4 =	vbroadcast v13, $0x0;
	v10 =	vsub.f32 v10, v5;
	v14 =	vsub.f32 v14, v5  }
0x4db: {  	v20 =	vsub.f32 v20, v5;
	v30 =	vsub.f32 v25, v5  }
0x4dc: {  	v13 =	vld [tilespmem:s1+$0xFFFFFFD0];
	v17 =	vsub.f32 v7, v4;
	v7 =	vsub.f32 v9, v5  }
0x4dd: {  	v25 =	vsub.f32 v27, v5;
	v9 =	vld [tilespmem:s1+$0x10];
	v12 =	vsub.f32 v12, v4  }
0x4de: {  	v16 =	vsub.f32 v16, v4;
	v18 =	vsub.f32 v18, v4;
	v19 =	vmax.f32 v7, $0.0e+00;
	v7 =	vld [tilespmem:s1+$0xFFFFFFE0]  }
0x4df: {  	v22 =	vsub.f32 v22, v4;
	v6 =	vmax.f32 v6, $0.0e+00;
	v11 =	vmax.f32 v11, $0.0e+00  }
0x4e0: {  	v21 =	vld [tilespmem:s31+$0xFFFFFFC0];
	s19 =	simm.s32 $0xC0;
	v15 =	vmax.f32 v15, $0.0e+00;
	v10 =	vmax.f32 v10, $0.0e+00;
	v12 =	vmax.f32 v12, $0.0e+00  }
0x4e1: {  	v15 =	vadd.f32 v15, v6;
	v6 =	vmax.f32 v8, $0.0e+00;
	v8 =	vld [tilespmem:s19+$0x20];
	v13 =	vsub.f32 v13, v4  }
0x4e2: {  	v24 =	vld [tilespmem:s31+$0x20];
	v16 =	vmax.f32 v16, $0.0e+00;
	v18 =	vmax.f32 v18, $0.0e+00;
	v9 =	vsub.f32 v9, v4  }
0x4e3: {  	v26 =	vadd.f32 v11, v10;
	v10 =	vld [tilespmem:s31+$0x10];
	v13 =	vmax.f32 v13, $0.0e+00;
	v7 =	vsub.f32 v7, v4  }
0x4e4: {  	v12 =	vadd.f32 v13, v12;
	v13 =	vmax.f32 v17, $0.0e+00;
	v17 =	vld [tilespmem:s31+$0xFFFFFFD0];
	v9 =	vmax.f32 v9, $0.0e+00  }
0x4e5: {  	v28 =	vld [tilespmem:s19+$0xFFFFFFC0];
	v11 =	vsub.f32 v21, v5;
	v18 =	vadd.f32 v9, v18;
	v21 =	vmax.f32 v7, $0.0e+00  }
0x4e6: {  	v14 =	vmax.f32 v14, $0.0e+00;
	v7 =	vsub.f32 v8, v4;
	v8 =	vadd.f32 v16, v21  }
0x4e7: {  	v9 =	vld [tilespmem:s31+$0xFFFFFFF0];
	v16 =	vmax.f32 v20, $0.0e+00;
	v20 =	vsub.f32 v24, v5;
	v24 =	vadd.f32 v6, v19  }
0x4e8: {  	v23 =	vimm.f32 $0.0e+00;
	v21 =	vsub.f32 v10, v5;
	v10 =	vld [tilespmem:s19+$0xFFFFFFD0];
	v14 =	vadd.f32 v14, v16  }
0x4e9: {  	v16 =	vmax.f32 v22, $0.0e+00;
	v22 =	vld [tilespmem:s19+$0xFFFFFFF0];
	v17 =	vsub.f32 v17, v5;
	v29 =	vadd.f32 v8, v12  }
0x4ea: {  	v19 =	vmax.f32 v11, $0.0e+00;
	v8 =	vadd.f32 v16, v13;
	v12 =	vld [tilespmem:s19+$0xFFFFFFE0];
	v16 =	vsub.f32 v28, v4  }
0x4eb: {  	v6 =	vmax.f32 v20, $0.0e+00;
	v13 =	vmax.f32 v21, $0.0e+00;
	v20 =	vld [tilespmem:s19+$0x10];
	v24 =	vadd.f32 v24, v26  }
0x4ec: {  	v21 =	vld [tilespmem:s19+$0x0];
	v11 =	vadd.f32 v14, v15;
	v14 =	vadd.f32 v8, v18;
	v8 =	vmax.f32 v16, $0.0e+00  }
0x4ed: {  	v15 =	vld [tilespmem:s31+$0xFFFFFFE0];
	v16 =	vadd.f32 v29, v23;
	v18 =	vmax.f32 v25, $0.0e+00;
	v25 =	vmax.f32 v17, $0.0e+00  }
0x4ee: {  	s21 =	simm.s32 $0x8140;
	s20 =	simm.s32 $0x80;
	v17 =	vld [tilespmem:s19+$0x30];
	v23 =	vadd.f32 v11, v23;
	v11 =	vmax.f32 v30, $0.0e+00;
	v22 =	vsub.f32 v22, v4  }
.LBB2_86:
0x4ef: {  	v26 =	vld [tilespmem:s21+$0xFFFFFFC0];
	s20 =	sadd.s32 $0x80, s20;
	v9 =	vsub.f32 v9, v5;
	v25 =	vadd.f32 v25, v19;
	s19 =	sadd.s32 $0x80, s19  }
0x4f0: {  	v22 =	vmax.f32 v22, $0.0e+00;
	v19 =	vld [tilespmem:s19+$0x20];
	p0 =	slt.u32 s20, $0x7F80;
	v20 =	vsub.f32 v20, v4;
	v23 =	vadd.f32 v24, v23  }
0x4f1: {  	v10 =	vsub.f32 v10, v4;
	v27 =	vmax.f32 v7, $0.0e+00;
	v24 =	vld [tilespmem:s21+$0x30];
	v21 =	vsub.f32 v21, v4  }
0x4f2: {  	v7 =	vsub.f32 v12, v4;
	v12 =	vsub.f32 v15, v5;
	v28 =	vld [tilespmem:s21+$0x20];
	v15 =	vmax.f32 v20, $0.0e+00  }
0x4f3: {  	v30 =	vadd.f32 v13, v18;
	v16 =	vadd.f32 v14, v16;
	v29 =	vld [tilespmem:s21+$0x0];
	v20 =	vmax.f32 v21, $0.0e+00  }
0x4f4: {  	v18 =	vmax.f32 v7, $0.0e+00;
	v17 =	vsub.f32 v17, v4;
	v13 =	vsub.f32 v26, v5;
	v14 =	vld [tilespmem:s21+$0x10]  }
0x4f5: {  	v31 =	vmax.f32 v9, $0.0e+00;
	v26 =	vmax.f32 v10, $0.0e+00;
	v32 =	vadd.f32 v15, v20;
	v21 =	vld [tilespmem:s19+$0xFFFFFFC0]  }
0x4f6: {  	v12 =	vmax.f32 v12, $0.0e+00;
	v15 =	vadd.f32 v22, v18;
	v7 =	vsub.f32 v19, v4;
	v9 =	vld [tilespmem:s21+$0xFFFFFFF0]  }
0x4f7: {  	v8 =	vadd.f32 v26, v8;
	v17 =	vmax.f32 v17, $0.0e+00;
	v10 =	vld [tilespmem:s19+$0xFFFFFFD0];
	v18 =	vsub.f32 v28, v5  }
0x4f8: {  	v20 =	vadd.f32 v31, v12;
	v26 =	vadd.f32 v11, v6;
	v22 =	vld [tilespmem:s21+$0xFFFFFFD0]  }
0x4f9: {  	v11 =	vld [tilespmem:s19+$0xFFFFFFF0];
	v14 =	vsub.f32 v14, v5;
	v6 =	vmax.f32 v18, $0.0e+00;
	v18 =	vadd.f32 v15, v8  }
0x4fa: {  	v24 =	vsub.f32 v24, v5;
	v8 =	vadd.f32 v17, v27;
	v12 =	vld [tilespmem:s19+$0xFFFFFFE0]  }
.Ltmp46:
0x4fb: {  	v19 =	vmax.f32 v13, $0.0e+00;
	v25 =	vadd.f32 v20, v25;
	v17 =	vsub.f32 v21, v4;
	v15 =	vld [tilespmem:s21+$0xFFFFFFE0];
	(pc) =	sbr.rel @p0 .LBB2_86-.Ltmp46, $4  }
0x4fc: {  	v27 =	vsub.f32 v29, v5;
	v13 =	vmax.f32 v14, $0.0e+00;
	v14 =	vadd.f32 v8, v32;
	v20 =	vld [tilespmem:s19+$0x10]  }
0x4fd: {  	v16 =	vadd.f32 v18, v16;
	v8 =	vmax.f32 v17, $0.0e+00;
	v17 =	vsub.f32 v22, v5;
	v21 =	vld [tilespmem:s19+$0x0]  }
0x4fe: {  	v23 =	vadd.f32 v25, v23;
	v18 =	vmax.f32 v27, $0.0e+00;
	v22 =	vsub.f32 v11, v4  }
0x4ff: {  	s21 =	sadd.s32 $0x80, s21;
	v11 =	vmax.f32 v24, $0.0e+00;
	v24 =	vadd.f32 v26, v30;
	v25 =	vmax.f32 v17, $0.0e+00;
	v17 =	vld [tilespmem:s19+$0x30]  }
0x500: {  	v9 =	vsub.f32 v9, v5;
	v19 =	vadd.f32 v25, v19  }
0x501: {  	v10 =	vsub.f32 v10, v4;
	v12 =	vsub.f32 v12, v4  }
0x502: {  	v15 =	vsub.f32 v15, v5;
	v13 =	vadd.f32 v13, v18  }
0x503: {  	v22 =	vmax.f32 v22, $0.0e+00;
	v14 =	vadd.f32 v14, v16;
	v6 =	vadd.f32 v11, v6  }
0x504: {  	v7 =	vmax.f32 v7, $0.0e+00;
	v20 =	vsub.f32 v20, v4;
	v21 =	vsub.f32 v21, v4  }
0x505: {  	v12 =	vmax.f32 v12, $0.0e+00;
	v10 =	vmax.f32 v10, $0.0e+00;
	v9 =	vmax.f32 v9, $0.0e+00  }
0x506: {  	v15 =	vmax.f32 v15, $0.0e+00;
	v20 =	vmax.f32 v20, $0.0e+00;
	v16 =	vsub.f32 v17, v4  }
0x507: {  	v12 =	vadd.f32 v22, v12;
	v8 =	vadd.f32 v10, v8;
	v21 =	vmax.f32 v21, $0.0e+00  }
0x508: {  	v9 =	vadd.f32 v9, v15;
	v10 =	vadd.f32 v20, v21;
	v16 =	vmax.f32 v16, $0.0e+00  }
0x509: {  	v8 =	vadd.f32 v12, v8;
	v7 =	vadd.f32 v16, v7  }
0x50a: {  	v23 =	vadd.f32 v24, v23;
	v9 =	vadd.f32 v9, v19  }
0x50b: {  	v8 =	vadd.f32 v8, v14;
	v7 =	vadd.f32 v7, v10  }
0x50c: {  	v6 =	vadd.f32 v6, v13;
	v9 =	vadd.f32 v9, v23  }
0x50d: {  	v7 =	vadd.f32 v7, v8  }
0x50e: {  	v6 =	vadd.f32 v6, v9  }
0x50f: {  	(xrf2) =	vadd.scan.msk.f32 $0xffff, v7  }
0x510: {  	(xrf2) =	vadd.scan.msk.f32 $0xffff, v6;
	_ =	sdelay $0x8  }
0x511: {  	v6, _, _ =	vpop (xrf2)  }
0x512: {  	(v2sf) =	vpush v6, $0xF;
	v6, _, _ =	vpop (xrf2)  }
0x513: {  	(v2sf) =	vpush v6, $0xF;
	_ =	sdelay $0xd  }
0x514: {  	s0 =	spop (v2sf)  }
0x515: {  	s0 =	sadd.f32 $1.000000010e-07, s0;
	s1 =	spop (v2sf)  }
0x516: {  	s1 =	sadd.f32 $1.000000010e-07, s1  }
0x517: {  	s21 =	simm.s32 $0x20;
	v6 =	vmov s0  }
0x518: {  	s19 =	simm.s32 $0x8020;
	v11 =	vld [tilespmem:s21+$0x0];
	(erf) = vrcp.f32 v6;
	v6 =	vmov s1  }
0x519: {  	v13 =	vld [tilespmem:s19+$0x0];
	(erf) = vrcp.f32 v6  }
0x51a: {  	v6 =	vld [tilespmem:s21+$0x10]  }
0x51b: {  	v7 =	vld [tilespmem:s19+$0x10]  }
0x51c: {  	v9 =	vld [tilespmem:s21+$0xFFFFFFF0]  }
0x51d: {  	v10 =	vld [tilespmem:s19+$0xFFFFFFF0]  }
0x51e: {  	v8 =	vld [tilespmem:s19+$0xFFFFFFE0]  }
0x51f: {  	v11 =	vsub.f32 v11, v4;
	v12 =	vsub.f32 v6, v4  }
0x520: {  	s20 =	simm.s32 $0x60;
	v15 =	vld [tilespmem:s21+$0xFFFFFFE0];
	v13 =	vsub.f32 v13, v5;
	v14 =	vsub.f32 v7, v5  }
0x521: {  	s22 =	simm.s32 $0x8060;
	v16 =	vld [tilespmem:s20+$0x10];
	v11 =	vmax.f32 v11, $0.0e+00;
	v9 =	vsub.f32 v9, v4;
	v12 =	vmax.f32 v12, $0.0e+00;
	v6 =	vpop (erf)  }
0x522: {  	v17 =	vld [tilespmem:s22+$0x10];
	v10 =	vsub.f32 v10, v5;
	v14 =	vmax.f32 v14, $0.0e+00;
	v7 =	vpop (erf);
	v12 =	vmul.f32 v12, v6  }
0x523: {  	v18 =	vld [tilespmem:s22+$0xFFFFFFE0];
	v8 =	vsub.f32 v8, v5;
	v9 =	vmax.f32 v9, $0.0e+00;
	v14 =	vmul.f32 v14, v7  }
0x524: {  	v13 =	vmax.f32 v13, $0.0e+00;
	v19 =	vmul.f32 v9, v6;
	v9 =	vmax.f32 v10, $0.0e+00;
	[tilespmem:s21+$0x10] =	vst v12;
	v12 =	vld [tilespmem:s20+$0xFFFFFFF0]  }
0x525: {  	v8 =	vmax.f32 v8, $0.0e+00;
	v10 =	vld [tilespmem:s22+$0xFFFFFFF0];
	v20 =	vmul.f32 v9, v7;
	[tilespmem:s19+$0x10] =	vst v14;
	v14 =	vsub.f32 v15, v4  }
0x526: {  	v63 =	vsub.f32 v16, v4;
	v8 =	vmul.f32 v8, v7;
	v9 =	vld [tilespmem:s20+$0x0];
	[tilespmem:s21+$0xFFFFFFF0] =	vst v19;
	v19 =	vmul.f32 v11, v6  }
0x527: {  	v16 =	vmul.f32 v13, v7;
	v11 =	vld [tilespmem:s22+$0x0];
	v15 =	vsub.f32 v17, v5;
	[tilespmem:s19+$0xFFFFFFF0] =	vst v20;
	v17 =	vmax.f32 v14, $0.0e+00  }
0x528: {  	s24 =	simm.s32 $0x40;
	s25 =	simm.s32 $0xA0;
	s23 =	simm.s32 $0x8060;
	v13 =	vld [tilespmem:s20+$0xFFFFFFE0];
	[tilespmem:s21+$0x0] =	vst v19;
	v14 =	vsub.f32 v18, v5;
	v18 =	vmax.f32 v63, $0.0e+00;
	v17 =	vmul.f32 v17, v6  }
.LBB2_88:
0x529: {  	v19 =	vld [tilespmem:s25+$0x10];
	v12 =	vsub.f32 v12, v4;
	v18 =	vmul.f32 v18, v6;
	v15 =	vmax.f32 v15, $0.0e+00;
	s22 =	sadd.s32 $0x40, s22;
	[tilespmem:s19+$0x0] =	vst v16  }
0x52a: {  	s24 =	sadd.s32 $0x40, s24;
	v16 =	vld [tilespmem:s22+$0x10];
	v14 =	vmax.f32 v14, $0.0e+00;
	v10 =	vsub.f32 v10, v5;
	v15 =	vmul.f32 v15, v7;
	[tilespmem:s21+$0xFFFFFFE0] =	vst v17;
	s21 =	smov.u32 s20;
	s20 =	smov.u32 s25  }
0x52b: {  	p0 =	slt.u32 s24, $0x7FC0;
	v17 =	vld [tilespmem:s22+$0xFFFFFFE0];
	v14 =	vmul.f32 v14, v7;
	v20 =	vmax.f32 v12, $0.0e+00;
	v9 =	vsub.f32 v9, v4;
	[tilespmem:s21+$0x10] =	vst v18  }
.Ltmp47:
0x52c: {  	v12 =	vld [tilespmem:s25+$0xFFFFFFF0];
	v18 =	vmul.f32 v20, v6;
	v20 =	vmax.f32 v10, $0.0e+00;
	v11 =	vsub.f32 v11, v5;
	[tilespmem:s23+$0x10] =	vst v15;
	(pc) =	sbr.rel @p0 .LBB2_88-.Ltmp47, $4  }
0x52d: {  	v10 =	vld [tilespmem:s22+$0xFFFFFFF0];
	v13 =	vsub.f32 v13, v4;
	v20 =	vmul.f32 v20, v7;
	v15 =	vmax.f32 v9, $0.0e+00;
	[tilespmem:s19+$0xFFFFFFE0] =	vst v8;
	v8 =	vmovc v14;
	s19 =	smov.u32 s23;
	s23 =	smov.u32 s22  }
0x52e: {  	v9 =	vld [tilespmem:s25+$0x0];
	v19 =	vsub.f32 v19, v4;
	[tilespmem:s21+$0xFFFFFFF0] =	vst v18;
	v21 =	vmul.f32 v15, v6;
	v14 =	vmax.f32 v11, $0.0e+00  }
0x52f: {  	v11 =	vld [tilespmem:s22+$0x0];
	v15 =	vsub.f32 v16, v5;
	v22 =	vmax.f32 v13, $0.0e+00;
	[tilespmem:s19+$0xFFFFFFF0] =	vst v20;
	v16 =	vmul.f32 v14, v7  }
0x530: {  	s25 =	sadd.s32 $0x40, s25;
	v13 =	vld [tilespmem:s20+$0xFFFFFFE0];
	v14 =	vsub.f32 v17, v5;
	v18 =	vmax.f32 v19, $0.0e+00;
	v17 =	vmul.f32 v22, v6;
	[tilespmem:s21+$0x0] =	vst v21  }
0x531: {  	v12 =	vsub.f32 v12, v4;
	v18 =	vmul.f32 v18, v6;
	[tilespmem:s19+$0x0] =	vst v16  }
0x532: {  	v15 =	vmax.f32 v15, $0.0e+00;
	v10 =	vsub.f32 v10, v5;
	[tilespmem:s21+$0xFFFFFFE0] =	vst v17  }
0x533: {  	v15 =	vmul.f32 v15, v7;
	v12 =	vmax.f32 v12, $0.0e+00;
	v9 =	vsub.f32 v9, v4;
	[tilespmem:s20+$0x10] =	vst v18  }
0x534: {  	[tilespmem:s19+$0xFFFFFFE0] =	vst v8;
	v12 =	vmul.f32 v12, v6;
	v10 =	vmax.f32 v10, $0.0e+00;
	v5 =	vsub.f32 v11, v5  }
0x535: {  	[tilespmem:s23+$0x10] =	vst v15;
	v4 =	vsub.f32 v13, v4;
	v10 =	vmul.f32 v10, v7;
	v9 =	vmax.f32 v9, $0.0e+00  }
0x536: {  	[tilespmem:s20+$0xFFFFFFF0] =	vst v12;
	v61 =	vmul.f32 v9, v6;
	v5 =	vmax.f32 v5, $0.0e+00  }
0x537: {  	v4 =	vmax.f32 v4, $0.0e+00;
	[tilespmem:s23+$0xFFFFFFF0] =	vst v10;
	v5 =	vmul.f32 v5, v7  }
0x538: {  	v62 =	vmax.f32 v14, $0.0e+00;
	v4 =	vmul.f32 v4, v6;
	[tilespmem:s20+$0x0] =	vst v61  }
0x539: {  	v63 =	vmul.f32 v62, v7;
	[tilespmem:s23+$0x0] =	vst v5  }
0x53a: {  	[tilespmem:s20+$0xFFFFFFE0] =	vst v4  }
0x53b: {  	[tilespmem:s23+$0xFFFFFFE0] =	vst v63  }
0x53c: {  	[hbm4b:s9+s12] =	stream.strided.scatter [tilespmem:s2], [sflag:$0x1], $0x8000, s13, s12, $0x38;
	[tilespmem:$0x12080] =	vst v63  }
0x53d: {  	s18 =	sadd.s32 $0x1, s18  }
0x53e: {  	[hbm4b:s10+s12] =	stream.strided.scatter [tilespmem:s14], [sflag:$0x2], $0x8000, s13, s12, $0x38;
	[tilespmem:$0x12080] =	vst v63  }
0x53f: {  	p0 =	sne.s32 s18, s11;
	_ =	swait.ge [sflag:s15], $0x8000  }
.Ltmp48:
0x540: {  	[sflag:s15] =	ssyncset.done $0x0;
	(pc) =	sbr.rel @p0 .LBB2_1-.Ltmp48, $4  }
0x541: {  	[sflag:s15] =	ssyncadd.s32 $0xFFFF8000  }
0x542: {  	_ =	swait.ge [sflag:s16], $0x8000  }
0x543: {  	[sflag:s16] =	ssyncset.done $0x0  }
0x544: {  	[sflag:s16] =	ssyncadd.s32 $0xFFFF8000  }
0x545: {  	_ =	sfence.sel $0x180000  }
0x546: {  	[bflag:$0x0] =	sbarrier.arrive $0xFFFF  }
0x547: {  	_ =	strace $0x90000047  }
0x548: {  	s0 =	stileid.u32;
	[bflag:$0x2] =	sbarrier.arrive $0xFFFF  }
0x549: {  	p0 =	sne.s32 s0, $0x0;
	s0 =	rddreg [dreg:$0x2]  }
0x54a: {  	s0 =	sadd.s32 @!p0 $0x100000, s0  }
0x54b: {  	[sflag:s0] =	ssyncadd.tile.s32 @!p0 $0x1;
	_ =	shalt  }
.Lfunc_end2:
_tile_overlayer_lowered:
.L_overlay_start_2:
0x54c: {  	(tag) =	ssettag $0x2  }
0x54d: {  	s0 =	rddreg [dreg:$0x0];
	s2 =	stileid.u32  }
0x54e: {  	s1 =	rddreg [dreg:$0x1];
	p0 =	sne.s32 s2, $0x0  }
0x54f: {  	s3 =	rddreg [dreg:$0x2];
	[bflag:$0x3] =	sbarrier.arrive $0xFFFF;
	s2 =	simm.s32 @!p0 $0x1C03  }
0x550: {  	[timem:s3], [sflag:s2] =	dma.local @!p0 [hbm:s0], s1  }
0x551: {  	s0 =	simm.s32 @!p0 $0x3  }
0x552: {  	_ =	swait.ge @!p0 [sflag:s0], s1  }
0x553: {  	s1 =	ssub.s32 @!p0 $0x0, s1;
	[sflag:s0] =	ssyncset.done @!p0 $0x0  }
0x554: {  	[sflag:s0] =	ssyncadd.s32 @!p0 s1  }
0x555: {  	[bflag:$0x3] =	sbarrier.arrive $0xFFFF  }
0x556: {  	_ =	shalt  }

</sc_bundles>
